<compile_context>
chip_gen: v7x
topology: tpu7x:2x2x1
jax: 0.10.2.dev20260603
libtpu: 0.0.44.dev20260713+nightly
codegen_flags: <defaults>
</compile_context>

<pallas_src>
import functools

import jax
import jax.numpy as jnp
from jax import lax
from jax.experimental import pallas as pl
from jax.experimental.pallas import tpu as pltpu
from jax.experimental.pallas import tpu_sc as plsc

_NW = 32
_G = 128
_SPB = 1
_NBUF = 7
_D = 3
_WD = 3


@functools.lru_cache(maxsize=None)
def _make_gather(total, d):
    per_w = total // _NW
    rows_u = _SPB * _G
    nu = per_w // rows_u
    e = _D + 1
    assert per_w % rows_u == 0
    assert _NBUF >= _D + _WD + 1 and _NBUF >= e and nu >= 3 * _NBUF
    mesh = plsc.VectorSubcoreMesh(core_axis_name="c", subcore_axis_name="s")

    @functools.partial(
        pl.kernel,
        mesh=mesh,
        out_type=jax.ShapeDtypeStruct((total, d), jnp.float32),
        scratch_types=[
            pltpu.VMEM((_NBUF, _SPB, _G), jnp.int32),
            pltpu.VMEM((_NBUF, rows_u, d), jnp.float32),
        ]
        + [pltpu.SemaphoreType.DMA] * (3 * _NBUF),
    )
    def k(idx_hbm, tab_hbm, out_hbm, iring, rows_v, *sems):
        isems = sems[:_NBUF]
        gsems = sems[_NBUF : 2 * _NBUF]
        wsems = sems[2 * _NBUF :]
        cid = lax.axis_index("c")
        sid = lax.axis_index("s")
        wid = sid * 2 + cid
        row_base = wid * per_w

        def start_idx(c, b):
            pltpu.async_copy(
                idx_hbm.at[wid, pl.ds(c * _SPB, _SPB)], iring.at[b], isems[b]
            )

        def wait_idx(b):
            pltpu.make_async_copy(
                idx_hbm.at[0, pl.ds(0, _SPB)], iring.at[b], isems[b]
            ).wait()

        def start_gather(c, b):
            for t in range(_SPB):
                pltpu.async_copy(
                    tab_hbm.at[iring.at[b, t]],
                    rows_v.at[b, pl.ds(t * _G, _G)],
                    gsems[b],
                )

        def wait_gather(b):
            pltpu.make_async_copy(
                tab_hbm.at[pl.ds(0, rows_u)], rows_v.at[b], gsems[b]
            ).wait()

        def start_write(c, b):
            pltpu.async_copy(
                rows_v.at[b],
                out_hbm.at[pl.ds(row_base + c * rows_u, rows_u)],
                wsems[b],
            )

        def wait_write(b):
            pltpu.make_async_copy(
                rows_v.at[b], out_hbm.at[pl.ds(0, rows_u)], wsems[b]
            ).wait()

        def unit(c, b, wait_i, start_g, start_i, wait_w):
            if wait_i:
                wait_idx((b + _D) % _NBUF)
            wait_gather(b)
            start_write(c, b)
            if start_g:
                start_gather(c + _D, (b + _D) % _NBUF)
            if start_i:
                start_idx(c + e, (b + e) % _NBUF)
            if wait_w:
                wait_write((b - _WD) % _NBUF)

        for c in range(e):
            start_idx(c, c)
        for c in range(_D):
            wait_idx(c)
            start_gather(c, c)

        for c in range(_NBUF):
            unit(c, c, wait_i=True, start_g=True,
                 start_i=(c + e < nu), wait_w=(c >= _WD))

        tail = _NBUF + (nu - _NBUF) % _NBUF
        ngroups = (nu - _NBUF - tail) // _NBUF

        def body(g, carry):
            c0 = (1 + g) * _NBUF
            for b in range(_NBUF):
                unit(c0 + b, b, wait_i=True, start_g=True,
                     start_i=True, wait_w=True)
            return carry

        lax.fori_loop(0, ngroups, body, 0)

        for c in range(nu - tail, nu):
            unit(c, c % _NBUF, wait_i=(c + _D < nu), start_g=(c + _D < nu),
                 start_i=(c + e < nu), wait_w=True)
        for c in range(nu - _WD, nu):
            wait_write(c % _NBUF)

    return k


def kernel(idx, id_emb):
    b, k = idx.shape
    n, d = id_emb.shape
    total = b * k
    idx_r = idx.astype(jnp.int32).reshape(_NW, total // (_NW * _G), _G)
    out = _make_gather(total, d)(idx_r, id_emb)
    return out.reshape(b, k, d)

# --- scband reference (transcript-rebuilt; emitter-appended) ---
"""Pipeline reference for scband-augmented-gene-embedding-31808527794912 (READ-ONLY COPY).

The authoritative reference and input builder live on the scoring server;
editing this copy changes nothing except your own understanding.
"""

import jax, jax.numpy as jnp
import numpy as np

N_GENES = 100000
ID_DIM = 128
B = 4096
K = 200

def setup_inputs(seed: int = 0) -> dict:
    key = jax.random.key(seed)
    k_idx, k_tab = jax.random.split(key)
    idx = jax.random.randint(k_idx, (B, K), 0, N_GENES, dtype=jnp.int64)
    # trainable gene-ID embedding table (nn.Embedding default init: N(0,1))
    id_emb = jax.random.normal(k_tab, (N_GENES, ID_DIM), dtype=jnp.float32)
    return {"idx": idx, "id_emb": id_emb}

def reference(idx, id_emb):
    # esm_matrix_path 'esm_all.pt' does not exist -> torch.load raises
    # FileNotFoundError -> has_esm=False, so forward is a plain embedding lookup.
    id_vec = jnp.take(id_emb, idx, axis=0)  # (B, K, ID_DIM)
    return id_vec

if __name__ == "__main__":
    import jax
    _d = setup_inputs()
    print(jax.jit(kernel)(*tuple(_d.values())))

</pallas_src>

<mosaic_0001>
#map = affine_map<(d0, d1) -> (0, 0, 0)>
#map1 = affine_map<(d0, d1) -> (0, 0)>
module attributes {stable_mosaic.version = 14 : i64} {
  func.func @k(%arg0: i32, %arg1: i32, %arg2: memref<32x200x128xi32, #tpu.memory_space<hbm>>, %arg3: memref<100000x128xf32, #tpu.memory_space<hbm>>, %arg4: memref<819200x128xf32, #tpu.memory_space<hbm>>, %arg5: memref<7x1x128xi32, #tpu.memory_space<vmem>>, %arg6: memref<7x128x128xf32, #tpu.memory_space<vmem>>, %arg7: memref<!tpu.dma_semaphore, #tpu.memory_space<semaphore_mem>>, %arg8: memref<!tpu.dma_semaphore, #tpu.memory_space<semaphore_mem>>, %arg9: memref<!tpu.dma_semaphore, #tpu.memory_space<semaphore_mem>>, %arg10: memref<!tpu.dma_semaphore, #tpu.memory_space<semaphore_mem>>, %arg11: memref<!tpu.dma_semaphore, #tpu.memory_space<semaphore_mem>>, %arg12: memref<!tpu.dma_semaphore, #tpu.memory_space<semaphore_mem>>, %arg13: memref<!tpu.dma_semaphore, #tpu.memory_space<semaphore_mem>>, %arg14: memref<!tpu.dma_semaphore, #tpu.memory_space<semaphore_mem>>, %arg15: memref<!tpu.dma_semaphore, #tpu.memory_space<semaphore_mem>>, %arg16: memref<!tpu.dma_semaphore, #tpu.memory_space<semaphore_mem>>, %arg17: memref<!tpu.dma_semaphore, #tpu.memory_space<semaphore_mem>>, %arg18: memref<!tpu.dma_semaphore, #tpu.memory_space<semaphore_mem>>, %arg19: memref<!tpu.dma_semaphore, #tpu.memory_space<semaphore_mem>>, %arg20: memref<!tpu.dma_semaphore, #tpu.memory_space<semaphore_mem>>, %arg21: memref<!tpu.dma_semaphore, #tpu.memory_space<semaphore_mem>>, %arg22: memref<!tpu.dma_semaphore, #tpu.memory_space<semaphore_mem>>, %arg23: memref<!tpu.dma_semaphore, #tpu.memory_space<semaphore_mem>>, %arg24: memref<!tpu.dma_semaphore, #tpu.memory_space<semaphore_mem>>, %arg25: memref<!tpu.dma_semaphore, #tpu.memory_space<semaphore_mem>>, %arg26: memref<!tpu.dma_semaphore, #tpu.memory_space<semaphore_mem>>, %arg27: memref<!tpu.dma_semaphore, #tpu.memory_space<semaphore_mem>>) attributes {dimension_semantics = [#tpu.dimension_semantics<core_parallel>, #tpu.dimension_semantics<subcore_parallel>], iteration_bounds = array<i64: 2, 16>, scalar_prefetch = 0 : i64, scratch_operands = 23 : i64, tpu.core_type = #tpu.core_type<sc_vector_subcore>, window_params = [{transform_indices = #map}, {transform_indices = #map1}, {transform_indices = #map1}]} {
    %mul3A = arith.constant 2 : i32
    %mul3A_0 = arith.muli %arg1, %mul3A : i32
    %add3A = arith.addi %mul3A_0, %arg0 : i32
    %mul3A_1 = arith.constant 25600 : i32
    %mul3A_2 = arith.muli %add3A, %mul3A_1 : i32
    %dma_start3A = arith.constant 0 : i32
    %dma_start3A_3 = arith.constant 0 : i32
    %dma_start3A_4 = arith.constant 0 : i32
    %dma_start3A_5 = tpu.memref_slice %arg5[%dma_start3A, %dma_start3A_3, %dma_start3A_4] : memref<7x1x128xi32, #tpu.memory_space<vmem>> -> memref<1x1x128xi32, #tpu.memory_space<vmem>>
    %dma_start3A_6 = tpu.memref_squeeze %dma_start3A_5 : memref<1x1x128xi32, #tpu.memory_space<vmem>> -> memref<1x128xi32, #tpu.memory_space<vmem>>
    %dma_start3A_7 = arith.constant 0 : i32
    %dma_start3A_8 = arith.constant 0 : i32
    %dma_start3A_9 = tpu.memref_slice %arg2[%add3A, %dma_start3A_7, %dma_start3A_8] : memref<32x200x128xi32, #tpu.memory_space<hbm>> -> memref<1x1x128xi32, #tpu.memory_space<hbm>>
    %dma_start3A_10 = tpu.memref_squeeze %dma_start3A_9 : memref<1x1x128xi32, #tpu.memory_space<hbm>> -> memref<1x128xi32, #tpu.memory_space<hbm>>
    %dma_start3A_11 = arith.constant 0 : i32
    %dma_start3A_12 = arith.constant 0 : i32
    %dma_start3A_13 = tpu.memref_slice %arg5[%dma_start3A, %dma_start3A_11, %dma_start3A_12] : memref<7x1x128xi32, #tpu.memory_space<vmem>> -> memref<1x1x128xi32, #tpu.memory_space<vmem>>
    %dma_start3A_14 = tpu.memref_squeeze %dma_start3A_13 : memref<1x1x128xi32, #tpu.memory_space<vmem>> -> memref<1x128xi32, #tpu.memory_space<vmem>>
    %dma_start3A_15 = arith.constant 0 : i32
    %dma_start3A_16 = arith.constant 0 : i32
    %dma_start3A_17 = tpu.memref_slice %arg2[%add3A, %dma_start3A_15, %dma_start3A_16] : memref<32x200x128xi32, #tpu.memory_space<hbm>> -> memref<1x1x128xi32, #tpu.memory_space<hbm>>
    %dma_start3A_18 = tpu.memref_squeeze %dma_start3A_17 : memref<1x1x128xi32, #tpu.memory_space<hbm>> -> memref<1x128xi32, #tpu.memory_space<hbm>>
    tpu.enqueue_dma source(%dma_start3A_18 : memref<1x128xi32, #tpu.memory_space<hbm>>) target(%dma_start3A_14 : memref<1x128xi32, #tpu.memory_space<vmem>>) target_semaphore(%arg7 : memref<!tpu.dma_semaphore, #tpu.memory_space<semaphore_mem>>)
    %dma_start3A_19 = arith.constant 1 : i32
    %dma_start3A_20 = arith.constant 0 : i32
    %dma_start3A_21 = arith.constant 0 : i32
    %dma_start3A_22 = tpu.memref_slice %arg5[%dma_start3A_19, %dma_start3A_20, %dma_start3A_21] : memref<7x1x128xi32, #tpu.memory_space<vmem>> -> memref<1x1x128xi32, #tpu.memory_space<vmem>>
    %dma_start3A_23 = tpu.memref_squeeze %dma_start3A_22 : memref<1x1x128xi32, #tpu.memory_space<vmem>> -> memref<1x128xi32, #tpu.memory_space<vmem>>
    %dma_start3A_24 = arith.constant 1 : i32
    %dma_start3A_25 = arith.constant 0 : i32
    %dma_start3A_26 = tpu.memref_slice %arg2[%add3A, %dma_start3A_24, %dma_start3A_25] : memref<32x200x128xi32, #tpu.memory_space<hbm>> -> memref<1x1x128xi32, #tpu.memory_space<hbm>>
    %dma_start3A_27 = tpu.memref_squeeze %dma_start3A_26 : memref<1x1x128xi32, #tpu.memory_space<hbm>> -> memref<1x128xi32, #tpu.memory_space<hbm>>
    %dma_start3A_28 = arith.constant 0 : i32
    %dma_start3A_29 = arith.constant 0 : i32
    %dma_start3A_30 = tpu.memref_slice %arg5[%dma_start3A_19, %dma_start3A_28, %dma_start3A_29] : memref<7x1x128xi32, #tpu.memory_space<vmem>> -> memref<1x1x128xi32, #tpu.memory_space<vmem>>
    %dma_start3A_31 = tpu.memref_squeeze %dma_start3A_30 : memref<1x1x128xi32, #tpu.memory_space<vmem>> -> memref<1x128xi32, #tpu.memory_space<vmem>>
    %dma_start3A_32 = arith.constant 1 : i32
    %dma_start3A_33 = arith.constant 0 : i32
    %dma_start3A_34 = tpu.memref_slice %arg2[%add3A, %dma_start3A_32, %dma_start3A_33] : memref<32x200x128xi32, #tpu.memory_space<hbm>> -> memref<1x1x128xi32, #tpu.memory_space<hbm>>
    %dma_start3A_35 = tpu.memref_squeeze %dma_start3A_34 : memref<1x1x128xi32, #tpu.memory_space<hbm>> -> memref<1x128xi32, #tpu.memory_space<hbm>>
    tpu.enqueue_dma source(%dma_start3A_35 : memref<1x128xi32, #tpu.memory_space<hbm>>) target(%dma_start3A_31 : memref<1x128xi32, #tpu.memory_space<vmem>>) target_semaphore(%arg8 : memref<!tpu.dma_semaphore, #tpu.memory_space<semaphore_mem>>)
    %dma_start3A_36 = arith.constant 2 : i32
    %dma_start3A_37 = arith.constant 0 : i32
    %dma_start3A_38 = arith.constant 0 : i32
    %dma_start3A_39 = tpu.memref_slice %arg5[%dma_start3A_36, %dma_start3A_37, %dma_start3A_38] : memref<7x1x128xi32, #tpu.memory_space<vmem>> -> memref<1x1x128xi32, #tpu.memory_space<vmem>>
    %dma_start3A_40 = tpu.memref_squeeze %dma_start3A_39 : memref<1x1x128xi32, #tpu.memory_space<vmem>> -> memref<1x128xi32, #tpu.memory_space<vmem>>
    %dma_start3A_41 = arith.constant 2 : i32
    %dma_start3A_42 = arith.constant 0 : i32
    %dma_start3A_43 = tpu.memref_slice %arg2[%add3A, %dma_start3A_41, %dma_start3A_42] : memref<32x200x128xi32, #tpu.memory_space<hbm>> -> memref<1x1x128xi32, #tpu.memory_space<hbm>>
    %dma_start3A_44 = tpu.memref_squeeze %dma_start3A_43 : memref<1x1x128xi32, #tpu.memory_space<hbm>> -> memref<1x128xi32, #tpu.memory_space<hbm>>
    %dma_start3A_45 = arith.constant 0 : i32
    %dma_start3A_46 = arith.constant 0 : i32
    %dma_start3A_47 = tpu.memref_slice %arg5[%dma_start3A_36, %dma_start3A_45, %dma_start3A_46] : memref<7x1x128xi32, #tpu.memory_space<vmem>> -> memref<1x1x128xi32, #tpu.memory_space<vmem>>
    %dma_start3A_48 = tpu.memref_squeeze %dma_start3A_47 : memref<1x1x128xi32, #tpu.memory_space<vmem>> -> memref<1x128xi32, #tpu.memory_space<vmem>>
    %dma_start3A_49 = arith.constant 2 : i32
    %dma_start3A_50 = arith.constant 0 : i32
    %dma_start3A_51 = tpu.memref_slice %arg2[%add3A, %dma_start3A_49, %dma_start3A_50] : memref<32x200x128xi32, #tpu.memory_space<hbm>> -> memref<1x1x128xi32, #tpu.memory_space<hbm>>
    %dma_start3A_52 = tpu.memref_squeeze %dma_start3A_51 : memref<1x1x128xi32, #tpu.memory_space<hbm>> -> memref<1x128xi32, #tpu.memory_space<hbm>>
    tpu.enqueue_dma source(%dma_start3A_52 : memref<1x128xi32, #tpu.memory_space<hbm>>) target(%dma_start3A_48 : memref<1x128xi32, #tpu.memory_space<vmem>>) target_semaphore(%arg9 : memref<!tpu.dma_semaphore, #tpu.memory_space<semaphore_mem>>)
    %dma_start3A_53 = arith.constant 3 : i32
    %dma_start3A_54 = arith.constant 0 : i32
    %dma_start3A_55 = arith.constant 0 : i32
    %dma_start3A_56 = tpu.memref_slice %arg5[%dma_start3A_53, %dma_start3A_54, %dma_start3A_55] : memref<7x1x128xi32, #tpu.memory_space<vmem>> -> memref<1x1x128xi32, #tpu.memory_space<vmem>>
    %dma_start3A_57 = tpu.memref_squeeze %dma_start3A_56 : memref<1x1x128xi32, #tpu.memory_space<vmem>> -> memref<1x128xi32, #tpu.memory_space<vmem>>
    %dma_start3A_58 = arith.constant 3 : i32
    %dma_start3A_59 = arith.constant 0 : i32
    %dma_start3A_60 = tpu.memref_slice %arg2[%add3A, %dma_start3A_58, %dma_start3A_59] : memref<32x200x128xi32, #tpu.memory_space<hbm>> -> memref<1x1x128xi32, #tpu.memory_space<hbm>>
    %dma_start3A_61 = tpu.memref_squeeze %dma_start3A_60 : memref<1x1x128xi32, #tpu.memory_space<hbm>> -> memref<1x128xi32, #tpu.memory_space<hbm>>
    %dma_start3A_62 = arith.constant 0 : i32
    %dma_start3A_63 = arith.constant 0 : i32
    %dma_start3A_64 = tpu.memref_slice %arg5[%dma_start3A_53, %dma_start3A_62, %dma_start3A_63] : memref<7x1x128xi32, #tpu.memory_space<vmem>> -> memref<1x1x128xi32, #tpu.memory_space<vmem>>
    %dma_start3A_65 = tpu.memref_squeeze %dma_start3A_64 : memref<1x1x128xi32, #tpu.memory_space<vmem>> -> memref<1x128xi32, #tpu.memory_space<vmem>>
    %dma_start3A_66 = arith.constant 3 : i32
    %dma_start3A_67 = arith.constant 0 : i32
    %dma_start3A_68 = tpu.memref_slice %arg2[%add3A, %dma_start3A_66, %dma_start3A_67] : memref<32x200x128xi32, #tpu.memory_space<hbm>> -> memref<1x1x128xi32, #tpu.memory_space<hbm>>
    %dma_start3A_69 = tpu.memref_squeeze %dma_start3A_68 : memref<1x1x128xi32, #tpu.memory_space<hbm>> -> memref<1x128xi32, #tpu.memory_space<hbm>>
    tpu.enqueue_dma source(%dma_start3A_69 : memref<1x128xi32, #tpu.memory_space<hbm>>) target(%dma_start3A_65 : memref<1x128xi32, #tpu.memory_space<vmem>>) target_semaphore(%arg10 : memref<!tpu.dma_semaphore, #tpu.memory_space<semaphore_mem>>)
    %dma_wait3A = arith.constant 0 : i32
    %dma_wait3A_70 = arith.constant 0 : i32
    %dma_wait3A_71 = arith.constant 0 : i32
    %dma_wait3A_72 = arith.constant 0 : i32
    %dma_wait3A_73 = tpu.memref_slice %arg5[%dma_wait3A_70, %dma_wait3A_71, %dma_wait3A_72] : memref<7x1x128xi32, #tpu.memory_space<vmem>> -> memref<1x1x128xi32, #tpu.memory_space<vmem>>
    %dma_wait3A_74 = tpu.memref_squeeze %dma_wait3A_73 : memref<1x1x128xi32, #tpu.memory_space<vmem>> -> memref<1x128xi32, #tpu.memory_space<vmem>>
    %dma_wait3A_75 = arith.constant 0 : i32
    %dma_wait3A_76 = arith.constant 0 : i32
    %dma_wait3A_77 = tpu.memref_slice %arg2[%dma_wait3A, %dma_wait3A_75, %dma_wait3A_76] : memref<32x200x128xi32, #tpu.memory_space<hbm>> -> memref<1x1x128xi32, #tpu.memory_space<hbm>>
    %dma_wait3A_78 = tpu.memref_squeeze %dma_wait3A_77 : memref<1x1x128xi32, #tpu.memory_space<hbm>> -> memref<1x128xi32, #tpu.memory_space<hbm>>
    %dma_wait3A_79 = arith.constant 0 : i32
    %dma_wait3A_80 = arith.constant 0 : i32
    %dma_wait3A_81 = tpu.memref_slice %arg5[%dma_wait3A_70, %dma_wait3A_79, %dma_wait3A_80] : memref<7x1x128xi32, #tpu.memory_space<vmem>> -> memref<1x1x128xi32, #tpu.memory_space<vmem>>
    %dma_wait3A_82 = tpu.memref_squeeze %dma_wait3A_81 : memref<1x1x128xi32, #tpu.memory_space<vmem>> -> memref<1x128xi32, #tpu.memory_space<vmem>>
    %dma_wait3A_83 = arith.constant 0 : i32
    %dma_wait3A_84 = arith.constant 0 : i32
    %dma_wait3A_85 = tpu.memref_slice %arg2[%dma_wait3A, %dma_wait3A_83, %dma_wait3A_84] : memref<32x200x128xi32, #tpu.memory_space<hbm>> -> memref<1x1x128xi32, #tpu.memory_space<hbm>>
    %dma_wait3A_86 = tpu.memref_squeeze %dma_wait3A_85 : memref<1x1x128xi32, #tpu.memory_space<hbm>> -> memref<1x128xi32, #tpu.memory_space<hbm>>
    tpu.wait_dma2 semaphore(%arg7 : memref<!tpu.dma_semaphore, #tpu.memory_space<semaphore_mem>>) src(%dma_wait3A_86 : memref<1x128xi32, #tpu.memory_space<hbm>>) dst(%dma_wait3A_82 : memref<1x128xi32, #tpu.memory_space<vmem>>)
    %dma_start3A_87 = arith.constant 0 : i32
    %dma_start3A_88 = arith.constant 0 : i32
    %dma_start3A_89 = arith.constant 0 : i32
    %dma_start3A_90 = arith.constant 0 : i32
    %dma_start3A_91 = arith.constant 0 : i32
    %dma_start3A_92 = tpu.memref_slice %arg6[%dma_start3A_89, %dma_start3A_90, %dma_start3A_91] : memref<7x128x128xf32, #tpu.memory_space<vmem>> -> memref<1x128x128xf32, #tpu.memory_space<vmem>>
    %dma_start3A_93 = tpu.memref_squeeze %dma_start3A_92 : memref<1x128x128xf32, #tpu.memory_space<vmem>> -> memref<128x128xf32, #tpu.memory_space<vmem>>
    %dma_start3A_94 = arith.constant 0 : i32
    %dma_start3A_95 = tpu.memref_slice %arg5[%dma_start3A_87, %dma_start3A_88, %dma_start3A_94] : memref<7x1x128xi32, #tpu.memory_space<vmem>> -> memref<1x1x128xi32, #tpu.memory_space<vmem>>
    %dma_start3A_96 = tpu.memref_squeeze %dma_start3A_95 : memref<1x1x128xi32, #tpu.memory_space<vmem>> -> memref<128xi32, #tpu.memory_space<vmem>>
    %dma_start3A_97 = arith.constant 0 : i32
    %dma_start3A_98 = arith.constant 0 : i32
    %dma_start3A_99 = tpu.memref_slice %arg3[%dma_start3A_97, %dma_start3A_98] : memref<100000x128xf32, #tpu.memory_space<hbm>> -> memref<100000x128xf32, #tpu.memory_space<hbm>>
    tpu.enqueue_indirect_dma source(%dma_start3A_99 : memref<100000x128xf32, #tpu.memory_space<hbm>>) target(%dma_start3A_93 : memref<128x128xf32, #tpu.memory_space<vmem>>) offsets(%dma_start3A_96 : memref<128xi32, #tpu.memory_space<vmem>>) semaphore(%arg14 : memref<!tpu.dma_semaphore, #tpu.memory_space<semaphore_mem>>)
    %dma_wait3A_100 = arith.constant 0 : i32
    %dma_wait3A_101 = arith.constant 1 : i32
    %dma_wait3A_102 = arith.constant 0 : i32
    %dma_wait3A_103 = arith.constant 0 : i32
    %dma_wait3A_104 = tpu.memref_slice %arg5[%dma_wait3A_101, %dma_wait3A_102, %dma_wait3A_103] : memref<7x1x128xi32, #tpu.memory_space<vmem>> -> memref<1x1x128xi32, #tpu.memory_space<vmem>>
    %dma_wait3A_105 = tpu.memref_squeeze %dma_wait3A_104 : memref<1x1x128xi32, #tpu.memory_space<vmem>> -> memref<1x128xi32, #tpu.memory_space<vmem>>
    %dma_wait3A_106 = arith.constant 0 : i32
    %dma_wait3A_107 = arith.constant 0 : i32
    %dma_wait3A_108 = tpu.memref_slice %arg2[%dma_wait3A_100, %dma_wait3A_106, %dma_wait3A_107] : memref<32x200x128xi32, #tpu.memory_space<hbm>> -> memref<1x1x128xi32, #tpu.memory_space<hbm>>
    %dma_wait3A_109 = tpu.memref_squeeze %dma_wait3A_108 : memref<1x1x128xi32, #tpu.memory_space<hbm>> -> memref<1x128xi32, #tpu.memory_space<hbm>>
    %dma_wait3A_110 = arith.constant 0 : i32
    %dma_wait3A_111 = arith.constant 0 : i32
    %dma_wait3A_112 = tpu.memref_slice %arg5[%dma_wait3A_101, %dma_wait3A_110, %dma_wait3A_111] : memref<7x1x128xi32, #tpu.memory_space<vmem>> -> memref<1x1x128xi32, #tpu.memory_space<vmem>>
    %dma_wait3A_113 = tpu.memref_squeeze %dma_wait3A_112 : memref<1x1x128xi32, #tpu.memory_space<vmem>> -> memref<1x128xi32, #tpu.memory_space<vmem>>
    %dma_wait3A_114 = arith.constant 0 : i32
    %dma_wait3A_115 = arith.constant 0 : i32
    %dma_wait3A_116 = tpu.memref_slice %arg2[%dma_wait3A_100, %dma_wait3A_114, %dma_wait3A_115] : memref<32x200x128xi32, #tpu.memory_space<hbm>> -> memref<1x1x128xi32, #tpu.memory_space<hbm>>
    %dma_wait3A_117 = tpu.memref_squeeze %dma_wait3A_116 : memref<1x1x128xi32, #tpu.memory_space<hbm>> -> memref<1x128xi32, #tpu.memory_space<hbm>>
    tpu.wait_dma2 semaphore(%arg8 : memref<!tpu.dma_semaphore, #tpu.memory_space<semaphore_mem>>) src(%dma_wait3A_117 : memref<1x128xi32, #tpu.memory_space<hbm>>) dst(%dma_wait3A_113 : memref<1x128xi32, #tpu.memory_space<vmem>>)
    %dma_start3A_118 = arith.constant 1 : i32
    %dma_start3A_119 = arith.constant 0 : i32
    %dma_start3A_120 = arith.constant 1 : i32
    %dma_start3A_121 = arith.constant 0 : i32
    %dma_start3A_122 = arith.constant 0 : i32
    %dma_start3A_123 = tpu.memref_slice %arg6[%dma_start3A_120, %dma_start3A_121, %dma_start3A_122] : memref<7x128x128xf32, #tpu.memory_space<vmem>> -> memref<1x128x128xf32, #tpu.memory_space<vmem>>
    %dma_start3A_124 = tpu.memref_squeeze %dma_start3A_123 : memref<1x128x128xf32, #tpu.memory_space<vmem>> -> memref<128x128xf32, #tpu.memory_space<vmem>>
    %dma_start3A_125 = arith.constant 0 : i32
    %dma_start3A_126 = tpu.memref_slice %arg5[%dma_start3A_118, %dma_start3A_119, %dma_start3A_125] : memref<7x1x128xi32, #tpu.memory_space<vmem>> -> memref<1x1x128xi32, #tpu.memory_space<vmem>>
    %dma_start3A_127 = tpu.memref_squeeze %dma_start3A_126 : memref<1x1x128xi32, #tpu.memory_space<vmem>> -> memref<128xi32, #tpu.memory_space<vmem>>
    %dma_start3A_128 = arith.constant 0 : i32
    %dma_start3A_129 = arith.constant 0 : i32
    %dma_start3A_130 = tpu.memref_slice %arg3[%dma_start3A_128, %dma_start3A_129] : memref<100000x128xf32, #tpu.memory_space<hbm>> -> memref<100000x128xf32, #tpu.memory_space<hbm>>
    tpu.enqueue_indirect_dma source(%dma_start3A_130 : memref<100000x128xf32, #tpu.memory_space<hbm>>) target(%dma_start3A_124 : memref<128x128xf32, #tpu.memory_space<vmem>>) offsets(%dma_start3A_127 : memref<128xi32, #tpu.memory_space<vmem>>) semaphore(%arg15 : memref<!tpu.dma_semaphore, #tpu.memory_space<semaphore_mem>>)
    %dma_wait3A_131 = arith.constant 0 : i32
    %dma_wait3A_132 = arith.constant 2 : i32
    %dma_wait3A_133 = arith.constant 0 : i32
    %dma_wait3A_134 = arith.constant 0 : i32
    %dma_wait3A_135 = tpu.memref_slice %arg5[%dma_wait3A_132, %dma_wait3A_133, %dma_wait3A_134] : memref<7x1x128xi32, #tpu.memory_space<vmem>> -> memref<1x1x128xi32, #tpu.memory_space<vmem>>
    %dma_wait3A_136 = tpu.memref_squeeze %dma_wait3A_135 : memref<1x1x128xi32, #tpu.memory_space<vmem>> -> memref<1x128xi32, #tpu.memory_space<vmem>>
    %dma_wait3A_137 = arith.constant 0 : i32
    %dma_wait3A_138 = arith.constant 0 : i32
    %dma_wait3A_139 = tpu.memref_slice %arg2[%dma_wait3A_131, %dma_wait3A_137, %dma_wait3A_138] : memref<32x200x128xi32, #tpu.memory_space<hbm>> -> memref<1x1x128xi32, #tpu.memory_space<hbm>>
    %dma_wait3A_140 = tpu.memref_squeeze %dma_wait3A_139 : memref<1x1x128xi32, #tpu.memory_space<hbm>> -> memref<1x128xi32, #tpu.memory_space<hbm>>
    %dma_wait3A_141 = arith.constant 0 : i32
    %dma_wait3A_142 = arith.constant 0 : i32
    %dma_wait3A_143 = tpu.memref_slice %arg5[%dma_wait3A_132, %dma_wait3A_141, %dma_wait3A_142] : memref<7x1x128xi32, #tpu.memory_space<vmem>> -> memref<1x1x128xi32, #tpu.memory_space<vmem>>
    %dma_wait3A_144 = tpu.memref_squeeze %dma_wait3A_143 : memref<1x1x128xi32, #tpu.memory_space<vmem>> -> memref<1x128xi32, #tpu.memory_space<vmem>>
    %dma_wait3A_145 = arith.constant 0 : i32
    %dma_wait3A_146 = arith.constant 0 : i32
    %dma_wait3A_147 = tpu.memref_slice %arg2[%dma_wait3A_131, %dma_wait3A_145, %dma_wait3A_146] : memref<32x200x128xi32, #tpu.memory_space<hbm>> -> memref<1x1x128xi32, #tpu.memory_space<hbm>>
    %dma_wait3A_148 = tpu.memref_squeeze %dma_wait3A_147 : memref<1x1x128xi32, #tpu.memory_space<hbm>> -> memref<1x128xi32, #tpu.memory_space<hbm>>
    tpu.wait_dma2 semaphore(%arg9 : memref<!tpu.dma_semaphore, #tpu.memory_space<semaphore_mem>>) src(%dma_wait3A_148 : memref<1x128xi32, #tpu.memory_space<hbm>>) dst(%dma_wait3A_144 : memref<1x128xi32, #tpu.memory_space<vmem>>)
    %dma_start3A_149 = arith.constant 2 : i32
    %dma_start3A_150 = arith.constant 0 : i32
    %dma_start3A_151 = arith.constant 2 : i32
    %dma_start3A_152 = arith.constant 0 : i32
    %dma_start3A_153 = arith.constant 0 : i32
    %dma_start3A_154 = tpu.memref_slice %arg6[%dma_start3A_151, %dma_start3A_152, %dma_start3A_153] : memref<7x128x128xf32, #tpu.memory_space<vmem>> -> memref<1x128x128xf32, #tpu.memory_space<vmem>>
    %dma_start3A_155 = tpu.memref_squeeze %dma_start3A_154 : memref<1x128x128xf32, #tpu.memory_space<vmem>> -> memref<128x128xf32, #tpu.memory_space<vmem>>
    %dma_start3A_156 = arith.constant 0 : i32
    %dma_start3A_157 = tpu.memref_slice %arg5[%dma_start3A_149, %dma_start3A_150, %dma_start3A_156] : memref<7x1x128xi32, #tpu.memory_space<vmem>> -> memref<1x1x128xi32, #tpu.memory_space<vmem>>
    %dma_start3A_158 = tpu.memref_squeeze %dma_start3A_157 : memref<1x1x128xi32, #tpu.memory_space<vmem>> -> memref<128xi32, #tpu.memory_space<vmem>>
    %dma_start3A_159 = arith.constant 0 : i32
    %dma_start3A_160 = arith.constant 0 : i32
    %dma_start3A_161 = tpu.memref_slice %arg3[%dma_start3A_159, %dma_start3A_160] : memref<100000x128xf32, #tpu.memory_space<hbm>> -> memref<100000x128xf32, #tpu.memory_space<hbm>>
    tpu.enqueue_indirect_dma source(%dma_start3A_161 : memref<100000x128xf32, #tpu.memory_space<hbm>>) target(%dma_start3A_155 : memref<128x128xf32, #tpu.memory_space<vmem>>) offsets(%dma_start3A_158 : memref<128xi32, #tpu.memory_space<vmem>>) semaphore(%arg16 : memref<!tpu.dma_semaphore, #tpu.memory_space<semaphore_mem>>)
    %dma_wait3A_162 = arith.constant 0 : i32
    %dma_wait3A_163 = arith.constant 3 : i32
    %dma_wait3A_164 = arith.constant 0 : i32
    %dma_wait3A_165 = arith.constant 0 : i32
    %dma_wait3A_166 = tpu.memref_slice %arg5[%dma_wait3A_163, %dma_wait3A_164, %dma_wait3A_165] : memref<7x1x128xi32, #tpu.memory_space<vmem>> -> memref<1x1x128xi32, #tpu.memory_space<vmem>>
    %dma_wait3A_167 = tpu.memref_squeeze %dma_wait3A_166 : memref<1x1x128xi32, #tpu.memory_space<vmem>> -> memref<1x128xi32, #tpu.memory_space<vmem>>
    %dma_wait3A_168 = arith.constant 0 : i32
    %dma_wait3A_169 = arith.constant 0 : i32
    %dma_wait3A_170 = tpu.memref_slice %arg2[%dma_wait3A_162, %dma_wait3A_168, %dma_wait3A_169] : memref<32x200x128xi32, #tpu.memory_space<hbm>> -> memref<1x1x128xi32, #tpu.memory_space<hbm>>
    %dma_wait3A_171 = tpu.memref_squeeze %dma_wait3A_170 : memref<1x1x128xi32, #tpu.memory_space<hbm>> -> memref<1x128xi32, #tpu.memory_space<hbm>>
    %dma_wait3A_172 = arith.constant 0 : i32
    %dma_wait3A_173 = arith.constant 0 : i32
    %dma_wait3A_174 = tpu.memref_slice %arg5[%dma_wait3A_163, %dma_wait3A_172, %dma_wait3A_173] : memref<7x1x128xi32, #tpu.memory_space<vmem>> -> memref<1x1x128xi32, #tpu.memory_space<vmem>>
    %dma_wait3A_175 = tpu.memref_squeeze %dma_wait3A_174 : memref<1x1x128xi32, #tpu.memory_space<vmem>> -> memref<1x128xi32, #tpu.memory_space<vmem>>
    %dma_wait3A_176 = arith.constant 0 : i32
    %dma_wait3A_177 = arith.constant 0 : i32
    %dma_wait3A_178 = tpu.memref_slice %arg2[%dma_wait3A_162, %dma_wait3A_176, %dma_wait3A_177] : memref<32x200x128xi32, #tpu.memory_space<hbm>> -> memref<1x1x128xi32, #tpu.memory_space<hbm>>
    %dma_wait3A_179 = tpu.memref_squeeze %dma_wait3A_178 : memref<1x1x128xi32, #tpu.memory_space<hbm>> -> memref<1x128xi32, #tpu.memory_space<hbm>>
    tpu.wait_dma2 semaphore(%arg10 : memref<!tpu.dma_semaphore, #tpu.memory_space<semaphore_mem>>) src(%dma_wait3A_179 : memref<1x128xi32, #tpu.memory_space<hbm>>) dst(%dma_wait3A_175 : memref<1x128xi32, #tpu.memory_space<vmem>>)
    %dma_wait3A_180 = arith.constant 0 : i32
    %dma_wait3A_181 = arith.constant 0 : i32
    %dma_wait3A_182 = arith.constant 0 : i32
    %dma_wait3A_183 = tpu.memref_slice %arg6[%dma_wait3A_180, %dma_wait3A_181, %dma_wait3A_182] : memref<7x128x128xf32, #tpu.memory_space<vmem>> -> memref<1x128x128xf32, #tpu.memory_space<vmem>>
    %dma_wait3A_184 = tpu.memref_squeeze %dma_wait3A_183 : memref<1x128x128xf32, #tpu.memory_space<vmem>> -> memref<128x128xf32, #tpu.memory_space<vmem>>
    %dma_wait3A_185 = arith.constant 0 : i32
    %dma_wait3A_186 = arith.constant 0 : i32
    %dma_wait3A_187 = tpu.memref_slice %arg3[%dma_wait3A_185, %dma_wait3A_186] : memref<100000x128xf32, #tpu.memory_space<hbm>> -> memref<128x128xf32, #tpu.memory_space<hbm>>
    %dma_wait3A_188 = arith.constant 0 : i32
    %dma_wait3A_189 = arith.constant 0 : i32
    %dma_wait3A_190 = tpu.memref_slice %arg6[%dma_wait3A_180, %dma_wait3A_188, %dma_wait3A_189] : memref<7x128x128xf32, #tpu.memory_space<vmem>> -> memref<1x128x128xf32, #tpu.memory_space<vmem>>
    %dma_wait3A_191 = tpu.memref_squeeze %dma_wait3A_190 : memref<1x128x128xf32, #tpu.memory_space<vmem>> -> memref<128x128xf32, #tpu.memory_space<vmem>>
    %dma_wait3A_192 = arith.constant 0 : i32
    %dma_wait3A_193 = arith.constant 0 : i32
    %dma_wait3A_194 = tpu.memref_slice %arg3[%dma_wait3A_192, %dma_wait3A_193] : memref<100000x128xf32, #tpu.memory_space<hbm>> -> memref<128x128xf32, #tpu.memory_space<hbm>>
    tpu.wait_dma2 semaphore(%arg14 : memref<!tpu.dma_semaphore, #tpu.memory_space<semaphore_mem>>) src(%dma_wait3A_194 : memref<128x128xf32, #tpu.memory_space<hbm>>) dst(%dma_wait3A_191 : memref<128x128xf32, #tpu.memory_space<vmem>>)
    %add3A_195 = arith.constant 0 : i32
    %add3A_196 = arith.addi %mul3A_2, %add3A_195 : i32
    %dma_start3A_197 = arith.constant 0 : i32
    %dma_start3A_198 = arith.constant 0 : i32
    %dma_start3A_199 = arith.constant 0 : i32
    %dma_start3A_200 = tpu.memref_slice %arg6[%dma_start3A_197, %dma_start3A_198, %dma_start3A_199] : memref<7x128x128xf32, #tpu.memory_space<vmem>> -> memref<1x128x128xf32, #tpu.memory_space<vmem>>
    %dma_start3A_201 = tpu.memref_squeeze %dma_start3A_200 : memref<1x128x128xf32, #tpu.memory_space<vmem>> -> memref<128x128xf32, #tpu.memory_space<vmem>>
    %dma_start3A_202 = arith.constant 0 : i32
    %dma_start3A_203 = tpu.memref_slice %arg4[%add3A_196, %dma_start3A_202] : memref<819200x128xf32, #tpu.memory_space<hbm>> -> memref<128x128xf32, #tpu.memory_space<hbm>>
    %dma_start3A_204 = arith.constant 0 : i32
    %dma_start3A_205 = tpu.memref_slice %arg4[%add3A_196, %dma_start3A_204] : memref<819200x128xf32, #tpu.memory_space<hbm>> -> memref<128x128xf32, #tpu.memory_space<hbm>>
    %dma_start3A_206 = arith.constant 0 : i32
    %dma_start3A_207 = arith.constant 0 : i32
    %dma_start3A_208 = tpu.memref_slice %arg6[%dma_start3A_197, %dma_start3A_206, %dma_start3A_207] : memref<7x128x128xf32, #tpu.memory_space<vmem>> -> memref<1x128x128xf32, #tpu.memory_space<vmem>>
    %dma_start3A_209 = tpu.memref_squeeze %dma_start3A_208 : memref<1x128x128xf32, #tpu.memory_space<vmem>> -> memref<128x128xf32, #tpu.memory_space<vmem>>
    tpu.enqueue_dma source(%dma_start3A_209 : memref<128x128xf32, #tpu.memory_space<vmem>>) target(%dma_start3A_205 : memref<128x128xf32, #tpu.memory_space<hbm>>) target_semaphore(%arg21 : memref<!tpu.dma_semaphore, #tpu.memory_space<semaphore_mem>>)
    %dma_start3A_210 = arith.constant 3 : i32
    %dma_start3A_211 = arith.constant 0 : i32
    %dma_start3A_212 = arith.constant 3 : i32
    %dma_start3A_213 = arith.constant 0 : i32
    %dma_start3A_214 = arith.constant 0 : i32
    %dma_start3A_215 = tpu.memref_slice %arg6[%dma_start3A_212, %dma_start3A_213, %dma_start3A_214] : memref<7x128x128xf32, #tpu.memory_space<vmem>> -> memref<1x128x128xf32, #tpu.memory_space<vmem>>
    %dma_start3A_216 = tpu.memref_squeeze %dma_start3A_215 : memref<1x128x128xf32, #tpu.memory_space<vmem>> -> memref<128x128xf32, #tpu.memory_space<vmem>>
    %dma_start3A_217 = arith.constant 0 : i32
    %dma_start3A_218 = tpu.memref_slice %arg5[%dma_start3A_210, %dma_start3A_211, %dma_start3A_217] : memref<7x1x128xi32, #tpu.memory_space<vmem>> -> memref<1x1x128xi32, #tpu.memory_space<vmem>>
    %dma_start3A_219 = tpu.memref_squeeze %dma_start3A_218 : memref<1x1x128xi32, #tpu.memory_space<vmem>> -> memref<128xi32, #tpu.memory_space<vmem>>
    %dma_start3A_220 = arith.constant 0 : i32
    %dma_start3A_221 = arith.constant 0 : i32
    %dma_start3A_222 = tpu.memref_slice %arg3[%dma_start3A_220, %dma_start3A_221] : memref<100000x128xf32, #tpu.memory_space<hbm>> -> memref<100000x128xf32, #tpu.memory_space<hbm>>
    tpu.enqueue_indirect_dma source(%dma_start3A_222 : memref<100000x128xf32, #tpu.memory_space<hbm>>) target(%dma_start3A_216 : memref<128x128xf32, #tpu.memory_space<vmem>>) offsets(%dma_start3A_219 : memref<128xi32, #tpu.memory_space<vmem>>) semaphore(%arg17 : memref<!tpu.dma_semaphore, #tpu.memory_space<semaphore_mem>>)
    %dma_start3A_223 = arith.constant 4 : i32
    %dma_start3A_224 = arith.constant 0 : i32
    %dma_start3A_225 = arith.constant 0 : i32
    %dma_start3A_226 = tpu.memref_slice %arg5[%dma_start3A_223, %dma_start3A_224, %dma_start3A_225] : memref<7x1x128xi32, #tpu.memory_space<vmem>> -> memref<1x1x128xi32, #tpu.memory_space<vmem>>
    %dma_start3A_227 = tpu.memref_squeeze %dma_start3A_226 : memref<1x1x128xi32, #tpu.memory_space<vmem>> -> memref<1x128xi32, #tpu.memory_space<vmem>>
    %dma_start3A_228 = arith.constant 4 : i32
    %dma_start3A_229 = arith.constant 0 : i32
    %dma_start3A_230 = tpu.memref_slice %arg2[%add3A, %dma_start3A_228, %dma_start3A_229] : memref<32x200x128xi32, #tpu.memory_space<hbm>> -> memref<1x1x128xi32, #tpu.memory_space<hbm>>
    %dma_start3A_231 = tpu.memref_squeeze %dma_start3A_230 : memref<1x1x128xi32, #tpu.memory_space<hbm>> -> memref<1x128xi32, #tpu.memory_space<hbm>>
    %dma_start3A_232 = arith.constant 0 : i32
    %dma_start3A_233 = arith.constant 0 : i32
    %dma_start3A_234 = tpu.memref_slice %arg5[%dma_start3A_223, %dma_start3A_232, %dma_start3A_233] : memref<7x1x128xi32, #tpu.memory_space<vmem>> -> memref<1x1x128xi32, #tpu.memory_space<vmem>>
    %dma_start3A_235 = tpu.memref_squeeze %dma_start3A_234 : memref<1x1x128xi32, #tpu.memory_space<vmem>> -> memref<1x128xi32, #tpu.memory_space<vmem>>
    %dma_start3A_236 = arith.constant 4 : i32
    %dma_start3A_237 = arith.constant 0 : i32
    %dma_start3A_238 = tpu.memref_slice %arg2[%add3A, %dma_start3A_236, %dma_start3A_237] : memref<32x200x128xi32, #tpu.memory_space<hbm>> -> memref<1x1x128xi32, #tpu.memory_space<hbm>>
    %dma_start3A_239 = tpu.memref_squeeze %dma_start3A_238 : memref<1x1x128xi32, #tpu.memory_space<hbm>> -> memref<1x128xi32, #tpu.memory_space<hbm>>
    tpu.enqueue_dma source(%dma_start3A_239 : memref<1x128xi32, #tpu.memory_space<hbm>>) target(%dma_start3A_235 : memref<1x128xi32, #tpu.memory_space<vmem>>) target_semaphore(%arg11 : memref<!tpu.dma_semaphore, #tpu.memory_space<semaphore_mem>>)
    %dma_wait3A_240 = arith.constant 0 : i32
    %dma_wait3A_241 = arith.constant 4 : i32
    %dma_wait3A_242 = arith.constant 0 : i32
    %dma_wait3A_243 = arith.constant 0 : i32
    %dma_wait3A_244 = tpu.memref_slice %arg5[%dma_wait3A_241, %dma_wait3A_242, %dma_wait3A_243] : memref<7x1x128xi32, #tpu.memory_space<vmem>> -> memref<1x1x128xi32, #tpu.memory_space<vmem>>
    %dma_wait3A_245 = tpu.memref_squeeze %dma_wait3A_244 : memref<1x1x128xi32, #tpu.memory_space<vmem>> -> memref<1x128xi32, #tpu.memory_space<vmem>>
    %dma_wait3A_246 = arith.constant 0 : i32
    %dma_wait3A_247 = arith.constant 0 : i32
    %dma_wait3A_248 = tpu.memref_slice %arg2[%dma_wait3A_240, %dma_wait3A_246, %dma_wait3A_247] : memref<32x200x128xi32, #tpu.memory_space<hbm>> -> memref<1x1x128xi32, #tpu.memory_space<hbm>>
    %dma_wait3A_249 = tpu.memref_squeeze %dma_wait3A_248 : memref<1x1x128xi32, #tpu.memory_space<hbm>> -> memref<1x128xi32, #tpu.memory_space<hbm>>
    %dma_wait3A_250 = arith.constant 0 : i32
    %dma_wait3A_251 = arith.constant 0 : i32
    %dma_wait3A_252 = tpu.memref_slice %arg5[%dma_wait3A_241, %dma_wait3A_250, %dma_wait3A_251] : memref<7x1x128xi32, #tpu.memory_space<vmem>> -> memref<1x1x128xi32, #tpu.memory_space<vmem>>
    %dma_wait3A_253 = tpu.memref_squeeze %dma_wait3A_252 : memref<1x1x128xi32, #tpu.memory_space<vmem>> -> memref<1x128xi32, #tpu.memory_space<vmem>>
    %dma_wait3A_254 = arith.constant 0 : i32
    %dma_wait3A_255 = arith.constant 0 : i32
    %dma_wait3A_256 = tpu.memref_slice %arg2[%dma_wait3A_240, %dma_wait3A_254, %dma_wait3A_255] : memref<32x200x128xi32, #tpu.memory_space<hbm>> -> memref<1x1x128xi32, #tpu.memory_space<hbm>>
    %dma_wait3A_257 = tpu.memref_squeeze %dma_wait3A_256 : memref<1x1x128xi32, #tpu.memory_space<hbm>> -> memref<1x128xi32, #tpu.memory_space<hbm>>
    tpu.wait_dma2 semaphore(%arg11 : memref<!tpu.dma_semaphore, #tpu.memory_space<semaphore_mem>>) src(%dma_wait3A_257 : memref<1x128xi32, #tpu.memory_space<hbm>>) dst(%dma_wait3A_253 : memref<1x128xi32, #tpu.memory_space<vmem>>)
    %dma_wait3A_258 = arith.constant 1 : i32
    %dma_wait3A_259 = arith.constant 0 : i32
    %dma_wait3A_260 = arith.constant 0 : i32
    %dma_wait3A_261 = tpu.memref_slice %arg6[%dma_wait3A_258, %dma_wait3A_259, %dma_wait3A_260] : memref<7x128x128xf32, #tpu.memory_space<vmem>> -> memref<1x128x128xf32, #tpu.memory_space<vmem>>
    %dma_wait3A_262 = tpu.memref_squeeze %dma_wait3A_261 : memref<1x128x128xf32, #tpu.memory_space<vmem>> -> memref<128x128xf32, #tpu.memory_space<vmem>>
    %dma_wait3A_263 = arith.constant 0 : i32
    %dma_wait3A_264 = arith.constant 0 : i32
    %dma_wait3A_265 = tpu.memref_slice %arg3[%dma_wait3A_263, %dma_wait3A_264] : memref<100000x128xf32, #tpu.memory_space<hbm>> -> memref<128x128xf32, #tpu.memory_space<hbm>>
    %dma_wait3A_266 = arith.constant 0 : i32
    %dma_wait3A_267 = arith.constant 0 : i32
    %dma_wait3A_268 = tpu.memref_slice %arg6[%dma_wait3A_258, %dma_wait3A_266, %dma_wait3A_267] : memref<7x128x128xf32, #tpu.memory_space<vmem>> -> memref<1x128x128xf32, #tpu.memory_space<vmem>>
    %dma_wait3A_269 = tpu.memref_squeeze %dma_wait3A_268 : memref<1x128x128xf32, #tpu.memory_space<vmem>> -> memref<128x128xf32, #tpu.memory_space<vmem>>
    %dma_wait3A_270 = arith.constant 0 : i32
    %dma_wait3A_271 = arith.constant 0 : i32
    %dma_wait3A_272 = tpu.memref_slice %arg3[%dma_wait3A_270, %dma_wait3A_271] : memref<100000x128xf32, #tpu.memory_space<hbm>> -> memref<128x128xf32, #tpu.memory_space<hbm>>
    tpu.wait_dma2 semaphore(%arg15 : memref<!tpu.dma_semaphore, #tpu.memory_space<semaphore_mem>>) src(%dma_wait3A_272 : memref<128x128xf32, #tpu.memory_space<hbm>>) dst(%dma_wait3A_269 : memref<128x128xf32, #tpu.memory_space<vmem>>)
    %add3A_273 = arith.constant 128 : i32
    %add3A_274 = arith.addi %mul3A_2, %add3A_273 : i32
    %dma_start3A_275 = arith.constant 1 : i32
    %dma_start3A_276 = arith.constant 0 : i32
    %dma_start3A_277 = arith.constant 0 : i32
    %dma_start3A_278 = tpu.memref_slice %arg6[%dma_start3A_275, %dma_start3A_276, %dma_start3A_277] : memref<7x128x128xf32, #tpu.memory_space<vmem>> -> memref<1x128x128xf32, #tpu.memory_space<vmem>>
    %dma_start3A_279 = tpu.memref_squeeze %dma_start3A_278 : memref<1x128x128xf32, #tpu.memory_space<vmem>> -> memref<128x128xf32, #tpu.memory_space<vmem>>
    %dma_start3A_280 = arith.constant 0 : i32
    %dma_start3A_281 = tpu.memref_slice %arg4[%add3A_274, %dma_start3A_280] : memref<819200x128xf32, #tpu.memory_space<hbm>> -> memref<128x128xf32, #tpu.memory_space<hbm>>
    %dma_start3A_282 = arith.constant 0 : i32
    %dma_start3A_283 = tpu.memref_slice %arg4[%add3A_274, %dma_start3A_282] : memref<819200x128xf32, #tpu.memory_space<hbm>> -> memref<128x128xf32, #tpu.memory_space<hbm>>
    %dma_start3A_284 = arith.constant 0 : i32
    %dma_start3A_285 = arith.constant 0 : i32
    %dma_start3A_286 = tpu.memref_slice %arg6[%dma_start3A_275, %dma_start3A_284, %dma_start3A_285] : memref<7x128x128xf32, #tpu.memory_space<vmem>> -> memref<1x128x128xf32, #tpu.memory_space<vmem>>
    %dma_start3A_287 = tpu.memref_squeeze %dma_start3A_286 : memref<1x128x128xf32, #tpu.memory_space<vmem>> -> memref<128x128xf32, #tpu.memory_space<vmem>>
    tpu.enqueue_dma source(%dma_start3A_287 : memref<128x128xf32, #tpu.memory_space<vmem>>) target(%dma_start3A_283 : memref<128x128xf32, #tpu.memory_space<hbm>>) target_semaphore(%arg22 : memref<!tpu.dma_semaphore, #tpu.memory_space<semaphore_mem>>)
    %dma_start3A_288 = arith.constant 4 : i32
    %dma_start3A_289 = arith.constant 0 : i32
    %dma_start3A_290 = arith.constant 4 : i32
    %dma_start3A_291 = arith.constant 0 : i32
    %dma_start3A_292 = arith.constant 0 : i32
    %dma_start3A_293 = tpu.memref_slice %arg6[%dma_start3A_290, %dma_start3A_291, %dma_start3A_292] : memref<7x128x128xf32, #tpu.memory_space<vmem>> -> memref<1x128x128xf32, #tpu.memory_space<vmem>>
    %dma_start3A_294 = tpu.memref_squeeze %dma_start3A_293 : memref<1x128x128xf32, #tpu.memory_space<vmem>> -> memref<128x128xf32, #tpu.memory_space<vmem>>
    %dma_start3A_295 = arith.constant 0 : i32
    %dma_start3A_296 = tpu.memref_slice %arg5[%dma_start3A_288, %dma_start3A_289, %dma_start3A_295] : memref<7x1x128xi32, #tpu.memory_space<vmem>> -> memref<1x1x128xi32, #tpu.memory_space<vmem>>
    %dma_start3A_297 = tpu.memref_squeeze %dma_start3A_296 : memref<1x1x128xi32, #tpu.memory_space<vmem>> -> memref<128xi32, #tpu.memory_space<vmem>>
    %dma_start3A_298 = arith.constant 0 : i32
    %dma_start3A_299 = arith.constant 0 : i32
    %dma_start3A_300 = tpu.memref_slice %arg3[%dma_start3A_298, %dma_start3A_299] : memref<100000x128xf32, #tpu.memory_space<hbm>> -> memref<100000x128xf32, #tpu.memory_space<hbm>>
    tpu.enqueue_indirect_dma source(%dma_start3A_300 : memref<100000x128xf32, #tpu.memory_space<hbm>>) target(%dma_start3A_294 : memref<128x128xf32, #tpu.memory_space<vmem>>) offsets(%dma_start3A_297 : memref<128xi32, #tpu.memory_space<vmem>>) semaphore(%arg18 : memref<!tpu.dma_semaphore, #tpu.memory_space<semaphore_mem>>)
    %dma_start3A_301 = arith.constant 5 : i32
    %dma_start3A_302 = arith.constant 0 : i32
    %dma_start3A_303 = arith.constant 0 : i32
    %dma_start3A_304 = tpu.memref_slice %arg5[%dma_start3A_301, %dma_start3A_302, %dma_start3A_303] : memref<7x1x128xi32, #tpu.memory_space<vmem>> -> memref<1x1x128xi32, #tpu.memory_space<vmem>>
    %dma_start3A_305 = tpu.memref_squeeze %dma_start3A_304 : memref<1x1x128xi32, #tpu.memory_space<vmem>> -> memref<1x128xi32, #tpu.memory_space<vmem>>
    %dma_start3A_306 = arith.constant 5 : i32
    %dma_start3A_307 = arith.constant 0 : i32
    %dma_start3A_308 = tpu.memref_slice %arg2[%add3A, %dma_start3A_306, %dma_start3A_307] : memref<32x200x128xi32, #tpu.memory_space<hbm>> -> memref<1x1x128xi32, #tpu.memory_space<hbm>>
    %dma_start3A_309 = tpu.memref_squeeze %dma_start3A_308 : memref<1x1x128xi32, #tpu.memory_space<hbm>> -> memref<1x128xi32, #tpu.memory_space<hbm>>
    %dma_start3A_310 = arith.constant 0 : i32
    %dma_start3A_311 = arith.constant 0 : i32
    %dma_start3A_312 = tpu.memref_slice %arg5[%dma_start3A_301, %dma_start3A_310, %dma_start3A_311] : memref<7x1x128xi32, #tpu.memory_space<vmem>> -> memref<1x1x128xi32, #tpu.memory_space<vmem>>
    %dma_start3A_313 = tpu.memref_squeeze %dma_start3A_312 : memref<1x1x128xi32, #tpu.memory_space<vmem>> -> memref<1x128xi32, #tpu.memory_space<vmem>>
    %dma_start3A_314 = arith.constant 5 : i32
    %dma_start3A_315 = arith.constant 0 : i32
    %dma_start3A_316 = tpu.memref_slice %arg2[%add3A, %dma_start3A_314, %dma_start3A_315] : memref<32x200x128xi32, #tpu.memory_space<hbm>> -> memref<1x1x128xi32, #tpu.memory_space<hbm>>
    %dma_start3A_317 = tpu.memref_squeeze %dma_start3A_316 : memref<1x1x128xi32, #tpu.memory_space<hbm>> -> memref<1x128xi32, #tpu.memory_space<hbm>>
    tpu.enqueue_dma source(%dma_start3A_317 : memref<1x128xi32, #tpu.memory_space<hbm>>) target(%dma_start3A_313 : memref<1x128xi32, #tpu.memory_space<vmem>>) target_semaphore(%arg12 : memref<!tpu.dma_semaphore, #tpu.memory_space<semaphore_mem>>)
    %dma_wait3A_318 = arith.constant 0 : i32
    %dma_wait3A_319 = arith.constant 5 : i32
    %dma_wait3A_320 = arith.constant 0 : i32
    %dma_wait3A_321 = arith.constant 0 : i32
    %dma_wait3A_322 = tpu.memref_slice %arg5[%dma_wait3A_319, %dma_wait3A_320, %dma_wait3A_321] : memref<7x1x128xi32, #tpu.memory_space<vmem>> -> memref<1x1x128xi32, #tpu.memory_space<vmem>>
    %dma_wait3A_323 = tpu.memref_squeeze %dma_wait3A_322 : memref<1x1x128xi32, #tpu.memory_space<vmem>> -> memref<1x128xi32, #tpu.memory_space<vmem>>
    %dma_wait3A_324 = arith.constant 0 : i32
    %dma_wait3A_325 = arith.constant 0 : i32
    %dma_wait3A_326 = tpu.memref_slice %arg2[%dma_wait3A_318, %dma_wait3A_324, %dma_wait3A_325] : memref<32x200x128xi32, #tpu.memory_space<hbm>> -> memref<1x1x128xi32, #tpu.memory_space<hbm>>
    %dma_wait3A_327 = tpu.memref_squeeze %dma_wait3A_326 : memref<1x1x128xi32, #tpu.memory_space<hbm>> -> memref<1x128xi32, #tpu.memory_space<hbm>>
    %dma_wait3A_328 = arith.constant 0 : i32
    %dma_wait3A_329 = arith.constant 0 : i32
    %dma_wait3A_330 = tpu.memref_slice %arg5[%dma_wait3A_319, %dma_wait3A_328, %dma_wait3A_329] : memref<7x1x128xi32, #tpu.memory_space<vmem>> -> memref<1x1x128xi32, #tpu.memory_space<vmem>>
    %dma_wait3A_331 = tpu.memref_squeeze %dma_wait3A_330 : memref<1x1x128xi32, #tpu.memory_space<vmem>> -> memref<1x128xi32, #tpu.memory_space<vmem>>
    %dma_wait3A_332 = arith.constant 0 : i32
    %dma_wait3A_333 = arith.constant 0 : i32
    %dma_wait3A_334 = tpu.memref_slice %arg2[%dma_wait3A_318, %dma_wait3A_332, %dma_wait3A_333] : memref<32x200x128xi32, #tpu.memory_space<hbm>> -> memref<1x1x128xi32, #tpu.memory_space<hbm>>
    %dma_wait3A_335 = tpu.memref_squeeze %dma_wait3A_334 : memref<1x1x128xi32, #tpu.memory_space<hbm>> -> memref<1x128xi32, #tpu.memory_space<hbm>>
    tpu.wait_dma2 semaphore(%arg12 : memref<!tpu.dma_semaphore, #tpu.memory_space<semaphore_mem>>) src(%dma_wait3A_335 : memref<1x128xi32, #tpu.memory_space<hbm>>) dst(%dma_wait3A_331 : memref<1x128xi32, #tpu.memory_space<vmem>>)
    %dma_wait3A_336 = arith.constant 2 : i32
    %dma_wait3A_337 = arith.constant 0 : i32
    %dma_wait3A_338 = arith.constant 0 : i32
    %dma_wait3A_339 = tpu.memref_slice %arg6[%dma_wait3A_336, %dma_wait3A_337, %dma_wait3A_338] : memref<7x128x128xf32, #tpu.memory_space<vmem>> -> memref<1x128x128xf32, #tpu.memory_space<vmem>>
    %dma_wait3A_340 = tpu.memref_squeeze %dma_wait3A_339 : memref<1x128x128xf32, #tpu.memory_space<vmem>> -> memref<128x128xf32, #tpu.memory_space<vmem>>
    %dma_wait3A_341 = arith.constant 0 : i32
    %dma_wait3A_342 = arith.constant 0 : i32
    %dma_wait3A_343 = tpu.memref_slice %arg3[%dma_wait3A_341, %dma_wait3A_342] : memref<100000x128xf32, #tpu.memory_space<hbm>> -> memref<128x128xf32, #tpu.memory_space<hbm>>
    %dma_wait3A_344 = arith.constant 0 : i32
    %dma_wait3A_345 = arith.constant 0 : i32
    %dma_wait3A_346 = tpu.memref_slice %arg6[%dma_wait3A_336, %dma_wait3A_344, %dma_wait3A_345] : memref<7x128x128xf32, #tpu.memory_space<vmem>> -> memref<1x128x128xf32, #tpu.memory_space<vmem>>
    %dma_wait3A_347 = tpu.memref_squeeze %dma_wait3A_346 : memref<1x128x128xf32, #tpu.memory_space<vmem>> -> memref<128x128xf32, #tpu.memory_space<vmem>>
    %dma_wait3A_348 = arith.constant 0 : i32
    %dma_wait3A_349 = arith.constant 0 : i32
    %dma_wait3A_350 = tpu.memref_slice %arg3[%dma_wait3A_348, %dma_wait3A_349] : memref<100000x128xf32, #tpu.memory_space<hbm>> -> memref<128x128xf32, #tpu.memory_space<hbm>>
    tpu.wait_dma2 semaphore(%arg16 : memref<!tpu.dma_semaphore, #tpu.memory_space<semaphore_mem>>) src(%dma_wait3A_350 : memref<128x128xf32, #tpu.memory_space<hbm>>) dst(%dma_wait3A_347 : memref<128x128xf32, #tpu.memory_space<vmem>>)
    %add3A_351 = arith.constant 256 : i32
    %add3A_352 = arith.addi %mul3A_2, %add3A_351 : i32
    %dma_start3A_353 = arith.constant 2 : i32
    %dma_start3A_354 = arith.constant 0 : i32
    %dma_start3A_355 = arith.constant 0 : i32
    %dma_start3A_356 = tpu.memref_slice %arg6[%dma_start3A_353, %dma_start3A_354, %dma_start3A_355] : memref<7x128x128xf32, #tpu.memory_space<vmem>> -> memref<1x128x128xf32, #tpu.memory_space<vmem>>
    %dma_start3A_357 = tpu.memref_squeeze %dma_start3A_356 : memref<1x128x128xf32, #tpu.memory_space<vmem>> -> memref<128x128xf32, #tpu.memory_space<vmem>>
    %dma_start3A_358 = arith.constant 0 : i32
    %dma_start3A_359 = tpu.memref_slice %arg4[%add3A_352, %dma_start3A_358] : memref<819200x128xf32, #tpu.memory_space<hbm>> -> memref<128x128xf32, #tpu.memory_space<hbm>>
    %dma_start3A_360 = arith.constant 0 : i32
    %dma_start3A_361 = tpu.memref_slice %arg4[%add3A_352, %dma_start3A_360] : memref<819200x128xf32, #tpu.memory_space<hbm>> -> memref<128x128xf32, #tpu.memory_space<hbm>>
    %dma_start3A_362 = arith.constant 0 : i32
    %dma_start3A_363 = arith.constant 0 : i32
    %dma_start3A_364 = tpu.memref_slice %arg6[%dma_start3A_353, %dma_start3A_362, %dma_start3A_363] : memref<7x128x128xf32, #tpu.memory_space<vmem>> -> memref<1x128x128xf32, #tpu.memory_space<vmem>>
    %dma_start3A_365 = tpu.memref_squeeze %dma_start3A_364 : memref<1x128x128xf32, #tpu.memory_space<vmem>> -> memref<128x128xf32, #tpu.memory_space<vmem>>
    tpu.enqueue_dma source(%dma_start3A_365 : memref<128x128xf32, #tpu.memory_space<vmem>>) target(%dma_start3A_361 : memref<128x128xf32, #tpu.memory_space<hbm>>) target_semaphore(%arg23 : memref<!tpu.dma_semaphore, #tpu.memory_space<semaphore_mem>>)
    %dma_start3A_366 = arith.constant 5 : i32
    %dma_start3A_367 = arith.constant 0 : i32
    %dma_start3A_368 = arith.constant 5 : i32
    %dma_start3A_369 = arith.constant 0 : i32
    %dma_start3A_370 = arith.constant 0 : i32
    %dma_start3A_371 = tpu.memref_slice %arg6[%dma_start3A_368, %dma_start3A_369, %dma_start3A_370] : memref<7x128x128xf32, #tpu.memory_space<vmem>> -> memref<1x128x128xf32, #tpu.memory_space<vmem>>
    %dma_start3A_372 = tpu.memref_squeeze %dma_start3A_371 : memref<1x128x128xf32, #tpu.memory_space<vmem>> -> memref<128x128xf32, #tpu.memory_space<vmem>>
    %dma_start3A_373 = arith.constant 0 : i32
    %dma_start3A_374 = tpu.memref_slice %arg5[%dma_start3A_366, %dma_start3A_367, %dma_start3A_373] : memref<7x1x128xi32, #tpu.memory_space<vmem>> -> memref<1x1x128xi32, #tpu.memory_space<vmem>>
    %dma_start3A_375 = tpu.memref_squeeze %dma_start3A_374 : memref<1x1x128xi32, #tpu.memory_space<vmem>> -> memref<128xi32, #tpu.memory_space<vmem>>
    %dma_start3A_376 = arith.constant 0 : i32
    %dma_start3A_377 = arith.constant 0 : i32
    %dma_start3A_378 = tpu.memref_slice %arg3[%dma_start3A_376, %dma_start3A_377] : memref<100000x128xf32, #tpu.memory_space<hbm>> -> memref<100000x128xf32, #tpu.memory_space<hbm>>
    tpu.enqueue_indirect_dma source(%dma_start3A_378 : memref<100000x128xf32, #tpu.memory_space<hbm>>) target(%dma_start3A_372 : memref<128x128xf32, #tpu.memory_space<vmem>>) offsets(%dma_start3A_375 : memref<128xi32, #tpu.memory_space<vmem>>) semaphore(%arg19 : memref<!tpu.dma_semaphore, #tpu.memory_space<semaphore_mem>>)
    %dma_start3A_379 = arith.constant 6 : i32
    %dma_start3A_380 = arith.constant 0 : i32
    %dma_start3A_381 = arith.constant 0 : i32
    %dma_start3A_382 = tpu.memref_slice %arg5[%dma_start3A_379, %dma_start3A_380, %dma_start3A_381] : memref<7x1x128xi32, #tpu.memory_space<vmem>> -> memref<1x1x128xi32, #tpu.memory_space<vmem>>
    %dma_start3A_383 = tpu.memref_squeeze %dma_start3A_382 : memref<1x1x128xi32, #tpu.memory_space<vmem>> -> memref<1x128xi32, #tpu.memory_space<vmem>>
    %dma_start3A_384 = arith.constant 6 : i32
    %dma_start3A_385 = arith.constant 0 : i32
    %dma_start3A_386 = tpu.memref_slice %arg2[%add3A, %dma_start3A_384, %dma_start3A_385] : memref<32x200x128xi32, #tpu.memory_space<hbm>> -> memref<1x1x128xi32, #tpu.memory_space<hbm>>
    %dma_start3A_387 = tpu.memref_squeeze %dma_start3A_386 : memref<1x1x128xi32, #tpu.memory_space<hbm>> -> memref<1x128xi32, #tpu.memory_space<hbm>>
    %dma_start3A_388 = arith.constant 0 : i32
    %dma_start3A_389 = arith.constant 0 : i32
    %dma_start3A_390 = tpu.memref_slice %arg5[%dma_start3A_379, %dma_start3A_388, %dma_start3A_389] : memref<7x1x128xi32, #tpu.memory_space<vmem>> -> memref<1x1x128xi32, #tpu.memory_space<vmem>>
    %dma_start3A_391 = tpu.memref_squeeze %dma_start3A_390 : memref<1x1x128xi32, #tpu.memory_space<vmem>> -> memref<1x128xi32, #tpu.memory_space<vmem>>
    %dma_start3A_392 = arith.constant 6 : i32
    %dma_start3A_393 = arith.constant 0 : i32
    %dma_start3A_394 = tpu.memref_slice %arg2[%add3A, %dma_start3A_392, %dma_start3A_393] : memref<32x200x128xi32, #tpu.memory_space<hbm>> -> memref<1x1x128xi32, #tpu.memory_space<hbm>>
    %dma_start3A_395 = tpu.memref_squeeze %dma_start3A_394 : memref<1x1x128xi32, #tpu.memory_space<hbm>> -> memref<1x128xi32, #tpu.memory_space<hbm>>
    tpu.enqueue_dma source(%dma_start3A_395 : memref<1x128xi32, #tpu.memory_space<hbm>>) target(%dma_start3A_391 : memref<1x128xi32, #tpu.memory_space<vmem>>) target_semaphore(%arg13 : memref<!tpu.dma_semaphore, #tpu.memory_space<semaphore_mem>>)
    %dma_wait3A_396 = arith.constant 0 : i32
    %dma_wait3A_397 = arith.constant 6 : i32
    %dma_wait3A_398 = arith.constant 0 : i32
    %dma_wait3A_399 = arith.constant 0 : i32
    %dma_wait3A_400 = tpu.memref_slice %arg5[%dma_wait3A_397, %dma_wait3A_398, %dma_wait3A_399] : memref<7x1x128xi32, #tpu.memory_space<vmem>> -> memref<1x1x128xi32, #tpu.memory_space<vmem>>
    %dma_wait3A_401 = tpu.memref_squeeze %dma_wait3A_400 : memref<1x1x128xi32, #tpu.memory_space<vmem>> -> memref<1x128xi32, #tpu.memory_space<vmem>>
    %dma_wait3A_402 = arith.constant 0 : i32
    %dma_wait3A_403 = arith.constant 0 : i32
    %dma_wait3A_404 = tpu.memref_slice %arg2[%dma_wait3A_396, %dma_wait3A_402, %dma_wait3A_403] : memref<32x200x128xi32, #tpu.memory_space<hbm>> -> memref<1x1x128xi32, #tpu.memory_space<hbm>>
    %dma_wait3A_405 = tpu.memref_squeeze %dma_wait3A_404 : memref<1x1x128xi32, #tpu.memory_space<hbm>> -> memref<1x128xi32, #tpu.memory_space<hbm>>
    %dma_wait3A_406 = arith.constant 0 : i32
    %dma_wait3A_407 = arith.constant 0 : i32
    %dma_wait3A_408 = tpu.memref_slice %arg5[%dma_wait3A_397, %dma_wait3A_406, %dma_wait3A_407] : memref<7x1x128xi32, #tpu.memory_space<vmem>> -> memref<1x1x128xi32, #tpu.memory_space<vmem>>
    %dma_wait3A_409 = tpu.memref_squeeze %dma_wait3A_408 : memref<1x1x128xi32, #tpu.memory_space<vmem>> -> memref<1x128xi32, #tpu.memory_space<vmem>>
    %dma_wait3A_410 = arith.constant 0 : i32
    %dma_wait3A_411 = arith.constant 0 : i32
    %dma_wait3A_412 = tpu.memref_slice %arg2[%dma_wait3A_396, %dma_wait3A_410, %dma_wait3A_411] : memref<32x200x128xi32, #tpu.memory_space<hbm>> -> memref<1x1x128xi32, #tpu.memory_space<hbm>>
    %dma_wait3A_413 = tpu.memref_squeeze %dma_wait3A_412 : memref<1x1x128xi32, #tpu.memory_space<hbm>> -> memref<1x128xi32, #tpu.memory_space<hbm>>
    tpu.wait_dma2 semaphore(%arg13 : memref<!tpu.dma_semaphore, #tpu.memory_space<semaphore_mem>>) src(%dma_wait3A_413 : memref<1x128xi32, #tpu.memory_space<hbm>>) dst(%dma_wait3A_409 : memref<1x128xi32, #tpu.memory_space<vmem>>)
    %dma_wait3A_414 = arith.constant 3 : i32
    %dma_wait3A_415 = arith.constant 0 : i32
    %dma_wait3A_416 = arith.constant 0 : i32
    %dma_wait3A_417 = tpu.memref_slice %arg6[%dma_wait3A_414, %dma_wait3A_415, %dma_wait3A_416] : memref<7x128x128xf32, #tpu.memory_space<vmem>> -> memref<1x128x128xf32, #tpu.memory_space<vmem>>
    %dma_wait3A_418 = tpu.memref_squeeze %dma_wait3A_417 : memref<1x128x128xf32, #tpu.memory_space<vmem>> -> memref<128x128xf32, #tpu.memory_space<vmem>>
    %dma_wait3A_419 = arith.constant 0 : i32
    %dma_wait3A_420 = arith.constant 0 : i32
    %dma_wait3A_421 = tpu.memref_slice %arg3[%dma_wait3A_419, %dma_wait3A_420] : memref<100000x128xf32, #tpu.memory_space<hbm>> -> memref<128x128xf32, #tpu.memory_space<hbm>>
    %dma_wait3A_422 = arith.constant 0 : i32
    %dma_wait3A_423 = arith.constant 0 : i32
    %dma_wait3A_424 = tpu.memref_slice %arg6[%dma_wait3A_414, %dma_wait3A_422, %dma_wait3A_423] : memref<7x128x128xf32, #tpu.memory_space<vmem>> -> memref<1x128x128xf32, #tpu.memory_space<vmem>>
    %dma_wait3A_425 = tpu.memref_squeeze %dma_wait3A_424 : memref<1x128x128xf32, #tpu.memory_space<vmem>> -> memref<128x128xf32, #tpu.memory_space<vmem>>
    %dma_wait3A_426 = arith.constant 0 : i32
    %dma_wait3A_427 = arith.constant 0 : i32
    %dma_wait3A_428 = tpu.memref_slice %arg3[%dma_wait3A_426, %dma_wait3A_427] : memref<100000x128xf32, #tpu.memory_space<hbm>> -> memref<128x128xf32, #tpu.memory_space<hbm>>
    tpu.wait_dma2 semaphore(%arg17 : memref<!tpu.dma_semaphore, #tpu.memory_space<semaphore_mem>>) src(%dma_wait3A_428 : memref<128x128xf32, #tpu.memory_space<hbm>>) dst(%dma_wait3A_425 : memref<128x128xf32, #tpu.memory_space<vmem>>)
    %add3A_429 = arith.constant 384 : i32
    %add3A_430 = arith.addi %mul3A_2, %add3A_429 : i32
    %dma_start3A_431 = arith.constant 3 : i32
    %dma_start3A_432 = arith.constant 0 : i32
    %dma_start3A_433 = arith.constant 0 : i32
    %dma_start3A_434 = tpu.memref_slice %arg6[%dma_start3A_431, %dma_start3A_432, %dma_start3A_433] : memref<7x128x128xf32, #tpu.memory_space<vmem>> -> memref<1x128x128xf32, #tpu.memory_space<vmem>>
    %dma_start3A_435 = tpu.memref_squeeze %dma_start3A_434 : memref<1x128x128xf32, #tpu.memory_space<vmem>> -> memref<128x128xf32, #tpu.memory_space<vmem>>
    %dma_start3A_436 = arith.constant 0 : i32
    %dma_start3A_437 = tpu.memref_slice %arg4[%add3A_430, %dma_start3A_436] : memref<819200x128xf32, #tpu.memory_space<hbm>> -> memref<128x128xf32, #tpu.memory_space<hbm>>
    %dma_start3A_438 = arith.constant 0 : i32
    %dma_start3A_439 = tpu.memref_slice %arg4[%add3A_430, %dma_start3A_438] : memref<819200x128xf32, #tpu.memory_space<hbm>> -> memref<128x128xf32, #tpu.memory_space<hbm>>
    %dma_start3A_440 = arith.constant 0 : i32
    %dma_start3A_441 = arith.constant 0 : i32
    %dma_start3A_442 = tpu.memref_slice %arg6[%dma_start3A_431, %dma_start3A_440, %dma_start3A_441] : memref<7x128x128xf32, #tpu.memory_space<vmem>> -> memref<1x128x128xf32, #tpu.memory_space<vmem>>
    %dma_start3A_443 = tpu.memref_squeeze %dma_start3A_442 : memref<1x128x128xf32, #tpu.memory_space<vmem>> -> memref<128x128xf32, #tpu.memory_space<vmem>>
    tpu.enqueue_dma source(%dma_start3A_443 : memref<128x128xf32, #tpu.memory_space<vmem>>) target(%dma_start3A_439 : memref<128x128xf32, #tpu.memory_space<hbm>>) target_semaphore(%arg24 : memref<!tpu.dma_semaphore, #tpu.memory_space<semaphore_mem>>)
    %dma_start3A_444 = arith.constant 6 : i32
    %dma_start3A_445 = arith.constant 0 : i32
    %dma_start3A_446 = arith.constant 6 : i32
    %dma_start3A_447 = arith.constant 0 : i32
    %dma_start3A_448 = arith.constant 0 : i32
    %dma_start3A_449 = tpu.memref_slice %arg6[%dma_start3A_446, %dma_start3A_447, %dma_start3A_448] : memref<7x128x128xf32, #tpu.memory_space<vmem>> -> memref<1x128x128xf32, #tpu.memory_space<vmem>>
    %dma_start3A_450 = tpu.memref_squeeze %dma_start3A_449 : memref<1x128x128xf32, #tpu.memory_space<vmem>> -> memref<128x128xf32, #tpu.memory_space<vmem>>
    %dma_start3A_451 = arith.constant 0 : i32
    %dma_start3A_452 = tpu.memref_slice %arg5[%dma_start3A_444, %dma_start3A_445, %dma_start3A_451] : memref<7x1x128xi32, #tpu.memory_space<vmem>> -> memref<1x1x128xi32, #tpu.memory_space<vmem>>
    %dma_start3A_453 = tpu.memref_squeeze %dma_start3A_452 : memref<1x1x128xi32, #tpu.memory_space<vmem>> -> memref<128xi32, #tpu.memory_space<vmem>>
    %dma_start3A_454 = arith.constant 0 : i32
    %dma_start3A_455 = arith.constant 0 : i32
    %dma_start3A_456 = tpu.memref_slice %arg3[%dma_start3A_454, %dma_start3A_455] : memref<100000x128xf32, #tpu.memory_space<hbm>> -> memref<100000x128xf32, #tpu.memory_space<hbm>>
    tpu.enqueue_indirect_dma source(%dma_start3A_456 : memref<100000x128xf32, #tpu.memory_space<hbm>>) target(%dma_start3A_450 : memref<128x128xf32, #tpu.memory_space<vmem>>) offsets(%dma_start3A_453 : memref<128xi32, #tpu.memory_space<vmem>>) semaphore(%arg20 : memref<!tpu.dma_semaphore, #tpu.memory_space<semaphore_mem>>)
    %dma_start3A_457 = arith.constant 0 : i32
    %dma_start3A_458 = arith.constant 0 : i32
    %dma_start3A_459 = arith.constant 0 : i32
    %dma_start3A_460 = tpu.memref_slice %arg5[%dma_start3A_457, %dma_start3A_458, %dma_start3A_459] : memref<7x1x128xi32, #tpu.memory_space<vmem>> -> memref<1x1x128xi32, #tpu.memory_space<vmem>>
    %dma_start3A_461 = tpu.memref_squeeze %dma_start3A_460 : memref<1x1x128xi32, #tpu.memory_space<vmem>> -> memref<1x128xi32, #tpu.memory_space<vmem>>
    %dma_start3A_462 = arith.constant 7 : i32
    %dma_start3A_463 = arith.constant 0 : i32
    %dma_start3A_464 = tpu.memref_slice %arg2[%add3A, %dma_start3A_462, %dma_start3A_463] : memref<32x200x128xi32, #tpu.memory_space<hbm>> -> memref<1x1x128xi32, #tpu.memory_space<hbm>>
    %dma_start3A_465 = tpu.memref_squeeze %dma_start3A_464 : memref<1x1x128xi32, #tpu.memory_space<hbm>> -> memref<1x128xi32, #tpu.memory_space<hbm>>
    %dma_start3A_466 = arith.constant 0 : i32
    %dma_start3A_467 = arith.constant 0 : i32
    %dma_start3A_468 = tpu.memref_slice %arg5[%dma_start3A_457, %dma_start3A_466, %dma_start3A_467] : memref<7x1x128xi32, #tpu.memory_space<vmem>> -> memref<1x1x128xi32, #tpu.memory_space<vmem>>
    %dma_start3A_469 = tpu.memref_squeeze %dma_start3A_468 : memref<1x1x128xi32, #tpu.memory_space<vmem>> -> memref<1x128xi32, #tpu.memory_space<vmem>>
    %dma_start3A_470 = arith.constant 7 : i32
    %dma_start3A_471 = arith.constant 0 : i32
    %dma_start3A_472 = tpu.memref_slice %arg2[%add3A, %dma_start3A_470, %dma_start3A_471] : memref<32x200x128xi32, #tpu.memory_space<hbm>> -> memref<1x1x128xi32, #tpu.memory_space<hbm>>
    %dma_start3A_473 = tpu.memref_squeeze %dma_start3A_472 : memref<1x1x128xi32, #tpu.memory_space<hbm>> -> memref<1x128xi32, #tpu.memory_space<hbm>>
    tpu.enqueue_dma source(%dma_start3A_473 : memref<1x128xi32, #tpu.memory_space<hbm>>) target(%dma_start3A_469 : memref<1x128xi32, #tpu.memory_space<vmem>>) target_semaphore(%arg7 : memref<!tpu.dma_semaphore, #tpu.memory_space<semaphore_mem>>)
    %dma_wait3A_474 = arith.constant 0 : i32
    %dma_wait3A_475 = arith.constant 0 : i32
    %dma_wait3A_476 = arith.constant 0 : i32
    %dma_wait3A_477 = tpu.memref_slice %arg6[%dma_wait3A_474, %dma_wait3A_475, %dma_wait3A_476] : memref<7x128x128xf32, #tpu.memory_space<vmem>> -> memref<1x128x128xf32, #tpu.memory_space<vmem>>
    %dma_wait3A_478 = tpu.memref_squeeze %dma_wait3A_477 : memref<1x128x128xf32, #tpu.memory_space<vmem>> -> memref<128x128xf32, #tpu.memory_space<vmem>>
    %dma_wait3A_479 = arith.constant 0 : i32
    %dma_wait3A_480 = arith.constant 0 : i32
    %dma_wait3A_481 = tpu.memref_slice %arg4[%dma_wait3A_479, %dma_wait3A_480] : memref<819200x128xf32, #tpu.memory_space<hbm>> -> memref<128x128xf32, #tpu.memory_space<hbm>>
    %dma_wait3A_482 = arith.constant 0 : i32
    %dma_wait3A_483 = arith.constant 0 : i32
    %dma_wait3A_484 = tpu.memref_slice %arg4[%dma_wait3A_482, %dma_wait3A_483] : memref<819200x128xf32, #tpu.memory_space<hbm>> -> memref<128x128xf32, #tpu.memory_space<hbm>>
    %dma_wait3A_485 = arith.constant 0 : i32
    %dma_wait3A_486 = arith.constant 0 : i32
    %dma_wait3A_487 = tpu.memref_slice %arg6[%dma_wait3A_474, %dma_wait3A_485, %dma_wait3A_486] : memref<7x128x128xf32, #tpu.memory_space<vmem>> -> memref<1x128x128xf32, #tpu.memory_space<vmem>>
    %dma_wait3A_488 = tpu.memref_squeeze %dma_wait3A_487 : memref<1x128x128xf32, #tpu.memory_space<vmem>> -> memref<128x128xf32, #tpu.memory_space<vmem>>
    tpu.wait_dma2 semaphore(%arg21 : memref<!tpu.dma_semaphore, #tpu.memory_space<semaphore_mem>>) src(%dma_wait3A_488 : memref<128x128xf32, #tpu.memory_space<vmem>>) dst(%dma_wait3A_484 : memref<128x128xf32, #tpu.memory_space<hbm>>)
    %dma_wait3A_489 = arith.constant 0 : i32
    %dma_wait3A_490 = arith.constant 0 : i32
    %dma_wait3A_491 = arith.constant 0 : i32
    %dma_wait3A_492 = arith.constant 0 : i32
    %dma_wait3A_493 = tpu.memref_slice %arg5[%dma_wait3A_490, %dma_wait3A_491, %dma_wait3A_492] : memref<7x1x128xi32, #tpu.memory_space<vmem>> -> memref<1x1x128xi32, #tpu.memory_space<vmem>>
    %dma_wait3A_494 = tpu.memref_squeeze %dma_wait3A_493 : memref<1x1x128xi32, #tpu.memory_space<vmem>> -> memref<1x128xi32, #tpu.memory_space<vmem>>
    %dma_wait3A_495 = arith.constant 0 : i32
    %dma_wait3A_496 = arith.constant 0 : i32
    %dma_wait3A_497 = tpu.memref_slice %arg2[%dma_wait3A_489, %dma_wait3A_495, %dma_wait3A_496] : memref<32x200x128xi32, #tpu.memory_space<hbm>> -> memref<1x1x128xi32, #tpu.memory_space<hbm>>
    %dma_wait3A_498 = tpu.memref_squeeze %dma_wait3A_497 : memref<1x1x128xi32, #tpu.memory_space<hbm>> -> memref<1x128xi32, #tpu.memory_space<hbm>>
    %dma_wait3A_499 = arith.constant 0 : i32
    %dma_wait3A_500 = arith.constant 0 : i32
    %dma_wait3A_501 = tpu.memref_slice %arg5[%dma_wait3A_490, %dma_wait3A_499, %dma_wait3A_500] : memref<7x1x128xi32, #tpu.memory_space<vmem>> -> memref<1x1x128xi32, #tpu.memory_space<vmem>>
    %dma_wait3A_502 = tpu.memref_squeeze %dma_wait3A_501 : memref<1x1x128xi32, #tpu.memory_space<vmem>> -> memref<1x128xi32, #tpu.memory_space<vmem>>
    %dma_wait3A_503 = arith.constant 0 : i32
    %dma_wait3A_504 = arith.constant 0 : i32
    %dma_wait3A_505 = tpu.memref_slice %arg2[%dma_wait3A_489, %dma_wait3A_503, %dma_wait3A_504] : memref<32x200x128xi32, #tpu.memory_space<hbm>> -> memref<1x1x128xi32, #tpu.memory_space<hbm>>
    %dma_wait3A_506 = tpu.memref_squeeze %dma_wait3A_505 : memref<1x1x128xi32, #tpu.memory_space<hbm>> -> memref<1x128xi32, #tpu.memory_space<hbm>>
    tpu.wait_dma2 semaphore(%arg7 : memref<!tpu.dma_semaphore, #tpu.memory_space<semaphore_mem>>) src(%dma_wait3A_506 : memref<1x128xi32, #tpu.memory_space<hbm>>) dst(%dma_wait3A_502 : memref<1x128xi32, #tpu.memory_space<vmem>>)
    %dma_wait3A_507 = arith.constant 4 : i32
    %dma_wait3A_508 = arith.constant 0 : i32
    %dma_wait3A_509 = arith.constant 0 : i32
    %dma_wait3A_510 = tpu.memref_slice %arg6[%dma_wait3A_507, %dma_wait3A_508, %dma_wait3A_509] : memref<7x128x128xf32, #tpu.memory_space<vmem>> -> memref<1x128x128xf32, #tpu.memory_space<vmem>>
    %dma_wait3A_511 = tpu.memref_squeeze %dma_wait3A_510 : memref<1x128x128xf32, #tpu.memory_space<vmem>> -> memref<128x128xf32, #tpu.memory_space<vmem>>
    %dma_wait3A_512 = arith.constant 0 : i32
    %dma_wait3A_513 = arith.constant 0 : i32
    %dma_wait3A_514 = tpu.memref_slice %arg3[%dma_wait3A_512, %dma_wait3A_513] : memref<100000x128xf32, #tpu.memory_space<hbm>> -> memref<128x128xf32, #tpu.memory_space<hbm>>
    %dma_wait3A_515 = arith.constant 0 : i32
    %dma_wait3A_516 = arith.constant 0 : i32
    %dma_wait3A_517 = tpu.memref_slice %arg6[%dma_wait3A_507, %dma_wait3A_515, %dma_wait3A_516] : memref<7x128x128xf32, #tpu.memory_space<vmem>> -> memref<1x128x128xf32, #tpu.memory_space<vmem>>
    %dma_wait3A_518 = tpu.memref_squeeze %dma_wait3A_517 : memref<1x128x128xf32, #tpu.memory_space<vmem>> -> memref<128x128xf32, #tpu.memory_space<vmem>>
    %dma_wait3A_519 = arith.constant 0 : i32
    %dma_wait3A_520 = arith.constant 0 : i32
    %dma_wait3A_521 = tpu.memref_slice %arg3[%dma_wait3A_519, %dma_wait3A_520] : memref<100000x128xf32, #tpu.memory_space<hbm>> -> memref<128x128xf32, #tpu.memory_space<hbm>>
    tpu.wait_dma2 semaphore(%arg18 : memref<!tpu.dma_semaphore, #tpu.memory_space<semaphore_mem>>) src(%dma_wait3A_521 : memref<128x128xf32, #tpu.memory_space<hbm>>) dst(%dma_wait3A_518 : memref<128x128xf32, #tpu.memory_space<vmem>>)
    %add3A_522 = arith.constant 512 : i32
    %add3A_523 = arith.addi %mul3A_2, %add3A_522 : i32
    %dma_start3A_524 = arith.constant 4 : i32
    %dma_start3A_525 = arith.constant 0 : i32
    %dma_start3A_526 = arith.constant 0 : i32
    %dma_start3A_527 = tpu.memref_slice %arg6[%dma_start3A_524, %dma_start3A_525, %dma_start3A_526] : memref<7x128x128xf32, #tpu.memory_space<vmem>> -> memref<1x128x128xf32, #tpu.memory_space<vmem>>
    %dma_start3A_528 = tpu.memref_squeeze %dma_start3A_527 : memref<1x128x128xf32, #tpu.memory_space<vmem>> -> memref<128x128xf32, #tpu.memory_space<vmem>>
    %dma_start3A_529 = arith.constant 0 : i32
    %dma_start3A_530 = tpu.memref_slice %arg4[%add3A_523, %dma_start3A_529] : memref<819200x128xf32, #tpu.memory_space<hbm>> -> memref<128x128xf32, #tpu.memory_space<hbm>>
    %dma_start3A_531 = arith.constant 0 : i32
    %dma_start3A_532 = tpu.memref_slice %arg4[%add3A_523, %dma_start3A_531] : memref<819200x128xf32, #tpu.memory_space<hbm>> -> memref<128x128xf32, #tpu.memory_space<hbm>>
    %dma_start3A_533 = arith.constant 0 : i32
    %dma_start3A_534 = arith.constant 0 : i32
    %dma_start3A_535 = tpu.memref_slice %arg6[%dma_start3A_524, %dma_start3A_533, %dma_start3A_534] : memref<7x128x128xf32, #tpu.memory_space<vmem>> -> memref<1x128x128xf32, #tpu.memory_space<vmem>>
    %dma_start3A_536 = tpu.memref_squeeze %dma_start3A_535 : memref<1x128x128xf32, #tpu.memory_space<vmem>> -> memref<128x128xf32, #tpu.memory_space<vmem>>
    tpu.enqueue_dma source(%dma_start3A_536 : memref<128x128xf32, #tpu.memory_space<vmem>>) target(%dma_start3A_532 : memref<128x128xf32, #tpu.memory_space<hbm>>) target_semaphore(%arg25 : memref<!tpu.dma_semaphore, #tpu.memory_space<semaphore_mem>>)
    %dma_start3A_537 = arith.constant 0 : i32
    %dma_start3A_538 = arith.constant 0 : i32
    %dma_start3A_539 = arith.constant 0 : i32
    %dma_start3A_540 = arith.constant 0 : i32
    %dma_start3A_541 = arith.constant 0 : i32
    %dma_start3A_542 = tpu.memref_slice %arg6[%dma_start3A_539, %dma_start3A_540, %dma_start3A_541] : memref<7x128x128xf32, #tpu.memory_space<vmem>> -> memref<1x128x128xf32, #tpu.memory_space<vmem>>
    %dma_start3A_543 = tpu.memref_squeeze %dma_start3A_542 : memref<1x128x128xf32, #tpu.memory_space<vmem>> -> memref<128x128xf32, #tpu.memory_space<vmem>>
    %dma_start3A_544 = arith.constant 0 : i32
    %dma_start3A_545 = tpu.memref_slice %arg5[%dma_start3A_537, %dma_start3A_538, %dma_start3A_544] : memref<7x1x128xi32, #tpu.memory_space<vmem>> -> memref<1x1x128xi32, #tpu.memory_space<vmem>>
    %dma_start3A_546 = tpu.memref_squeeze %dma_start3A_545 : memref<1x1x128xi32, #tpu.memory_space<vmem>> -> memref<128xi32, #tpu.memory_space<vmem>>
    %dma_start3A_547 = arith.constant 0 : i32
    %dma_start3A_548 = arith.constant 0 : i32
    %dma_start3A_549 = tpu.memref_slice %arg3[%dma_start3A_547, %dma_start3A_548] : memref<100000x128xf32, #tpu.memory_space<hbm>> -> memref<100000x128xf32, #tpu.memory_space<hbm>>
    tpu.enqueue_indirect_dma source(%dma_start3A_549 : memref<100000x128xf32, #tpu.memory_space<hbm>>) target(%dma_start3A_543 : memref<128x128xf32, #tpu.memory_space<vmem>>) offsets(%dma_start3A_546 : memref<128xi32, #tpu.memory_space<vmem>>) semaphore(%arg14 : memref<!tpu.dma_semaphore, #tpu.memory_space<semaphore_mem>>)
    %dma_start3A_550 = arith.constant 1 : i32
    %dma_start3A_551 = arith.constant 0 : i32
    %dma_start3A_552 = arith.constant 0 : i32
    %dma_start3A_553 = tpu.memref_slice %arg5[%dma_start3A_550, %dma_start3A_551, %dma_start3A_552] : memref<7x1x128xi32, #tpu.memory_space<vmem>> -> memref<1x1x128xi32, #tpu.memory_space<vmem>>
    %dma_start3A_554 = tpu.memref_squeeze %dma_start3A_553 : memref<1x1x128xi32, #tpu.memory_space<vmem>> -> memref<1x128xi32, #tpu.memory_space<vmem>>
    %dma_start3A_555 = arith.constant 8 : i32
    %dma_start3A_556 = arith.constant 0 : i32
    %dma_start3A_557 = tpu.memref_slice %arg2[%add3A, %dma_start3A_555, %dma_start3A_556] : memref<32x200x128xi32, #tpu.memory_space<hbm>> -> memref<1x1x128xi32, #tpu.memory_space<hbm>>
    %dma_start3A_558 = tpu.memref_squeeze %dma_start3A_557 : memref<1x1x128xi32, #tpu.memory_space<hbm>> -> memref<1x128xi32, #tpu.memory_space<hbm>>
    %dma_start3A_559 = arith.constant 0 : i32
    %dma_start3A_560 = arith.constant 0 : i32
    %dma_start3A_561 = tpu.memref_slice %arg5[%dma_start3A_550, %dma_start3A_559, %dma_start3A_560] : memref<7x1x128xi32, #tpu.memory_space<vmem>> -> memref<1x1x128xi32, #tpu.memory_space<vmem>>
    %dma_start3A_562 = tpu.memref_squeeze %dma_start3A_561 : memref<1x1x128xi32, #tpu.memory_space<vmem>> -> memref<1x128xi32, #tpu.memory_space<vmem>>
    %dma_start3A_563 = arith.constant 8 : i32
    %dma_start3A_564 = arith.constant 0 : i32
    %dma_start3A_565 = tpu.memref_slice %arg2[%add3A, %dma_start3A_563, %dma_start3A_564] : memref<32x200x128xi32, #tpu.memory_space<hbm>> -> memref<1x1x128xi32, #tpu.memory_space<hbm>>
    %dma_start3A_566 = tpu.memref_squeeze %dma_start3A_565 : memref<1x1x128xi32, #tpu.memory_space<hbm>> -> memref<1x128xi32, #tpu.memory_space<hbm>>
    tpu.enqueue_dma source(%dma_start3A_566 : memref<1x128xi32, #tpu.memory_space<hbm>>) target(%dma_start3A_562 : memref<1x128xi32, #tpu.memory_space<vmem>>) target_semaphore(%arg8 : memref<!tpu.dma_semaphore, #tpu.memory_space<semaphore_mem>>)
    %dma_wait3A_567 = arith.constant 1 : i32
    %dma_wait3A_568 = arith.constant 0 : i32
    %dma_wait3A_569 = arith.constant 0 : i32
    %dma_wait3A_570 = tpu.memref_slice %arg6[%dma_wait3A_567, %dma_wait3A_568, %dma_wait3A_569] : memref<7x128x128xf32, #tpu.memory_space<vmem>> -> memref<1x128x128xf32, #tpu.memory_space<vmem>>
    %dma_wait3A_571 = tpu.memref_squeeze %dma_wait3A_570 : memref<1x128x128xf32, #tpu.memory_space<vmem>> -> memref<128x128xf32, #tpu.memory_space<vmem>>
    %dma_wait3A_572 = arith.constant 0 : i32
    %dma_wait3A_573 = arith.constant 0 : i32
    %dma_wait3A_574 = tpu.memref_slice %arg4[%dma_wait3A_572, %dma_wait3A_573] : memref<819200x128xf32, #tpu.memory_space<hbm>> -> memref<128x128xf32, #tpu.memory_space<hbm>>
    %dma_wait3A_575 = arith.constant 0 : i32
    %dma_wait3A_576 = arith.constant 0 : i32
    %dma_wait3A_577 = tpu.memref_slice %arg4[%dma_wait3A_575, %dma_wait3A_576] : memref<819200x128xf32, #tpu.memory_space<hbm>> -> memref<128x128xf32, #tpu.memory_space<hbm>>
    %dma_wait3A_578 = arith.constant 0 : i32
    %dma_wait3A_579 = arith.constant 0 : i32
    %dma_wait3A_580 = tpu.memref_slice %arg6[%dma_wait3A_567, %dma_wait3A_578, %dma_wait3A_579] : memref<7x128x128xf32, #tpu.memory_space<vmem>> -> memref<1x128x128xf32, #tpu.memory_space<vmem>>
    %dma_wait3A_581 = tpu.memref_squeeze %dma_wait3A_580 : memref<1x128x128xf32, #tpu.memory_space<vmem>> -> memref<128x128xf32, #tpu.memory_space<vmem>>
    tpu.wait_dma2 semaphore(%arg22 : memref<!tpu.dma_semaphore, #tpu.memory_space<semaphore_mem>>) src(%dma_wait3A_581 : memref<128x128xf32, #tpu.memory_space<vmem>>) dst(%dma_wait3A_577 : memref<128x128xf32, #tpu.memory_space<hbm>>)
    %dma_wait3A_582 = arith.constant 0 : i32
    %dma_wait3A_583 = arith.constant 1 : i32
    %dma_wait3A_584 = arith.constant 0 : i32
    %dma_wait3A_585 = arith.constant 0 : i32
    %dma_wait3A_586 = tpu.memref_slice %arg5[%dma_wait3A_583, %dma_wait3A_584, %dma_wait3A_585] : memref<7x1x128xi32, #tpu.memory_space<vmem>> -> memref<1x1x128xi32, #tpu.memory_space<vmem>>
    %dma_wait3A_587 = tpu.memref_squeeze %dma_wait3A_586 : memref<1x1x128xi32, #tpu.memory_space<vmem>> -> memref<1x128xi32, #tpu.memory_space<vmem>>
    %dma_wait3A_588 = arith.constant 0 : i32
    %dma_wait3A_589 = arith.constant 0 : i32
    %dma_wait3A_590 = tpu.memref_slice %arg2[%dma_wait3A_582, %dma_wait3A_588, %dma_wait3A_589] : memref<32x200x128xi32, #tpu.memory_space<hbm>> -> memref<1x1x128xi32, #tpu.memory_space<hbm>>
    %dma_wait3A_591 = tpu.memref_squeeze %dma_wait3A_590 : memref<1x1x128xi32, #tpu.memory_space<hbm>> -> memref<1x128xi32, #tpu.memory_space<hbm>>
    %dma_wait3A_592 = arith.constant 0 : i32
    %dma_wait3A_593 = arith.constant 0 : i32
    %dma_wait3A_594 = tpu.memref_slice %arg5[%dma_wait3A_583, %dma_wait3A_592, %dma_wait3A_593] : memref<7x1x128xi32, #tpu.memory_space<vmem>> -> memref<1x1x128xi32, #tpu.memory_space<vmem>>
    %dma_wait3A_595 = tpu.memref_squeeze %dma_wait3A_594 : memref<1x1x128xi32, #tpu.memory_space<vmem>> -> memref<1x128xi32, #tpu.memory_space<vmem>>
    %dma_wait3A_596 = arith.constant 0 : i32
    %dma_wait3A_597 = arith.constant 0 : i32
    %dma_wait3A_598 = tpu.memref_slice %arg2[%dma_wait3A_582, %dma_wait3A_596, %dma_wait3A_597] : memref<32x200x128xi32, #tpu.memory_space<hbm>> -> memref<1x1x128xi32, #tpu.memory_space<hbm>>
    %dma_wait3A_599 = tpu.memref_squeeze %dma_wait3A_598 : memref<1x1x128xi32, #tpu.memory_space<hbm>> -> memref<1x128xi32, #tpu.memory_space<hbm>>
    tpu.wait_dma2 semaphore(%arg8 : memref<!tpu.dma_semaphore, #tpu.memory_space<semaphore_mem>>) src(%dma_wait3A_599 : memref<1x128xi32, #tpu.memory_space<hbm>>) dst(%dma_wait3A_595 : memref<1x128xi32, #tpu.memory_space<vmem>>)
    %dma_wait3A_600 = arith.constant 5 : i32
    %dma_wait3A_601 = arith.constant 0 : i32
    %dma_wait3A_602 = arith.constant 0 : i32
    %dma_wait3A_603 = tpu.memref_slice %arg6[%dma_wait3A_600, %dma_wait3A_601, %dma_wait3A_602] : memref<7x128x128xf32, #tpu.memory_space<vmem>> -> memref<1x128x128xf32, #tpu.memory_space<vmem>>
    %dma_wait3A_604 = tpu.memref_squeeze %dma_wait3A_603 : memref<1x128x128xf32, #tpu.memory_space<vmem>> -> memref<128x128xf32, #tpu.memory_space<vmem>>
    %dma_wait3A_605 = arith.constant 0 : i32
    %dma_wait3A_606 = arith.constant 0 : i32
    %dma_wait3A_607 = tpu.memref_slice %arg3[%dma_wait3A_605, %dma_wait3A_606] : memref<100000x128xf32, #tpu.memory_space<hbm>> -> memref<128x128xf32, #tpu.memory_space<hbm>>
    %dma_wait3A_608 = arith.constant 0 : i32
    %dma_wait3A_609 = arith.constant 0 : i32
    %dma_wait3A_610 = tpu.memref_slice %arg6[%dma_wait3A_600, %dma_wait3A_608, %dma_wait3A_609] : memref<7x128x128xf32, #tpu.memory_space<vmem>> -> memref<1x128x128xf32, #tpu.memory_space<vmem>>
    %dma_wait3A_611 = tpu.memref_squeeze %dma_wait3A_610 : memref<1x128x128xf32, #tpu.memory_space<vmem>> -> memref<128x128xf32, #tpu.memory_space<vmem>>
    %dma_wait3A_612 = arith.constant 0 : i32
    %dma_wait3A_613 = arith.constant 0 : i32
    %dma_wait3A_614 = tpu.memref_slice %arg3[%dma_wait3A_612, %dma_wait3A_613] : memref<100000x128xf32, #tpu.memory_space<hbm>> -> memref<128x128xf32, #tpu.memory_space<hbm>>
    tpu.wait_dma2 semaphore(%arg19 : memref<!tpu.dma_semaphore, #tpu.memory_space<semaphore_mem>>) src(%dma_wait3A_614 : memref<128x128xf32, #tpu.memory_space<hbm>>) dst(%dma_wait3A_611 : memref<128x128xf32, #tpu.memory_space<vmem>>)
    %add3A_615 = arith.constant 640 : i32
    %add3A_616 = arith.addi %mul3A_2, %add3A_615 : i32
    %dma_start3A_617 = arith.constant 5 : i32
    %dma_start3A_618 = arith.constant 0 : i32
    %dma_start3A_619 = arith.constant 0 : i32
    %dma_start3A_620 = tpu.memref_slice %arg6[%dma_start3A_617, %dma_start3A_618, %dma_start3A_619] : memref<7x128x128xf32, #tpu.memory_space<vmem>> -> memref<1x128x128xf32, #tpu.memory_space<vmem>>
    %dma_start3A_621 = tpu.memref_squeeze %dma_start3A_620 : memref<1x128x128xf32, #tpu.memory_space<vmem>> -> memref<128x128xf32, #tpu.memory_space<vmem>>
    %dma_start3A_622 = arith.constant 0 : i32
    %dma_start3A_623 = tpu.memref_slice %arg4[%add3A_616, %dma_start3A_622] : memref<819200x128xf32, #tpu.memory_space<hbm>> -> memref<128x128xf32, #tpu.memory_space<hbm>>
    %dma_start3A_624 = arith.constant 0 : i32
    %dma_start3A_625 = tpu.memref_slice %arg4[%add3A_616, %dma_start3A_624] : memref<819200x128xf32, #tpu.memory_space<hbm>> -> memref<128x128xf32, #tpu.memory_space<hbm>>
    %dma_start3A_626 = arith.constant 0 : i32
    %dma_start3A_627 = arith.constant 0 : i32
    %dma_start3A_628 = tpu.memref_slice %arg6[%dma_start3A_617, %dma_start3A_626, %dma_start3A_627] : memref<7x128x128xf32, #tpu.memory_space<vmem>> -> memref<1x128x128xf32, #tpu.memory_space<vmem>>
    %dma_start3A_629 = tpu.memref_squeeze %dma_start3A_628 : memref<1x128x128xf32, #tpu.memory_space<vmem>> -> memref<128x128xf32, #tpu.memory_space<vmem>>
    tpu.enqueue_dma source(%dma_start3A_629 : memref<128x128xf32, #tpu.memory_space<vmem>>) target(%dma_start3A_625 : memref<128x128xf32, #tpu.memory_space<hbm>>) target_semaphore(%arg26 : memref<!tpu.dma_semaphore, #tpu.memory_space<semaphore_mem>>)
    %dma_start3A_630 = arith.constant 1 : i32
    %dma_start3A_631 = arith.constant 0 : i32
    %dma_start3A_632 = arith.constant 1 : i32
    %dma_start3A_633 = arith.constant 0 : i32
    %dma_start3A_634 = arith.constant 0 : i32
    %dma_start3A_635 = tpu.memref_slice %arg6[%dma_start3A_632, %dma_start3A_633, %dma_start3A_634] : memref<7x128x128xf32, #tpu.memory_space<vmem>> -> memref<1x128x128xf32, #tpu.memory_space<vmem>>
    %dma_start3A_636 = tpu.memref_squeeze %dma_start3A_635 : memref<1x128x128xf32, #tpu.memory_space<vmem>> -> memref<128x128xf32, #tpu.memory_space<vmem>>
    %dma_start3A_637 = arith.constant 0 : i32
    %dma_start3A_638 = tpu.memref_slice %arg5[%dma_start3A_630, %dma_start3A_631, %dma_start3A_637] : memref<7x1x128xi32, #tpu.memory_space<vmem>> -> memref<1x1x128xi32, #tpu.memory_space<vmem>>
    %dma_start3A_639 = tpu.memref_squeeze %dma_start3A_638 : memref<1x1x128xi32, #tpu.memory_space<vmem>> -> memref<128xi32, #tpu.memory_space<vmem>>
    %dma_start3A_640 = arith.constant 0 : i32
    %dma_start3A_641 = arith.constant 0 : i32
    %dma_start3A_642 = tpu.memref_slice %arg3[%dma_start3A_640, %dma_start3A_641] : memref<100000x128xf32, #tpu.memory_space<hbm>> -> memref<100000x128xf32, #tpu.memory_space<hbm>>
    tpu.enqueue_indirect_dma source(%dma_start3A_642 : memref<100000x128xf32, #tpu.memory_space<hbm>>) target(%dma_start3A_636 : memref<128x128xf32, #tpu.memory_space<vmem>>) offsets(%dma_start3A_639 : memref<128xi32, #tpu.memory_space<vmem>>) semaphore(%arg15 : memref<!tpu.dma_semaphore, #tpu.memory_space<semaphore_mem>>)
    %dma_start3A_643 = arith.constant 2 : i32
    %dma_start3A_644 = arith.constant 0 : i32
    %dma_start3A_645 = arith.constant 0 : i32
    %dma_start3A_646 = tpu.memref_slice %arg5[%dma_start3A_643, %dma_start3A_644, %dma_start3A_645] : memref<7x1x128xi32, #tpu.memory_space<vmem>> -> memref<1x1x128xi32, #tpu.memory_space<vmem>>
    %dma_start3A_647 = tpu.memref_squeeze %dma_start3A_646 : memref<1x1x128xi32, #tpu.memory_space<vmem>> -> memref<1x128xi32, #tpu.memory_space<vmem>>
    %dma_start3A_648 = arith.constant 9 : i32
    %dma_start3A_649 = arith.constant 0 : i32
    %dma_start3A_650 = tpu.memref_slice %arg2[%add3A, %dma_start3A_648, %dma_start3A_649] : memref<32x200x128xi32, #tpu.memory_space<hbm>> -> memref<1x1x128xi32, #tpu.memory_space<hbm>>
    %dma_start3A_651 = tpu.memref_squeeze %dma_start3A_650 : memref<1x1x128xi32, #tpu.memory_space<hbm>> -> memref<1x128xi32, #tpu.memory_space<hbm>>
    %dma_start3A_652 = arith.constant 0 : i32
    %dma_start3A_653 = arith.constant 0 : i32
    %dma_start3A_654 = tpu.memref_slice %arg5[%dma_start3A_643, %dma_start3A_652, %dma_start3A_653] : memref<7x1x128xi32, #tpu.memory_space<vmem>> -> memref<1x1x128xi32, #tpu.memory_space<vmem>>
    %dma_start3A_655 = tpu.memref_squeeze %dma_start3A_654 : memref<1x1x128xi32, #tpu.memory_space<vmem>> -> memref<1x128xi32, #tpu.memory_space<vmem>>
    %dma_start3A_656 = arith.constant 9 : i32
    %dma_start3A_657 = arith.constant 0 : i32
    %dma_start3A_658 = tpu.memref_slice %arg2[%add3A, %dma_start3A_656, %dma_start3A_657] : memref<32x200x128xi32, #tpu.memory_space<hbm>> -> memref<1x1x128xi32, #tpu.memory_space<hbm>>
    %dma_start3A_659 = tpu.memref_squeeze %dma_start3A_658 : memref<1x1x128xi32, #tpu.memory_space<hbm>> -> memref<1x128xi32, #tpu.memory_space<hbm>>
    tpu.enqueue_dma source(%dma_start3A_659 : memref<1x128xi32, #tpu.memory_space<hbm>>) target(%dma_start3A_655 : memref<1x128xi32, #tpu.memory_space<vmem>>) target_semaphore(%arg9 : memref<!tpu.dma_semaphore, #tpu.memory_space<semaphore_mem>>)
    %dma_wait3A_660 = arith.constant 2 : i32
    %dma_wait3A_661 = arith.constant 0 : i32
    %dma_wait3A_662 = arith.constant 0 : i32
    %dma_wait3A_663 = tpu.memref_slice %arg6[%dma_wait3A_660, %dma_wait3A_661, %dma_wait3A_662] : memref<7x128x128xf32, #tpu.memory_space<vmem>> -> memref<1x128x128xf32, #tpu.memory_space<vmem>>
    %dma_wait3A_664 = tpu.memref_squeeze %dma_wait3A_663 : memref<1x128x128xf32, #tpu.memory_space<vmem>> -> memref<128x128xf32, #tpu.memory_space<vmem>>
    %dma_wait3A_665 = arith.constant 0 : i32
    %dma_wait3A_666 = arith.constant 0 : i32
    %dma_wait3A_667 = tpu.memref_slice %arg4[%dma_wait3A_665, %dma_wait3A_666] : memref<819200x128xf32, #tpu.memory_space<hbm>> -> memref<128x128xf32, #tpu.memory_space<hbm>>
    %dma_wait3A_668 = arith.constant 0 : i32
    %dma_wait3A_669 = arith.constant 0 : i32
    %dma_wait3A_670 = tpu.memref_slice %arg4[%dma_wait3A_668, %dma_wait3A_669] : memref<819200x128xf32, #tpu.memory_space<hbm>> -> memref<128x128xf32, #tpu.memory_space<hbm>>
    %dma_wait3A_671 = arith.constant 0 : i32
    %dma_wait3A_672 = arith.constant 0 : i32
    %dma_wait3A_673 = tpu.memref_slice %arg6[%dma_wait3A_660, %dma_wait3A_671, %dma_wait3A_672] : memref<7x128x128xf32, #tpu.memory_space<vmem>> -> memref<1x128x128xf32, #tpu.memory_space<vmem>>
    %dma_wait3A_674 = tpu.memref_squeeze %dma_wait3A_673 : memref<1x128x128xf32, #tpu.memory_space<vmem>> -> memref<128x128xf32, #tpu.memory_space<vmem>>
    tpu.wait_dma2 semaphore(%arg23 : memref<!tpu.dma_semaphore, #tpu.memory_space<semaphore_mem>>) src(%dma_wait3A_674 : memref<128x128xf32, #tpu.memory_space<vmem>>) dst(%dma_wait3A_670 : memref<128x128xf32, #tpu.memory_space<hbm>>)
    %dma_wait3A_675 = arith.constant 0 : i32
    %dma_wait3A_676 = arith.constant 2 : i32
    %dma_wait3A_677 = arith.constant 0 : i32
    %dma_wait3A_678 = arith.constant 0 : i32
    %dma_wait3A_679 = tpu.memref_slice %arg5[%dma_wait3A_676, %dma_wait3A_677, %dma_wait3A_678] : memref<7x1x128xi32, #tpu.memory_space<vmem>> -> memref<1x1x128xi32, #tpu.memory_space<vmem>>
    %dma_wait3A_680 = tpu.memref_squeeze %dma_wait3A_679 : memref<1x1x128xi32, #tpu.memory_space<vmem>> -> memref<1x128xi32, #tpu.memory_space<vmem>>
    %dma_wait3A_681 = arith.constant 0 : i32
    %dma_wait3A_682 = arith.constant 0 : i32
    %dma_wait3A_683 = tpu.memref_slice %arg2[%dma_wait3A_675, %dma_wait3A_681, %dma_wait3A_682] : memref<32x200x128xi32, #tpu.memory_space<hbm>> -> memref<1x1x128xi32, #tpu.memory_space<hbm>>
    %dma_wait3A_684 = tpu.memref_squeeze %dma_wait3A_683 : memref<1x1x128xi32, #tpu.memory_space<hbm>> -> memref<1x128xi32, #tpu.memory_space<hbm>>
    %dma_wait3A_685 = arith.constant 0 : i32
    %dma_wait3A_686 = arith.constant 0 : i32
    %dma_wait3A_687 = tpu.memref_slice %arg5[%dma_wait3A_676, %dma_wait3A_685, %dma_wait3A_686] : memref<7x1x128xi32, #tpu.memory_space<vmem>> -> memref<1x1x128xi32, #tpu.memory_space<vmem>>
    %dma_wait3A_688 = tpu.memref_squeeze %dma_wait3A_687 : memref<1x1x128xi32, #tpu.memory_space<vmem>> -> memref<1x128xi32, #tpu.memory_space<vmem>>
    %dma_wait3A_689 = arith.constant 0 : i32
    %dma_wait3A_690 = arith.constant 0 : i32
    %dma_wait3A_691 = tpu.memref_slice %arg2[%dma_wait3A_675, %dma_wait3A_689, %dma_wait3A_690] : memref<32x200x128xi32, #tpu.memory_space<hbm>> -> memref<1x1x128xi32, #tpu.memory_space<hbm>>
    %dma_wait3A_692 = tpu.memref_squeeze %dma_wait3A_691 : memref<1x1x128xi32, #tpu.memory_space<hbm>> -> memref<1x128xi32, #tpu.memory_space<hbm>>
    tpu.wait_dma2 semaphore(%arg9 : memref<!tpu.dma_semaphore, #tpu.memory_space<semaphore_mem>>) src(%dma_wait3A_692 : memref<1x128xi32, #tpu.memory_space<hbm>>) dst(%dma_wait3A_688 : memref<1x128xi32, #tpu.memory_space<vmem>>)
    %dma_wait3A_693 = arith.constant 6 : i32
    %dma_wait3A_694 = arith.constant 0 : i32
    %dma_wait3A_695 = arith.constant 0 : i32
    %dma_wait3A_696 = tpu.memref_slice %arg6[%dma_wait3A_693, %dma_wait3A_694, %dma_wait3A_695] : memref<7x128x128xf32, #tpu.memory_space<vmem>> -> memref<1x128x128xf32, #tpu.memory_space<vmem>>
    %dma_wait3A_697 = tpu.memref_squeeze %dma_wait3A_696 : memref<1x128x128xf32, #tpu.memory_space<vmem>> -> memref<128x128xf32, #tpu.memory_space<vmem>>
    %dma_wait3A_698 = arith.constant 0 : i32
    %dma_wait3A_699 = arith.constant 0 : i32
    %dma_wait3A_700 = tpu.memref_slice %arg3[%dma_wait3A_698, %dma_wait3A_699] : memref<100000x128xf32, #tpu.memory_space<hbm>> -> memref<128x128xf32, #tpu.memory_space<hbm>>
    %dma_wait3A_701 = arith.constant 0 : i32
    %dma_wait3A_702 = arith.constant 0 : i32
    %dma_wait3A_703 = tpu.memref_slice %arg6[%dma_wait3A_693, %dma_wait3A_701, %dma_wait3A_702] : memref<7x128x128xf32, #tpu.memory_space<vmem>> -> memref<1x128x128xf32, #tpu.memory_space<vmem>>
    %dma_wait3A_704 = tpu.memref_squeeze %dma_wait3A_703 : memref<1x128x128xf32, #tpu.memory_space<vmem>> -> memref<128x128xf32, #tpu.memory_space<vmem>>
    %dma_wait3A_705 = arith.constant 0 : i32
    %dma_wait3A_706 = arith.constant 0 : i32
    %dma_wait3A_707 = tpu.memref_slice %arg3[%dma_wait3A_705, %dma_wait3A_706] : memref<100000x128xf32, #tpu.memory_space<hbm>> -> memref<128x128xf32, #tpu.memory_space<hbm>>
    tpu.wait_dma2 semaphore(%arg20 : memref<!tpu.dma_semaphore, #tpu.memory_space<semaphore_mem>>) src(%dma_wait3A_707 : memref<128x128xf32, #tpu.memory_space<hbm>>) dst(%dma_wait3A_704 : memref<128x128xf32, #tpu.memory_space<vmem>>)
    %add3A_708 = arith.constant 768 : i32
    %add3A_709 = arith.addi %mul3A_2, %add3A_708 : i32
    %dma_start3A_710 = arith.constant 6 : i32
    %dma_start3A_711 = arith.constant 0 : i32
    %dma_start3A_712 = arith.constant 0 : i32
    %dma_start3A_713 = tpu.memref_slice %arg6[%dma_start3A_710, %dma_start3A_711, %dma_start3A_712] : memref<7x128x128xf32, #tpu.memory_space<vmem>> -> memref<1x128x128xf32, #tpu.memory_space<vmem>>
    %dma_start3A_714 = tpu.memref_squeeze %dma_start3A_713 : memref<1x128x128xf32, #tpu.memory_space<vmem>> -> memref<128x128xf32, #tpu.memory_space<vmem>>
    %dma_start3A_715 = arith.constant 0 : i32
    %dma_start3A_716 = tpu.memref_slice %arg4[%add3A_709, %dma_start3A_715] : memref<819200x128xf32, #tpu.memory_space<hbm>> -> memref<128x128xf32, #tpu.memory_space<hbm>>
    %dma_start3A_717 = arith.constant 0 : i32
    %dma_start3A_718 = tpu.memref_slice %arg4[%add3A_709, %dma_start3A_717] : memref<819200x128xf32, #tpu.memory_space<hbm>> -> memref<128x128xf32, #tpu.memory_space<hbm>>
    %dma_start3A_719 = arith.constant 0 : i32
    %dma_start3A_720 = arith.constant 0 : i32
    %dma_start3A_721 = tpu.memref_slice %arg6[%dma_start3A_710, %dma_start3A_719, %dma_start3A_720] : memref<7x128x128xf32, #tpu.memory_space<vmem>> -> memref<1x128x128xf32, #tpu.memory_space<vmem>>
    %dma_start3A_722 = tpu.memref_squeeze %dma_start3A_721 : memref<1x128x128xf32, #tpu.memory_space<vmem>> -> memref<128x128xf32, #tpu.memory_space<vmem>>
    tpu.enqueue_dma source(%dma_start3A_722 : memref<128x128xf32, #tpu.memory_space<vmem>>) target(%dma_start3A_718 : memref<128x128xf32, #tpu.memory_space<hbm>>) target_semaphore(%arg27 : memref<!tpu.dma_semaphore, #tpu.memory_space<semaphore_mem>>)
    %dma_start3A_723 = arith.constant 2 : i32
    %dma_start3A_724 = arith.constant 0 : i32
    %dma_start3A_725 = arith.constant 2 : i32
    %dma_start3A_726 = arith.constant 0 : i32
    %dma_start3A_727 = arith.constant 0 : i32
    %dma_start3A_728 = tpu.memref_slice %arg6[%dma_start3A_725, %dma_start3A_726, %dma_start3A_727] : memref<7x128x128xf32, #tpu.memory_space<vmem>> -> memref<1x128x128xf32, #tpu.memory_space<vmem>>
    %dma_start3A_729 = tpu.memref_squeeze %dma_start3A_728 : memref<1x128x128xf32, #tpu.memory_space<vmem>> -> memref<128x128xf32, #tpu.memory_space<vmem>>
    %dma_start3A_730 = arith.constant 0 : i32
    %dma_start3A_731 = tpu.memref_slice %arg5[%dma_start3A_723, %dma_start3A_724, %dma_start3A_730] : memref<7x1x128xi32, #tpu.memory_space<vmem>> -> memref<1x1x128xi32, #tpu.memory_space<vmem>>
    %dma_start3A_732 = tpu.memref_squeeze %dma_start3A_731 : memref<1x1x128xi32, #tpu.memory_space<vmem>> -> memref<128xi32, #tpu.memory_space<vmem>>
    %dma_start3A_733 = arith.constant 0 : i32
    %dma_start3A_734 = arith.constant 0 : i32
    %dma_start3A_735 = tpu.memref_slice %arg3[%dma_start3A_733, %dma_start3A_734] : memref<100000x128xf32, #tpu.memory_space<hbm>> -> memref<100000x128xf32, #tpu.memory_space<hbm>>
    tpu.enqueue_indirect_dma source(%dma_start3A_735 : memref<100000x128xf32, #tpu.memory_space<hbm>>) target(%dma_start3A_729 : memref<128x128xf32, #tpu.memory_space<vmem>>) offsets(%dma_start3A_732 : memref<128xi32, #tpu.memory_space<vmem>>) semaphore(%arg16 : memref<!tpu.dma_semaphore, #tpu.memory_space<semaphore_mem>>)
    %dma_start3A_736 = arith.constant 3 : i32
    %dma_start3A_737 = arith.constant 0 : i32
    %dma_start3A_738 = arith.constant 0 : i32
    %dma_start3A_739 = tpu.memref_slice %arg5[%dma_start3A_736, %dma_start3A_737, %dma_start3A_738] : memref<7x1x128xi32, #tpu.memory_space<vmem>> -> memref<1x1x128xi32, #tpu.memory_space<vmem>>
    %dma_start3A_740 = tpu.memref_squeeze %dma_start3A_739 : memref<1x1x128xi32, #tpu.memory_space<vmem>> -> memref<1x128xi32, #tpu.memory_space<vmem>>
    %dma_start3A_741 = arith.constant 10 : i32
    %dma_start3A_742 = arith.constant 0 : i32
    %dma_start3A_743 = tpu.memref_slice %arg2[%add3A, %dma_start3A_741, %dma_start3A_742] : memref<32x200x128xi32, #tpu.memory_space<hbm>> -> memref<1x1x128xi32, #tpu.memory_space<hbm>>
    %dma_start3A_744 = tpu.memref_squeeze %dma_start3A_743 : memref<1x1x128xi32, #tpu.memory_space<hbm>> -> memref<1x128xi32, #tpu.memory_space<hbm>>
    %dma_start3A_745 = arith.constant 0 : i32
    %dma_start3A_746 = arith.constant 0 : i32
    %dma_start3A_747 = tpu.memref_slice %arg5[%dma_start3A_736, %dma_start3A_745, %dma_start3A_746] : memref<7x1x128xi32, #tpu.memory_space<vmem>> -> memref<1x1x128xi32, #tpu.memory_space<vmem>>
    %dma_start3A_748 = tpu.memref_squeeze %dma_start3A_747 : memref<1x1x128xi32, #tpu.memory_space<vmem>> -> memref<1x128xi32, #tpu.memory_space<vmem>>
    %dma_start3A_749 = arith.constant 10 : i32
    %dma_start3A_750 = arith.constant 0 : i32
    %dma_start3A_751 = tpu.memref_slice %arg2[%add3A, %dma_start3A_749, %dma_start3A_750] : memref<32x200x128xi32, #tpu.memory_space<hbm>> -> memref<1x1x128xi32, #tpu.memory_space<hbm>>
    %dma_start3A_752 = tpu.memref_squeeze %dma_start3A_751 : memref<1x1x128xi32, #tpu.memory_space<hbm>> -> memref<1x128xi32, #tpu.memory_space<hbm>>
    tpu.enqueue_dma source(%dma_start3A_752 : memref<1x128xi32, #tpu.memory_space<hbm>>) target(%dma_start3A_748 : memref<1x128xi32, #tpu.memory_space<vmem>>) target_semaphore(%arg10 : memref<!tpu.dma_semaphore, #tpu.memory_space<semaphore_mem>>)
    %dma_wait3A_753 = arith.constant 3 : i32
    %dma_wait3A_754 = arith.constant 0 : i32
    %dma_wait3A_755 = arith.constant 0 : i32
    %dma_wait3A_756 = tpu.memref_slice %arg6[%dma_wait3A_753, %dma_wait3A_754, %dma_wait3A_755] : memref<7x128x128xf32, #tpu.memory_space<vmem>> -> memref<1x128x128xf32, #tpu.memory_space<vmem>>
    %dma_wait3A_757 = tpu.memref_squeeze %dma_wait3A_756 : memref<1x128x128xf32, #tpu.memory_space<vmem>> -> memref<128x128xf32, #tpu.memory_space<vmem>>
    %dma_wait3A_758 = arith.constant 0 : i32
    %dma_wait3A_759 = arith.constant 0 : i32
    %dma_wait3A_760 = tpu.memref_slice %arg4[%dma_wait3A_758, %dma_wait3A_759] : memref<819200x128xf32, #tpu.memory_space<hbm>> -> memref<128x128xf32, #tpu.memory_space<hbm>>
    %dma_wait3A_761 = arith.constant 0 : i32
    %dma_wait3A_762 = arith.constant 0 : i32
    %dma_wait3A_763 = tpu.memref_slice %arg4[%dma_wait3A_761, %dma_wait3A_762] : memref<819200x128xf32, #tpu.memory_space<hbm>> -> memref<128x128xf32, #tpu.memory_space<hbm>>
    %dma_wait3A_764 = arith.constant 0 : i32
    %dma_wait3A_765 = arith.constant 0 : i32
    %dma_wait3A_766 = tpu.memref_slice %arg6[%dma_wait3A_753, %dma_wait3A_764, %dma_wait3A_765] : memref<7x128x128xf32, #tpu.memory_space<vmem>> -> memref<1x128x128xf32, #tpu.memory_space<vmem>>
    %dma_wait3A_767 = tpu.memref_squeeze %dma_wait3A_766 : memref<1x128x128xf32, #tpu.memory_space<vmem>> -> memref<128x128xf32, #tpu.memory_space<vmem>>
    tpu.wait_dma2 semaphore(%arg24 : memref<!tpu.dma_semaphore, #tpu.memory_space<semaphore_mem>>) src(%dma_wait3A_767 : memref<128x128xf32, #tpu.memory_space<vmem>>) dst(%dma_wait3A_763 : memref<128x128xf32, #tpu.memory_space<hbm>>)
    %scan3A = arith.constant 0 : i32
    %scan3A_768 = arith.constant 0 : i32
    %scan3A_769 = arith.constant 26 : i32
    %scan3A_770 = arith.addi %scan3A_768, %scan3A_769 : i32
    %scan3A_771 = arith.constant 1 : i32
    scf.for %scan3A_1680 = %scan3A_768 to %scan3A_770 step %scan3A_771  : i32 {
      %add3A_1681 = arith.constant 1 : i32
      %add3A_1682 = arith.addi %add3A_1681, %scan3A_1680 : i32
      %mul3A_1683 = arith.constant 7 : i32
      %mul3A_1684 = arith.muli %add3A_1682, %mul3A_1683 : i32
      %add3A_1685 = arith.constant 0 : i32
      %add3A_1686 = arith.addi %mul3A_1684, %add3A_1685 : i32
      %dma_wait3A_1687 = arith.constant 0 : i32
      %dma_wait3A_1688 = arith.constant 3 : i32
      %dma_wait3A_1689 = arith.constant 0 : i32
      %dma_wait3A_1690 = arith.constant 0 : i32
      %dma_wait3A_1691 = tpu.memref_slice %arg5[%dma_wait3A_1688, %dma_wait3A_1689, %dma_wait3A_1690] : memref<7x1x128xi32, #tpu.memory_space<vmem>> -> memref<1x1x128xi32, #tpu.memory_space<vmem>>
      %dma_wait3A_1692 = tpu.memref_squeeze %dma_wait3A_1691 : memref<1x1x128xi32, #tpu.memory_space<vmem>> -> memref<1x128xi32, #tpu.memory_space<vmem>>
      %dma_wait3A_1693 = arith.constant 0 : i32
      %dma_wait3A_1694 = arith.constant 0 : i32
      %dma_wait3A_1695 = tpu.memref_slice %arg2[%dma_wait3A_1687, %dma_wait3A_1693, %dma_wait3A_1694] : memref<32x200x128xi32, #tpu.memory_space<hbm>> -> memref<1x1x128xi32, #tpu.memory_space<hbm>>
      %dma_wait3A_1696 = tpu.memref_squeeze %dma_wait3A_1695 : memref<1x1x128xi32, #tpu.memory_space<hbm>> -> memref<1x128xi32, #tpu.memory_space<hbm>>
      %dma_wait3A_1697 = arith.constant 0 : i32
      %dma_wait3A_1698 = arith.constant 0 : i32
      %dma_wait3A_1699 = tpu.memref_slice %arg5[%dma_wait3A_1688, %dma_wait3A_1697, %dma_wait3A_1698] : memref<7x1x128xi32, #tpu.memory_space<vmem>> -> memref<1x1x128xi32, #tpu.memory_space<vmem>>
      %dma_wait3A_1700 = tpu.memref_squeeze %dma_wait3A_1699 : memref<1x1x128xi32, #tpu.memory_space<vmem>> -> memref<1x128xi32, #tpu.memory_space<vmem>>
      %dma_wait3A_1701 = arith.constant 0 : i32
      %dma_wait3A_1702 = arith.constant 0 : i32
      %dma_wait3A_1703 = tpu.memref_slice %arg2[%dma_wait3A_1687, %dma_wait3A_1701, %dma_wait3A_1702] : memref<32x200x128xi32, #tpu.memory_space<hbm>> -> memref<1x1x128xi32, #tpu.memory_space<hbm>>
      %dma_wait3A_1704 = tpu.memref_squeeze %dma_wait3A_1703 : memref<1x1x128xi32, #tpu.memory_space<hbm>> -> memref<1x128xi32, #tpu.memory_space<hbm>>
      tpu.wait_dma2 semaphore(%arg10 : memref<!tpu.dma_semaphore, #tpu.memory_space<semaphore_mem>>) src(%dma_wait3A_1704 : memref<1x128xi32, #tpu.memory_space<hbm>>) dst(%dma_wait3A_1700 : memref<1x128xi32, #tpu.memory_space<vmem>>)
      %dma_wait3A_1705 = arith.constant 0 : i32
      %dma_wait3A_1706 = arith.constant 0 : i32
      %dma_wait3A_1707 = arith.constant 0 : i32
      %dma_wait3A_1708 = tpu.memref_slice %arg6[%dma_wait3A_1705, %dma_wait3A_1706, %dma_wait3A_1707] : memref<7x128x128xf32, #tpu.memory_space<vmem>> -> memref<1x128x128xf32, #tpu.memory_space<vmem>>
      %dma_wait3A_1709 = tpu.memref_squeeze %dma_wait3A_1708 : memref<1x128x128xf32, #tpu.memory_space<vmem>> -> memref<128x128xf32, #tpu.memory_space<vmem>>
      %dma_wait3A_1710 = arith.constant 0 : i32
      %dma_wait3A_1711 = arith.constant 0 : i32
      %dma_wait3A_1712 = tpu.memref_slice %arg3[%dma_wait3A_1710, %dma_wait3A_1711] : memref<100000x128xf32, #tpu.memory_space<hbm>> -> memref<128x128xf32, #tpu.memory_space<hbm>>
      %dma_wait3A_1713 = arith.constant 0 : i32
      %dma_wait3A_1714 = arith.constant 0 : i32
      %dma_wait3A_1715 = tpu.memref_slice %arg6[%dma_wait3A_1705, %dma_wait3A_1713, %dma_wait3A_1714] : memref<7x128x128xf32, #tpu.memory_space<vmem>> -> memref<1x128x128xf32, #tpu.memory_space<vmem>>
      %dma_wait3A_1716 = tpu.memref_squeeze %dma_wait3A_1715 : memref<1x128x128xf32, #tpu.memory_space<vmem>> -> memref<128x128xf32, #tpu.memory_space<vmem>>
      %dma_wait3A_1717 = arith.constant 0 : i32
      %dma_wait3A_1718 = arith.constant 0 : i32
      %dma_wait3A_1719 = tpu.memref_slice %arg3[%dma_wait3A_1717, %dma_wait3A_1718] : memref<100000x128xf32, #tpu.memory_space<hbm>> -> memref<128x128xf32, #tpu.memory_space<hbm>>
      tpu.wait_dma2 semaphore(%arg14 : memref<!tpu.dma_semaphore, #tpu.memory_space<semaphore_mem>>) src(%dma_wait3A_1719 : memref<128x128xf32, #tpu.memory_space<hbm>>) dst(%dma_wait3A_1716 : memref<128x128xf32, #tpu.memory_space<vmem>>)
      %mul3A_1720 = arith.constant 128 : i32
      %mul3A_1721 = arith.muli %add3A_1686, %mul3A_1720 : i32
      %add3A_1722 = arith.addi %mul3A_2, %mul3A_1721 : i32
      %dma_start3A_1723 = arith.constant 0 : i32
      %dma_start3A_1724 = arith.constant 0 : i32
      %dma_start3A_1725 = arith.constant 0 : i32
      %dma_start3A_1726 = tpu.memref_slice %arg6[%dma_start3A_1723, %dma_start3A_1724, %dma_start3A_1725] : memref<7x128x128xf32, #tpu.memory_space<vmem>> -> memref<1x128x128xf32, #tpu.memory_space<vmem>>
      %dma_start3A_1727 = tpu.memref_squeeze %dma_start3A_1726 : memref<1x128x128xf32, #tpu.memory_space<vmem>> -> memref<128x128xf32, #tpu.memory_space<vmem>>
      %dma_start3A_1728 = arith.constant 0 : i32
      %dma_start3A_1729 = tpu.memref_slice %arg4[%add3A_1722, %dma_start3A_1728] : memref<819200x128xf32, #tpu.memory_space<hbm>> -> memref<128x128xf32, #tpu.memory_space<hbm>>
      %dma_start3A_1730 = arith.constant 0 : i32
      %dma_start3A_1731 = tpu.memref_slice %arg4[%add3A_1722, %dma_start3A_1730] : memref<819200x128xf32, #tpu.memory_space<hbm>> -> memref<128x128xf32, #tpu.memory_space<hbm>>
      %dma_start3A_1732 = arith.constant 0 : i32
      %dma_start3A_1733 = arith.constant 0 : i32
      %dma_start3A_1734 = tpu.memref_slice %arg6[%dma_start3A_1723, %dma_start3A_1732, %dma_start3A_1733] : memref<7x128x128xf32, #tpu.memory_space<vmem>> -> memref<1x128x128xf32, #tpu.memory_space<vmem>>
      %dma_start3A_1735 = tpu.memref_squeeze %dma_start3A_1734 : memref<1x128x128xf32, #tpu.memory_space<vmem>> -> memref<128x128xf32, #tpu.memory_space<vmem>>
      tpu.enqueue_dma source(%dma_start3A_1735 : memref<128x128xf32, #tpu.memory_space<vmem>>) target(%dma_start3A_1731 : memref<128x128xf32, #tpu.memory_space<hbm>>) target_semaphore(%arg21 : memref<!tpu.dma_semaphore, #tpu.memory_space<semaphore_mem>>)
      %add3A_1736 = arith.constant 3 : i32
      %add3A_1737 = arith.addi %add3A_1686, %add3A_1736 : i32
      %dma_start3A_1738 = arith.constant 3 : i32
      %dma_start3A_1739 = arith.constant 0 : i32
      %dma_start3A_1740 = arith.constant 3 : i32
      %dma_start3A_1741 = arith.constant 0 : i32
      %dma_start3A_1742 = arith.constant 0 : i32
      %dma_start3A_1743 = tpu.memref_slice %arg6[%dma_start3A_1740, %dma_start3A_1741, %dma_start3A_1742] : memref<7x128x128xf32, #tpu.memory_space<vmem>> -> memref<1x128x128xf32, #tpu.memory_space<vmem>>
      %dma_start3A_1744 = tpu.memref_squeeze %dma_start3A_1743 : memref<1x128x128xf32, #tpu.memory_space<vmem>> -> memref<128x128xf32, #tpu.memory_space<vmem>>
      %dma_start3A_1745 = arith.constant 0 : i32
      %dma_start3A_1746 = tpu.memref_slice %arg5[%dma_start3A_1738, %dma_start3A_1739, %dma_start3A_1745] : memref<7x1x128xi32, #tpu.memory_space<vmem>> -> memref<1x1x128xi32, #tpu.memory_space<vmem>>
      %dma_start3A_1747 = tpu.memref_squeeze %dma_start3A_1746 : memref<1x1x128xi32, #tpu.memory_space<vmem>> -> memref<128xi32, #tpu.memory_space<vmem>>
      %dma_start3A_1748 = arith.constant 0 : i32
      %dma_start3A_1749 = arith.constant 0 : i32
      %dma_start3A_1750 = tpu.memref_slice %arg3[%dma_start3A_1748, %dma_start3A_1749] : memref<100000x128xf32, #tpu.memory_space<hbm>> -> memref<100000x128xf32, #tpu.memory_space<hbm>>
      tpu.enqueue_indirect_dma source(%dma_start3A_1750 : memref<100000x128xf32, #tpu.memory_space<hbm>>) target(%dma_start3A_1744 : memref<128x128xf32, #tpu.memory_space<vmem>>) offsets(%dma_start3A_1747 : memref<128xi32, #tpu.memory_space<vmem>>) semaphore(%arg17 : memref<!tpu.dma_semaphore, #tpu.memory_space<semaphore_mem>>)
      %add3A_1751 = arith.constant 4 : i32
      %add3A_1752 = arith.addi %add3A_1686, %add3A_1751 : i32
      %mul3A_1753 = arith.constant 1 : i32
      %mul3A_1754 = arith.muli %add3A_1752, %mul3A_1753 : i32
      %dma_start3A_1755 = arith.constant 4 : i32
      %dma_start3A_1756 = arith.constant 0 : i32
      %dma_start3A_1757 = arith.constant 0 : i32
      %dma_start3A_1758 = tpu.memref_slice %arg5[%dma_start3A_1755, %dma_start3A_1756, %dma_start3A_1757] : memref<7x1x128xi32, #tpu.memory_space<vmem>> -> memref<1x1x128xi32, #tpu.memory_space<vmem>>
      %dma_start3A_1759 = tpu.memref_squeeze %dma_start3A_1758 : memref<1x1x128xi32, #tpu.memory_space<vmem>> -> memref<1x128xi32, #tpu.memory_space<vmem>>
      %dma_start3A_1760 = arith.constant 0 : i32
      %dma_start3A_1761 = tpu.memref_slice %arg2[%add3A, %mul3A_1754, %dma_start3A_1760] : memref<32x200x128xi32, #tpu.memory_space<hbm>> -> memref<1x1x128xi32, #tpu.memory_space<hbm>>
      %dma_start3A_1762 = tpu.memref_squeeze %dma_start3A_1761 : memref<1x1x128xi32, #tpu.memory_space<hbm>> -> memref<1x128xi32, #tpu.memory_space<hbm>>
      %dma_start3A_1763 = arith.constant 0 : i32
      %dma_start3A_1764 = arith.constant 0 : i32
      %dma_start3A_1765 = tpu.memref_slice %arg5[%dma_start3A_1755, %dma_start3A_1763, %dma_start3A_1764] : memref<7x1x128xi32, #tpu.memory_space<vmem>> -> memref<1x1x128xi32, #tpu.memory_space<vmem>>
      %dma_start3A_1766 = tpu.memref_squeeze %dma_start3A_1765 : memref<1x1x128xi32, #tpu.memory_space<vmem>> -> memref<1x128xi32, #tpu.memory_space<vmem>>
      %dma_start3A_1767 = arith.constant 0 : i32
      %dma_start3A_1768 = tpu.memref_slice %arg2[%add3A, %mul3A_1754, %dma_start3A_1767] : memref<32x200x128xi32, #tpu.memory_space<hbm>> -> memref<1x1x128xi32, #tpu.memory_space<hbm>>
      %dma_start3A_1769 = tpu.memref_squeeze %dma_start3A_1768 : memref<1x1x128xi32, #tpu.memory_space<hbm>> -> memref<1x128xi32, #tpu.memory_space<hbm>>
      tpu.enqueue_dma source(%dma_start3A_1769 : memref<1x128xi32, #tpu.memory_space<hbm>>) target(%dma_start3A_1766 : memref<1x128xi32, #tpu.memory_space<vmem>>) target_semaphore(%arg11 : memref<!tpu.dma_semaphore, #tpu.memory_space<semaphore_mem>>)
      %dma_wait3A_1770 = arith.constant 4 : i32
      %dma_wait3A_1771 = arith.constant 0 : i32
      %dma_wait3A_1772 = arith.constant 0 : i32
      %dma_wait3A_1773 = tpu.memref_slice %arg6[%dma_wait3A_1770, %dma_wait3A_1771, %dma_wait3A_1772] : memref<7x128x128xf32, #tpu.memory_space<vmem>> -> memref<1x128x128xf32, #tpu.memory_space<vmem>>
      %dma_wait3A_1774 = tpu.memref_squeeze %dma_wait3A_1773 : memref<1x128x128xf32, #tpu.memory_space<vmem>> -> memref<128x128xf32, #tpu.memory_space<vmem>>
      %dma_wait3A_1775 = arith.constant 0 : i32
      %dma_wait3A_1776 = arith.constant 0 : i32
      %dma_wait3A_1777 = tpu.memref_slice %arg4[%dma_wait3A_1775, %dma_wait3A_1776] : memref<819200x128xf32, #tpu.memory_space<hbm>> -> memref<128x128xf32, #tpu.memory_space<hbm>>
      %dma_wait3A_1778 = arith.constant 0 : i32
      %dma_wait3A_1779 = arith.constant 0 : i32
      %dma_wait3A_1780 = tpu.memref_slice %arg4[%dma_wait3A_1778, %dma_wait3A_1779] : memref<819200x128xf32, #tpu.memory_space<hbm>> -> memref<128x128xf32, #tpu.memory_space<hbm>>
      %dma_wait3A_1781 = arith.constant 0 : i32
      %dma_wait3A_1782 = arith.constant 0 : i32
      %dma_wait3A_1783 = tpu.memref_slice %arg6[%dma_wait3A_1770, %dma_wait3A_1781, %dma_wait3A_1782] : memref<7x128x128xf32, #tpu.memory_space<vmem>> -> memref<1x128x128xf32, #tpu.memory_space<vmem>>
      %dma_wait3A_1784 = tpu.memref_squeeze %dma_wait3A_1783 : memref<1x128x128xf32, #tpu.memory_space<vmem>> -> memref<128x128xf32, #tpu.memory_space<vmem>>
      tpu.wait_dma2 semaphore(%arg25 : memref<!tpu.dma_semaphore, #tpu.memory_space<semaphore_mem>>) src(%dma_wait3A_1784 : memref<128x128xf32, #tpu.memory_space<vmem>>) dst(%dma_wait3A_1780 : memref<128x128xf32, #tpu.memory_space<hbm>>)
      %add3A_1785 = arith.constant 1 : i32
      %add3A_1786 = arith.addi %mul3A_1684, %add3A_1785 : i32
      %dma_wait3A_1787 = arith.constant 0 : i32
      %dma_wait3A_1788 = arith.constant 4 : i32
      %dma_wait3A_1789 = arith.constant 0 : i32
      %dma_wait3A_1790 = arith.constant 0 : i32
      %dma_wait3A_1791 = tpu.memref_slice %arg5[%dma_wait3A_1788, %dma_wait3A_1789, %dma_wait3A_1790] : memref<7x1x128xi32, #tpu.memory_space<vmem>> -> memref<1x1x128xi32, #tpu.memory_space<vmem>>
      %dma_wait3A_1792 = tpu.memref_squeeze %dma_wait3A_1791 : memref<1x1x128xi32, #tpu.memory_space<vmem>> -> memref<1x128xi32, #tpu.memory_space<vmem>>
      %dma_wait3A_1793 = arith.constant 0 : i32
      %dma_wait3A_1794 = arith.constant 0 : i32
      %dma_wait3A_1795 = tpu.memref_slice %arg2[%dma_wait3A_1787, %dma_wait3A_1793, %dma_wait3A_1794] : memref<32x200x128xi32, #tpu.memory_space<hbm>> -> memref<1x1x128xi32, #tpu.memory_space<hbm>>
      %dma_wait3A_1796 = tpu.memref_squeeze %dma_wait3A_1795 : memref<1x1x128xi32, #tpu.memory_space<hbm>> -> memref<1x128xi32, #tpu.memory_space<hbm>>
      %dma_wait3A_1797 = arith.constant 0 : i32
      %dma_wait3A_1798 = arith.constant 0 : i32
      %dma_wait3A_1799 = tpu.memref_slice %arg5[%dma_wait3A_1788, %dma_wait3A_1797, %dma_wait3A_1798] : memref<7x1x128xi32, #tpu.memory_space<vmem>> -> memref<1x1x128xi32, #tpu.memory_space<vmem>>
      %dma_wait3A_1800 = tpu.memref_squeeze %dma_wait3A_1799 : memref<1x1x128xi32, #tpu.memory_space<vmem>> -> memref<1x128xi32, #tpu.memory_space<vmem>>
      %dma_wait3A_1801 = arith.constant 0 : i32
      %dma_wait3A_1802 = arith.constant 0 : i32
      %dma_wait3A_1803 = tpu.memref_slice %arg2[%dma_wait3A_1787, %dma_wait3A_1801, %dma_wait3A_1802] : memref<32x200x128xi32, #tpu.memory_space<hbm>> -> memref<1x1x128xi32, #tpu.memory_space<hbm>>
      %dma_wait3A_1804 = tpu.memref_squeeze %dma_wait3A_1803 : memref<1x1x128xi32, #tpu.memory_space<hbm>> -> memref<1x128xi32, #tpu.memory_space<hbm>>
      tpu.wait_dma2 semaphore(%arg11 : memref<!tpu.dma_semaphore, #tpu.memory_space<semaphore_mem>>) src(%dma_wait3A_1804 : memref<1x128xi32, #tpu.memory_space<hbm>>) dst(%dma_wait3A_1800 : memref<1x128xi32, #tpu.memory_space<vmem>>)
      %dma_wait3A_1805 = arith.constant 1 : i32
      %dma_wait3A_1806 = arith.constant 0 : i32
      %dma_wait3A_1807 = arith.constant 0 : i32
      %dma_wait3A_1808 = tpu.memref_slice %arg6[%dma_wait3A_1805, %dma_wait3A_1806, %dma_wait3A_1807] : memref<7x128x128xf32, #tpu.memory_space<vmem>> -> memref<1x128x128xf32, #tpu.memory_space<vmem>>
      %dma_wait3A_1809 = tpu.memref_squeeze %dma_wait3A_1808 : memref<1x128x128xf32, #tpu.memory_space<vmem>> -> memref<128x128xf32, #tpu.memory_space<vmem>>
      %dma_wait3A_1810 = arith.constant 0 : i32
      %dma_wait3A_1811 = arith.constant 0 : i32
      %dma_wait3A_1812 = tpu.memref_slice %arg3[%dma_wait3A_1810, %dma_wait3A_1811] : memref<100000x128xf32, #tpu.memory_space<hbm>> -> memref<128x128xf32, #tpu.memory_space<hbm>>
      %dma_wait3A_1813 = arith.constant 0 : i32
      %dma_wait3A_1814 = arith.constant 0 : i32
      %dma_wait3A_1815 = tpu.memref_slice %arg6[%dma_wait3A_1805, %dma_wait3A_1813, %dma_wait3A_1814] : memref<7x128x128xf32, #tpu.memory_space<vmem>> -> memref<1x128x128xf32, #tpu.memory_space<vmem>>
      %dma_wait3A_1816 = tpu.memref_squeeze %dma_wait3A_1815 : memref<1x128x128xf32, #tpu.memory_space<vmem>> -> memref<128x128xf32, #tpu.memory_space<vmem>>
      %dma_wait3A_1817 = arith.constant 0 : i32
      %dma_wait3A_1818 = arith.constant 0 : i32
      %dma_wait3A_1819 = tpu.memref_slice %arg3[%dma_wait3A_1817, %dma_wait3A_1818] : memref<100000x128xf32, #tpu.memory_space<hbm>> -> memref<128x128xf32, #tpu.memory_space<hbm>>
      tpu.wait_dma2 semaphore(%arg15 : memref<!tpu.dma_semaphore, #tpu.memory_space<semaphore_mem>>) src(%dma_wait3A_1819 : memref<128x128xf32, #tpu.memory_space<hbm>>) dst(%dma_wait3A_1816 : memref<128x128xf32, #tpu.memory_space<vmem>>)
      %mul3A_1820 = arith.constant 128 : i32
      %mul3A_1821 = arith.muli %add3A_1786, %mul3A_1820 : i32
      %add3A_1822 = arith.addi %mul3A_2, %mul3A_1821 : i32
      %dma_start3A_1823 = arith.constant 1 : i32
      %dma_start3A_1824 = arith.constant 0 : i32
      %dma_start3A_1825 = arith.constant 0 : i32
      %dma_start3A_1826 = tpu.memref_slice %arg6[%dma_start3A_1823, %dma_start3A_1824, %dma_start3A_1825] : memref<7x128x128xf32, #tpu.memory_space<vmem>> -> memref<1x128x128xf32, #tpu.memory_space<vmem>>
      %dma_start3A_1827 = tpu.memref_squeeze %dma_start3A_1826 : memref<1x128x128xf32, #tpu.memory_space<vmem>> -> memref<128x128xf32, #tpu.memory_space<vmem>>
      %dma_start3A_1828 = arith.constant 0 : i32
      %dma_start3A_1829 = tpu.memref_slice %arg4[%add3A_1822, %dma_start3A_1828] : memref<819200x128xf32, #tpu.memory_space<hbm>> -> memref<128x128xf32, #tpu.memory_space<hbm>>
      %dma_start3A_1830 = arith.constant 0 : i32
      %dma_start3A_1831 = tpu.memref_slice %arg4[%add3A_1822, %dma_start3A_1830] : memref<819200x128xf32, #tpu.memory_space<hbm>> -> memref<128x128xf32, #tpu.memory_space<hbm>>
      %dma_start3A_1832 = arith.constant 0 : i32
      %dma_start3A_1833 = arith.constant 0 : i32
      %dma_start3A_1834 = tpu.memref_slice %arg6[%dma_start3A_1823, %dma_start3A_1832, %dma_start3A_1833] : memref<7x128x128xf32, #tpu.memory_space<vmem>> -> memref<1x128x128xf32, #tpu.memory_space<vmem>>
      %dma_start3A_1835 = tpu.memref_squeeze %dma_start3A_1834 : memref<1x128x128xf32, #tpu.memory_space<vmem>> -> memref<128x128xf32, #tpu.memory_space<vmem>>
      tpu.enqueue_dma source(%dma_start3A_1835 : memref<128x128xf32, #tpu.memory_space<vmem>>) target(%dma_start3A_1831 : memref<128x128xf32, #tpu.memory_space<hbm>>) target_semaphore(%arg22 : memref<!tpu.dma_semaphore, #tpu.memory_space<semaphore_mem>>)
      %add3A_1836 = arith.constant 3 : i32
      %add3A_1837 = arith.addi %add3A_1786, %add3A_1836 : i32
      %dma_start3A_1838 = arith.constant 4 : i32
      %dma_start3A_1839 = arith.constant 0 : i32
      %dma_start3A_1840 = arith.constant 4 : i32
      %dma_start3A_1841 = arith.constant 0 : i32
      %dma_start3A_1842 = arith.constant 0 : i32
      %dma_start3A_1843 = tpu.memref_slice %arg6[%dma_start3A_1840, %dma_start3A_1841, %dma_start3A_1842] : memref<7x128x128xf32, #tpu.memory_space<vmem>> -> memref<1x128x128xf32, #tpu.memory_space<vmem>>
      %dma_start3A_1844 = tpu.memref_squeeze %dma_start3A_1843 : memref<1x128x128xf32, #tpu.memory_space<vmem>> -> memref<128x128xf32, #tpu.memory_space<vmem>>
      %dma_start3A_1845 = arith.constant 0 : i32
      %dma_start3A_1846 = tpu.memref_slice %arg5[%dma_start3A_1838, %dma_start3A_1839, %dma_start3A_1845] : memref<7x1x128xi32, #tpu.memory_space<vmem>> -> memref<1x1x128xi32, #tpu.memory_space<vmem>>
      %dma_start3A_1847 = tpu.memref_squeeze %dma_start3A_1846 : memref<1x1x128xi32, #tpu.memory_space<vmem>> -> memref<128xi32, #tpu.memory_space<vmem>>
      %dma_start3A_1848 = arith.constant 0 : i32
      %dma_start3A_1849 = arith.constant 0 : i32
      %dma_start3A_1850 = tpu.memref_slice %arg3[%dma_start3A_1848, %dma_start3A_1849] : memref<100000x128xf32, #tpu.memory_space<hbm>> -> memref<100000x128xf32, #tpu.memory_space<hbm>>
      tpu.enqueue_indirect_dma source(%dma_start3A_1850 : memref<100000x128xf32, #tpu.memory_space<hbm>>) target(%dma_start3A_1844 : memref<128x128xf32, #tpu.memory_space<vmem>>) offsets(%dma_start3A_1847 : memref<128xi32, #tpu.memory_space<vmem>>) semaphore(%arg18 : memref<!tpu.dma_semaphore, #tpu.memory_space<semaphore_mem>>)
      %add3A_1851 = arith.constant 4 : i32
      %add3A_1852 = arith.addi %add3A_1786, %add3A_1851 : i32
      %mul3A_1853 = arith.constant 1 : i32
      %mul3A_1854 = arith.muli %add3A_1852, %mul3A_1853 : i32
      %dma_start3A_1855 = arith.constant 5 : i32
      %dma_start3A_1856 = arith.constant 0 : i32
      %dma_start3A_1857 = arith.constant 0 : i32
      %dma_start3A_1858 = tpu.memref_slice %arg5[%dma_start3A_1855, %dma_start3A_1856, %dma_start3A_1857] : memref<7x1x128xi32, #tpu.memory_space<vmem>> -> memref<1x1x128xi32, #tpu.memory_space<vmem>>
      %dma_start3A_1859 = tpu.memref_squeeze %dma_start3A_1858 : memref<1x1x128xi32, #tpu.memory_space<vmem>> -> memref<1x128xi32, #tpu.memory_space<vmem>>
      %dma_start3A_1860 = arith.constant 0 : i32
      %dma_start3A_1861 = tpu.memref_slice %arg2[%add3A, %mul3A_1854, %dma_start3A_1860] : memref<32x200x128xi32, #tpu.memory_space<hbm>> -> memref<1x1x128xi32, #tpu.memory_space<hbm>>
      %dma_start3A_1862 = tpu.memref_squeeze %dma_start3A_1861 : memref<1x1x128xi32, #tpu.memory_space<hbm>> -> memref<1x128xi32, #tpu.memory_space<hbm>>
      %dma_start3A_1863 = arith.constant 0 : i32
      %dma_start3A_1864 = arith.constant 0 : i32
      %dma_start3A_1865 = tpu.memref_slice %arg5[%dma_start3A_1855, %dma_start3A_1863, %dma_start3A_1864] : memref<7x1x128xi32, #tpu.memory_space<vmem>> -> memref<1x1x128xi32, #tpu.memory_space<vmem>>
      %dma_start3A_1866 = tpu.memref_squeeze %dma_start3A_1865 : memref<1x1x128xi32, #tpu.memory_space<vmem>> -> memref<1x128xi32, #tpu.memory_space<vmem>>
      %dma_start3A_1867 = arith.constant 0 : i32
      %dma_start3A_1868 = tpu.memref_slice %arg2[%add3A, %mul3A_1854, %dma_start3A_1867] : memref<32x200x128xi32, #tpu.memory_space<hbm>> -> memref<1x1x128xi32, #tpu.memory_space<hbm>>
      %dma_start3A_1869 = tpu.memref_squeeze %dma_start3A_1868 : memref<1x1x128xi32, #tpu.memory_space<hbm>> -> memref<1x128xi32, #tpu.memory_space<hbm>>
      tpu.enqueue_dma source(%dma_start3A_1869 : memref<1x128xi32, #tpu.memory_space<hbm>>) target(%dma_start3A_1866 : memref<1x128xi32, #tpu.memory_space<vmem>>) target_semaphore(%arg12 : memref<!tpu.dma_semaphore, #tpu.memory_space<semaphore_mem>>)
      %dma_wait3A_1870 = arith.constant 5 : i32
      %dma_wait3A_1871 = arith.constant 0 : i32
      %dma_wait3A_1872 = arith.constant 0 : i32
      %dma_wait3A_1873 = tpu.memref_slice %arg6[%dma_wait3A_1870, %dma_wait3A_1871, %dma_wait3A_1872] : memref<7x128x128xf32, #tpu.memory_space<vmem>> -> memref<1x128x128xf32, #tpu.memory_space<vmem>>
      %dma_wait3A_1874 = tpu.memref_squeeze %dma_wait3A_1873 : memref<1x128x128xf32, #tpu.memory_space<vmem>> -> memref<128x128xf32, #tpu.memory_space<vmem>>
      %dma_wait3A_1875 = arith.constant 0 : i32
      %dma_wait3A_1876 = arith.constant 0 : i32
      %dma_wait3A_1877 = tpu.memref_slice %arg4[%dma_wait3A_1875, %dma_wait3A_1876] : memref<819200x128xf32, #tpu.memory_space<hbm>> -> memref<128x128xf32, #tpu.memory_space<hbm>>
      %dma_wait3A_1878 = arith.constant 0 : i32
      %dma_wait3A_1879 = arith.constant 0 : i32
      %dma_wait3A_1880 = tpu.memref_slice %arg4[%dma_wait3A_1878, %dma_wait3A_1879] : memref<819200x128xf32, #tpu.memory_space<hbm>> -> memref<128x128xf32, #tpu.memory_space<hbm>>
      %dma_wait3A_1881 = arith.constant 0 : i32
      %dma_wait3A_1882 = arith.constant 0 : i32
      %dma_wait3A_1883 = tpu.memref_slice %arg6[%dma_wait3A_1870, %dma_wait3A_1881, %dma_wait3A_1882] : memref<7x128x128xf32, #tpu.memory_space<vmem>> -> memref<1x128x128xf32, #tpu.memory_space<vmem>>
      %dma_wait3A_1884 = tpu.memref_squeeze %dma_wait3A_1883 : memref<1x128x128xf32, #tpu.memory_space<vmem>> -> memref<128x128xf32, #tpu.memory_space<vmem>>
      tpu.wait_dma2 semaphore(%arg26 : memref<!tpu.dma_semaphore, #tpu.memory_space<semaphore_mem>>) src(%dma_wait3A_1884 : memref<128x128xf32, #tpu.memory_space<vmem>>) dst(%dma_wait3A_1880 : memref<128x128xf32, #tpu.memory_space<hbm>>)
      %add3A_1885 = arith.constant 2 : i32
      %add3A_1886 = arith.addi %mul3A_1684, %add3A_1885 : i32
      %dma_wait3A_1887 = arith.constant 0 : i32
      %dma_wait3A_1888 = arith.constant 5 : i32
      %dma_wait3A_1889 = arith.constant 0 : i32
      %dma_wait3A_1890 = arith.constant 0 : i32
      %dma_wait3A_1891 = tpu.memref_slice %arg5[%dma_wait3A_1888, %dma_wait3A_1889, %dma_wait3A_1890] : memref<7x1x128xi32, #tpu.memory_space<vmem>> -> memref<1x1x128xi32, #tpu.memory_space<vmem>>
      %dma_wait3A_1892 = tpu.memref_squeeze %dma_wait3A_1891 : memref<1x1x128xi32, #tpu.memory_space<vmem>> -> memref<1x128xi32, #tpu.memory_space<vmem>>
      %dma_wait3A_1893 = arith.constant 0 : i32
      %dma_wait3A_1894 = arith.constant 0 : i32
      %dma_wait3A_1895 = tpu.memref_slice %arg2[%dma_wait3A_1887, %dma_wait3A_1893, %dma_wait3A_1894] : memref<32x200x128xi32, #tpu.memory_space<hbm>> -> memref<1x1x128xi32, #tpu.memory_space<hbm>>
      %dma_wait3A_1896 = tpu.memref_squeeze %dma_wait3A_1895 : memref<1x1x128xi32, #tpu.memory_space<hbm>> -> memref<1x128xi32, #tpu.memory_space<hbm>>
      %dma_wait3A_1897 = arith.constant 0 : i32
      %dma_wait3A_1898 = arith.constant 0 : i32
      %dma_wait3A_1899 = tpu.memref_slice %arg5[%dma_wait3A_1888, %dma_wait3A_1897, %dma_wait3A_1898] : memref<7x1x128xi32, #tpu.memory_space<vmem>> -> memref<1x1x128xi32, #tpu.memory_space<vmem>>
      %dma_wait3A_1900 = tpu.memref_squeeze %dma_wait3A_1899 : memref<1x1x128xi32, #tpu.memory_space<vmem>> -> memref<1x128xi32, #tpu.memory_space<vmem>>
      %dma_wait3A_1901 = arith.constant 0 : i32
      %dma_wait3A_1902 = arith.constant 0 : i32
      %dma_wait3A_1903 = tpu.memref_slice %arg2[%dma_wait3A_1887, %dma_wait3A_1901, %dma_wait3A_1902] : memref<32x200x128xi32, #tpu.memory_space<hbm>> -> memref<1x1x128xi32, #tpu.memory_space<hbm>>
      %dma_wait3A_1904 = tpu.memref_squeeze %dma_wait3A_1903 : memref<1x1x128xi32, #tpu.memory_space<hbm>> -> memref<1x128xi32, #tpu.memory_space<hbm>>
      tpu.wait_dma2 semaphore(%arg12 : memref<!tpu.dma_semaphore, #tpu.memory_space<semaphore_mem>>) src(%dma_wait3A_1904 : memref<1x128xi32, #tpu.memory_space<hbm>>) dst(%dma_wait3A_1900 : memref<1x128xi32, #tpu.memory_space<vmem>>)
      %dma_wait3A_1905 = arith.constant 2 : i32
      %dma_wait3A_1906 = arith.constant 0 : i32
      %dma_wait3A_1907 = arith.constant 0 : i32
      %dma_wait3A_1908 = tpu.memref_slice %arg6[%dma_wait3A_1905, %dma_wait3A_1906, %dma_wait3A_1907] : memref<7x128x128xf32, #tpu.memory_space<vmem>> -> memref<1x128x128xf32, #tpu.memory_space<vmem>>
      %dma_wait3A_1909 = tpu.memref_squeeze %dma_wait3A_1908 : memref<1x128x128xf32, #tpu.memory_space<vmem>> -> memref<128x128xf32, #tpu.memory_space<vmem>>
      %dma_wait3A_1910 = arith.constant 0 : i32
      %dma_wait3A_1911 = arith.constant 0 : i32
      %dma_wait3A_1912 = tpu.memref_slice %arg3[%dma_wait3A_1910, %dma_wait3A_1911] : memref<100000x128xf32, #tpu.memory_space<hbm>> -> memref<128x128xf32, #tpu.memory_space<hbm>>
      %dma_wait3A_1913 = arith.constant 0 : i32
      %dma_wait3A_1914 = arith.constant 0 : i32
      %dma_wait3A_1915 = tpu.memref_slice %arg6[%dma_wait3A_1905, %dma_wait3A_1913, %dma_wait3A_1914] : memref<7x128x128xf32, #tpu.memory_space<vmem>> -> memref<1x128x128xf32, #tpu.memory_space<vmem>>
      %dma_wait3A_1916 = tpu.memref_squeeze %dma_wait3A_1915 : memref<1x128x128xf32, #tpu.memory_space<vmem>> -> memref<128x128xf32, #tpu.memory_space<vmem>>
      %dma_wait3A_1917 = arith.constant 0 : i32
      %dma_wait3A_1918 = arith.constant 0 : i32
      %dma_wait3A_1919 = tpu.memref_slice %arg3[%dma_wait3A_1917, %dma_wait3A_1918] : memref<100000x128xf32, #tpu.memory_space<hbm>> -> memref<128x128xf32, #tpu.memory_space<hbm>>
      tpu.wait_dma2 semaphore(%arg16 : memref<!tpu.dma_semaphore, #tpu.memory_space<semaphore_mem>>) src(%dma_wait3A_1919 : memref<128x128xf32, #tpu.memory_space<hbm>>) dst(%dma_wait3A_1916 : memref<128x128xf32, #tpu.memory_space<vmem>>)
      %mul3A_1920 = arith.constant 128 : i32
      %mul3A_1921 = arith.muli %add3A_1886, %mul3A_1920 : i32
      %add3A_1922 = arith.addi %mul3A_2, %mul3A_1921 : i32
      %dma_start3A_1923 = arith.constant 2 : i32
      %dma_start3A_1924 = arith.constant 0 : i32
      %dma_start3A_1925 = arith.constant 0 : i32
      %dma_start3A_1926 = tpu.memref_slice %arg6[%dma_start3A_1923, %dma_start3A_1924, %dma_start3A_1925] : memref<7x128x128xf32, #tpu.memory_space<vmem>> -> memref<1x128x128xf32, #tpu.memory_space<vmem>>
      %dma_start3A_1927 = tpu.memref_squeeze %dma_start3A_1926 : memref<1x128x128xf32, #tpu.memory_space<vmem>> -> memref<128x128xf32, #tpu.memory_space<vmem>>
      %dma_start3A_1928 = arith.constant 0 : i32
      %dma_start3A_1929 = tpu.memref_slice %arg4[%add3A_1922, %dma_start3A_1928] : memref<819200x128xf32, #tpu.memory_space<hbm>> -> memref<128x128xf32, #tpu.memory_space<hbm>>
      %dma_start3A_1930 = arith.constant 0 : i32
      %dma_start3A_1931 = tpu.memref_slice %arg4[%add3A_1922, %dma_start3A_1930] : memref<819200x128xf32, #tpu.memory_space<hbm>> -> memref<128x128xf32, #tpu.memory_space<hbm>>
      %dma_start3A_1932 = arith.constant 0 : i32
      %dma_start3A_1933 = arith.constant 0 : i32
      %dma_start3A_1934 = tpu.memref_slice %arg6[%dma_start3A_1923, %dma_start3A_1932, %dma_start3A_1933] : memref<7x128x128xf32, #tpu.memory_space<vmem>> -> memref<1x128x128xf32, #tpu.memory_space<vmem>>
      %dma_start3A_1935 = tpu.memref_squeeze %dma_start3A_1934 : memref<1x128x128xf32, #tpu.memory_space<vmem>> -> memref<128x128xf32, #tpu.memory_space<vmem>>
      tpu.enqueue_dma source(%dma_start3A_1935 : memref<128x128xf32, #tpu.memory_space<vmem>>) target(%dma_start3A_1931 : memref<128x128xf32, #tpu.memory_space<hbm>>) target_semaphore(%arg23 : memref<!tpu.dma_semaphore, #tpu.memory_space<semaphore_mem>>)
      %add3A_1936 = arith.constant 3 : i32
      %add3A_1937 = arith.addi %add3A_1886, %add3A_1936 : i32
      %dma_start3A_1938 = arith.constant 5 : i32
      %dma_start3A_1939 = arith.constant 0 : i32
      %dma_start3A_1940 = arith.constant 5 : i32
      %dma_start3A_1941 = arith.constant 0 : i32
      %dma_start3A_1942 = arith.constant 0 : i32
      %dma_start3A_1943 = tpu.memref_slice %arg6[%dma_start3A_1940, %dma_start3A_1941, %dma_start3A_1942] : memref<7x128x128xf32, #tpu.memory_space<vmem>> -> memref<1x128x128xf32, #tpu.memory_space<vmem>>
      %dma_start3A_1944 = tpu.memref_squeeze %dma_start3A_1943 : memref<1x128x128xf32, #tpu.memory_space<vmem>> -> memref<128x128xf32, #tpu.memory_space<vmem>>
      %dma_start3A_1945 = arith.constant 0 : i32
      %dma_start3A_1946 = tpu.memref_slice %arg5[%dma_start3A_1938, %dma_start3A_1939, %dma_start3A_1945] : memref<7x1x128xi32, #tpu.memory_space<vmem>> -> memref<1x1x128xi32, #tpu.memory_space<vmem>>
      %dma_start3A_1947 = tpu.memref_squeeze %dma_start3A_1946 : memref<1x1x128xi32, #tpu.memory_space<vmem>> -> memref<128xi32, #tpu.memory_space<vmem>>
      %dma_start3A_1948 = arith.constant 0 : i32
      %dma_start3A_1949 = arith.constant 0 : i32
      %dma_start3A_1950 = tpu.memref_slice %arg3[%dma_start3A_1948, %dma_start3A_1949] : memref<100000x128xf32, #tpu.memory_space<hbm>> -> memref<100000x128xf32, #tpu.memory_space<hbm>>
      tpu.enqueue_indirect_dma source(%dma_start3A_1950 : memref<100000x128xf32, #tpu.memory_space<hbm>>) target(%dma_start3A_1944 : memref<128x128xf32, #tpu.memory_space<vmem>>) offsets(%dma_start3A_1947 : memref<128xi32, #tpu.memory_space<vmem>>) semaphore(%arg19 : memref<!tpu.dma_semaphore, #tpu.memory_space<semaphore_mem>>)
      %add3A_1951 = arith.constant 4 : i32
      %add3A_1952 = arith.addi %add3A_1886, %add3A_1951 : i32
      %mul3A_1953 = arith.constant 1 : i32
      %mul3A_1954 = arith.muli %add3A_1952, %mul3A_1953 : i32
      %dma_start3A_1955 = arith.constant 6 : i32
      %dma_start3A_1956 = arith.constant 0 : i32
      %dma_start3A_1957 = arith.constant 0 : i32
      %dma_start3A_1958 = tpu.memref_slice %arg5[%dma_start3A_1955, %dma_start3A_1956, %dma_start3A_1957] : memref<7x1x128xi32, #tpu.memory_space<vmem>> -> memref<1x1x128xi32, #tpu.memory_space<vmem>>
      %dma_start3A_1959 = tpu.memref_squeeze %dma_start3A_1958 : memref<1x1x128xi32, #tpu.memory_space<vmem>> -> memref<1x128xi32, #tpu.memory_space<vmem>>
      %dma_start3A_1960 = arith.constant 0 : i32
      %dma_start3A_1961 = tpu.memref_slice %arg2[%add3A, %mul3A_1954, %dma_start3A_1960] : memref<32x200x128xi32, #tpu.memory_space<hbm>> -> memref<1x1x128xi32, #tpu.memory_space<hbm>>
      %dma_start3A_1962 = tpu.memref_squeeze %dma_start3A_1961 : memref<1x1x128xi32, #tpu.memory_space<hbm>> -> memref<1x128xi32, #tpu.memory_space<hbm>>
      %dma_start3A_1963 = arith.constant 0 : i32
      %dma_start3A_1964 = arith.constant 0 : i32
      %dma_start3A_1965 = tpu.memref_slice %arg5[%dma_start3A_1955, %dma_start3A_1963, %dma_start3A_1964] : memref<7x1x128xi32, #tpu.memory_space<vmem>> -> memref<1x1x128xi32, #tpu.memory_space<vmem>>
      %dma_start3A_1966 = tpu.memref_squeeze %dma_start3A_1965 : memref<1x1x128xi32, #tpu.memory_space<vmem>> -> memref<1x128xi32, #tpu.memory_space<vmem>>
      %dma_start3A_1967 = arith.constant 0 : i32
      %dma_start3A_1968 = tpu.memref_slice %arg2[%add3A, %mul3A_1954, %dma_start3A_1967] : memref<32x200x128xi32, #tpu.memory_space<hbm>> -> memref<1x1x128xi32, #tpu.memory_space<hbm>>
      %dma_start3A_1969 = tpu.memref_squeeze %dma_start3A_1968 : memref<1x1x128xi32, #tpu.memory_space<hbm>> -> memref<1x128xi32, #tpu.memory_space<hbm>>
      tpu.enqueue_dma source(%dma_start3A_1969 : memref<1x128xi32, #tpu.memory_space<hbm>>) target(%dma_start3A_1966 : memref<1x128xi32, #tpu.memory_space<vmem>>) target_semaphore(%arg13 : memref<!tpu.dma_semaphore, #tpu.memory_space<semaphore_mem>>)
      %dma_wait3A_1970 = arith.constant 6 : i32
      %dma_wait3A_1971 = arith.constant 0 : i32
      %dma_wait3A_1972 = arith.constant 0 : i32
      %dma_wait3A_1973 = tpu.memref_slice %arg6[%dma_wait3A_1970, %dma_wait3A_1971, %dma_wait3A_1972] : memref<7x128x128xf32, #tpu.memory_space<vmem>> -> memref<1x128x128xf32, #tpu.memory_space<vmem>>
      %dma_wait3A_1974 = tpu.memref_squeeze %dma_wait3A_1973 : memref<1x128x128xf32, #tpu.memory_space<vmem>> -> memref<128x128xf32, #tpu.memory_space<vmem>>
      %dma_wait3A_1975 = arith.constant 0 : i32
      %dma_wait3A_1976 = arith.constant 0 : i32
      %dma_wait3A_1977 = tpu.memref_slice %arg4[%dma_wait3A_1975, %dma_wait3A_1976] : memref<819200x128xf32, #tpu.memory_space<hbm>> -> memref<128x128xf32, #tpu.memory_space<hbm>>
      %dma_wait3A_1978 = arith.constant 0 : i32
      %dma_wait3A_1979 = arith.constant 0 : i32
      %dma_wait3A_1980 = tpu.memref_slice %arg4[%dma_wait3A_1978, %dma_wait3A_1979] : memref<819200x128xf32, #tpu.memory_space<hbm>> -> memref<128x128xf32, #tpu.memory_space<hbm>>
      %dma_wait3A_1981 = arith.constant 0 : i32
      %dma_wait3A_1982 = arith.constant 0 : i32
      %dma_wait3A_1983 = tpu.memref_slice %arg6[%dma_wait3A_1970, %dma_wait3A_1981, %dma_wait3A_1982] : memref<7x128x128xf32, #tpu.memory_space<vmem>> -> memref<1x128x128xf32, #tpu.memory_space<vmem>>
      %dma_wait3A_1984 = tpu.memref_squeeze %dma_wait3A_1983 : memref<1x128x128xf32, #tpu.memory_space<vmem>> -> memref<128x128xf32, #tpu.memory_space<vmem>>
      tpu.wait_dma2 semaphore(%arg27 : memref<!tpu.dma_semaphore, #tpu.memory_space<semaphore_mem>>) src(%dma_wait3A_1984 : memref<128x128xf32, #tpu.memory_space<vmem>>) dst(%dma_wait3A_1980 : memref<128x128xf32, #tpu.memory_space<hbm>>)
      %add3A_1985 = arith.constant 3 : i32
      %add3A_1986 = arith.addi %mul3A_1684, %add3A_1985 : i32
      %dma_wait3A_1987 = arith.constant 0 : i32
      %dma_wait3A_1988 = arith.constant 6 : i32
      %dma_wait3A_1989 = arith.constant 0 : i32
      %dma_wait3A_1990 = arith.constant 0 : i32
      %dma_wait3A_1991 = tpu.memref_slice %arg5[%dma_wait3A_1988, %dma_wait3A_1989, %dma_wait3A_1990] : memref<7x1x128xi32, #tpu.memory_space<vmem>> -> memref<1x1x128xi32, #tpu.memory_space<vmem>>
      %dma_wait3A_1992 = tpu.memref_squeeze %dma_wait3A_1991 : memref<1x1x128xi32, #tpu.memory_space<vmem>> -> memref<1x128xi32, #tpu.memory_space<vmem>>
      %dma_wait3A_1993 = arith.constant 0 : i32
      %dma_wait3A_1994 = arith.constant 0 : i32
      %dma_wait3A_1995 = tpu.memref_slice %arg2[%dma_wait3A_1987, %dma_wait3A_1993, %dma_wait3A_1994] : memref<32x200x128xi32, #tpu.memory_space<hbm>> -> memref<1x1x128xi32, #tpu.memory_space<hbm>>
      %dma_wait3A_1996 = tpu.memref_squeeze %dma_wait3A_1995 : memref<1x1x128xi32, #tpu.memory_space<hbm>> -> memref<1x128xi32, #tpu.memory_space<hbm>>
      %dma_wait3A_1997 = arith.constant 0 : i32
      %dma_wait3A_1998 = arith.constant 0 : i32
      %dma_wait3A_1999 = tpu.memref_slice %arg5[%dma_wait3A_1988, %dma_wait3A_1997, %dma_wait3A_1998] : memref<7x1x128xi32, #tpu.memory_space<vmem>> -> memref<1x1x128xi32, #tpu.memory_space<vmem>>
      %dma_wait3A_2000 = tpu.memref_squeeze %dma_wait3A_1999 : memref<1x1x128xi32, #tpu.memory_space<vmem>> -> memref<1x128xi32, #tpu.memory_space<vmem>>
      %dma_wait3A_2001 = arith.constant 0 : i32
      %dma_wait3A_2002 = arith.constant 0 : i32
      %dma_wait3A_2003 = tpu.memref_slice %arg2[%dma_wait3A_1987, %dma_wait3A_2001, %dma_wait3A_2002] : memref<32x200x128xi32, #tpu.memory_space<hbm>> -> memref<1x1x128xi32, #tpu.memory_space<hbm>>
      %dma_wait3A_2004 = tpu.memref_squeeze %dma_wait3A_2003 : memref<1x1x128xi32, #tpu.memory_space<hbm>> -> memref<1x128xi32, #tpu.memory_space<hbm>>
      tpu.wait_dma2 semaphore(%arg13 : memref<!tpu.dma_semaphore, #tpu.memory_space<semaphore_mem>>) src(%dma_wait3A_2004 : memref<1x128xi32, #tpu.memory_space<hbm>>) dst(%dma_wait3A_2000 : memref<1x128xi32, #tpu.memory_space<vmem>>)
      %dma_wait3A_2005 = arith.constant 3 : i32
      %dma_wait3A_2006 = arith.constant 0 : i32
      %dma_wait3A_2007 = arith.constant 0 : i32
      %dma_wait3A_2008 = tpu.memref_slice %arg6[%dma_wait3A_2005, %dma_wait3A_2006, %dma_wait3A_2007] : memref<7x128x128xf32, #tpu.memory_space<vmem>> -> memref<1x128x128xf32, #tpu.memory_space<vmem>>
      %dma_wait3A_2009 = tpu.memref_squeeze %dma_wait3A_2008 : memref<1x128x128xf32, #tpu.memory_space<vmem>> -> memref<128x128xf32, #tpu.memory_space<vmem>>
      %dma_wait3A_2010 = arith.constant 0 : i32
      %dma_wait3A_2011 = arith.constant 0 : i32
      %dma_wait3A_2012 = tpu.memref_slice %arg3[%dma_wait3A_2010, %dma_wait3A_2011] : memref<100000x128xf32, #tpu.memory_space<hbm>> -> memref<128x128xf32, #tpu.memory_space<hbm>>
      %dma_wait3A_2013 = arith.constant 0 : i32
      %dma_wait3A_2014 = arith.constant 0 : i32
      %dma_wait3A_2015 = tpu.memref_slice %arg6[%dma_wait3A_2005, %dma_wait3A_2013, %dma_wait3A_2014] : memref<7x128x128xf32, #tpu.memory_space<vmem>> -> memref<1x128x128xf32, #tpu.memory_space<vmem>>
      %dma_wait3A_2016 = tpu.memref_squeeze %dma_wait3A_2015 : memref<1x128x128xf32, #tpu.memory_space<vmem>> -> memref<128x128xf32, #tpu.memory_space<vmem>>
      %dma_wait3A_2017 = arith.constant 0 : i32
      %dma_wait3A_2018 = arith.constant 0 : i32
      %dma_wait3A_2019 = tpu.memref_slice %arg3[%dma_wait3A_2017, %dma_wait3A_2018] : memref<100000x128xf32, #tpu.memory_space<hbm>> -> memref<128x128xf32, #tpu.memory_space<hbm>>
      tpu.wait_dma2 semaphore(%arg17 : memref<!tpu.dma_semaphore, #tpu.memory_space<semaphore_mem>>) src(%dma_wait3A_2019 : memref<128x128xf32, #tpu.memory_space<hbm>>) dst(%dma_wait3A_2016 : memref<128x128xf32, #tpu.memory_space<vmem>>)
      %mul3A_2020 = arith.constant 128 : i32
      %mul3A_2021 = arith.muli %add3A_1986, %mul3A_2020 : i32
      %add3A_2022 = arith.addi %mul3A_2, %mul3A_2021 : i32
      %dma_start3A_2023 = arith.constant 3 : i32
      %dma_start3A_2024 = arith.constant 0 : i32
      %dma_start3A_2025 = arith.constant 0 : i32
      %dma_start3A_2026 = tpu.memref_slice %arg6[%dma_start3A_2023, %dma_start3A_2024, %dma_start3A_2025] : memref<7x128x128xf32, #tpu.memory_space<vmem>> -> memref<1x128x128xf32, #tpu.memory_space<vmem>>
      %dma_start3A_2027 = tpu.memref_squeeze %dma_start3A_2026 : memref<1x128x128xf32, #tpu.memory_space<vmem>> -> memref<128x128xf32, #tpu.memory_space<vmem>>
      %dma_start3A_2028 = arith.constant 0 : i32
      %dma_start3A_2029 = tpu.memref_slice %arg4[%add3A_2022, %dma_start3A_2028] : memref<819200x128xf32, #tpu.memory_space<hbm>> -> memref<128x128xf32, #tpu.memory_space<hbm>>
      %dma_start3A_2030 = arith.constant 0 : i32
      %dma_start3A_2031 = tpu.memref_slice %arg4[%add3A_2022, %dma_start3A_2030] : memref<819200x128xf32, #tpu.memory_space<hbm>> -> memref<128x128xf32, #tpu.memory_space<hbm>>
      %dma_start3A_2032 = arith.constant 0 : i32
      %dma_start3A_2033 = arith.constant 0 : i32
      %dma_start3A_2034 = tpu.memref_slice %arg6[%dma_start3A_2023, %dma_start3A_2032, %dma_start3A_2033] : memref<7x128x128xf32, #tpu.memory_space<vmem>> -> memref<1x128x128xf32, #tpu.memory_space<vmem>>
      %dma_start3A_2035 = tpu.memref_squeeze %dma_start3A_2034 : memref<1x128x128xf32, #tpu.memory_space<vmem>> -> memref<128x128xf32, #tpu.memory_space<vmem>>
      tpu.enqueue_dma source(%dma_start3A_2035 : memref<128x128xf32, #tpu.memory_space<vmem>>) target(%dma_start3A_2031 : memref<128x128xf32, #tpu.memory_space<hbm>>) target_semaphore(%arg24 : memref<!tpu.dma_semaphore, #tpu.memory_space<semaphore_mem>>)
      %add3A_2036 = arith.constant 3 : i32
      %add3A_2037 = arith.addi %add3A_1986, %add3A_2036 : i32
      %dma_start3A_2038 = arith.constant 6 : i32
      %dma_start3A_2039 = arith.constant 0 : i32
      %dma_start3A_2040 = arith.constant 6 : i32
      %dma_start3A_2041 = arith.constant 0 : i32
      %dma_start3A_2042 = arith.constant 0 : i32
      %dma_start3A_2043 = tpu.memref_slice %arg6[%dma_start3A_2040, %dma_start3A_2041, %dma_start3A_2042] : memref<7x128x128xf32, #tpu.memory_space<vmem>> -> memref<1x128x128xf32, #tpu.memory_space<vmem>>
      %dma_start3A_2044 = tpu.memref_squeeze %dma_start3A_2043 : memref<1x128x128xf32, #tpu.memory_space<vmem>> -> memref<128x128xf32, #tpu.memory_space<vmem>>
      %dma_start3A_2045 = arith.constant 0 : i32
      %dma_start3A_2046 = tpu.memref_slice %arg5[%dma_start3A_2038, %dma_start3A_2039, %dma_start3A_2045] : memref<7x1x128xi32, #tpu.memory_space<vmem>> -> memref<1x1x128xi32, #tpu.memory_space<vmem>>
      %dma_start3A_2047 = tpu.memref_squeeze %dma_start3A_2046 : memref<1x1x128xi32, #tpu.memory_space<vmem>> -> memref<128xi32, #tpu.memory_space<vmem>>
      %dma_start3A_2048 = arith.constant 0 : i32
      %dma_start3A_2049 = arith.constant 0 : i32
      %dma_start3A_2050 = tpu.memref_slice %arg3[%dma_start3A_2048, %dma_start3A_2049] : memref<100000x128xf32, #tpu.memory_space<hbm>> -> memref<100000x128xf32, #tpu.memory_space<hbm>>
      tpu.enqueue_indirect_dma source(%dma_start3A_2050 : memref<100000x128xf32, #tpu.memory_space<hbm>>) target(%dma_start3A_2044 : memref<128x128xf32, #tpu.memory_space<vmem>>) offsets(%dma_start3A_2047 : memref<128xi32, #tpu.memory_space<vmem>>) semaphore(%arg20 : memref<!tpu.dma_semaphore, #tpu.memory_space<semaphore_mem>>)
      %add3A_2051 = arith.constant 4 : i32
      %add3A_2052 = arith.addi %add3A_1986, %add3A_2051 : i32
      %mul3A_2053 = arith.constant 1 : i32
      %mul3A_2054 = arith.muli %add3A_2052, %mul3A_2053 : i32
      %dma_start3A_2055 = arith.constant 0 : i32
      %dma_start3A_2056 = arith.constant 0 : i32
      %dma_start3A_2057 = arith.constant 0 : i32
      %dma_start3A_2058 = tpu.memref_slice %arg5[%dma_start3A_2055, %dma_start3A_2056, %dma_start3A_2057] : memref<7x1x128xi32, #tpu.memory_space<vmem>> -> memref<1x1x128xi32, #tpu.memory_space<vmem>>
      %dma_start3A_2059 = tpu.memref_squeeze %dma_start3A_2058 : memref<1x1x128xi32, #tpu.memory_space<vmem>> -> memref<1x128xi32, #tpu.memory_space<vmem>>
      %dma_start3A_2060 = arith.constant 0 : i32
      %dma_start3A_2061 = tpu.memref_slice %arg2[%add3A, %mul3A_2054, %dma_start3A_2060] : memref<32x200x128xi32, #tpu.memory_space<hbm>> -> memref<1x1x128xi32, #tpu.memory_space<hbm>>
      %dma_start3A_2062 = tpu.memref_squeeze %dma_start3A_2061 : memref<1x1x128xi32, #tpu.memory_space<hbm>> -> memref<1x128xi32, #tpu.memory_space<hbm>>
      %dma_start3A_2063 = arith.constant 0 : i32
      %dma_start3A_2064 = arith.constant 0 : i32
      %dma_start3A_2065 = tpu.memref_slice %arg5[%dma_start3A_2055, %dma_start3A_2063, %dma_start3A_2064] : memref<7x1x128xi32, #tpu.memory_space<vmem>> -> memref<1x1x128xi32, #tpu.memory_space<vmem>>
      %dma_start3A_2066 = tpu.memref_squeeze %dma_start3A_2065 : memref<1x1x128xi32, #tpu.memory_space<vmem>> -> memref<1x128xi32, #tpu.memory_space<vmem>>
      %dma_start3A_2067 = arith.constant 0 : i32
      %dma_start3A_2068 = tpu.memref_slice %arg2[%add3A, %mul3A_2054, %dma_start3A_2067] : memref<32x200x128xi32, #tpu.memory_space<hbm>> -> memref<1x1x128xi32, #tpu.memory_space<hbm>>
      %dma_start3A_2069 = tpu.memref_squeeze %dma_start3A_2068 : memref<1x1x128xi32, #tpu.memory_space<hbm>> -> memref<1x128xi32, #tpu.memory_space<hbm>>
      tpu.enqueue_dma source(%dma_start3A_2069 : memref<1x128xi32, #tpu.memory_space<hbm>>) target(%dma_start3A_2066 : memref<1x128xi32, #tpu.memory_space<vmem>>) target_semaphore(%arg7 : memref<!tpu.dma_semaphore, #tpu.memory_space<semaphore_mem>>)
      %dma_wait3A_2070 = arith.constant 0 : i32
      %dma_wait3A_2071 = arith.constant 0 : i32
      %dma_wait3A_2072 = arith.constant 0 : i32
      %dma_wait3A_2073 = tpu.memref_slice %arg6[%dma_wait3A_2070, %dma_wait3A_2071, %dma_wait3A_2072] : memref<7x128x128xf32, #tpu.memory_space<vmem>> -> memref<1x128x128xf32, #tpu.memory_space<vmem>>
      %dma_wait3A_2074 = tpu.memref_squeeze %dma_wait3A_2073 : memref<1x128x128xf32, #tpu.memory_space<vmem>> -> memref<128x128xf32, #tpu.memory_space<vmem>>
      %dma_wait3A_2075 = arith.constant 0 : i32
      %dma_wait3A_2076 = arith.constant 0 : i32
      %dma_wait3A_2077 = tpu.memref_slice %arg4[%dma_wait3A_2075, %dma_wait3A_2076] : memref<819200x128xf32, #tpu.memory_space<hbm>> -> memref<128x128xf32, #tpu.memory_space<hbm>>
      %dma_wait3A_2078 = arith.constant 0 : i32
      %dma_wait3A_2079 = arith.constant 0 : i32
      %dma_wait3A_2080 = tpu.memref_slice %arg4[%dma_wait3A_2078, %dma_wait3A_2079] : memref<819200x128xf32, #tpu.memory_space<hbm>> -> memref<128x128xf32, #tpu.memory_space<hbm>>
      %dma_wait3A_2081 = arith.constant 0 : i32
      %dma_wait3A_2082 = arith.constant 0 : i32
      %dma_wait3A_2083 = tpu.memref_slice %arg6[%dma_wait3A_2070, %dma_wait3A_2081, %dma_wait3A_2082] : memref<7x128x128xf32, #tpu.memory_space<vmem>> -> memref<1x128x128xf32, #tpu.memory_space<vmem>>
      %dma_wait3A_2084 = tpu.memref_squeeze %dma_wait3A_2083 : memref<1x128x128xf32, #tpu.memory_space<vmem>> -> memref<128x128xf32, #tpu.memory_space<vmem>>
      tpu.wait_dma2 semaphore(%arg21 : memref<!tpu.dma_semaphore, #tpu.memory_space<semaphore_mem>>) src(%dma_wait3A_2084 : memref<128x128xf32, #tpu.memory_space<vmem>>) dst(%dma_wait3A_2080 : memref<128x128xf32, #tpu.memory_space<hbm>>)
      %add3A_2085 = arith.constant 4 : i32
      %add3A_2086 = arith.addi %mul3A_1684, %add3A_2085 : i32
      %dma_wait3A_2087 = arith.constant 0 : i32
      %dma_wait3A_2088 = arith.constant 0 : i32
      %dma_wait3A_2089 = arith.constant 0 : i32
      %dma_wait3A_2090 = arith.constant 0 : i32
      %dma_wait3A_2091 = tpu.memref_slice %arg5[%dma_wait3A_2088, %dma_wait3A_2089, %dma_wait3A_2090] : memref<7x1x128xi32, #tpu.memory_space<vmem>> -> memref<1x1x128xi32, #tpu.memory_space<vmem>>
      %dma_wait3A_2092 = tpu.memref_squeeze %dma_wait3A_2091 : memref<1x1x128xi32, #tpu.memory_space<vmem>> -> memref<1x128xi32, #tpu.memory_space<vmem>>
      %dma_wait3A_2093 = arith.constant 0 : i32
      %dma_wait3A_2094 = arith.constant 0 : i32
      %dma_wait3A_2095 = tpu.memref_slice %arg2[%dma_wait3A_2087, %dma_wait3A_2093, %dma_wait3A_2094] : memref<32x200x128xi32, #tpu.memory_space<hbm>> -> memref<1x1x128xi32, #tpu.memory_space<hbm>>
      %dma_wait3A_2096 = tpu.memref_squeeze %dma_wait3A_2095 : memref<1x1x128xi32, #tpu.memory_space<hbm>> -> memref<1x128xi32, #tpu.memory_space<hbm>>
      %dma_wait3A_2097 = arith.constant 0 : i32
      %dma_wait3A_2098 = arith.constant 0 : i32
      %dma_wait3A_2099 = tpu.memref_slice %arg5[%dma_wait3A_2088, %dma_wait3A_2097, %dma_wait3A_2098] : memref<7x1x128xi32, #tpu.memory_space<vmem>> -> memref<1x1x128xi32, #tpu.memory_space<vmem>>
      %dma_wait3A_2100 = tpu.memref_squeeze %dma_wait3A_2099 : memref<1x1x128xi32, #tpu.memory_space<vmem>> -> memref<1x128xi32, #tpu.memory_space<vmem>>
      %dma_wait3A_2101 = arith.constant 0 : i32
      %dma_wait3A_2102 = arith.constant 0 : i32
      %dma_wait3A_2103 = tpu.memref_slice %arg2[%dma_wait3A_2087, %dma_wait3A_2101, %dma_wait3A_2102] : memref<32x200x128xi32, #tpu.memory_space<hbm>> -> memref<1x1x128xi32, #tpu.memory_space<hbm>>
      %dma_wait3A_2104 = tpu.memref_squeeze %dma_wait3A_2103 : memref<1x1x128xi32, #tpu.memory_space<hbm>> -> memref<1x128xi32, #tpu.memory_space<hbm>>
      tpu.wait_dma2 semaphore(%arg7 : memref<!tpu.dma_semaphore, #tpu.memory_space<semaphore_mem>>) src(%dma_wait3A_2104 : memref<1x128xi32, #tpu.memory_space<hbm>>) dst(%dma_wait3A_2100 : memref<1x128xi32, #tpu.memory_space<vmem>>)
      %dma_wait3A_2105 = arith.constant 4 : i32
      %dma_wait3A_2106 = arith.constant 0 : i32
      %dma_wait3A_2107 = arith.constant 0 : i32
      %dma_wait3A_2108 = tpu.memref_slice %arg6[%dma_wait3A_2105, %dma_wait3A_2106, %dma_wait3A_2107] : memref<7x128x128xf32, #tpu.memory_space<vmem>> -> memref<1x128x128xf32, #tpu.memory_space<vmem>>
      %dma_wait3A_2109 = tpu.memref_squeeze %dma_wait3A_2108 : memref<1x128x128xf32, #tpu.memory_space<vmem>> -> memref<128x128xf32, #tpu.memory_space<vmem>>
      %dma_wait3A_2110 = arith.constant 0 : i32
      %dma_wait3A_2111 = arith.constant 0 : i32
      %dma_wait3A_2112 = tpu.memref_slice %arg3[%dma_wait3A_2110, %dma_wait3A_2111] : memref<100000x128xf32, #tpu.memory_space<hbm>> -> memref<128x128xf32, #tpu.memory_space<hbm>>
      %dma_wait3A_2113 = arith.constant 0 : i32
      %dma_wait3A_2114 = arith.constant 0 : i32
      %dma_wait3A_2115 = tpu.memref_slice %arg6[%dma_wait3A_2105, %dma_wait3A_2113, %dma_wait3A_2114] : memref<7x128x128xf32, #tpu.memory_space<vmem>> -> memref<1x128x128xf32, #tpu.memory_space<vmem>>
      %dma_wait3A_2116 = tpu.memref_squeeze %dma_wait3A_2115 : memref<1x128x128xf32, #tpu.memory_space<vmem>> -> memref<128x128xf32, #tpu.memory_space<vmem>>
      %dma_wait3A_2117 = arith.constant 0 : i32
      %dma_wait3A_2118 = arith.constant 0 : i32
      %dma_wait3A_2119 = tpu.memref_slice %arg3[%dma_wait3A_2117, %dma_wait3A_2118] : memref<100000x128xf32, #tpu.memory_space<hbm>> -> memref<128x128xf32, #tpu.memory_space<hbm>>
      tpu.wait_dma2 semaphore(%arg18 : memref<!tpu.dma_semaphore, #tpu.memory_space<semaphore_mem>>) src(%dma_wait3A_2119 : memref<128x128xf32, #tpu.memory_space<hbm>>) dst(%dma_wait3A_2116 : memref<128x128xf32, #tpu.memory_space<vmem>>)
      %mul3A_2120 = arith.constant 128 : i32
      %mul3A_2121 = arith.muli %add3A_2086, %mul3A_2120 : i32
      %add3A_2122 = arith.addi %mul3A_2, %mul3A_2121 : i32
      %dma_start3A_2123 = arith.constant 4 : i32
      %dma_start3A_2124 = arith.constant 0 : i32
      %dma_start3A_2125 = arith.constant 0 : i32
      %dma_start3A_2126 = tpu.memref_slice %arg6[%dma_start3A_2123, %dma_start3A_2124, %dma_start3A_2125] : memref<7x128x128xf32, #tpu.memory_space<vmem>> -> memref<1x128x128xf32, #tpu.memory_space<vmem>>
      %dma_start3A_2127 = tpu.memref_squeeze %dma_start3A_2126 : memref<1x128x128xf32, #tpu.memory_space<vmem>> -> memref<128x128xf32, #tpu.memory_space<vmem>>
      %dma_start3A_2128 = arith.constant 0 : i32
      %dma_start3A_2129 = tpu.memref_slice %arg4[%add3A_2122, %dma_start3A_2128] : memref<819200x128xf32, #tpu.memory_space<hbm>> -> memref<128x128xf32, #tpu.memory_space<hbm>>
      %dma_start3A_2130 = arith.constant 0 : i32
      %dma_start3A_2131 = tpu.memref_slice %arg4[%add3A_2122, %dma_start3A_2130] : memref<819200x128xf32, #tpu.memory_space<hbm>> -> memref<128x128xf32, #tpu.memory_space<hbm>>
      %dma_start3A_2132 = arith.constant 0 : i32
      %dma_start3A_2133 = arith.constant 0 : i32
      %dma_start3A_2134 = tpu.memref_slice %arg6[%dma_start3A_2123, %dma_start3A_2132, %dma_start3A_2133] : memref<7x128x128xf32, #tpu.memory_space<vmem>> -> memref<1x128x128xf32, #tpu.memory_space<vmem>>
      %dma_start3A_2135 = tpu.memref_squeeze %dma_start3A_2134 : memref<1x128x128xf32, #tpu.memory_space<vmem>> -> memref<128x128xf32, #tpu.memory_space<vmem>>
      tpu.enqueue_dma source(%dma_start3A_2135 : memref<128x128xf32, #tpu.memory_space<vmem>>) target(%dma_start3A_2131 : memref<128x128xf32, #tpu.memory_space<hbm>>) target_semaphore(%arg25 : memref<!tpu.dma_semaphore, #tpu.memory_space<semaphore_mem>>)
      %add3A_2136 = arith.constant 3 : i32
      %add3A_2137 = arith.addi %add3A_2086, %add3A_2136 : i32
      %dma_start3A_2138 = arith.constant 0 : i32
      %dma_start3A_2139 = arith.constant 0 : i32
      %dma_start3A_2140 = arith.constant 0 : i32
      %dma_start3A_2141 = arith.constant 0 : i32
      %dma_start3A_2142 = arith.constant 0 : i32
      %dma_start3A_2143 = tpu.memref_slice %arg6[%dma_start3A_2140, %dma_start3A_2141, %dma_start3A_2142] : memref<7x128x128xf32, #tpu.memory_space<vmem>> -> memref<1x128x128xf32, #tpu.memory_space<vmem>>
      %dma_start3A_2144 = tpu.memref_squeeze %dma_start3A_2143 : memref<1x128x128xf32, #tpu.memory_space<vmem>> -> memref<128x128xf32, #tpu.memory_space<vmem>>
      %dma_start3A_2145 = arith.constant 0 : i32
      %dma_start3A_2146 = tpu.memref_slice %arg5[%dma_start3A_2138, %dma_start3A_2139, %dma_start3A_2145] : memref<7x1x128xi32, #tpu.memory_space<vmem>> -> memref<1x1x128xi32, #tpu.memory_space<vmem>>
      %dma_start3A_2147 = tpu.memref_squeeze %dma_start3A_2146 : memref<1x1x128xi32, #tpu.memory_space<vmem>> -> memref<128xi32, #tpu.memory_space<vmem>>
      %dma_start3A_2148 = arith.constant 0 : i32
      %dma_start3A_2149 = arith.constant 0 : i32
      %dma_start3A_2150 = tpu.memref_slice %arg3[%dma_start3A_2148, %dma_start3A_2149] : memref<100000x128xf32, #tpu.memory_space<hbm>> -> memref<100000x128xf32, #tpu.memory_space<hbm>>
      tpu.enqueue_indirect_dma source(%dma_start3A_2150 : memref<100000x128xf32, #tpu.memory_space<hbm>>) target(%dma_start3A_2144 : memref<128x128xf32, #tpu.memory_space<vmem>>) offsets(%dma_start3A_2147 : memref<128xi32, #tpu.memory_space<vmem>>) semaphore(%arg14 : memref<!tpu.dma_semaphore, #tpu.memory_space<semaphore_mem>>)
      %add3A_2151 = arith.constant 4 : i32
      %add3A_2152 = arith.addi %add3A_2086, %add3A_2151 : i32
      %mul3A_2153 = arith.constant 1 : i32
      %mul3A_2154 = arith.muli %add3A_2152, %mul3A_2153 : i32
      %dma_start3A_2155 = arith.constant 1 : i32
      %dma_start3A_2156 = arith.constant 0 : i32
      %dma_start3A_2157 = arith.constant 0 : i32
      %dma_start3A_2158 = tpu.memref_slice %arg5[%dma_start3A_2155, %dma_start3A_2156, %dma_start3A_2157] : memref<7x1x128xi32, #tpu.memory_space<vmem>> -> memref<1x1x128xi32, #tpu.memory_space<vmem>>
      %dma_start3A_2159 = tpu.memref_squeeze %dma_start3A_2158 : memref<1x1x128xi32, #tpu.memory_space<vmem>> -> memref<1x128xi32, #tpu.memory_space<vmem>>
      %dma_start3A_2160 = arith.constant 0 : i32
      %dma_start3A_2161 = tpu.memref_slice %arg2[%add3A, %mul3A_2154, %dma_start3A_2160] : memref<32x200x128xi32, #tpu.memory_space<hbm>> -> memref<1x1x128xi32, #tpu.memory_space<hbm>>
      %dma_start3A_2162 = tpu.memref_squeeze %dma_start3A_2161 : memref<1x1x128xi32, #tpu.memory_space<hbm>> -> memref<1x128xi32, #tpu.memory_space<hbm>>
      %dma_start3A_2163 = arith.constant 0 : i32
      %dma_start3A_2164 = arith.constant 0 : i32
      %dma_start3A_2165 = tpu.memref_slice %arg5[%dma_start3A_2155, %dma_start3A_2163, %dma_start3A_2164] : memref<7x1x128xi32, #tpu.memory_space<vmem>> -> memref<1x1x128xi32, #tpu.memory_space<vmem>>
      %dma_start3A_2166 = tpu.memref_squeeze %dma_start3A_2165 : memref<1x1x128xi32, #tpu.memory_space<vmem>> -> memref<1x128xi32, #tpu.memory_space<vmem>>
      %dma_start3A_2167 = arith.constant 0 : i32
      %dma_start3A_2168 = tpu.memref_slice %arg2[%add3A, %mul3A_2154, %dma_start3A_2167] : memref<32x200x128xi32, #tpu.memory_space<hbm>> -> memref<1x1x128xi32, #tpu.memory_space<hbm>>
      %dma_start3A_2169 = tpu.memref_squeeze %dma_start3A_2168 : memref<1x1x128xi32, #tpu.memory_space<hbm>> -> memref<1x128xi32, #tpu.memory_space<hbm>>
      tpu.enqueue_dma source(%dma_start3A_2169 : memref<1x128xi32, #tpu.memory_space<hbm>>) target(%dma_start3A_2166 : memref<1x128xi32, #tpu.memory_space<vmem>>) target_semaphore(%arg8 : memref<!tpu.dma_semaphore, #tpu.memory_space<semaphore_mem>>)
      %dma_wait3A_2170 = arith.constant 1 : i32
      %dma_wait3A_2171 = arith.constant 0 : i32
      %dma_wait3A_2172 = arith.constant 0 : i32
      %dma_wait3A_2173 = tpu.memref_slice %arg6[%dma_wait3A_2170, %dma_wait3A_2171, %dma_wait3A_2172] : memref<7x128x128xf32, #tpu.memory_space<vmem>> -> memref<1x128x128xf32, #tpu.memory_space<vmem>>
      %dma_wait3A_2174 = tpu.memref_squeeze %dma_wait3A_2173 : memref<1x128x128xf32, #tpu.memory_space<vmem>> -> memref<128x128xf32, #tpu.memory_space<vmem>>
      %dma_wait3A_2175 = arith.constant 0 : i32
      %dma_wait3A_2176 = arith.constant 0 : i32
      %dma_wait3A_2177 = tpu.memref_slice %arg4[%dma_wait3A_2175, %dma_wait3A_2176] : memref<819200x128xf32, #tpu.memory_space<hbm>> -> memref<128x128xf32, #tpu.memory_space<hbm>>
      %dma_wait3A_2178 = arith.constant 0 : i32
      %dma_wait3A_2179 = arith.constant 0 : i32
      %dma_wait3A_2180 = tpu.memref_slice %arg4[%dma_wait3A_2178, %dma_wait3A_2179] : memref<819200x128xf32, #tpu.memory_space<hbm>> -> memref<128x128xf32, #tpu.memory_space<hbm>>
      %dma_wait3A_2181 = arith.constant 0 : i32
      %dma_wait3A_2182 = arith.constant 0 : i32
      %dma_wait3A_2183 = tpu.memref_slice %arg6[%dma_wait3A_2170, %dma_wait3A_2181, %dma_wait3A_2182] : memref<7x128x128xf32, #tpu.memory_space<vmem>> -> memref<1x128x128xf32, #tpu.memory_space<vmem>>
      %dma_wait3A_2184 = tpu.memref_squeeze %dma_wait3A_2183 : memref<1x128x128xf32, #tpu.memory_space<vmem>> -> memref<128x128xf32, #tpu.memory_space<vmem>>
      tpu.wait_dma2 semaphore(%arg22 : memref<!tpu.dma_semaphore, #tpu.memory_space<semaphore_mem>>) src(%dma_wait3A_2184 : memref<128x128xf32, #tpu.memory_space<vmem>>) dst(%dma_wait3A_2180 : memref<128x128xf32, #tpu.memory_space<hbm>>)
      %add3A_2185 = arith.constant 5 : i32
      %add3A_2186 = arith.addi %mul3A_1684, %add3A_2185 : i32
      %dma_wait3A_2187 = arith.constant 0 : i32
      %dma_wait3A_2188 = arith.constant 1 : i32
      %dma_wait3A_2189 = arith.constant 0 : i32
      %dma_wait3A_2190 = arith.constant 0 : i32
      %dma_wait3A_2191 = tpu.memref_slice %arg5[%dma_wait3A_2188, %dma_wait3A_2189, %dma_wait3A_2190] : memref<7x1x128xi32, #tpu.memory_space<vmem>> -> memref<1x1x128xi32, #tpu.memory_space<vmem>>
      %dma_wait3A_2192 = tpu.memref_squeeze %dma_wait3A_2191 : memref<1x1x128xi32, #tpu.memory_space<vmem>> -> memref<1x128xi32, #tpu.memory_space<vmem>>
      %dma_wait3A_2193 = arith.constant 0 : i32
      %dma_wait3A_2194 = arith.constant 0 : i32
      %dma_wait3A_2195 = tpu.memref_slice %arg2[%dma_wait3A_2187, %dma_wait3A_2193, %dma_wait3A_2194] : memref<32x200x128xi32, #tpu.memory_space<hbm>> -> memref<1x1x128xi32, #tpu.memory_space<hbm>>
      %dma_wait3A_2196 = tpu.memref_squeeze %dma_wait3A_2195 : memref<1x1x128xi32, #tpu.memory_space<hbm>> -> memref<1x128xi32, #tpu.memory_space<hbm>>
      %dma_wait3A_2197 = arith.constant 0 : i32
      %dma_wait3A_2198 = arith.constant 0 : i32
      %dma_wait3A_2199 = tpu.memref_slice %arg5[%dma_wait3A_2188, %dma_wait3A_2197, %dma_wait3A_2198] : memref<7x1x128xi32, #tpu.memory_space<vmem>> -> memref<1x1x128xi32, #tpu.memory_space<vmem>>
      %dma_wait3A_2200 = tpu.memref_squeeze %dma_wait3A_2199 : memref<1x1x128xi32, #tpu.memory_space<vmem>> -> memref<1x128xi32, #tpu.memory_space<vmem>>
      %dma_wait3A_2201 = arith.constant 0 : i32
      %dma_wait3A_2202 = arith.constant 0 : i32
      %dma_wait3A_2203 = tpu.memref_slice %arg2[%dma_wait3A_2187, %dma_wait3A_2201, %dma_wait3A_2202] : memref<32x200x128xi32, #tpu.memory_space<hbm>> -> memref<1x1x128xi32, #tpu.memory_space<hbm>>
      %dma_wait3A_2204 = tpu.memref_squeeze %dma_wait3A_2203 : memref<1x1x128xi32, #tpu.memory_space<hbm>> -> memref<1x128xi32, #tpu.memory_space<hbm>>
      tpu.wait_dma2 semaphore(%arg8 : memref<!tpu.dma_semaphore, #tpu.memory_space<semaphore_mem>>) src(%dma_wait3A_2204 : memref<1x128xi32, #tpu.memory_space<hbm>>) dst(%dma_wait3A_2200 : memref<1x128xi32, #tpu.memory_space<vmem>>)
      %dma_wait3A_2205 = arith.constant 5 : i32
      %dma_wait3A_2206 = arith.constant 0 : i32
      %dma_wait3A_2207 = arith.constant 0 : i32
      %dma_wait3A_2208 = tpu.memref_slice %arg6[%dma_wait3A_2205, %dma_wait3A_2206, %dma_wait3A_2207] : memref<7x128x128xf32, #tpu.memory_space<vmem>> -> memref<1x128x128xf32, #tpu.memory_space<vmem>>
      %dma_wait3A_2209 = tpu.memref_squeeze %dma_wait3A_2208 : memref<1x128x128xf32, #tpu.memory_space<vmem>> -> memref<128x128xf32, #tpu.memory_space<vmem>>
      %dma_wait3A_2210 = arith.constant 0 : i32
      %dma_wait3A_2211 = arith.constant 0 : i32
      %dma_wait3A_2212 = tpu.memref_slice %arg3[%dma_wait3A_2210, %dma_wait3A_2211] : memref<100000x128xf32, #tpu.memory_space<hbm>> -> memref<128x128xf32, #tpu.memory_space<hbm>>
      %dma_wait3A_2213 = arith.constant 0 : i32
      %dma_wait3A_2214 = arith.constant 0 : i32
      %dma_wait3A_2215 = tpu.memref_slice %arg6[%dma_wait3A_2205, %dma_wait3A_2213, %dma_wait3A_2214] : memref<7x128x128xf32, #tpu.memory_space<vmem>> -> memref<1x128x128xf32, #tpu.memory_space<vmem>>
      %dma_wait3A_2216 = tpu.memref_squeeze %dma_wait3A_2215 : memref<1x128x128xf32, #tpu.memory_space<vmem>> -> memref<128x128xf32, #tpu.memory_space<vmem>>
      %dma_wait3A_2217 = arith.constant 0 : i32
      %dma_wait3A_2218 = arith.constant 0 : i32
      %dma_wait3A_2219 = tpu.memref_slice %arg3[%dma_wait3A_2217, %dma_wait3A_2218] : memref<100000x128xf32, #tpu.memory_space<hbm>> -> memref<128x128xf32, #tpu.memory_space<hbm>>
      tpu.wait_dma2 semaphore(%arg19 : memref<!tpu.dma_semaphore, #tpu.memory_space<semaphore_mem>>) src(%dma_wait3A_2219 : memref<128x128xf32, #tpu.memory_space<hbm>>) dst(%dma_wait3A_2216 : memref<128x128xf32, #tpu.memory_space<vmem>>)
      %mul3A_2220 = arith.constant 128 : i32
      %mul3A_2221 = arith.muli %add3A_2186, %mul3A_2220 : i32
      %add3A_2222 = arith.addi %mul3A_2, %mul3A_2221 : i32
      %dma_start3A_2223 = arith.constant 5 : i32
      %dma_start3A_2224 = arith.constant 0 : i32
      %dma_start3A_2225 = arith.constant 0 : i32
      %dma_start3A_2226 = tpu.memref_slice %arg6[%dma_start3A_2223, %dma_start3A_2224, %dma_start3A_2225] : memref<7x128x128xf32, #tpu.memory_space<vmem>> -> memref<1x128x128xf32, #tpu.memory_space<vmem>>
      %dma_start3A_2227 = tpu.memref_squeeze %dma_start3A_2226 : memref<1x128x128xf32, #tpu.memory_space<vmem>> -> memref<128x128xf32, #tpu.memory_space<vmem>>
      %dma_start3A_2228 = arith.constant 0 : i32
      %dma_start3A_2229 = tpu.memref_slice %arg4[%add3A_2222, %dma_start3A_2228] : memref<819200x128xf32, #tpu.memory_space<hbm>> -> memref<128x128xf32, #tpu.memory_space<hbm>>
      %dma_start3A_2230 = arith.constant 0 : i32
      %dma_start3A_2231 = tpu.memref_slice %arg4[%add3A_2222, %dma_start3A_2230] : memref<819200x128xf32, #tpu.memory_space<hbm>> -> memref<128x128xf32, #tpu.memory_space<hbm>>
      %dma_start3A_2232 = arith.constant 0 : i32
      %dma_start3A_2233 = arith.constant 0 : i32
      %dma_start3A_2234 = tpu.memref_slice %arg6[%dma_start3A_2223, %dma_start3A_2232, %dma_start3A_2233] : memref<7x128x128xf32, #tpu.memory_space<vmem>> -> memref<1x128x128xf32, #tpu.memory_space<vmem>>
      %dma_start3A_2235 = tpu.memref_squeeze %dma_start3A_2234 : memref<1x128x128xf32, #tpu.memory_space<vmem>> -> memref<128x128xf32, #tpu.memory_space<vmem>>
      tpu.enqueue_dma source(%dma_start3A_2235 : memref<128x128xf32, #tpu.memory_space<vmem>>) target(%dma_start3A_2231 : memref<128x128xf32, #tpu.memory_space<hbm>>) target_semaphore(%arg26 : memref<!tpu.dma_semaphore, #tpu.memory_space<semaphore_mem>>)
      %add3A_2236 = arith.constant 3 : i32
      %add3A_2237 = arith.addi %add3A_2186, %add3A_2236 : i32
      %dma_start3A_2238 = arith.constant 1 : i32
      %dma_start3A_2239 = arith.constant 0 : i32
      %dma_start3A_2240 = arith.constant 1 : i32
      %dma_start3A_2241 = arith.constant 0 : i32
      %dma_start3A_2242 = arith.constant 0 : i32
      %dma_start3A_2243 = tpu.memref_slice %arg6[%dma_start3A_2240, %dma_start3A_2241, %dma_start3A_2242] : memref<7x128x128xf32, #tpu.memory_space<vmem>> -> memref<1x128x128xf32, #tpu.memory_space<vmem>>
      %dma_start3A_2244 = tpu.memref_squeeze %dma_start3A_2243 : memref<1x128x128xf32, #tpu.memory_space<vmem>> -> memref<128x128xf32, #tpu.memory_space<vmem>>
      %dma_start3A_2245 = arith.constant 0 : i32
      %dma_start3A_2246 = tpu.memref_slice %arg5[%dma_start3A_2238, %dma_start3A_2239, %dma_start3A_2245] : memref<7x1x128xi32, #tpu.memory_space<vmem>> -> memref<1x1x128xi32, #tpu.memory_space<vmem>>
      %dma_start3A_2247 = tpu.memref_squeeze %dma_start3A_2246 : memref<1x1x128xi32, #tpu.memory_space<vmem>> -> memref<128xi32, #tpu.memory_space<vmem>>
      %dma_start3A_2248 = arith.constant 0 : i32
      %dma_start3A_2249 = arith.constant 0 : i32
      %dma_start3A_2250 = tpu.memref_slice %arg3[%dma_start3A_2248, %dma_start3A_2249] : memref<100000x128xf32, #tpu.memory_space<hbm>> -> memref<100000x128xf32, #tpu.memory_space<hbm>>
      tpu.enqueue_indirect_dma source(%dma_start3A_2250 : memref<100000x128xf32, #tpu.memory_space<hbm>>) target(%dma_start3A_2244 : memref<128x128xf32, #tpu.memory_space<vmem>>) offsets(%dma_start3A_2247 : memref<128xi32, #tpu.memory_space<vmem>>) semaphore(%arg15 : memref<!tpu.dma_semaphore, #tpu.memory_space<semaphore_mem>>)
      %add3A_2251 = arith.constant 4 : i32
      %add3A_2252 = arith.addi %add3A_2186, %add3A_2251 : i32
      %mul3A_2253 = arith.constant 1 : i32
      %mul3A_2254 = arith.muli %add3A_2252, %mul3A_2253 : i32
      %dma_start3A_2255 = arith.constant 2 : i32
      %dma_start3A_2256 = arith.constant 0 : i32
      %dma_start3A_2257 = arith.constant 0 : i32
      %dma_start3A_2258 = tpu.memref_slice %arg5[%dma_start3A_2255, %dma_start3A_2256, %dma_start3A_2257] : memref<7x1x128xi32, #tpu.memory_space<vmem>> -> memref<1x1x128xi32, #tpu.memory_space<vmem>>
      %dma_start3A_2259 = tpu.memref_squeeze %dma_start3A_2258 : memref<1x1x128xi32, #tpu.memory_space<vmem>> -> memref<1x128xi32, #tpu.memory_space<vmem>>
      %dma_start3A_2260 = arith.constant 0 : i32
      %dma_start3A_2261 = tpu.memref_slice %arg2[%add3A, %mul3A_2254, %dma_start3A_2260] : memref<32x200x128xi32, #tpu.memory_space<hbm>> -> memref<1x1x128xi32, #tpu.memory_space<hbm>>
      %dma_start3A_2262 = tpu.memref_squeeze %dma_start3A_2261 : memref<1x1x128xi32, #tpu.memory_space<hbm>> -> memref<1x128xi32, #tpu.memory_space<hbm>>
      %dma_start3A_2263 = arith.constant 0 : i32
      %dma_start3A_2264 = arith.constant 0 : i32
      %dma_start3A_2265 = tpu.memref_slice %arg5[%dma_start3A_2255, %dma_start3A_2263, %dma_start3A_2264] : memref<7x1x128xi32, #tpu.memory_space<vmem>> -> memref<1x1x128xi32, #tpu.memory_space<vmem>>
      %dma_start3A_2266 = tpu.memref_squeeze %dma_start3A_2265 : memref<1x1x128xi32, #tpu.memory_space<vmem>> -> memref<1x128xi32, #tpu.memory_space<vmem>>
      %dma_start3A_2267 = arith.constant 0 : i32
      %dma_start3A_2268 = tpu.memref_slice %arg2[%add3A, %mul3A_2254, %dma_start3A_2267] : memref<32x200x128xi32, #tpu.memory_space<hbm>> -> memref<1x1x128xi32, #tpu.memory_space<hbm>>
      %dma_start3A_2269 = tpu.memref_squeeze %dma_start3A_2268 : memref<1x1x128xi32, #tpu.memory_space<hbm>> -> memref<1x128xi32, #tpu.memory_space<hbm>>
      tpu.enqueue_dma source(%dma_start3A_2269 : memref<1x128xi32, #tpu.memory_space<hbm>>) target(%dma_start3A_2266 : memref<1x128xi32, #tpu.memory_space<vmem>>) target_semaphore(%arg9 : memref<!tpu.dma_semaphore, #tpu.memory_space<semaphore_mem>>)
      %dma_wait3A_2270 = arith.constant 2 : i32
      %dma_wait3A_2271 = arith.constant 0 : i32
      %dma_wait3A_2272 = arith.constant 0 : i32
      %dma_wait3A_2273 = tpu.memref_slice %arg6[%dma_wait3A_2270, %dma_wait3A_2271, %dma_wait3A_2272] : memref<7x128x128xf32, #tpu.memory_space<vmem>> -> memref<1x128x128xf32, #tpu.memory_space<vmem>>
      %dma_wait3A_2274 = tpu.memref_squeeze %dma_wait3A_2273 : memref<1x128x128xf32, #tpu.memory_space<vmem>> -> memref<128x128xf32, #tpu.memory_space<vmem>>
      %dma_wait3A_2275 = arith.constant 0 : i32
      %dma_wait3A_2276 = arith.constant 0 : i32
      %dma_wait3A_2277 = tpu.memref_slice %arg4[%dma_wait3A_2275, %dma_wait3A_2276] : memref<819200x128xf32, #tpu.memory_space<hbm>> -> memref<128x128xf32, #tpu.memory_space<hbm>>
      %dma_wait3A_2278 = arith.constant 0 : i32
      %dma_wait3A_2279 = arith.constant 0 : i32
      %dma_wait3A_2280 = tpu.memref_slice %arg4[%dma_wait3A_2278, %dma_wait3A_2279] : memref<819200x128xf32, #tpu.memory_space<hbm>> -> memref<128x128xf32, #tpu.memory_space<hbm>>
      %dma_wait3A_2281 = arith.constant 0 : i32
      %dma_wait3A_2282 = arith.constant 0 : i32
      %dma_wait3A_2283 = tpu.memref_slice %arg6[%dma_wait3A_2270, %dma_wait3A_2281, %dma_wait3A_2282] : memref<7x128x128xf32, #tpu.memory_space<vmem>> -> memref<1x128x128xf32, #tpu.memory_space<vmem>>
      %dma_wait3A_2284 = tpu.memref_squeeze %dma_wait3A_2283 : memref<1x128x128xf32, #tpu.memory_space<vmem>> -> memref<128x128xf32, #tpu.memory_space<vmem>>
      tpu.wait_dma2 semaphore(%arg23 : memref<!tpu.dma_semaphore, #tpu.memory_space<semaphore_mem>>) src(%dma_wait3A_2284 : memref<128x128xf32, #tpu.memory_space<vmem>>) dst(%dma_wait3A_2280 : memref<128x128xf32, #tpu.memory_space<hbm>>)
      %add3A_2285 = arith.constant 6 : i32
      %add3A_2286 = arith.addi %mul3A_1684, %add3A_2285 : i32
      %dma_wait3A_2287 = arith.constant 0 : i32
      %dma_wait3A_2288 = arith.constant 2 : i32
      %dma_wait3A_2289 = arith.constant 0 : i32
      %dma_wait3A_2290 = arith.constant 0 : i32
      %dma_wait3A_2291 = tpu.memref_slice %arg5[%dma_wait3A_2288, %dma_wait3A_2289, %dma_wait3A_2290] : memref<7x1x128xi32, #tpu.memory_space<vmem>> -> memref<1x1x128xi32, #tpu.memory_space<vmem>>
      %dma_wait3A_2292 = tpu.memref_squeeze %dma_wait3A_2291 : memref<1x1x128xi32, #tpu.memory_space<vmem>> -> memref<1x128xi32, #tpu.memory_space<vmem>>
      %dma_wait3A_2293 = arith.constant 0 : i32
      %dma_wait3A_2294 = arith.constant 0 : i32
      %dma_wait3A_2295 = tpu.memref_slice %arg2[%dma_wait3A_2287, %dma_wait3A_2293, %dma_wait3A_2294] : memref<32x200x128xi32, #tpu.memory_space<hbm>> -> memref<1x1x128xi32, #tpu.memory_space<hbm>>
      %dma_wait3A_2296 = tpu.memref_squeeze %dma_wait3A_2295 : memref<1x1x128xi32, #tpu.memory_space<hbm>> -> memref<1x128xi32, #tpu.memory_space<hbm>>
      %dma_wait3A_2297 = arith.constant 0 : i32
      %dma_wait3A_2298 = arith.constant 0 : i32
      %dma_wait3A_2299 = tpu.memref_slice %arg5[%dma_wait3A_2288, %dma_wait3A_2297, %dma_wait3A_2298] : memref<7x1x128xi32, #tpu.memory_space<vmem>> -> memref<1x1x128xi32, #tpu.memory_space<vmem>>
      %dma_wait3A_2300 = tpu.memref_squeeze %dma_wait3A_2299 : memref<1x1x128xi32, #tpu.memory_space<vmem>> -> memref<1x128xi32, #tpu.memory_space<vmem>>
      %dma_wait3A_2301 = arith.constant 0 : i32
      %dma_wait3A_2302 = arith.constant 0 : i32
      %dma_wait3A_2303 = tpu.memref_slice %arg2[%dma_wait3A_2287, %dma_wait3A_2301, %dma_wait3A_2302] : memref<32x200x128xi32, #tpu.memory_space<hbm>> -> memref<1x1x128xi32, #tpu.memory_space<hbm>>
      %dma_wait3A_2304 = tpu.memref_squeeze %dma_wait3A_2303 : memref<1x1x128xi32, #tpu.memory_space<hbm>> -> memref<1x128xi32, #tpu.memory_space<hbm>>
      tpu.wait_dma2 semaphore(%arg9 : memref<!tpu.dma_semaphore, #tpu.memory_space<semaphore_mem>>) src(%dma_wait3A_2304 : memref<1x128xi32, #tpu.memory_space<hbm>>) dst(%dma_wait3A_2300 : memref<1x128xi32, #tpu.memory_space<vmem>>)
      %dma_wait3A_2305 = arith.constant 6 : i32
      %dma_wait3A_2306 = arith.constant 0 : i32
      %dma_wait3A_2307 = arith.constant 0 : i32
      %dma_wait3A_2308 = tpu.memref_slice %arg6[%dma_wait3A_2305, %dma_wait3A_2306, %dma_wait3A_2307] : memref<7x128x128xf32, #tpu.memory_space<vmem>> -> memref<1x128x128xf32, #tpu.memory_space<vmem>>
      %dma_wait3A_2309 = tpu.memref_squeeze %dma_wait3A_2308 : memref<1x128x128xf32, #tpu.memory_space<vmem>> -> memref<128x128xf32, #tpu.memory_space<vmem>>
      %dma_wait3A_2310 = arith.constant 0 : i32
      %dma_wait3A_2311 = arith.constant 0 : i32
      %dma_wait3A_2312 = tpu.memref_slice %arg3[%dma_wait3A_2310, %dma_wait3A_2311] : memref<100000x128xf32, #tpu.memory_space<hbm>> -> memref<128x128xf32, #tpu.memory_space<hbm>>
      %dma_wait3A_2313 = arith.constant 0 : i32
      %dma_wait3A_2314 = arith.constant 0 : i32
      %dma_wait3A_2315 = tpu.memref_slice %arg6[%dma_wait3A_2305, %dma_wait3A_2313, %dma_wait3A_2314] : memref<7x128x128xf32, #tpu.memory_space<vmem>> -> memref<1x128x128xf32, #tpu.memory_space<vmem>>
      %dma_wait3A_2316 = tpu.memref_squeeze %dma_wait3A_2315 : memref<1x128x128xf32, #tpu.memory_space<vmem>> -> memref<128x128xf32, #tpu.memory_space<vmem>>
      %dma_wait3A_2317 = arith.constant 0 : i32
      %dma_wait3A_2318 = arith.constant 0 : i32
      %dma_wait3A_2319 = tpu.memref_slice %arg3[%dma_wait3A_2317, %dma_wait3A_2318] : memref<100000x128xf32, #tpu.memory_space<hbm>> -> memref<128x128xf32, #tpu.memory_space<hbm>>
      tpu.wait_dma2 semaphore(%arg20 : memref<!tpu.dma_semaphore, #tpu.memory_space<semaphore_mem>>) src(%dma_wait3A_2319 : memref<128x128xf32, #tpu.memory_space<hbm>>) dst(%dma_wait3A_2316 : memref<128x128xf32, #tpu.memory_space<vmem>>)
      %mul3A_2320 = arith.constant 128 : i32
      %mul3A_2321 = arith.muli %add3A_2286, %mul3A_2320 : i32
      %add3A_2322 = arith.addi %mul3A_2, %mul3A_2321 : i32
      %dma_start3A_2323 = arith.constant 6 : i32
      %dma_start3A_2324 = arith.constant 0 : i32
      %dma_start3A_2325 = arith.constant 0 : i32
      %dma_start3A_2326 = tpu.memref_slice %arg6[%dma_start3A_2323, %dma_start3A_2324, %dma_start3A_2325] : memref<7x128x128xf32, #tpu.memory_space<vmem>> -> memref<1x128x128xf32, #tpu.memory_space<vmem>>
      %dma_start3A_2327 = tpu.memref_squeeze %dma_start3A_2326 : memref<1x128x128xf32, #tpu.memory_space<vmem>> -> memref<128x128xf32, #tpu.memory_space<vmem>>
      %dma_start3A_2328 = arith.constant 0 : i32
      %dma_start3A_2329 = tpu.memref_slice %arg4[%add3A_2322, %dma_start3A_2328] : memref<819200x128xf32, #tpu.memory_space<hbm>> -> memref<128x128xf32, #tpu.memory_space<hbm>>
      %dma_start3A_2330 = arith.constant 0 : i32
      %dma_start3A_2331 = tpu.memref_slice %arg4[%add3A_2322, %dma_start3A_2330] : memref<819200x128xf32, #tpu.memory_space<hbm>> -> memref<128x128xf32, #tpu.memory_space<hbm>>
      %dma_start3A_2332 = arith.constant 0 : i32
      %dma_start3A_2333 = arith.constant 0 : i32
      %dma_start3A_2334 = tpu.memref_slice %arg6[%dma_start3A_2323, %dma_start3A_2332, %dma_start3A_2333] : memref<7x128x128xf32, #tpu.memory_space<vmem>> -> memref<1x128x128xf32, #tpu.memory_space<vmem>>
      %dma_start3A_2335 = tpu.memref_squeeze %dma_start3A_2334 : memref<1x128x128xf32, #tpu.memory_space<vmem>> -> memref<128x128xf32, #tpu.memory_space<vmem>>
      tpu.enqueue_dma source(%dma_start3A_2335 : memref<128x128xf32, #tpu.memory_space<vmem>>) target(%dma_start3A_2331 : memref<128x128xf32, #tpu.memory_space<hbm>>) target_semaphore(%arg27 : memref<!tpu.dma_semaphore, #tpu.memory_space<semaphore_mem>>)
      %add3A_2336 = arith.constant 3 : i32
      %add3A_2337 = arith.addi %add3A_2286, %add3A_2336 : i32
      %dma_start3A_2338 = arith.constant 2 : i32
      %dma_start3A_2339 = arith.constant 0 : i32
      %dma_start3A_2340 = arith.constant 2 : i32
      %dma_start3A_2341 = arith.constant 0 : i32
      %dma_start3A_2342 = arith.constant 0 : i32
      %dma_start3A_2343 = tpu.memref_slice %arg6[%dma_start3A_2340, %dma_start3A_2341, %dma_start3A_2342] : memref<7x128x128xf32, #tpu.memory_space<vmem>> -> memref<1x128x128xf32, #tpu.memory_space<vmem>>
      %dma_start3A_2344 = tpu.memref_squeeze %dma_start3A_2343 : memref<1x128x128xf32, #tpu.memory_space<vmem>> -> memref<128x128xf32, #tpu.memory_space<vmem>>
      %dma_start3A_2345 = arith.constant 0 : i32
      %dma_start3A_2346 = tpu.memref_slice %arg5[%dma_start3A_2338, %dma_start3A_2339, %dma_start3A_2345] : memref<7x1x128xi32, #tpu.memory_space<vmem>> -> memref<1x1x128xi32, #tpu.memory_space<vmem>>
      %dma_start3A_2347 = tpu.memref_squeeze %dma_start3A_2346 : memref<1x1x128xi32, #tpu.memory_space<vmem>> -> memref<128xi32, #tpu.memory_space<vmem>>
      %dma_start3A_2348 = arith.constant 0 : i32
      %dma_start3A_2349 = arith.constant 0 : i32
      %dma_start3A_2350 = tpu.memref_slice %arg3[%dma_start3A_2348, %dma_start3A_2349] : memref<100000x128xf32, #tpu.memory_space<hbm>> -> memref<100000x128xf32, #tpu.memory_space<hbm>>
      tpu.enqueue_indirect_dma source(%dma_start3A_2350 : memref<100000x128xf32, #tpu.memory_space<hbm>>) target(%dma_start3A_2344 : memref<128x128xf32, #tpu.memory_space<vmem>>) offsets(%dma_start3A_2347 : memref<128xi32, #tpu.memory_space<vmem>>) semaphore(%arg16 : memref<!tpu.dma_semaphore, #tpu.memory_space<semaphore_mem>>)
      %add3A_2351 = arith.constant 4 : i32
      %add3A_2352 = arith.addi %add3A_2286, %add3A_2351 : i32
      %mul3A_2353 = arith.constant 1 : i32
      %mul3A_2354 = arith.muli %add3A_2352, %mul3A_2353 : i32
      %dma_start3A_2355 = arith.constant 3 : i32
      %dma_start3A_2356 = arith.constant 0 : i32
      %dma_start3A_2357 = arith.constant 0 : i32
      %dma_start3A_2358 = tpu.memref_slice %arg5[%dma_start3A_2355, %dma_start3A_2356, %dma_start3A_2357] : memref<7x1x128xi32, #tpu.memory_space<vmem>> -> memref<1x1x128xi32, #tpu.memory_space<vmem>>
      %dma_start3A_2359 = tpu.memref_squeeze %dma_start3A_2358 : memref<1x1x128xi32, #tpu.memory_space<vmem>> -> memref<1x128xi32, #tpu.memory_space<vmem>>
      %dma_start3A_2360 = arith.constant 0 : i32
      %dma_start3A_2361 = tpu.memref_slice %arg2[%add3A, %mul3A_2354, %dma_start3A_2360] : memref<32x200x128xi32, #tpu.memory_space<hbm>> -> memref<1x1x128xi32, #tpu.memory_space<hbm>>
      %dma_start3A_2362 = tpu.memref_squeeze %dma_start3A_2361 : memref<1x1x128xi32, #tpu.memory_space<hbm>> -> memref<1x128xi32, #tpu.memory_space<hbm>>
      %dma_start3A_2363 = arith.constant 0 : i32
      %dma_start3A_2364 = arith.constant 0 : i32
      %dma_start3A_2365 = tpu.memref_slice %arg5[%dma_start3A_2355, %dma_start3A_2363, %dma_start3A_2364] : memref<7x1x128xi32, #tpu.memory_space<vmem>> -> memref<1x1x128xi32, #tpu.memory_space<vmem>>
      %dma_start3A_2366 = tpu.memref_squeeze %dma_start3A_2365 : memref<1x1x128xi32, #tpu.memory_space<vmem>> -> memref<1x128xi32, #tpu.memory_space<vmem>>
      %dma_start3A_2367 = arith.constant 0 : i32
      %dma_start3A_2368 = tpu.memref_slice %arg2[%add3A, %mul3A_2354, %dma_start3A_2367] : memref<32x200x128xi32, #tpu.memory_space<hbm>> -> memref<1x1x128xi32, #tpu.memory_space<hbm>>
      %dma_start3A_2369 = tpu.memref_squeeze %dma_start3A_2368 : memref<1x1x128xi32, #tpu.memory_space<hbm>> -> memref<1x128xi32, #tpu.memory_space<hbm>>
      tpu.enqueue_dma source(%dma_start3A_2369 : memref<1x128xi32, #tpu.memory_space<hbm>>) target(%dma_start3A_2366 : memref<1x128xi32, #tpu.memory_space<vmem>>) target_semaphore(%arg10 : memref<!tpu.dma_semaphore, #tpu.memory_space<semaphore_mem>>)
      %dma_wait3A_2370 = arith.constant 3 : i32
      %dma_wait3A_2371 = arith.constant 0 : i32
      %dma_wait3A_2372 = arith.constant 0 : i32
      %dma_wait3A_2373 = tpu.memref_slice %arg6[%dma_wait3A_2370, %dma_wait3A_2371, %dma_wait3A_2372] : memref<7x128x128xf32, #tpu.memory_space<vmem>> -> memref<1x128x128xf32, #tpu.memory_space<vmem>>
      %dma_wait3A_2374 = tpu.memref_squeeze %dma_wait3A_2373 : memref<1x128x128xf32, #tpu.memory_space<vmem>> -> memref<128x128xf32, #tpu.memory_space<vmem>>
      %dma_wait3A_2375 = arith.constant 0 : i32
      %dma_wait3A_2376 = arith.constant 0 : i32
      %dma_wait3A_2377 = tpu.memref_slice %arg4[%dma_wait3A_2375, %dma_wait3A_2376] : memref<819200x128xf32, #tpu.memory_space<hbm>> -> memref<128x128xf32, #tpu.memory_space<hbm>>
      %dma_wait3A_2378 = arith.constant 0 : i32
      %dma_wait3A_2379 = arith.constant 0 : i32
      %dma_wait3A_2380 = tpu.memref_slice %arg4[%dma_wait3A_2378, %dma_wait3A_2379] : memref<819200x128xf32, #tpu.memory_space<hbm>> -> memref<128x128xf32, #tpu.memory_space<hbm>>
      %dma_wait3A_2381 = arith.constant 0 : i32
      %dma_wait3A_2382 = arith.constant 0 : i32
      %dma_wait3A_2383 = tpu.memref_slice %arg6[%dma_wait3A_2370, %dma_wait3A_2381, %dma_wait3A_2382] : memref<7x128x128xf32, #tpu.memory_space<vmem>> -> memref<1x128x128xf32, #tpu.memory_space<vmem>>
      %dma_wait3A_2384 = tpu.memref_squeeze %dma_wait3A_2383 : memref<1x128x128xf32, #tpu.memory_space<vmem>> -> memref<128x128xf32, #tpu.memory_space<vmem>>
      tpu.wait_dma2 semaphore(%arg24 : memref<!tpu.dma_semaphore, #tpu.memory_space<semaphore_mem>>) src(%dma_wait3A_2384 : memref<128x128xf32, #tpu.memory_space<vmem>>) dst(%dma_wait3A_2380 : memref<128x128xf32, #tpu.memory_space<hbm>>)
    }
    %scan3A_772 = arith.constant 26 : i32
    %dma_wait3A_773 = arith.constant 0 : i32
    %dma_wait3A_774 = arith.constant 3 : i32
    %dma_wait3A_775 = arith.constant 0 : i32
    %dma_wait3A_776 = arith.constant 0 : i32
    %dma_wait3A_777 = tpu.memref_slice %arg5[%dma_wait3A_774, %dma_wait3A_775, %dma_wait3A_776] : memref<7x1x128xi32, #tpu.memory_space<vmem>> -> memref<1x1x128xi32, #tpu.memory_space<vmem>>
    %dma_wait3A_778 = tpu.memref_squeeze %dma_wait3A_777 : memref<1x1x128xi32, #tpu.memory_space<vmem>> -> memref<1x128xi32, #tpu.memory_space<vmem>>
    %dma_wait3A_779 = arith.constant 0 : i32
    %dma_wait3A_780 = arith.constant 0 : i32
    %dma_wait3A_781 = tpu.memref_slice %arg2[%dma_wait3A_773, %dma_wait3A_779, %dma_wait3A_780] : memref<32x200x128xi32, #tpu.memory_space<hbm>> -> memref<1x1x128xi32, #tpu.memory_space<hbm>>
    %dma_wait3A_782 = tpu.memref_squeeze %dma_wait3A_781 : memref<1x1x128xi32, #tpu.memory_space<hbm>> -> memref<1x128xi32, #tpu.memory_space<hbm>>
    %dma_wait3A_783 = arith.constant 0 : i32
    %dma_wait3A_784 = arith.constant 0 : i32
    %dma_wait3A_785 = tpu.memref_slice %arg5[%dma_wait3A_774, %dma_wait3A_783, %dma_wait3A_784] : memref<7x1x128xi32, #tpu.memory_space<vmem>> -> memref<1x1x128xi32, #tpu.memory_space<vmem>>
    %dma_wait3A_786 = tpu.memref_squeeze %dma_wait3A_785 : memref<1x1x128xi32, #tpu.memory_space<vmem>> -> memref<1x128xi32, #tpu.memory_space<vmem>>
    %dma_wait3A_787 = arith.constant 0 : i32
    %dma_wait3A_788 = arith.constant 0 : i32
    %dma_wait3A_789 = tpu.memref_slice %arg2[%dma_wait3A_773, %dma_wait3A_787, %dma_wait3A_788] : memref<32x200x128xi32, #tpu.memory_space<hbm>> -> memref<1x1x128xi32, #tpu.memory_space<hbm>>
    %dma_wait3A_790 = tpu.memref_squeeze %dma_wait3A_789 : memref<1x1x128xi32, #tpu.memory_space<hbm>> -> memref<1x128xi32, #tpu.memory_space<hbm>>
    tpu.wait_dma2 semaphore(%arg10 : memref<!tpu.dma_semaphore, #tpu.memory_space<semaphore_mem>>) src(%dma_wait3A_790 : memref<1x128xi32, #tpu.memory_space<hbm>>) dst(%dma_wait3A_786 : memref<1x128xi32, #tpu.memory_space<vmem>>)
    %dma_wait3A_791 = arith.constant 0 : i32
    %dma_wait3A_792 = arith.constant 0 : i32
    %dma_wait3A_793 = arith.constant 0 : i32
    %dma_wait3A_794 = tpu.memref_slice %arg6[%dma_wait3A_791, %dma_wait3A_792, %dma_wait3A_793] : memref<7x128x128xf32, #tpu.memory_space<vmem>> -> memref<1x128x128xf32, #tpu.memory_space<vmem>>
    %dma_wait3A_795 = tpu.memref_squeeze %dma_wait3A_794 : memref<1x128x128xf32, #tpu.memory_space<vmem>> -> memref<128x128xf32, #tpu.memory_space<vmem>>
    %dma_wait3A_796 = arith.constant 0 : i32
    %dma_wait3A_797 = arith.constant 0 : i32
    %dma_wait3A_798 = tpu.memref_slice %arg3[%dma_wait3A_796, %dma_wait3A_797] : memref<100000x128xf32, #tpu.memory_space<hbm>> -> memref<128x128xf32, #tpu.memory_space<hbm>>
    %dma_wait3A_799 = arith.constant 0 : i32
    %dma_wait3A_800 = arith.constant 0 : i32
    %dma_wait3A_801 = tpu.memref_slice %arg6[%dma_wait3A_791, %dma_wait3A_799, %dma_wait3A_800] : memref<7x128x128xf32, #tpu.memory_space<vmem>> -> memref<1x128x128xf32, #tpu.memory_space<vmem>>
    %dma_wait3A_802 = tpu.memref_squeeze %dma_wait3A_801 : memref<1x128x128xf32, #tpu.memory_space<vmem>> -> memref<128x128xf32, #tpu.memory_space<vmem>>
    %dma_wait3A_803 = arith.constant 0 : i32
    %dma_wait3A_804 = arith.constant 0 : i32
    %dma_wait3A_805 = tpu.memref_slice %arg3[%dma_wait3A_803, %dma_wait3A_804] : memref<100000x128xf32, #tpu.memory_space<hbm>> -> memref<128x128xf32, #tpu.memory_space<hbm>>
    tpu.wait_dma2 semaphore(%arg14 : memref<!tpu.dma_semaphore, #tpu.memory_space<semaphore_mem>>) src(%dma_wait3A_805 : memref<128x128xf32, #tpu.memory_space<hbm>>) dst(%dma_wait3A_802 : memref<128x128xf32, #tpu.memory_space<vmem>>)
    %add3A_806 = arith.constant 24192 : i32
    %add3A_807 = arith.addi %mul3A_2, %add3A_806 : i32
    %dma_start3A_808 = arith.constant 0 : i32
    %dma_start3A_809 = arith.constant 0 : i32
    %dma_start3A_810 = arith.constant 0 : i32
    %dma_start3A_811 = tpu.memref_slice %arg6[%dma_start3A_808, %dma_start3A_809, %dma_start3A_810] : memref<7x128x128xf32, #tpu.memory_space<vmem>> -> memref<1x128x128xf32, #tpu.memory_space<vmem>>
    %dma_start3A_812 = tpu.memref_squeeze %dma_start3A_811 : memref<1x128x128xf32, #tpu.memory_space<vmem>> -> memref<128x128xf32, #tpu.memory_space<vmem>>
    %dma_start3A_813 = arith.constant 0 : i32
    %dma_start3A_814 = tpu.memref_slice %arg4[%add3A_807, %dma_start3A_813] : memref<819200x128xf32, #tpu.memory_space<hbm>> -> memref<128x128xf32, #tpu.memory_space<hbm>>
    %dma_start3A_815 = arith.constant 0 : i32
    %dma_start3A_816 = tpu.memref_slice %arg4[%add3A_807, %dma_start3A_815] : memref<819200x128xf32, #tpu.memory_space<hbm>> -> memref<128x128xf32, #tpu.memory_space<hbm>>
    %dma_start3A_817 = arith.constant 0 : i32
    %dma_start3A_818 = arith.constant 0 : i32
    %dma_start3A_819 = tpu.memref_slice %arg6[%dma_start3A_808, %dma_start3A_817, %dma_start3A_818] : memref<7x128x128xf32, #tpu.memory_space<vmem>> -> memref<1x128x128xf32, #tpu.memory_space<vmem>>
    %dma_start3A_820 = tpu.memref_squeeze %dma_start3A_819 : memref<1x128x128xf32, #tpu.memory_space<vmem>> -> memref<128x128xf32, #tpu.memory_space<vmem>>
    tpu.enqueue_dma source(%dma_start3A_820 : memref<128x128xf32, #tpu.memory_space<vmem>>) target(%dma_start3A_816 : memref<128x128xf32, #tpu.memory_space<hbm>>) target_semaphore(%arg21 : memref<!tpu.dma_semaphore, #tpu.memory_space<semaphore_mem>>)
    %dma_start3A_821 = arith.constant 3 : i32
    %dma_start3A_822 = arith.constant 0 : i32
    %dma_start3A_823 = arith.constant 3 : i32
    %dma_start3A_824 = arith.constant 0 : i32
    %dma_start3A_825 = arith.constant 0 : i32
    %dma_start3A_826 = tpu.memref_slice %arg6[%dma_start3A_823, %dma_start3A_824, %dma_start3A_825] : memref<7x128x128xf32, #tpu.memory_space<vmem>> -> memref<1x128x128xf32, #tpu.memory_space<vmem>>
    %dma_start3A_827 = tpu.memref_squeeze %dma_start3A_826 : memref<1x128x128xf32, #tpu.memory_space<vmem>> -> memref<128x128xf32, #tpu.memory_space<vmem>>
    %dma_start3A_828 = arith.constant 0 : i32
    %dma_start3A_829 = tpu.memref_slice %arg5[%dma_start3A_821, %dma_start3A_822, %dma_start3A_828] : memref<7x1x128xi32, #tpu.memory_space<vmem>> -> memref<1x1x128xi32, #tpu.memory_space<vmem>>
    %dma_start3A_830 = tpu.memref_squeeze %dma_start3A_829 : memref<1x1x128xi32, #tpu.memory_space<vmem>> -> memref<128xi32, #tpu.memory_space<vmem>>
    %dma_start3A_831 = arith.constant 0 : i32
    %dma_start3A_832 = arith.constant 0 : i32
    %dma_start3A_833 = tpu.memref_slice %arg3[%dma_start3A_831, %dma_start3A_832] : memref<100000x128xf32, #tpu.memory_space<hbm>> -> memref<100000x128xf32, #tpu.memory_space<hbm>>
    tpu.enqueue_indirect_dma source(%dma_start3A_833 : memref<100000x128xf32, #tpu.memory_space<hbm>>) target(%dma_start3A_827 : memref<128x128xf32, #tpu.memory_space<vmem>>) offsets(%dma_start3A_830 : memref<128xi32, #tpu.memory_space<vmem>>) semaphore(%arg17 : memref<!tpu.dma_semaphore, #tpu.memory_space<semaphore_mem>>)
    %dma_start3A_834 = arith.constant 4 : i32
    %dma_start3A_835 = arith.constant 0 : i32
    %dma_start3A_836 = arith.constant 0 : i32
    %dma_start3A_837 = tpu.memref_slice %arg5[%dma_start3A_834, %dma_start3A_835, %dma_start3A_836] : memref<7x1x128xi32, #tpu.memory_space<vmem>> -> memref<1x1x128xi32, #tpu.memory_space<vmem>>
    %dma_start3A_838 = tpu.memref_squeeze %dma_start3A_837 : memref<1x1x128xi32, #tpu.memory_space<vmem>> -> memref<1x128xi32, #tpu.memory_space<vmem>>
    %dma_start3A_839 = arith.constant 193 : i32
    %dma_start3A_840 = arith.constant 0 : i32
    %dma_start3A_841 = tpu.memref_slice %arg2[%add3A, %dma_start3A_839, %dma_start3A_840] : memref<32x200x128xi32, #tpu.memory_space<hbm>> -> memref<1x1x128xi32, #tpu.memory_space<hbm>>
    %dma_start3A_842 = tpu.memref_squeeze %dma_start3A_841 : memref<1x1x128xi32, #tpu.memory_space<hbm>> -> memref<1x128xi32, #tpu.memory_space<hbm>>
    %dma_start3A_843 = arith.constant 0 : i32
    %dma_start3A_844 = arith.constant 0 : i32
    %dma_start3A_845 = tpu.memref_slice %arg5[%dma_start3A_834, %dma_start3A_843, %dma_start3A_844] : memref<7x1x128xi32, #tpu.memory_space<vmem>> -> memref<1x1x128xi32, #tpu.memory_space<vmem>>
    %dma_start3A_846 = tpu.memref_squeeze %dma_start3A_845 : memref<1x1x128xi32, #tpu.memory_space<vmem>> -> memref<1x128xi32, #tpu.memory_space<vmem>>
    %dma_start3A_847 = arith.constant 193 : i32
    %dma_start3A_848 = arith.constant 0 : i32
    %dma_start3A_849 = tpu.memref_slice %arg2[%add3A, %dma_start3A_847, %dma_start3A_848] : memref<32x200x128xi32, #tpu.memory_space<hbm>> -> memref<1x1x128xi32, #tpu.memory_space<hbm>>
    %dma_start3A_850 = tpu.memref_squeeze %dma_start3A_849 : memref<1x1x128xi32, #tpu.memory_space<hbm>> -> memref<1x128xi32, #tpu.memory_space<hbm>>
    tpu.enqueue_dma source(%dma_start3A_850 : memref<1x128xi32, #tpu.memory_space<hbm>>) target(%dma_start3A_846 : memref<1x128xi32, #tpu.memory_space<vmem>>) target_semaphore(%arg11 : memref<!tpu.dma_semaphore, #tpu.memory_space<semaphore_mem>>)
    %dma_wait3A_851 = arith.constant 4 : i32
    %dma_wait3A_852 = arith.constant 0 : i32
    %dma_wait3A_853 = arith.constant 0 : i32
    %dma_wait3A_854 = tpu.memref_slice %arg6[%dma_wait3A_851, %dma_wait3A_852, %dma_wait3A_853] : memref<7x128x128xf32, #tpu.memory_space<vmem>> -> memref<1x128x128xf32, #tpu.memory_space<vmem>>
    %dma_wait3A_855 = tpu.memref_squeeze %dma_wait3A_854 : memref<1x128x128xf32, #tpu.memory_space<vmem>> -> memref<128x128xf32, #tpu.memory_space<vmem>>
    %dma_wait3A_856 = arith.constant 0 : i32
    %dma_wait3A_857 = arith.constant 0 : i32
    %dma_wait3A_858 = tpu.memref_slice %arg4[%dma_wait3A_856, %dma_wait3A_857] : memref<819200x128xf32, #tpu.memory_space<hbm>> -> memref<128x128xf32, #tpu.memory_space<hbm>>
    %dma_wait3A_859 = arith.constant 0 : i32
    %dma_wait3A_860 = arith.constant 0 : i32
    %dma_wait3A_861 = tpu.memref_slice %arg4[%dma_wait3A_859, %dma_wait3A_860] : memref<819200x128xf32, #tpu.memory_space<hbm>> -> memref<128x128xf32, #tpu.memory_space<hbm>>
    %dma_wait3A_862 = arith.constant 0 : i32
    %dma_wait3A_863 = arith.constant 0 : i32
    %dma_wait3A_864 = tpu.memref_slice %arg6[%dma_wait3A_851, %dma_wait3A_862, %dma_wait3A_863] : memref<7x128x128xf32, #tpu.memory_space<vmem>> -> memref<1x128x128xf32, #tpu.memory_space<vmem>>
    %dma_wait3A_865 = tpu.memref_squeeze %dma_wait3A_864 : memref<1x128x128xf32, #tpu.memory_space<vmem>> -> memref<128x128xf32, #tpu.memory_space<vmem>>
    tpu.wait_dma2 semaphore(%arg25 : memref<!tpu.dma_semaphore, #tpu.memory_space<semaphore_mem>>) src(%dma_wait3A_865 : memref<128x128xf32, #tpu.memory_space<vmem>>) dst(%dma_wait3A_861 : memref<128x128xf32, #tpu.memory_space<hbm>>)
    %dma_wait3A_866 = arith.constant 0 : i32
    %dma_wait3A_867 = arith.constant 4 : i32
    %dma_wait3A_868 = arith.constant 0 : i32
    %dma_wait3A_869 = arith.constant 0 : i32
    %dma_wait3A_870 = tpu.memref_slice %arg5[%dma_wait3A_867, %dma_wait3A_868, %dma_wait3A_869] : memref<7x1x128xi32, #tpu.memory_space<vmem>> -> memref<1x1x128xi32, #tpu.memory_space<vmem>>
    %dma_wait3A_871 = tpu.memref_squeeze %dma_wait3A_870 : memref<1x1x128xi32, #tpu.memory_space<vmem>> -> memref<1x128xi32, #tpu.memory_space<vmem>>
    %dma_wait3A_872 = arith.constant 0 : i32
    %dma_wait3A_873 = arith.constant 0 : i32
    %dma_wait3A_874 = tpu.memref_slice %arg2[%dma_wait3A_866, %dma_wait3A_872, %dma_wait3A_873] : memref<32x200x128xi32, #tpu.memory_space<hbm>> -> memref<1x1x128xi32, #tpu.memory_space<hbm>>
    %dma_wait3A_875 = tpu.memref_squeeze %dma_wait3A_874 : memref<1x1x128xi32, #tpu.memory_space<hbm>> -> memref<1x128xi32, #tpu.memory_space<hbm>>
    %dma_wait3A_876 = arith.constant 0 : i32
    %dma_wait3A_877 = arith.constant 0 : i32
    %dma_wait3A_878 = tpu.memref_slice %arg5[%dma_wait3A_867, %dma_wait3A_876, %dma_wait3A_877] : memref<7x1x128xi32, #tpu.memory_space<vmem>> -> memref<1x1x128xi32, #tpu.memory_space<vmem>>
    %dma_wait3A_879 = tpu.memref_squeeze %dma_wait3A_878 : memref<1x1x128xi32, #tpu.memory_space<vmem>> -> memref<1x128xi32, #tpu.memory_space<vmem>>
    %dma_wait3A_880 = arith.constant 0 : i32
    %dma_wait3A_881 = arith.constant 0 : i32
    %dma_wait3A_882 = tpu.memref_slice %arg2[%dma_wait3A_866, %dma_wait3A_880, %dma_wait3A_881] : memref<32x200x128xi32, #tpu.memory_space<hbm>> -> memref<1x1x128xi32, #tpu.memory_space<hbm>>
    %dma_wait3A_883 = tpu.memref_squeeze %dma_wait3A_882 : memref<1x1x128xi32, #tpu.memory_space<hbm>> -> memref<1x128xi32, #tpu.memory_space<hbm>>
    tpu.wait_dma2 semaphore(%arg11 : memref<!tpu.dma_semaphore, #tpu.memory_space<semaphore_mem>>) src(%dma_wait3A_883 : memref<1x128xi32, #tpu.memory_space<hbm>>) dst(%dma_wait3A_879 : memref<1x128xi32, #tpu.memory_space<vmem>>)
    %dma_wait3A_884 = arith.constant 1 : i32
    %dma_wait3A_885 = arith.constant 0 : i32
    %dma_wait3A_886 = arith.constant 0 : i32
    %dma_wait3A_887 = tpu.memref_slice %arg6[%dma_wait3A_884, %dma_wait3A_885, %dma_wait3A_886] : memref<7x128x128xf32, #tpu.memory_space<vmem>> -> memref<1x128x128xf32, #tpu.memory_space<vmem>>
    %dma_wait3A_888 = tpu.memref_squeeze %dma_wait3A_887 : memref<1x128x128xf32, #tpu.memory_space<vmem>> -> memref<128x128xf32, #tpu.memory_space<vmem>>
    %dma_wait3A_889 = arith.constant 0 : i32
    %dma_wait3A_890 = arith.constant 0 : i32
    %dma_wait3A_891 = tpu.memref_slice %arg3[%dma_wait3A_889, %dma_wait3A_890] : memref<100000x128xf32, #tpu.memory_space<hbm>> -> memref<128x128xf32, #tpu.memory_space<hbm>>
    %dma_wait3A_892 = arith.constant 0 : i32
    %dma_wait3A_893 = arith.constant 0 : i32
    %dma_wait3A_894 = tpu.memref_slice %arg6[%dma_wait3A_884, %dma_wait3A_892, %dma_wait3A_893] : memref<7x128x128xf32, #tpu.memory_space<vmem>> -> memref<1x128x128xf32, #tpu.memory_space<vmem>>
    %dma_wait3A_895 = tpu.memref_squeeze %dma_wait3A_894 : memref<1x128x128xf32, #tpu.memory_space<vmem>> -> memref<128x128xf32, #tpu.memory_space<vmem>>
    %dma_wait3A_896 = arith.constant 0 : i32
    %dma_wait3A_897 = arith.constant 0 : i32
    %dma_wait3A_898 = tpu.memref_slice %arg3[%dma_wait3A_896, %dma_wait3A_897] : memref<100000x128xf32, #tpu.memory_space<hbm>> -> memref<128x128xf32, #tpu.memory_space<hbm>>
    tpu.wait_dma2 semaphore(%arg15 : memref<!tpu.dma_semaphore, #tpu.memory_space<semaphore_mem>>) src(%dma_wait3A_898 : memref<128x128xf32, #tpu.memory_space<hbm>>) dst(%dma_wait3A_895 : memref<128x128xf32, #tpu.memory_space<vmem>>)
    %add3A_899 = arith.constant 24320 : i32
    %add3A_900 = arith.addi %mul3A_2, %add3A_899 : i32
    %dma_start3A_901 = arith.constant 1 : i32
    %dma_start3A_902 = arith.constant 0 : i32
    %dma_start3A_903 = arith.constant 0 : i32
    %dma_start3A_904 = tpu.memref_slice %arg6[%dma_start3A_901, %dma_start3A_902, %dma_start3A_903] : memref<7x128x128xf32, #tpu.memory_space<vmem>> -> memref<1x128x128xf32, #tpu.memory_space<vmem>>
    %dma_start3A_905 = tpu.memref_squeeze %dma_start3A_904 : memref<1x128x128xf32, #tpu.memory_space<vmem>> -> memref<128x128xf32, #tpu.memory_space<vmem>>
    %dma_start3A_906 = arith.constant 0 : i32
    %dma_start3A_907 = tpu.memref_slice %arg4[%add3A_900, %dma_start3A_906] : memref<819200x128xf32, #tpu.memory_space<hbm>> -> memref<128x128xf32, #tpu.memory_space<hbm>>
    %dma_start3A_908 = arith.constant 0 : i32
    %dma_start3A_909 = tpu.memref_slice %arg4[%add3A_900, %dma_start3A_908] : memref<819200x128xf32, #tpu.memory_space<hbm>> -> memref<128x128xf32, #tpu.memory_space<hbm>>
    %dma_start3A_910 = arith.constant 0 : i32
    %dma_start3A_911 = arith.constant 0 : i32
    %dma_start3A_912 = tpu.memref_slice %arg6[%dma_start3A_901, %dma_start3A_910, %dma_start3A_911] : memref<7x128x128xf32, #tpu.memory_space<vmem>> -> memref<1x128x128xf32, #tpu.memory_space<vmem>>
    %dma_start3A_913 = tpu.memref_squeeze %dma_start3A_912 : memref<1x128x128xf32, #tpu.memory_space<vmem>> -> memref<128x128xf32, #tpu.memory_space<vmem>>
    tpu.enqueue_dma source(%dma_start3A_913 : memref<128x128xf32, #tpu.memory_space<vmem>>) target(%dma_start3A_909 : memref<128x128xf32, #tpu.memory_space<hbm>>) target_semaphore(%arg22 : memref<!tpu.dma_semaphore, #tpu.memory_space<semaphore_mem>>)
    %dma_start3A_914 = arith.constant 4 : i32
    %dma_start3A_915 = arith.constant 0 : i32
    %dma_start3A_916 = arith.constant 4 : i32
    %dma_start3A_917 = arith.constant 0 : i32
    %dma_start3A_918 = arith.constant 0 : i32
    %dma_start3A_919 = tpu.memref_slice %arg6[%dma_start3A_916, %dma_start3A_917, %dma_start3A_918] : memref<7x128x128xf32, #tpu.memory_space<vmem>> -> memref<1x128x128xf32, #tpu.memory_space<vmem>>
    %dma_start3A_920 = tpu.memref_squeeze %dma_start3A_919 : memref<1x128x128xf32, #tpu.memory_space<vmem>> -> memref<128x128xf32, #tpu.memory_space<vmem>>
    %dma_start3A_921 = arith.constant 0 : i32
    %dma_start3A_922 = tpu.memref_slice %arg5[%dma_start3A_914, %dma_start3A_915, %dma_start3A_921] : memref<7x1x128xi32, #tpu.memory_space<vmem>> -> memref<1x1x128xi32, #tpu.memory_space<vmem>>
    %dma_start3A_923 = tpu.memref_squeeze %dma_start3A_922 : memref<1x1x128xi32, #tpu.memory_space<vmem>> -> memref<128xi32, #tpu.memory_space<vmem>>
    %dma_start3A_924 = arith.constant 0 : i32
    %dma_start3A_925 = arith.constant 0 : i32
    %dma_start3A_926 = tpu.memref_slice %arg3[%dma_start3A_924, %dma_start3A_925] : memref<100000x128xf32, #tpu.memory_space<hbm>> -> memref<100000x128xf32, #tpu.memory_space<hbm>>
    tpu.enqueue_indirect_dma source(%dma_start3A_926 : memref<100000x128xf32, #tpu.memory_space<hbm>>) target(%dma_start3A_920 : memref<128x128xf32, #tpu.memory_space<vmem>>) offsets(%dma_start3A_923 : memref<128xi32, #tpu.memory_space<vmem>>) semaphore(%arg18 : memref<!tpu.dma_semaphore, #tpu.memory_space<semaphore_mem>>)
    %dma_start3A_927 = arith.constant 5 : i32
    %dma_start3A_928 = arith.constant 0 : i32
    %dma_start3A_929 = arith.constant 0 : i32
    %dma_start3A_930 = tpu.memref_slice %arg5[%dma_start3A_927, %dma_start3A_928, %dma_start3A_929] : memref<7x1x128xi32, #tpu.memory_space<vmem>> -> memref<1x1x128xi32, #tpu.memory_space<vmem>>
    %dma_start3A_931 = tpu.memref_squeeze %dma_start3A_930 : memref<1x1x128xi32, #tpu.memory_space<vmem>> -> memref<1x128xi32, #tpu.memory_space<vmem>>
    %dma_start3A_932 = arith.constant 194 : i32
    %dma_start3A_933 = arith.constant 0 : i32
    %dma_start3A_934 = tpu.memref_slice %arg2[%add3A, %dma_start3A_932, %dma_start3A_933] : memref<32x200x128xi32, #tpu.memory_space<hbm>> -> memref<1x1x128xi32, #tpu.memory_space<hbm>>
    %dma_start3A_935 = tpu.memref_squeeze %dma_start3A_934 : memref<1x1x128xi32, #tpu.memory_space<hbm>> -> memref<1x128xi32, #tpu.memory_space<hbm>>
    %dma_start3A_936 = arith.constant 0 : i32
    %dma_start3A_937 = arith.constant 0 : i32
    %dma_start3A_938 = tpu.memref_slice %arg5[%dma_start3A_927, %dma_start3A_936, %dma_start3A_937] : memref<7x1x128xi32, #tpu.memory_space<vmem>> -> memref<1x1x128xi32, #tpu.memory_space<vmem>>
    %dma_start3A_939 = tpu.memref_squeeze %dma_start3A_938 : memref<1x1x128xi32, #tpu.memory_space<vmem>> -> memref<1x128xi32, #tpu.memory_space<vmem>>
    %dma_start3A_940 = arith.constant 194 : i32
    %dma_start3A_941 = arith.constant 0 : i32
    %dma_start3A_942 = tpu.memref_slice %arg2[%add3A, %dma_start3A_940, %dma_start3A_941] : memref<32x200x128xi32, #tpu.memory_space<hbm>> -> memref<1x1x128xi32, #tpu.memory_space<hbm>>
    %dma_start3A_943 = tpu.memref_squeeze %dma_start3A_942 : memref<1x1x128xi32, #tpu.memory_space<hbm>> -> memref<1x128xi32, #tpu.memory_space<hbm>>
    tpu.enqueue_dma source(%dma_start3A_943 : memref<1x128xi32, #tpu.memory_space<hbm>>) target(%dma_start3A_939 : memref<1x128xi32, #tpu.memory_space<vmem>>) target_semaphore(%arg12 : memref<!tpu.dma_semaphore, #tpu.memory_space<semaphore_mem>>)
    %dma_wait3A_944 = arith.constant 5 : i32
    %dma_wait3A_945 = arith.constant 0 : i32
    %dma_wait3A_946 = arith.constant 0 : i32
    %dma_wait3A_947 = tpu.memref_slice %arg6[%dma_wait3A_944, %dma_wait3A_945, %dma_wait3A_946] : memref<7x128x128xf32, #tpu.memory_space<vmem>> -> memref<1x128x128xf32, #tpu.memory_space<vmem>>
    %dma_wait3A_948 = tpu.memref_squeeze %dma_wait3A_947 : memref<1x128x128xf32, #tpu.memory_space<vmem>> -> memref<128x128xf32, #tpu.memory_space<vmem>>
    %dma_wait3A_949 = arith.constant 0 : i32
    %dma_wait3A_950 = arith.constant 0 : i32
    %dma_wait3A_951 = tpu.memref_slice %arg4[%dma_wait3A_949, %dma_wait3A_950] : memref<819200x128xf32, #tpu.memory_space<hbm>> -> memref<128x128xf32, #tpu.memory_space<hbm>>
    %dma_wait3A_952 = arith.constant 0 : i32
    %dma_wait3A_953 = arith.constant 0 : i32
    %dma_wait3A_954 = tpu.memref_slice %arg4[%dma_wait3A_952, %dma_wait3A_953] : memref<819200x128xf32, #tpu.memory_space<hbm>> -> memref<128x128xf32, #tpu.memory_space<hbm>>
    %dma_wait3A_955 = arith.constant 0 : i32
    %dma_wait3A_956 = arith.constant 0 : i32
    %dma_wait3A_957 = tpu.memref_slice %arg6[%dma_wait3A_944, %dma_wait3A_955, %dma_wait3A_956] : memref<7x128x128xf32, #tpu.memory_space<vmem>> -> memref<1x128x128xf32, #tpu.memory_space<vmem>>
    %dma_wait3A_958 = tpu.memref_squeeze %dma_wait3A_957 : memref<1x128x128xf32, #tpu.memory_space<vmem>> -> memref<128x128xf32, #tpu.memory_space<vmem>>
    tpu.wait_dma2 semaphore(%arg26 : memref<!tpu.dma_semaphore, #tpu.memory_space<semaphore_mem>>) src(%dma_wait3A_958 : memref<128x128xf32, #tpu.memory_space<vmem>>) dst(%dma_wait3A_954 : memref<128x128xf32, #tpu.memory_space<hbm>>)
    %dma_wait3A_959 = arith.constant 0 : i32
    %dma_wait3A_960 = arith.constant 5 : i32
    %dma_wait3A_961 = arith.constant 0 : i32
    %dma_wait3A_962 = arith.constant 0 : i32
    %dma_wait3A_963 = tpu.memref_slice %arg5[%dma_wait3A_960, %dma_wait3A_961, %dma_wait3A_962] : memref<7x1x128xi32, #tpu.memory_space<vmem>> -> memref<1x1x128xi32, #tpu.memory_space<vmem>>
    %dma_wait3A_964 = tpu.memref_squeeze %dma_wait3A_963 : memref<1x1x128xi32, #tpu.memory_space<vmem>> -> memref<1x128xi32, #tpu.memory_space<vmem>>
    %dma_wait3A_965 = arith.constant 0 : i32
    %dma_wait3A_966 = arith.constant 0 : i32
    %dma_wait3A_967 = tpu.memref_slice %arg2[%dma_wait3A_959, %dma_wait3A_965, %dma_wait3A_966] : memref<32x200x128xi32, #tpu.memory_space<hbm>> -> memref<1x1x128xi32, #tpu.memory_space<hbm>>
    %dma_wait3A_968 = tpu.memref_squeeze %dma_wait3A_967 : memref<1x1x128xi32, #tpu.memory_space<hbm>> -> memref<1x128xi32, #tpu.memory_space<hbm>>
    %dma_wait3A_969 = arith.constant 0 : i32
    %dma_wait3A_970 = arith.constant 0 : i32
    %dma_wait3A_971 = tpu.memref_slice %arg5[%dma_wait3A_960, %dma_wait3A_969, %dma_wait3A_970] : memref<7x1x128xi32, #tpu.memory_space<vmem>> -> memref<1x1x128xi32, #tpu.memory_space<vmem>>
    %dma_wait3A_972 = tpu.memref_squeeze %dma_wait3A_971 : memref<1x1x128xi32, #tpu.memory_space<vmem>> -> memref<1x128xi32, #tpu.memory_space<vmem>>
    %dma_wait3A_973 = arith.constant 0 : i32
    %dma_wait3A_974 = arith.constant 0 : i32
    %dma_wait3A_975 = tpu.memref_slice %arg2[%dma_wait3A_959, %dma_wait3A_973, %dma_wait3A_974] : memref<32x200x128xi32, #tpu.memory_space<hbm>> -> memref<1x1x128xi32, #tpu.memory_space<hbm>>
    %dma_wait3A_976 = tpu.memref_squeeze %dma_wait3A_975 : memref<1x1x128xi32, #tpu.memory_space<hbm>> -> memref<1x128xi32, #tpu.memory_space<hbm>>
    tpu.wait_dma2 semaphore(%arg12 : memref<!tpu.dma_semaphore, #tpu.memory_space<semaphore_mem>>) src(%dma_wait3A_976 : memref<1x128xi32, #tpu.memory_space<hbm>>) dst(%dma_wait3A_972 : memref<1x128xi32, #tpu.memory_space<vmem>>)
    %dma_wait3A_977 = arith.constant 2 : i32
    %dma_wait3A_978 = arith.constant 0 : i32
    %dma_wait3A_979 = arith.constant 0 : i32
    %dma_wait3A_980 = tpu.memref_slice %arg6[%dma_wait3A_977, %dma_wait3A_978, %dma_wait3A_979] : memref<7x128x128xf32, #tpu.memory_space<vmem>> -> memref<1x128x128xf32, #tpu.memory_space<vmem>>
    %dma_wait3A_981 = tpu.memref_squeeze %dma_wait3A_980 : memref<1x128x128xf32, #tpu.memory_space<vmem>> -> memref<128x128xf32, #tpu.memory_space<vmem>>
    %dma_wait3A_982 = arith.constant 0 : i32
    %dma_wait3A_983 = arith.constant 0 : i32
    %dma_wait3A_984 = tpu.memref_slice %arg3[%dma_wait3A_982, %dma_wait3A_983] : memref<100000x128xf32, #tpu.memory_space<hbm>> -> memref<128x128xf32, #tpu.memory_space<hbm>>
    %dma_wait3A_985 = arith.constant 0 : i32
    %dma_wait3A_986 = arith.constant 0 : i32
    %dma_wait3A_987 = tpu.memref_slice %arg6[%dma_wait3A_977, %dma_wait3A_985, %dma_wait3A_986] : memref<7x128x128xf32, #tpu.memory_space<vmem>> -> memref<1x128x128xf32, #tpu.memory_space<vmem>>
    %dma_wait3A_988 = tpu.memref_squeeze %dma_wait3A_987 : memref<1x128x128xf32, #tpu.memory_space<vmem>> -> memref<128x128xf32, #tpu.memory_space<vmem>>
    %dma_wait3A_989 = arith.constant 0 : i32
    %dma_wait3A_990 = arith.constant 0 : i32
    %dma_wait3A_991 = tpu.memref_slice %arg3[%dma_wait3A_989, %dma_wait3A_990] : memref<100000x128xf32, #tpu.memory_space<hbm>> -> memref<128x128xf32, #tpu.memory_space<hbm>>
    tpu.wait_dma2 semaphore(%arg16 : memref<!tpu.dma_semaphore, #tpu.memory_space<semaphore_mem>>) src(%dma_wait3A_991 : memref<128x128xf32, #tpu.memory_space<hbm>>) dst(%dma_wait3A_988 : memref<128x128xf32, #tpu.memory_space<vmem>>)
    %add3A_992 = arith.constant 24448 : i32
    %add3A_993 = arith.addi %mul3A_2, %add3A_992 : i32
    %dma_start3A_994 = arith.constant 2 : i32
    %dma_start3A_995 = arith.constant 0 : i32
    %dma_start3A_996 = arith.constant 0 : i32
    %dma_start3A_997 = tpu.memref_slice %arg6[%dma_start3A_994, %dma_start3A_995, %dma_start3A_996] : memref<7x128x128xf32, #tpu.memory_space<vmem>> -> memref<1x128x128xf32, #tpu.memory_space<vmem>>
    %dma_start3A_998 = tpu.memref_squeeze %dma_start3A_997 : memref<1x128x128xf32, #tpu.memory_space<vmem>> -> memref<128x128xf32, #tpu.memory_space<vmem>>
    %dma_start3A_999 = arith.constant 0 : i32
    %dma_start3A_1000 = tpu.memref_slice %arg4[%add3A_993, %dma_start3A_999] : memref<819200x128xf32, #tpu.memory_space<hbm>> -> memref<128x128xf32, #tpu.memory_space<hbm>>
    %dma_start3A_1001 = arith.constant 0 : i32
    %dma_start3A_1002 = tpu.memref_slice %arg4[%add3A_993, %dma_start3A_1001] : memref<819200x128xf32, #tpu.memory_space<hbm>> -> memref<128x128xf32, #tpu.memory_space<hbm>>
    %dma_start3A_1003 = arith.constant 0 : i32
    %dma_start3A_1004 = arith.constant 0 : i32
    %dma_start3A_1005 = tpu.memref_slice %arg6[%dma_start3A_994, %dma_start3A_1003, %dma_start3A_1004] : memref<7x128x128xf32, #tpu.memory_space<vmem>> -> memref<1x128x128xf32, #tpu.memory_space<vmem>>
    %dma_start3A_1006 = tpu.memref_squeeze %dma_start3A_1005 : memref<1x128x128xf32, #tpu.memory_space<vmem>> -> memref<128x128xf32, #tpu.memory_space<vmem>>
    tpu.enqueue_dma source(%dma_start3A_1006 : memref<128x128xf32, #tpu.memory_space<vmem>>) target(%dma_start3A_1002 : memref<128x128xf32, #tpu.memory_space<hbm>>) target_semaphore(%arg23 : memref<!tpu.dma_semaphore, #tpu.memory_space<semaphore_mem>>)
    %dma_start3A_1007 = arith.constant 5 : i32
    %dma_start3A_1008 = arith.constant 0 : i32
    %dma_start3A_1009 = arith.constant 5 : i32
    %dma_start3A_1010 = arith.constant 0 : i32
    %dma_start3A_1011 = arith.constant 0 : i32
    %dma_start3A_1012 = tpu.memref_slice %arg6[%dma_start3A_1009, %dma_start3A_1010, %dma_start3A_1011] : memref<7x128x128xf32, #tpu.memory_space<vmem>> -> memref<1x128x128xf32, #tpu.memory_space<vmem>>
    %dma_start3A_1013 = tpu.memref_squeeze %dma_start3A_1012 : memref<1x128x128xf32, #tpu.memory_space<vmem>> -> memref<128x128xf32, #tpu.memory_space<vmem>>
    %dma_start3A_1014 = arith.constant 0 : i32
    %dma_start3A_1015 = tpu.memref_slice %arg5[%dma_start3A_1007, %dma_start3A_1008, %dma_start3A_1014] : memref<7x1x128xi32, #tpu.memory_space<vmem>> -> memref<1x1x128xi32, #tpu.memory_space<vmem>>
    %dma_start3A_1016 = tpu.memref_squeeze %dma_start3A_1015 : memref<1x1x128xi32, #tpu.memory_space<vmem>> -> memref<128xi32, #tpu.memory_space<vmem>>
    %dma_start3A_1017 = arith.constant 0 : i32
    %dma_start3A_1018 = arith.constant 0 : i32
    %dma_start3A_1019 = tpu.memref_slice %arg3[%dma_start3A_1017, %dma_start3A_1018] : memref<100000x128xf32, #tpu.memory_space<hbm>> -> memref<100000x128xf32, #tpu.memory_space<hbm>>
    tpu.enqueue_indirect_dma source(%dma_start3A_1019 : memref<100000x128xf32, #tpu.memory_space<hbm>>) target(%dma_start3A_1013 : memref<128x128xf32, #tpu.memory_space<vmem>>) offsets(%dma_start3A_1016 : memref<128xi32, #tpu.memory_space<vmem>>) semaphore(%arg19 : memref<!tpu.dma_semaphore, #tpu.memory_space<semaphore_mem>>)
    %dma_start3A_1020 = arith.constant 6 : i32
    %dma_start3A_1021 = arith.constant 0 : i32
    %dma_start3A_1022 = arith.constant 0 : i32
    %dma_start3A_1023 = tpu.memref_slice %arg5[%dma_start3A_1020, %dma_start3A_1021, %dma_start3A_1022] : memref<7x1x128xi32, #tpu.memory_space<vmem>> -> memref<1x1x128xi32, #tpu.memory_space<vmem>>
    %dma_start3A_1024 = tpu.memref_squeeze %dma_start3A_1023 : memref<1x1x128xi32, #tpu.memory_space<vmem>> -> memref<1x128xi32, #tpu.memory_space<vmem>>
    %dma_start3A_1025 = arith.constant 195 : i32
    %dma_start3A_1026 = arith.constant 0 : i32
    %dma_start3A_1027 = tpu.memref_slice %arg2[%add3A, %dma_start3A_1025, %dma_start3A_1026] : memref<32x200x128xi32, #tpu.memory_space<hbm>> -> memref<1x1x128xi32, #tpu.memory_space<hbm>>
    %dma_start3A_1028 = tpu.memref_squeeze %dma_start3A_1027 : memref<1x1x128xi32, #tpu.memory_space<hbm>> -> memref<1x128xi32, #tpu.memory_space<hbm>>
    %dma_start3A_1029 = arith.constant 0 : i32
    %dma_start3A_1030 = arith.constant 0 : i32
    %dma_start3A_1031 = tpu.memref_slice %arg5[%dma_start3A_1020, %dma_start3A_1029, %dma_start3A_1030] : memref<7x1x128xi32, #tpu.memory_space<vmem>> -> memref<1x1x128xi32, #tpu.memory_space<vmem>>
    %dma_start3A_1032 = tpu.memref_squeeze %dma_start3A_1031 : memref<1x1x128xi32, #tpu.memory_space<vmem>> -> memref<1x128xi32, #tpu.memory_space<vmem>>
    %dma_start3A_1033 = arith.constant 195 : i32
    %dma_start3A_1034 = arith.constant 0 : i32
    %dma_start3A_1035 = tpu.memref_slice %arg2[%add3A, %dma_start3A_1033, %dma_start3A_1034] : memref<32x200x128xi32, #tpu.memory_space<hbm>> -> memref<1x1x128xi32, #tpu.memory_space<hbm>>
    %dma_start3A_1036 = tpu.memref_squeeze %dma_start3A_1035 : memref<1x1x128xi32, #tpu.memory_space<hbm>> -> memref<1x128xi32, #tpu.memory_space<hbm>>
    tpu.enqueue_dma source(%dma_start3A_1036 : memref<1x128xi32, #tpu.memory_space<hbm>>) target(%dma_start3A_1032 : memref<1x128xi32, #tpu.memory_space<vmem>>) target_semaphore(%arg13 : memref<!tpu.dma_semaphore, #tpu.memory_space<semaphore_mem>>)
    %dma_wait3A_1037 = arith.constant 6 : i32
    %dma_wait3A_1038 = arith.constant 0 : i32
    %dma_wait3A_1039 = arith.constant 0 : i32
    %dma_wait3A_1040 = tpu.memref_slice %arg6[%dma_wait3A_1037, %dma_wait3A_1038, %dma_wait3A_1039] : memref<7x128x128xf32, #tpu.memory_space<vmem>> -> memref<1x128x128xf32, #tpu.memory_space<vmem>>
    %dma_wait3A_1041 = tpu.memref_squeeze %dma_wait3A_1040 : memref<1x128x128xf32, #tpu.memory_space<vmem>> -> memref<128x128xf32, #tpu.memory_space<vmem>>
    %dma_wait3A_1042 = arith.constant 0 : i32
    %dma_wait3A_1043 = arith.constant 0 : i32
    %dma_wait3A_1044 = tpu.memref_slice %arg4[%dma_wait3A_1042, %dma_wait3A_1043] : memref<819200x128xf32, #tpu.memory_space<hbm>> -> memref<128x128xf32, #tpu.memory_space<hbm>>
    %dma_wait3A_1045 = arith.constant 0 : i32
    %dma_wait3A_1046 = arith.constant 0 : i32
    %dma_wait3A_1047 = tpu.memref_slice %arg4[%dma_wait3A_1045, %dma_wait3A_1046] : memref<819200x128xf32, #tpu.memory_space<hbm>> -> memref<128x128xf32, #tpu.memory_space<hbm>>
    %dma_wait3A_1048 = arith.constant 0 : i32
    %dma_wait3A_1049 = arith.constant 0 : i32
    %dma_wait3A_1050 = tpu.memref_slice %arg6[%dma_wait3A_1037, %dma_wait3A_1048, %dma_wait3A_1049] : memref<7x128x128xf32, #tpu.memory_space<vmem>> -> memref<1x128x128xf32, #tpu.memory_space<vmem>>
    %dma_wait3A_1051 = tpu.memref_squeeze %dma_wait3A_1050 : memref<1x128x128xf32, #tpu.memory_space<vmem>> -> memref<128x128xf32, #tpu.memory_space<vmem>>
    tpu.wait_dma2 semaphore(%arg27 : memref<!tpu.dma_semaphore, #tpu.memory_space<semaphore_mem>>) src(%dma_wait3A_1051 : memref<128x128xf32, #tpu.memory_space<vmem>>) dst(%dma_wait3A_1047 : memref<128x128xf32, #tpu.memory_space<hbm>>)
    %dma_wait3A_1052 = arith.constant 0 : i32
    %dma_wait3A_1053 = arith.constant 6 : i32
    %dma_wait3A_1054 = arith.constant 0 : i32
    %dma_wait3A_1055 = arith.constant 0 : i32
    %dma_wait3A_1056 = tpu.memref_slice %arg5[%dma_wait3A_1053, %dma_wait3A_1054, %dma_wait3A_1055] : memref<7x1x128xi32, #tpu.memory_space<vmem>> -> memref<1x1x128xi32, #tpu.memory_space<vmem>>
    %dma_wait3A_1057 = tpu.memref_squeeze %dma_wait3A_1056 : memref<1x1x128xi32, #tpu.memory_space<vmem>> -> memref<1x128xi32, #tpu.memory_space<vmem>>
    %dma_wait3A_1058 = arith.constant 0 : i32
    %dma_wait3A_1059 = arith.constant 0 : i32
    %dma_wait3A_1060 = tpu.memref_slice %arg2[%dma_wait3A_1052, %dma_wait3A_1058, %dma_wait3A_1059] : memref<32x200x128xi32, #tpu.memory_space<hbm>> -> memref<1x1x128xi32, #tpu.memory_space<hbm>>
    %dma_wait3A_1061 = tpu.memref_squeeze %dma_wait3A_1060 : memref<1x1x128xi32, #tpu.memory_space<hbm>> -> memref<1x128xi32, #tpu.memory_space<hbm>>
    %dma_wait3A_1062 = arith.constant 0 : i32
    %dma_wait3A_1063 = arith.constant 0 : i32
    %dma_wait3A_1064 = tpu.memref_slice %arg5[%dma_wait3A_1053, %dma_wait3A_1062, %dma_wait3A_1063] : memref<7x1x128xi32, #tpu.memory_space<vmem>> -> memref<1x1x128xi32, #tpu.memory_space<vmem>>
    %dma_wait3A_1065 = tpu.memref_squeeze %dma_wait3A_1064 : memref<1x1x128xi32, #tpu.memory_space<vmem>> -> memref<1x128xi32, #tpu.memory_space<vmem>>
    %dma_wait3A_1066 = arith.constant 0 : i32
    %dma_wait3A_1067 = arith.constant 0 : i32
    %dma_wait3A_1068 = tpu.memref_slice %arg2[%dma_wait3A_1052, %dma_wait3A_1066, %dma_wait3A_1067] : memref<32x200x128xi32, #tpu.memory_space<hbm>> -> memref<1x1x128xi32, #tpu.memory_space<hbm>>
    %dma_wait3A_1069 = tpu.memref_squeeze %dma_wait3A_1068 : memref<1x1x128xi32, #tpu.memory_space<hbm>> -> memref<1x128xi32, #tpu.memory_space<hbm>>
    tpu.wait_dma2 semaphore(%arg13 : memref<!tpu.dma_semaphore, #tpu.memory_space<semaphore_mem>>) src(%dma_wait3A_1069 : memref<1x128xi32, #tpu.memory_space<hbm>>) dst(%dma_wait3A_1065 : memref<1x128xi32, #tpu.memory_space<vmem>>)
    %dma_wait3A_1070 = arith.constant 3 : i32
    %dma_wait3A_1071 = arith.constant 0 : i32
    %dma_wait3A_1072 = arith.constant 0 : i32
    %dma_wait3A_1073 = tpu.memref_slice %arg6[%dma_wait3A_1070, %dma_wait3A_1071, %dma_wait3A_1072] : memref<7x128x128xf32, #tpu.memory_space<vmem>> -> memref<1x128x128xf32, #tpu.memory_space<vmem>>
    %dma_wait3A_1074 = tpu.memref_squeeze %dma_wait3A_1073 : memref<1x128x128xf32, #tpu.memory_space<vmem>> -> memref<128x128xf32, #tpu.memory_space<vmem>>
    %dma_wait3A_1075 = arith.constant 0 : i32
    %dma_wait3A_1076 = arith.constant 0 : i32
    %dma_wait3A_1077 = tpu.memref_slice %arg3[%dma_wait3A_1075, %dma_wait3A_1076] : memref<100000x128xf32, #tpu.memory_space<hbm>> -> memref<128x128xf32, #tpu.memory_space<hbm>>
    %dma_wait3A_1078 = arith.constant 0 : i32
    %dma_wait3A_1079 = arith.constant 0 : i32
    %dma_wait3A_1080 = tpu.memref_slice %arg6[%dma_wait3A_1070, %dma_wait3A_1078, %dma_wait3A_1079] : memref<7x128x128xf32, #tpu.memory_space<vmem>> -> memref<1x128x128xf32, #tpu.memory_space<vmem>>
    %dma_wait3A_1081 = tpu.memref_squeeze %dma_wait3A_1080 : memref<1x128x128xf32, #tpu.memory_space<vmem>> -> memref<128x128xf32, #tpu.memory_space<vmem>>
    %dma_wait3A_1082 = arith.constant 0 : i32
    %dma_wait3A_1083 = arith.constant 0 : i32
    %dma_wait3A_1084 = tpu.memref_slice %arg3[%dma_wait3A_1082, %dma_wait3A_1083] : memref<100000x128xf32, #tpu.memory_space<hbm>> -> memref<128x128xf32, #tpu.memory_space<hbm>>
    tpu.wait_dma2 semaphore(%arg17 : memref<!tpu.dma_semaphore, #tpu.memory_space<semaphore_mem>>) src(%dma_wait3A_1084 : memref<128x128xf32, #tpu.memory_space<hbm>>) dst(%dma_wait3A_1081 : memref<128x128xf32, #tpu.memory_space<vmem>>)
    %add3A_1085 = arith.constant 24576 : i32
    %add3A_1086 = arith.addi %mul3A_2, %add3A_1085 : i32
    %dma_start3A_1087 = arith.constant 3 : i32
    %dma_start3A_1088 = arith.constant 0 : i32
    %dma_start3A_1089 = arith.constant 0 : i32
    %dma_start3A_1090 = tpu.memref_slice %arg6[%dma_start3A_1087, %dma_start3A_1088, %dma_start3A_1089] : memref<7x128x128xf32, #tpu.memory_space<vmem>> -> memref<1x128x128xf32, #tpu.memory_space<vmem>>
    %dma_start3A_1091 = tpu.memref_squeeze %dma_start3A_1090 : memref<1x128x128xf32, #tpu.memory_space<vmem>> -> memref<128x128xf32, #tpu.memory_space<vmem>>
    %dma_start3A_1092 = arith.constant 0 : i32
    %dma_start3A_1093 = tpu.memref_slice %arg4[%add3A_1086, %dma_start3A_1092] : memref<819200x128xf32, #tpu.memory_space<hbm>> -> memref<128x128xf32, #tpu.memory_space<hbm>>
    %dma_start3A_1094 = arith.constant 0 : i32
    %dma_start3A_1095 = tpu.memref_slice %arg4[%add3A_1086, %dma_start3A_1094] : memref<819200x128xf32, #tpu.memory_space<hbm>> -> memref<128x128xf32, #tpu.memory_space<hbm>>
    %dma_start3A_1096 = arith.constant 0 : i32
    %dma_start3A_1097 = arith.constant 0 : i32
    %dma_start3A_1098 = tpu.memref_slice %arg6[%dma_start3A_1087, %dma_start3A_1096, %dma_start3A_1097] : memref<7x128x128xf32, #tpu.memory_space<vmem>> -> memref<1x128x128xf32, #tpu.memory_space<vmem>>
    %dma_start3A_1099 = tpu.memref_squeeze %dma_start3A_1098 : memref<1x128x128xf32, #tpu.memory_space<vmem>> -> memref<128x128xf32, #tpu.memory_space<vmem>>
    tpu.enqueue_dma source(%dma_start3A_1099 : memref<128x128xf32, #tpu.memory_space<vmem>>) target(%dma_start3A_1095 : memref<128x128xf32, #tpu.memory_space<hbm>>) target_semaphore(%arg24 : memref<!tpu.dma_semaphore, #tpu.memory_space<semaphore_mem>>)
    %dma_start3A_1100 = arith.constant 6 : i32
    %dma_start3A_1101 = arith.constant 0 : i32
    %dma_start3A_1102 = arith.constant 6 : i32
    %dma_start3A_1103 = arith.constant 0 : i32
    %dma_start3A_1104 = arith.constant 0 : i32
    %dma_start3A_1105 = tpu.memref_slice %arg6[%dma_start3A_1102, %dma_start3A_1103, %dma_start3A_1104] : memref<7x128x128xf32, #tpu.memory_space<vmem>> -> memref<1x128x128xf32, #tpu.memory_space<vmem>>
    %dma_start3A_1106 = tpu.memref_squeeze %dma_start3A_1105 : memref<1x128x128xf32, #tpu.memory_space<vmem>> -> memref<128x128xf32, #tpu.memory_space<vmem>>
    %dma_start3A_1107 = arith.constant 0 : i32
    %dma_start3A_1108 = tpu.memref_slice %arg5[%dma_start3A_1100, %dma_start3A_1101, %dma_start3A_1107] : memref<7x1x128xi32, #tpu.memory_space<vmem>> -> memref<1x1x128xi32, #tpu.memory_space<vmem>>
    %dma_start3A_1109 = tpu.memref_squeeze %dma_start3A_1108 : memref<1x1x128xi32, #tpu.memory_space<vmem>> -> memref<128xi32, #tpu.memory_space<vmem>>
    %dma_start3A_1110 = arith.constant 0 : i32
    %dma_start3A_1111 = arith.constant 0 : i32
    %dma_start3A_1112 = tpu.memref_slice %arg3[%dma_start3A_1110, %dma_start3A_1111] : memref<100000x128xf32, #tpu.memory_space<hbm>> -> memref<100000x128xf32, #tpu.memory_space<hbm>>
    tpu.enqueue_indirect_dma source(%dma_start3A_1112 : memref<100000x128xf32, #tpu.memory_space<hbm>>) target(%dma_start3A_1106 : memref<128x128xf32, #tpu.memory_space<vmem>>) offsets(%dma_start3A_1109 : memref<128xi32, #tpu.memory_space<vmem>>) semaphore(%arg20 : memref<!tpu.dma_semaphore, #tpu.memory_space<semaphore_mem>>)
    %dma_start3A_1113 = arith.constant 0 : i32
    %dma_start3A_1114 = arith.constant 0 : i32
    %dma_start3A_1115 = arith.constant 0 : i32
    %dma_start3A_1116 = tpu.memref_slice %arg5[%dma_start3A_1113, %dma_start3A_1114, %dma_start3A_1115] : memref<7x1x128xi32, #tpu.memory_space<vmem>> -> memref<1x1x128xi32, #tpu.memory_space<vmem>>
    %dma_start3A_1117 = tpu.memref_squeeze %dma_start3A_1116 : memref<1x1x128xi32, #tpu.memory_space<vmem>> -> memref<1x128xi32, #tpu.memory_space<vmem>>
    %dma_start3A_1118 = arith.constant 196 : i32
    %dma_start3A_1119 = arith.constant 0 : i32
    %dma_start3A_1120 = tpu.memref_slice %arg2[%add3A, %dma_start3A_1118, %dma_start3A_1119] : memref<32x200x128xi32, #tpu.memory_space<hbm>> -> memref<1x1x128xi32, #tpu.memory_space<hbm>>
    %dma_start3A_1121 = tpu.memref_squeeze %dma_start3A_1120 : memref<1x1x128xi32, #tpu.memory_space<hbm>> -> memref<1x128xi32, #tpu.memory_space<hbm>>
    %dma_start3A_1122 = arith.constant 0 : i32
    %dma_start3A_1123 = arith.constant 0 : i32
    %dma_start3A_1124 = tpu.memref_slice %arg5[%dma_start3A_1113, %dma_start3A_1122, %dma_start3A_1123] : memref<7x1x128xi32, #tpu.memory_space<vmem>> -> memref<1x1x128xi32, #tpu.memory_space<vmem>>
    %dma_start3A_1125 = tpu.memref_squeeze %dma_start3A_1124 : memref<1x1x128xi32, #tpu.memory_space<vmem>> -> memref<1x128xi32, #tpu.memory_space<vmem>>
    %dma_start3A_1126 = arith.constant 196 : i32
    %dma_start3A_1127 = arith.constant 0 : i32
    %dma_start3A_1128 = tpu.memref_slice %arg2[%add3A, %dma_start3A_1126, %dma_start3A_1127] : memref<32x200x128xi32, #tpu.memory_space<hbm>> -> memref<1x1x128xi32, #tpu.memory_space<hbm>>
    %dma_start3A_1129 = tpu.memref_squeeze %dma_start3A_1128 : memref<1x1x128xi32, #tpu.memory_space<hbm>> -> memref<1x128xi32, #tpu.memory_space<hbm>>
    tpu.enqueue_dma source(%dma_start3A_1129 : memref<1x128xi32, #tpu.memory_space<hbm>>) target(%dma_start3A_1125 : memref<1x128xi32, #tpu.memory_space<vmem>>) target_semaphore(%arg7 : memref<!tpu.dma_semaphore, #tpu.memory_space<semaphore_mem>>)
    %dma_wait3A_1130 = arith.constant 0 : i32
    %dma_wait3A_1131 = arith.constant 0 : i32
    %dma_wait3A_1132 = arith.constant 0 : i32
    %dma_wait3A_1133 = tpu.memref_slice %arg6[%dma_wait3A_1130, %dma_wait3A_1131, %dma_wait3A_1132] : memref<7x128x128xf32, #tpu.memory_space<vmem>> -> memref<1x128x128xf32, #tpu.memory_space<vmem>>
    %dma_wait3A_1134 = tpu.memref_squeeze %dma_wait3A_1133 : memref<1x128x128xf32, #tpu.memory_space<vmem>> -> memref<128x128xf32, #tpu.memory_space<vmem>>
    %dma_wait3A_1135 = arith.constant 0 : i32
    %dma_wait3A_1136 = arith.constant 0 : i32
    %dma_wait3A_1137 = tpu.memref_slice %arg4[%dma_wait3A_1135, %dma_wait3A_1136] : memref<819200x128xf32, #tpu.memory_space<hbm>> -> memref<128x128xf32, #tpu.memory_space<hbm>>
    %dma_wait3A_1138 = arith.constant 0 : i32
    %dma_wait3A_1139 = arith.constant 0 : i32
    %dma_wait3A_1140 = tpu.memref_slice %arg4[%dma_wait3A_1138, %dma_wait3A_1139] : memref<819200x128xf32, #tpu.memory_space<hbm>> -> memref<128x128xf32, #tpu.memory_space<hbm>>
    %dma_wait3A_1141 = arith.constant 0 : i32
    %dma_wait3A_1142 = arith.constant 0 : i32
    %dma_wait3A_1143 = tpu.memref_slice %arg6[%dma_wait3A_1130, %dma_wait3A_1141, %dma_wait3A_1142] : memref<7x128x128xf32, #tpu.memory_space<vmem>> -> memref<1x128x128xf32, #tpu.memory_space<vmem>>
    %dma_wait3A_1144 = tpu.memref_squeeze %dma_wait3A_1143 : memref<1x128x128xf32, #tpu.memory_space<vmem>> -> memref<128x128xf32, #tpu.memory_space<vmem>>
    tpu.wait_dma2 semaphore(%arg21 : memref<!tpu.dma_semaphore, #tpu.memory_space<semaphore_mem>>) src(%dma_wait3A_1144 : memref<128x128xf32, #tpu.memory_space<vmem>>) dst(%dma_wait3A_1140 : memref<128x128xf32, #tpu.memory_space<hbm>>)
    %dma_wait3A_1145 = arith.constant 0 : i32
    %dma_wait3A_1146 = arith.constant 0 : i32
    %dma_wait3A_1147 = arith.constant 0 : i32
    %dma_wait3A_1148 = arith.constant 0 : i32
    %dma_wait3A_1149 = tpu.memref_slice %arg5[%dma_wait3A_1146, %dma_wait3A_1147, %dma_wait3A_1148] : memref<7x1x128xi32, #tpu.memory_space<vmem>> -> memref<1x1x128xi32, #tpu.memory_space<vmem>>
    %dma_wait3A_1150 = tpu.memref_squeeze %dma_wait3A_1149 : memref<1x1x128xi32, #tpu.memory_space<vmem>> -> memref<1x128xi32, #tpu.memory_space<vmem>>
    %dma_wait3A_1151 = arith.constant 0 : i32
    %dma_wait3A_1152 = arith.constant 0 : i32
    %dma_wait3A_1153 = tpu.memref_slice %arg2[%dma_wait3A_1145, %dma_wait3A_1151, %dma_wait3A_1152] : memref<32x200x128xi32, #tpu.memory_space<hbm>> -> memref<1x1x128xi32, #tpu.memory_space<hbm>>
    %dma_wait3A_1154 = tpu.memref_squeeze %dma_wait3A_1153 : memref<1x1x128xi32, #tpu.memory_space<hbm>> -> memref<1x128xi32, #tpu.memory_space<hbm>>
    %dma_wait3A_1155 = arith.constant 0 : i32
    %dma_wait3A_1156 = arith.constant 0 : i32
    %dma_wait3A_1157 = tpu.memref_slice %arg5[%dma_wait3A_1146, %dma_wait3A_1155, %dma_wait3A_1156] : memref<7x1x128xi32, #tpu.memory_space<vmem>> -> memref<1x1x128xi32, #tpu.memory_space<vmem>>
    %dma_wait3A_1158 = tpu.memref_squeeze %dma_wait3A_1157 : memref<1x1x128xi32, #tpu.memory_space<vmem>> -> memref<1x128xi32, #tpu.memory_space<vmem>>
    %dma_wait3A_1159 = arith.constant 0 : i32
    %dma_wait3A_1160 = arith.constant 0 : i32
    %dma_wait3A_1161 = tpu.memref_slice %arg2[%dma_wait3A_1145, %dma_wait3A_1159, %dma_wait3A_1160] : memref<32x200x128xi32, #tpu.memory_space<hbm>> -> memref<1x1x128xi32, #tpu.memory_space<hbm>>
    %dma_wait3A_1162 = tpu.memref_squeeze %dma_wait3A_1161 : memref<1x1x128xi32, #tpu.memory_space<hbm>> -> memref<1x128xi32, #tpu.memory_space<hbm>>
    tpu.wait_dma2 semaphore(%arg7 : memref<!tpu.dma_semaphore, #tpu.memory_space<semaphore_mem>>) src(%dma_wait3A_1162 : memref<1x128xi32, #tpu.memory_space<hbm>>) dst(%dma_wait3A_1158 : memref<1x128xi32, #tpu.memory_space<vmem>>)
    %dma_wait3A_1163 = arith.constant 4 : i32
    %dma_wait3A_1164 = arith.constant 0 : i32
    %dma_wait3A_1165 = arith.constant 0 : i32
    %dma_wait3A_1166 = tpu.memref_slice %arg6[%dma_wait3A_1163, %dma_wait3A_1164, %dma_wait3A_1165] : memref<7x128x128xf32, #tpu.memory_space<vmem>> -> memref<1x128x128xf32, #tpu.memory_space<vmem>>
    %dma_wait3A_1167 = tpu.memref_squeeze %dma_wait3A_1166 : memref<1x128x128xf32, #tpu.memory_space<vmem>> -> memref<128x128xf32, #tpu.memory_space<vmem>>
    %dma_wait3A_1168 = arith.constant 0 : i32
    %dma_wait3A_1169 = arith.constant 0 : i32
    %dma_wait3A_1170 = tpu.memref_slice %arg3[%dma_wait3A_1168, %dma_wait3A_1169] : memref<100000x128xf32, #tpu.memory_space<hbm>> -> memref<128x128xf32, #tpu.memory_space<hbm>>
    %dma_wait3A_1171 = arith.constant 0 : i32
    %dma_wait3A_1172 = arith.constant 0 : i32
    %dma_wait3A_1173 = tpu.memref_slice %arg6[%dma_wait3A_1163, %dma_wait3A_1171, %dma_wait3A_1172] : memref<7x128x128xf32, #tpu.memory_space<vmem>> -> memref<1x128x128xf32, #tpu.memory_space<vmem>>
    %dma_wait3A_1174 = tpu.memref_squeeze %dma_wait3A_1173 : memref<1x128x128xf32, #tpu.memory_space<vmem>> -> memref<128x128xf32, #tpu.memory_space<vmem>>
    %dma_wait3A_1175 = arith.constant 0 : i32
    %dma_wait3A_1176 = arith.constant 0 : i32
    %dma_wait3A_1177 = tpu.memref_slice %arg3[%dma_wait3A_1175, %dma_wait3A_1176] : memref<100000x128xf32, #tpu.memory_space<hbm>> -> memref<128x128xf32, #tpu.memory_space<hbm>>
    tpu.wait_dma2 semaphore(%arg18 : memref<!tpu.dma_semaphore, #tpu.memory_space<semaphore_mem>>) src(%dma_wait3A_1177 : memref<128x128xf32, #tpu.memory_space<hbm>>) dst(%dma_wait3A_1174 : memref<128x128xf32, #tpu.memory_space<vmem>>)
    %add3A_1178 = arith.constant 24704 : i32
    %add3A_1179 = arith.addi %mul3A_2, %add3A_1178 : i32
    %dma_start3A_1180 = arith.constant 4 : i32
    %dma_start3A_1181 = arith.constant 0 : i32
    %dma_start3A_1182 = arith.constant 0 : i32
    %dma_start3A_1183 = tpu.memref_slice %arg6[%dma_start3A_1180, %dma_start3A_1181, %dma_start3A_1182] : memref<7x128x128xf32, #tpu.memory_space<vmem>> -> memref<1x128x128xf32, #tpu.memory_space<vmem>>
    %dma_start3A_1184 = tpu.memref_squeeze %dma_start3A_1183 : memref<1x128x128xf32, #tpu.memory_space<vmem>> -> memref<128x128xf32, #tpu.memory_space<vmem>>
    %dma_start3A_1185 = arith.constant 0 : i32
    %dma_start3A_1186 = tpu.memref_slice %arg4[%add3A_1179, %dma_start3A_1185] : memref<819200x128xf32, #tpu.memory_space<hbm>> -> memref<128x128xf32, #tpu.memory_space<hbm>>
    %dma_start3A_1187 = arith.constant 0 : i32
    %dma_start3A_1188 = tpu.memref_slice %arg4[%add3A_1179, %dma_start3A_1187] : memref<819200x128xf32, #tpu.memory_space<hbm>> -> memref<128x128xf32, #tpu.memory_space<hbm>>
    %dma_start3A_1189 = arith.constant 0 : i32
    %dma_start3A_1190 = arith.constant 0 : i32
    %dma_start3A_1191 = tpu.memref_slice %arg6[%dma_start3A_1180, %dma_start3A_1189, %dma_start3A_1190] : memref<7x128x128xf32, #tpu.memory_space<vmem>> -> memref<1x128x128xf32, #tpu.memory_space<vmem>>
    %dma_start3A_1192 = tpu.memref_squeeze %dma_start3A_1191 : memref<1x128x128xf32, #tpu.memory_space<vmem>> -> memref<128x128xf32, #tpu.memory_space<vmem>>
    tpu.enqueue_dma source(%dma_start3A_1192 : memref<128x128xf32, #tpu.memory_space<vmem>>) target(%dma_start3A_1188 : memref<128x128xf32, #tpu.memory_space<hbm>>) target_semaphore(%arg25 : memref<!tpu.dma_semaphore, #tpu.memory_space<semaphore_mem>>)
    %dma_start3A_1193 = arith.constant 0 : i32
    %dma_start3A_1194 = arith.constant 0 : i32
    %dma_start3A_1195 = arith.constant 0 : i32
    %dma_start3A_1196 = arith.constant 0 : i32
    %dma_start3A_1197 = arith.constant 0 : i32
    %dma_start3A_1198 = tpu.memref_slice %arg6[%dma_start3A_1195, %dma_start3A_1196, %dma_start3A_1197] : memref<7x128x128xf32, #tpu.memory_space<vmem>> -> memref<1x128x128xf32, #tpu.memory_space<vmem>>
    %dma_start3A_1199 = tpu.memref_squeeze %dma_start3A_1198 : memref<1x128x128xf32, #tpu.memory_space<vmem>> -> memref<128x128xf32, #tpu.memory_space<vmem>>
    %dma_start3A_1200 = arith.constant 0 : i32
    %dma_start3A_1201 = tpu.memref_slice %arg5[%dma_start3A_1193, %dma_start3A_1194, %dma_start3A_1200] : memref<7x1x128xi32, #tpu.memory_space<vmem>> -> memref<1x1x128xi32, #tpu.memory_space<vmem>>
    %dma_start3A_1202 = tpu.memref_squeeze %dma_start3A_1201 : memref<1x1x128xi32, #tpu.memory_space<vmem>> -> memref<128xi32, #tpu.memory_space<vmem>>
    %dma_start3A_1203 = arith.constant 0 : i32
    %dma_start3A_1204 = arith.constant 0 : i32
    %dma_start3A_1205 = tpu.memref_slice %arg3[%dma_start3A_1203, %dma_start3A_1204] : memref<100000x128xf32, #tpu.memory_space<hbm>> -> memref<100000x128xf32, #tpu.memory_space<hbm>>
    tpu.enqueue_indirect_dma source(%dma_start3A_1205 : memref<100000x128xf32, #tpu.memory_space<hbm>>) target(%dma_start3A_1199 : memref<128x128xf32, #tpu.memory_space<vmem>>) offsets(%dma_start3A_1202 : memref<128xi32, #tpu.memory_space<vmem>>) semaphore(%arg14 : memref<!tpu.dma_semaphore, #tpu.memory_space<semaphore_mem>>)
    %dma_start3A_1206 = arith.constant 1 : i32
    %dma_start3A_1207 = arith.constant 0 : i32
    %dma_start3A_1208 = arith.constant 0 : i32
    %dma_start3A_1209 = tpu.memref_slice %arg5[%dma_start3A_1206, %dma_start3A_1207, %dma_start3A_1208] : memref<7x1x128xi32, #tpu.memory_space<vmem>> -> memref<1x1x128xi32, #tpu.memory_space<vmem>>
    %dma_start3A_1210 = tpu.memref_squeeze %dma_start3A_1209 : memref<1x1x128xi32, #tpu.memory_space<vmem>> -> memref<1x128xi32, #tpu.memory_space<vmem>>
    %dma_start3A_1211 = arith.constant 197 : i32
    %dma_start3A_1212 = arith.constant 0 : i32
    %dma_start3A_1213 = tpu.memref_slice %arg2[%add3A, %dma_start3A_1211, %dma_start3A_1212] : memref<32x200x128xi32, #tpu.memory_space<hbm>> -> memref<1x1x128xi32, #tpu.memory_space<hbm>>
    %dma_start3A_1214 = tpu.memref_squeeze %dma_start3A_1213 : memref<1x1x128xi32, #tpu.memory_space<hbm>> -> memref<1x128xi32, #tpu.memory_space<hbm>>
    %dma_start3A_1215 = arith.constant 0 : i32
    %dma_start3A_1216 = arith.constant 0 : i32
    %dma_start3A_1217 = tpu.memref_slice %arg5[%dma_start3A_1206, %dma_start3A_1215, %dma_start3A_1216] : memref<7x1x128xi32, #tpu.memory_space<vmem>> -> memref<1x1x128xi32, #tpu.memory_space<vmem>>
    %dma_start3A_1218 = tpu.memref_squeeze %dma_start3A_1217 : memref<1x1x128xi32, #tpu.memory_space<vmem>> -> memref<1x128xi32, #tpu.memory_space<vmem>>
    %dma_start3A_1219 = arith.constant 197 : i32
    %dma_start3A_1220 = arith.constant 0 : i32
    %dma_start3A_1221 = tpu.memref_slice %arg2[%add3A, %dma_start3A_1219, %dma_start3A_1220] : memref<32x200x128xi32, #tpu.memory_space<hbm>> -> memref<1x1x128xi32, #tpu.memory_space<hbm>>
    %dma_start3A_1222 = tpu.memref_squeeze %dma_start3A_1221 : memref<1x1x128xi32, #tpu.memory_space<hbm>> -> memref<1x128xi32, #tpu.memory_space<hbm>>
    tpu.enqueue_dma source(%dma_start3A_1222 : memref<1x128xi32, #tpu.memory_space<hbm>>) target(%dma_start3A_1218 : memref<1x128xi32, #tpu.memory_space<vmem>>) target_semaphore(%arg8 : memref<!tpu.dma_semaphore, #tpu.memory_space<semaphore_mem>>)
    %dma_wait3A_1223 = arith.constant 1 : i32
    %dma_wait3A_1224 = arith.constant 0 : i32
    %dma_wait3A_1225 = arith.constant 0 : i32
    %dma_wait3A_1226 = tpu.memref_slice %arg6[%dma_wait3A_1223, %dma_wait3A_1224, %dma_wait3A_1225] : memref<7x128x128xf32, #tpu.memory_space<vmem>> -> memref<1x128x128xf32, #tpu.memory_space<vmem>>
    %dma_wait3A_1227 = tpu.memref_squeeze %dma_wait3A_1226 : memref<1x128x128xf32, #tpu.memory_space<vmem>> -> memref<128x128xf32, #tpu.memory_space<vmem>>
    %dma_wait3A_1228 = arith.constant 0 : i32
    %dma_wait3A_1229 = arith.constant 0 : i32
    %dma_wait3A_1230 = tpu.memref_slice %arg4[%dma_wait3A_1228, %dma_wait3A_1229] : memref<819200x128xf32, #tpu.memory_space<hbm>> -> memref<128x128xf32, #tpu.memory_space<hbm>>
    %dma_wait3A_1231 = arith.constant 0 : i32
    %dma_wait3A_1232 = arith.constant 0 : i32
    %dma_wait3A_1233 = tpu.memref_slice %arg4[%dma_wait3A_1231, %dma_wait3A_1232] : memref<819200x128xf32, #tpu.memory_space<hbm>> -> memref<128x128xf32, #tpu.memory_space<hbm>>
    %dma_wait3A_1234 = arith.constant 0 : i32
    %dma_wait3A_1235 = arith.constant 0 : i32
    %dma_wait3A_1236 = tpu.memref_slice %arg6[%dma_wait3A_1223, %dma_wait3A_1234, %dma_wait3A_1235] : memref<7x128x128xf32, #tpu.memory_space<vmem>> -> memref<1x128x128xf32, #tpu.memory_space<vmem>>
    %dma_wait3A_1237 = tpu.memref_squeeze %dma_wait3A_1236 : memref<1x128x128xf32, #tpu.memory_space<vmem>> -> memref<128x128xf32, #tpu.memory_space<vmem>>
    tpu.wait_dma2 semaphore(%arg22 : memref<!tpu.dma_semaphore, #tpu.memory_space<semaphore_mem>>) src(%dma_wait3A_1237 : memref<128x128xf32, #tpu.memory_space<vmem>>) dst(%dma_wait3A_1233 : memref<128x128xf32, #tpu.memory_space<hbm>>)
    %dma_wait3A_1238 = arith.constant 0 : i32
    %dma_wait3A_1239 = arith.constant 1 : i32
    %dma_wait3A_1240 = arith.constant 0 : i32
    %dma_wait3A_1241 = arith.constant 0 : i32
    %dma_wait3A_1242 = tpu.memref_slice %arg5[%dma_wait3A_1239, %dma_wait3A_1240, %dma_wait3A_1241] : memref<7x1x128xi32, #tpu.memory_space<vmem>> -> memref<1x1x128xi32, #tpu.memory_space<vmem>>
    %dma_wait3A_1243 = tpu.memref_squeeze %dma_wait3A_1242 : memref<1x1x128xi32, #tpu.memory_space<vmem>> -> memref<1x128xi32, #tpu.memory_space<vmem>>
    %dma_wait3A_1244 = arith.constant 0 : i32
    %dma_wait3A_1245 = arith.constant 0 : i32
    %dma_wait3A_1246 = tpu.memref_slice %arg2[%dma_wait3A_1238, %dma_wait3A_1244, %dma_wait3A_1245] : memref<32x200x128xi32, #tpu.memory_space<hbm>> -> memref<1x1x128xi32, #tpu.memory_space<hbm>>
    %dma_wait3A_1247 = tpu.memref_squeeze %dma_wait3A_1246 : memref<1x1x128xi32, #tpu.memory_space<hbm>> -> memref<1x128xi32, #tpu.memory_space<hbm>>
    %dma_wait3A_1248 = arith.constant 0 : i32
    %dma_wait3A_1249 = arith.constant 0 : i32
    %dma_wait3A_1250 = tpu.memref_slice %arg5[%dma_wait3A_1239, %dma_wait3A_1248, %dma_wait3A_1249] : memref<7x1x128xi32, #tpu.memory_space<vmem>> -> memref<1x1x128xi32, #tpu.memory_space<vmem>>
    %dma_wait3A_1251 = tpu.memref_squeeze %dma_wait3A_1250 : memref<1x1x128xi32, #tpu.memory_space<vmem>> -> memref<1x128xi32, #tpu.memory_space<vmem>>
    %dma_wait3A_1252 = arith.constant 0 : i32
    %dma_wait3A_1253 = arith.constant 0 : i32
    %dma_wait3A_1254 = tpu.memref_slice %arg2[%dma_wait3A_1238, %dma_wait3A_1252, %dma_wait3A_1253] : memref<32x200x128xi32, #tpu.memory_space<hbm>> -> memref<1x1x128xi32, #tpu.memory_space<hbm>>
    %dma_wait3A_1255 = tpu.memref_squeeze %dma_wait3A_1254 : memref<1x1x128xi32, #tpu.memory_space<hbm>> -> memref<1x128xi32, #tpu.memory_space<hbm>>
    tpu.wait_dma2 semaphore(%arg8 : memref<!tpu.dma_semaphore, #tpu.memory_space<semaphore_mem>>) src(%dma_wait3A_1255 : memref<1x128xi32, #tpu.memory_space<hbm>>) dst(%dma_wait3A_1251 : memref<1x128xi32, #tpu.memory_space<vmem>>)
    %dma_wait3A_1256 = arith.constant 5 : i32
    %dma_wait3A_1257 = arith.constant 0 : i32
    %dma_wait3A_1258 = arith.constant 0 : i32
    %dma_wait3A_1259 = tpu.memref_slice %arg6[%dma_wait3A_1256, %dma_wait3A_1257, %dma_wait3A_1258] : memref<7x128x128xf32, #tpu.memory_space<vmem>> -> memref<1x128x128xf32, #tpu.memory_space<vmem>>
    %dma_wait3A_1260 = tpu.memref_squeeze %dma_wait3A_1259 : memref<1x128x128xf32, #tpu.memory_space<vmem>> -> memref<128x128xf32, #tpu.memory_space<vmem>>
    %dma_wait3A_1261 = arith.constant 0 : i32
    %dma_wait3A_1262 = arith.constant 0 : i32
    %dma_wait3A_1263 = tpu.memref_slice %arg3[%dma_wait3A_1261, %dma_wait3A_1262] : memref<100000x128xf32, #tpu.memory_space<hbm>> -> memref<128x128xf32, #tpu.memory_space<hbm>>
    %dma_wait3A_1264 = arith.constant 0 : i32
    %dma_wait3A_1265 = arith.constant 0 : i32
    %dma_wait3A_1266 = tpu.memref_slice %arg6[%dma_wait3A_1256, %dma_wait3A_1264, %dma_wait3A_1265] : memref<7x128x128xf32, #tpu.memory_space<vmem>> -> memref<1x128x128xf32, #tpu.memory_space<vmem>>
    %dma_wait3A_1267 = tpu.memref_squeeze %dma_wait3A_1266 : memref<1x128x128xf32, #tpu.memory_space<vmem>> -> memref<128x128xf32, #tpu.memory_space<vmem>>
    %dma_wait3A_1268 = arith.constant 0 : i32
    %dma_wait3A_1269 = arith.constant 0 : i32
    %dma_wait3A_1270 = tpu.memref_slice %arg3[%dma_wait3A_1268, %dma_wait3A_1269] : memref<100000x128xf32, #tpu.memory_space<hbm>> -> memref<128x128xf32, #tpu.memory_space<hbm>>
    tpu.wait_dma2 semaphore(%arg19 : memref<!tpu.dma_semaphore, #tpu.memory_space<semaphore_mem>>) src(%dma_wait3A_1270 : memref<128x128xf32, #tpu.memory_space<hbm>>) dst(%dma_wait3A_1267 : memref<128x128xf32, #tpu.memory_space<vmem>>)
    %add3A_1271 = arith.constant 24832 : i32
    %add3A_1272 = arith.addi %mul3A_2, %add3A_1271 : i32
    %dma_start3A_1273 = arith.constant 5 : i32
    %dma_start3A_1274 = arith.constant 0 : i32
    %dma_start3A_1275 = arith.constant 0 : i32
    %dma_start3A_1276 = tpu.memref_slice %arg6[%dma_start3A_1273, %dma_start3A_1274, %dma_start3A_1275] : memref<7x128x128xf32, #tpu.memory_space<vmem>> -> memref<1x128x128xf32, #tpu.memory_space<vmem>>
    %dma_start3A_1277 = tpu.memref_squeeze %dma_start3A_1276 : memref<1x128x128xf32, #tpu.memory_space<vmem>> -> memref<128x128xf32, #tpu.memory_space<vmem>>
    %dma_start3A_1278 = arith.constant 0 : i32
    %dma_start3A_1279 = tpu.memref_slice %arg4[%add3A_1272, %dma_start3A_1278] : memref<819200x128xf32, #tpu.memory_space<hbm>> -> memref<128x128xf32, #tpu.memory_space<hbm>>
    %dma_start3A_1280 = arith.constant 0 : i32
    %dma_start3A_1281 = tpu.memref_slice %arg4[%add3A_1272, %dma_start3A_1280] : memref<819200x128xf32, #tpu.memory_space<hbm>> -> memref<128x128xf32, #tpu.memory_space<hbm>>
    %dma_start3A_1282 = arith.constant 0 : i32
    %dma_start3A_1283 = arith.constant 0 : i32
    %dma_start3A_1284 = tpu.memref_slice %arg6[%dma_start3A_1273, %dma_start3A_1282, %dma_start3A_1283] : memref<7x128x128xf32, #tpu.memory_space<vmem>> -> memref<1x128x128xf32, #tpu.memory_space<vmem>>
    %dma_start3A_1285 = tpu.memref_squeeze %dma_start3A_1284 : memref<1x128x128xf32, #tpu.memory_space<vmem>> -> memref<128x128xf32, #tpu.memory_space<vmem>>
    tpu.enqueue_dma source(%dma_start3A_1285 : memref<128x128xf32, #tpu.memory_space<vmem>>) target(%dma_start3A_1281 : memref<128x128xf32, #tpu.memory_space<hbm>>) target_semaphore(%arg26 : memref<!tpu.dma_semaphore, #tpu.memory_space<semaphore_mem>>)
    %dma_start3A_1286 = arith.constant 1 : i32
    %dma_start3A_1287 = arith.constant 0 : i32
    %dma_start3A_1288 = arith.constant 1 : i32
    %dma_start3A_1289 = arith.constant 0 : i32
    %dma_start3A_1290 = arith.constant 0 : i32
    %dma_start3A_1291 = tpu.memref_slice %arg6[%dma_start3A_1288, %dma_start3A_1289, %dma_start3A_1290] : memref<7x128x128xf32, #tpu.memory_space<vmem>> -> memref<1x128x128xf32, #tpu.memory_space<vmem>>
    %dma_start3A_1292 = tpu.memref_squeeze %dma_start3A_1291 : memref<1x128x128xf32, #tpu.memory_space<vmem>> -> memref<128x128xf32, #tpu.memory_space<vmem>>
    %dma_start3A_1293 = arith.constant 0 : i32
    %dma_start3A_1294 = tpu.memref_slice %arg5[%dma_start3A_1286, %dma_start3A_1287, %dma_start3A_1293] : memref<7x1x128xi32, #tpu.memory_space<vmem>> -> memref<1x1x128xi32, #tpu.memory_space<vmem>>
    %dma_start3A_1295 = tpu.memref_squeeze %dma_start3A_1294 : memref<1x1x128xi32, #tpu.memory_space<vmem>> -> memref<128xi32, #tpu.memory_space<vmem>>
    %dma_start3A_1296 = arith.constant 0 : i32
    %dma_start3A_1297 = arith.constant 0 : i32
    %dma_start3A_1298 = tpu.memref_slice %arg3[%dma_start3A_1296, %dma_start3A_1297] : memref<100000x128xf32, #tpu.memory_space<hbm>> -> memref<100000x128xf32, #tpu.memory_space<hbm>>
    tpu.enqueue_indirect_dma source(%dma_start3A_1298 : memref<100000x128xf32, #tpu.memory_space<hbm>>) target(%dma_start3A_1292 : memref<128x128xf32, #tpu.memory_space<vmem>>) offsets(%dma_start3A_1295 : memref<128xi32, #tpu.memory_space<vmem>>) semaphore(%arg15 : memref<!tpu.dma_semaphore, #tpu.memory_space<semaphore_mem>>)
    %dma_start3A_1299 = arith.constant 2 : i32
    %dma_start3A_1300 = arith.constant 0 : i32
    %dma_start3A_1301 = arith.constant 0 : i32
    %dma_start3A_1302 = tpu.memref_slice %arg5[%dma_start3A_1299, %dma_start3A_1300, %dma_start3A_1301] : memref<7x1x128xi32, #tpu.memory_space<vmem>> -> memref<1x1x128xi32, #tpu.memory_space<vmem>>
    %dma_start3A_1303 = tpu.memref_squeeze %dma_start3A_1302 : memref<1x1x128xi32, #tpu.memory_space<vmem>> -> memref<1x128xi32, #tpu.memory_space<vmem>>
    %dma_start3A_1304 = arith.constant 198 : i32
    %dma_start3A_1305 = arith.constant 0 : i32
    %dma_start3A_1306 = tpu.memref_slice %arg2[%add3A, %dma_start3A_1304, %dma_start3A_1305] : memref<32x200x128xi32, #tpu.memory_space<hbm>> -> memref<1x1x128xi32, #tpu.memory_space<hbm>>
    %dma_start3A_1307 = tpu.memref_squeeze %dma_start3A_1306 : memref<1x1x128xi32, #tpu.memory_space<hbm>> -> memref<1x128xi32, #tpu.memory_space<hbm>>
    %dma_start3A_1308 = arith.constant 0 : i32
    %dma_start3A_1309 = arith.constant 0 : i32
    %dma_start3A_1310 = tpu.memref_slice %arg5[%dma_start3A_1299, %dma_start3A_1308, %dma_start3A_1309] : memref<7x1x128xi32, #tpu.memory_space<vmem>> -> memref<1x1x128xi32, #tpu.memory_space<vmem>>
    %dma_start3A_1311 = tpu.memref_squeeze %dma_start3A_1310 : memref<1x1x128xi32, #tpu.memory_space<vmem>> -> memref<1x128xi32, #tpu.memory_space<vmem>>
    %dma_start3A_1312 = arith.constant 198 : i32
    %dma_start3A_1313 = arith.constant 0 : i32
    %dma_start3A_1314 = tpu.memref_slice %arg2[%add3A, %dma_start3A_1312, %dma_start3A_1313] : memref<32x200x128xi32, #tpu.memory_space<hbm>> -> memref<1x1x128xi32, #tpu.memory_space<hbm>>
    %dma_start3A_1315 = tpu.memref_squeeze %dma_start3A_1314 : memref<1x1x128xi32, #tpu.memory_space<hbm>> -> memref<1x128xi32, #tpu.memory_space<hbm>>
    tpu.enqueue_dma source(%dma_start3A_1315 : memref<1x128xi32, #tpu.memory_space<hbm>>) target(%dma_start3A_1311 : memref<1x128xi32, #tpu.memory_space<vmem>>) target_semaphore(%arg9 : memref<!tpu.dma_semaphore, #tpu.memory_space<semaphore_mem>>)
    %dma_wait3A_1316 = arith.constant 2 : i32
    %dma_wait3A_1317 = arith.constant 0 : i32
    %dma_wait3A_1318 = arith.constant 0 : i32
    %dma_wait3A_1319 = tpu.memref_slice %arg6[%dma_wait3A_1316, %dma_wait3A_1317, %dma_wait3A_1318] : memref<7x128x128xf32, #tpu.memory_space<vmem>> -> memref<1x128x128xf32, #tpu.memory_space<vmem>>
    %dma_wait3A_1320 = tpu.memref_squeeze %dma_wait3A_1319 : memref<1x128x128xf32, #tpu.memory_space<vmem>> -> memref<128x128xf32, #tpu.memory_space<vmem>>
    %dma_wait3A_1321 = arith.constant 0 : i32
    %dma_wait3A_1322 = arith.constant 0 : i32
    %dma_wait3A_1323 = tpu.memref_slice %arg4[%dma_wait3A_1321, %dma_wait3A_1322] : memref<819200x128xf32, #tpu.memory_space<hbm>> -> memref<128x128xf32, #tpu.memory_space<hbm>>
    %dma_wait3A_1324 = arith.constant 0 : i32
    %dma_wait3A_1325 = arith.constant 0 : i32
    %dma_wait3A_1326 = tpu.memref_slice %arg4[%dma_wait3A_1324, %dma_wait3A_1325] : memref<819200x128xf32, #tpu.memory_space<hbm>> -> memref<128x128xf32, #tpu.memory_space<hbm>>
    %dma_wait3A_1327 = arith.constant 0 : i32
    %dma_wait3A_1328 = arith.constant 0 : i32
    %dma_wait3A_1329 = tpu.memref_slice %arg6[%dma_wait3A_1316, %dma_wait3A_1327, %dma_wait3A_1328] : memref<7x128x128xf32, #tpu.memory_space<vmem>> -> memref<1x128x128xf32, #tpu.memory_space<vmem>>
    %dma_wait3A_1330 = tpu.memref_squeeze %dma_wait3A_1329 : memref<1x128x128xf32, #tpu.memory_space<vmem>> -> memref<128x128xf32, #tpu.memory_space<vmem>>
    tpu.wait_dma2 semaphore(%arg23 : memref<!tpu.dma_semaphore, #tpu.memory_space<semaphore_mem>>) src(%dma_wait3A_1330 : memref<128x128xf32, #tpu.memory_space<vmem>>) dst(%dma_wait3A_1326 : memref<128x128xf32, #tpu.memory_space<hbm>>)
    %dma_wait3A_1331 = arith.constant 0 : i32
    %dma_wait3A_1332 = arith.constant 2 : i32
    %dma_wait3A_1333 = arith.constant 0 : i32
    %dma_wait3A_1334 = arith.constant 0 : i32
    %dma_wait3A_1335 = tpu.memref_slice %arg5[%dma_wait3A_1332, %dma_wait3A_1333, %dma_wait3A_1334] : memref<7x1x128xi32, #tpu.memory_space<vmem>> -> memref<1x1x128xi32, #tpu.memory_space<vmem>>
    %dma_wait3A_1336 = tpu.memref_squeeze %dma_wait3A_1335 : memref<1x1x128xi32, #tpu.memory_space<vmem>> -> memref<1x128xi32, #tpu.memory_space<vmem>>
    %dma_wait3A_1337 = arith.constant 0 : i32
    %dma_wait3A_1338 = arith.constant 0 : i32
    %dma_wait3A_1339 = tpu.memref_slice %arg2[%dma_wait3A_1331, %dma_wait3A_1337, %dma_wait3A_1338] : memref<32x200x128xi32, #tpu.memory_space<hbm>> -> memref<1x1x128xi32, #tpu.memory_space<hbm>>
    %dma_wait3A_1340 = tpu.memref_squeeze %dma_wait3A_1339 : memref<1x1x128xi32, #tpu.memory_space<hbm>> -> memref<1x128xi32, #tpu.memory_space<hbm>>
    %dma_wait3A_1341 = arith.constant 0 : i32
    %dma_wait3A_1342 = arith.constant 0 : i32
    %dma_wait3A_1343 = tpu.memref_slice %arg5[%dma_wait3A_1332, %dma_wait3A_1341, %dma_wait3A_1342] : memref<7x1x128xi32, #tpu.memory_space<vmem>> -> memref<1x1x128xi32, #tpu.memory_space<vmem>>
    %dma_wait3A_1344 = tpu.memref_squeeze %dma_wait3A_1343 : memref<1x1x128xi32, #tpu.memory_space<vmem>> -> memref<1x128xi32, #tpu.memory_space<vmem>>
    %dma_wait3A_1345 = arith.constant 0 : i32
    %dma_wait3A_1346 = arith.constant 0 : i32
    %dma_wait3A_1347 = tpu.memref_slice %arg2[%dma_wait3A_1331, %dma_wait3A_1345, %dma_wait3A_1346] : memref<32x200x128xi32, #tpu.memory_space<hbm>> -> memref<1x1x128xi32, #tpu.memory_space<hbm>>
    %dma_wait3A_1348 = tpu.memref_squeeze %dma_wait3A_1347 : memref<1x1x128xi32, #tpu.memory_space<hbm>> -> memref<1x128xi32, #tpu.memory_space<hbm>>
    tpu.wait_dma2 semaphore(%arg9 : memref<!tpu.dma_semaphore, #tpu.memory_space<semaphore_mem>>) src(%dma_wait3A_1348 : memref<1x128xi32, #tpu.memory_space<hbm>>) dst(%dma_wait3A_1344 : memref<1x128xi32, #tpu.memory_space<vmem>>)
    %dma_wait3A_1349 = arith.constant 6 : i32
    %dma_wait3A_1350 = arith.constant 0 : i32
    %dma_wait3A_1351 = arith.constant 0 : i32
    %dma_wait3A_1352 = tpu.memref_slice %arg6[%dma_wait3A_1349, %dma_wait3A_1350, %dma_wait3A_1351] : memref<7x128x128xf32, #tpu.memory_space<vmem>> -> memref<1x128x128xf32, #tpu.memory_space<vmem>>
    %dma_wait3A_1353 = tpu.memref_squeeze %dma_wait3A_1352 : memref<1x128x128xf32, #tpu.memory_space<vmem>> -> memref<128x128xf32, #tpu.memory_space<vmem>>
    %dma_wait3A_1354 = arith.constant 0 : i32
    %dma_wait3A_1355 = arith.constant 0 : i32
    %dma_wait3A_1356 = tpu.memref_slice %arg3[%dma_wait3A_1354, %dma_wait3A_1355] : memref<100000x128xf32, #tpu.memory_space<hbm>> -> memref<128x128xf32, #tpu.memory_space<hbm>>
    %dma_wait3A_1357 = arith.constant 0 : i32
    %dma_wait3A_1358 = arith.constant 0 : i32
    %dma_wait3A_1359 = tpu.memref_slice %arg6[%dma_wait3A_1349, %dma_wait3A_1357, %dma_wait3A_1358] : memref<7x128x128xf32, #tpu.memory_space<vmem>> -> memref<1x128x128xf32, #tpu.memory_space<vmem>>
    %dma_wait3A_1360 = tpu.memref_squeeze %dma_wait3A_1359 : memref<1x128x128xf32, #tpu.memory_space<vmem>> -> memref<128x128xf32, #tpu.memory_space<vmem>>
    %dma_wait3A_1361 = arith.constant 0 : i32
    %dma_wait3A_1362 = arith.constant 0 : i32
    %dma_wait3A_1363 = tpu.memref_slice %arg3[%dma_wait3A_1361, %dma_wait3A_1362] : memref<100000x128xf32, #tpu.memory_space<hbm>> -> memref<128x128xf32, #tpu.memory_space<hbm>>
    tpu.wait_dma2 semaphore(%arg20 : memref<!tpu.dma_semaphore, #tpu.memory_space<semaphore_mem>>) src(%dma_wait3A_1363 : memref<128x128xf32, #tpu.memory_space<hbm>>) dst(%dma_wait3A_1360 : memref<128x128xf32, #tpu.memory_space<vmem>>)
    %add3A_1364 = arith.constant 24960 : i32
    %add3A_1365 = arith.addi %mul3A_2, %add3A_1364 : i32
    %dma_start3A_1366 = arith.constant 6 : i32
    %dma_start3A_1367 = arith.constant 0 : i32
    %dma_start3A_1368 = arith.constant 0 : i32
    %dma_start3A_1369 = tpu.memref_slice %arg6[%dma_start3A_1366, %dma_start3A_1367, %dma_start3A_1368] : memref<7x128x128xf32, #tpu.memory_space<vmem>> -> memref<1x128x128xf32, #tpu.memory_space<vmem>>
    %dma_start3A_1370 = tpu.memref_squeeze %dma_start3A_1369 : memref<1x128x128xf32, #tpu.memory_space<vmem>> -> memref<128x128xf32, #tpu.memory_space<vmem>>
    %dma_start3A_1371 = arith.constant 0 : i32
    %dma_start3A_1372 = tpu.memref_slice %arg4[%add3A_1365, %dma_start3A_1371] : memref<819200x128xf32, #tpu.memory_space<hbm>> -> memref<128x128xf32, #tpu.memory_space<hbm>>
    %dma_start3A_1373 = arith.constant 0 : i32
    %dma_start3A_1374 = tpu.memref_slice %arg4[%add3A_1365, %dma_start3A_1373] : memref<819200x128xf32, #tpu.memory_space<hbm>> -> memref<128x128xf32, #tpu.memory_space<hbm>>
    %dma_start3A_1375 = arith.constant 0 : i32
    %dma_start3A_1376 = arith.constant 0 : i32
    %dma_start3A_1377 = tpu.memref_slice %arg6[%dma_start3A_1366, %dma_start3A_1375, %dma_start3A_1376] : memref<7x128x128xf32, #tpu.memory_space<vmem>> -> memref<1x128x128xf32, #tpu.memory_space<vmem>>
    %dma_start3A_1378 = tpu.memref_squeeze %dma_start3A_1377 : memref<1x128x128xf32, #tpu.memory_space<vmem>> -> memref<128x128xf32, #tpu.memory_space<vmem>>
    tpu.enqueue_dma source(%dma_start3A_1378 : memref<128x128xf32, #tpu.memory_space<vmem>>) target(%dma_start3A_1374 : memref<128x128xf32, #tpu.memory_space<hbm>>) target_semaphore(%arg27 : memref<!tpu.dma_semaphore, #tpu.memory_space<semaphore_mem>>)
    %dma_start3A_1379 = arith.constant 2 : i32
    %dma_start3A_1380 = arith.constant 0 : i32
    %dma_start3A_1381 = arith.constant 2 : i32
    %dma_start3A_1382 = arith.constant 0 : i32
    %dma_start3A_1383 = arith.constant 0 : i32
    %dma_start3A_1384 = tpu.memref_slice %arg6[%dma_start3A_1381, %dma_start3A_1382, %dma_start3A_1383] : memref<7x128x128xf32, #tpu.memory_space<vmem>> -> memref<1x128x128xf32, #tpu.memory_space<vmem>>
    %dma_start3A_1385 = tpu.memref_squeeze %dma_start3A_1384 : memref<1x128x128xf32, #tpu.memory_space<vmem>> -> memref<128x128xf32, #tpu.memory_space<vmem>>
    %dma_start3A_1386 = arith.constant 0 : i32
    %dma_start3A_1387 = tpu.memref_slice %arg5[%dma_start3A_1379, %dma_start3A_1380, %dma_start3A_1386] : memref<7x1x128xi32, #tpu.memory_space<vmem>> -> memref<1x1x128xi32, #tpu.memory_space<vmem>>
    %dma_start3A_1388 = tpu.memref_squeeze %dma_start3A_1387 : memref<1x1x128xi32, #tpu.memory_space<vmem>> -> memref<128xi32, #tpu.memory_space<vmem>>
    %dma_start3A_1389 = arith.constant 0 : i32
    %dma_start3A_1390 = arith.constant 0 : i32
    %dma_start3A_1391 = tpu.memref_slice %arg3[%dma_start3A_1389, %dma_start3A_1390] : memref<100000x128xf32, #tpu.memory_space<hbm>> -> memref<100000x128xf32, #tpu.memory_space<hbm>>
    tpu.enqueue_indirect_dma source(%dma_start3A_1391 : memref<100000x128xf32, #tpu.memory_space<hbm>>) target(%dma_start3A_1385 : memref<128x128xf32, #tpu.memory_space<vmem>>) offsets(%dma_start3A_1388 : memref<128xi32, #tpu.memory_space<vmem>>) semaphore(%arg16 : memref<!tpu.dma_semaphore, #tpu.memory_space<semaphore_mem>>)
    %dma_start3A_1392 = arith.constant 3 : i32
    %dma_start3A_1393 = arith.constant 0 : i32
    %dma_start3A_1394 = arith.constant 0 : i32
    %dma_start3A_1395 = tpu.memref_slice %arg5[%dma_start3A_1392, %dma_start3A_1393, %dma_start3A_1394] : memref<7x1x128xi32, #tpu.memory_space<vmem>> -> memref<1x1x128xi32, #tpu.memory_space<vmem>>
    %dma_start3A_1396 = tpu.memref_squeeze %dma_start3A_1395 : memref<1x1x128xi32, #tpu.memory_space<vmem>> -> memref<1x128xi32, #tpu.memory_space<vmem>>
    %dma_start3A_1397 = arith.constant 199 : i32
    %dma_start3A_1398 = arith.constant 0 : i32
    %dma_start3A_1399 = tpu.memref_slice %arg2[%add3A, %dma_start3A_1397, %dma_start3A_1398] : memref<32x200x128xi32, #tpu.memory_space<hbm>> -> memref<1x1x128xi32, #tpu.memory_space<hbm>>
    %dma_start3A_1400 = tpu.memref_squeeze %dma_start3A_1399 : memref<1x1x128xi32, #tpu.memory_space<hbm>> -> memref<1x128xi32, #tpu.memory_space<hbm>>
    %dma_start3A_1401 = arith.constant 0 : i32
    %dma_start3A_1402 = arith.constant 0 : i32
    %dma_start3A_1403 = tpu.memref_slice %arg5[%dma_start3A_1392, %dma_start3A_1401, %dma_start3A_1402] : memref<7x1x128xi32, #tpu.memory_space<vmem>> -> memref<1x1x128xi32, #tpu.memory_space<vmem>>
    %dma_start3A_1404 = tpu.memref_squeeze %dma_start3A_1403 : memref<1x1x128xi32, #tpu.memory_space<vmem>> -> memref<1x128xi32, #tpu.memory_space<vmem>>
    %dma_start3A_1405 = arith.constant 199 : i32
    %dma_start3A_1406 = arith.constant 0 : i32
    %dma_start3A_1407 = tpu.memref_slice %arg2[%add3A, %dma_start3A_1405, %dma_start3A_1406] : memref<32x200x128xi32, #tpu.memory_space<hbm>> -> memref<1x1x128xi32, #tpu.memory_space<hbm>>
    %dma_start3A_1408 = tpu.memref_squeeze %dma_start3A_1407 : memref<1x1x128xi32, #tpu.memory_space<hbm>> -> memref<1x128xi32, #tpu.memory_space<hbm>>
    tpu.enqueue_dma source(%dma_start3A_1408 : memref<1x128xi32, #tpu.memory_space<hbm>>) target(%dma_start3A_1404 : memref<1x128xi32, #tpu.memory_space<vmem>>) target_semaphore(%arg10 : memref<!tpu.dma_semaphore, #tpu.memory_space<semaphore_mem>>)
    %dma_wait3A_1409 = arith.constant 3 : i32
    %dma_wait3A_1410 = arith.constant 0 : i32
    %dma_wait3A_1411 = arith.constant 0 : i32
    %dma_wait3A_1412 = tpu.memref_slice %arg6[%dma_wait3A_1409, %dma_wait3A_1410, %dma_wait3A_1411] : memref<7x128x128xf32, #tpu.memory_space<vmem>> -> memref<1x128x128xf32, #tpu.memory_space<vmem>>
    %dma_wait3A_1413 = tpu.memref_squeeze %dma_wait3A_1412 : memref<1x128x128xf32, #tpu.memory_space<vmem>> -> memref<128x128xf32, #tpu.memory_space<vmem>>
    %dma_wait3A_1414 = arith.constant 0 : i32
    %dma_wait3A_1415 = arith.constant 0 : i32
    %dma_wait3A_1416 = tpu.memref_slice %arg4[%dma_wait3A_1414, %dma_wait3A_1415] : memref<819200x128xf32, #tpu.memory_space<hbm>> -> memref<128x128xf32, #tpu.memory_space<hbm>>
    %dma_wait3A_1417 = arith.constant 0 : i32
    %dma_wait3A_1418 = arith.constant 0 : i32
    %dma_wait3A_1419 = tpu.memref_slice %arg4[%dma_wait3A_1417, %dma_wait3A_1418] : memref<819200x128xf32, #tpu.memory_space<hbm>> -> memref<128x128xf32, #tpu.memory_space<hbm>>
    %dma_wait3A_1420 = arith.constant 0 : i32
    %dma_wait3A_1421 = arith.constant 0 : i32
    %dma_wait3A_1422 = tpu.memref_slice %arg6[%dma_wait3A_1409, %dma_wait3A_1420, %dma_wait3A_1421] : memref<7x128x128xf32, #tpu.memory_space<vmem>> -> memref<1x128x128xf32, #tpu.memory_space<vmem>>
    %dma_wait3A_1423 = tpu.memref_squeeze %dma_wait3A_1422 : memref<1x128x128xf32, #tpu.memory_space<vmem>> -> memref<128x128xf32, #tpu.memory_space<vmem>>
    tpu.wait_dma2 semaphore(%arg24 : memref<!tpu.dma_semaphore, #tpu.memory_space<semaphore_mem>>) src(%dma_wait3A_1423 : memref<128x128xf32, #tpu.memory_space<vmem>>) dst(%dma_wait3A_1419 : memref<128x128xf32, #tpu.memory_space<hbm>>)
    %dma_wait3A_1424 = arith.constant 0 : i32
    %dma_wait3A_1425 = arith.constant 3 : i32
    %dma_wait3A_1426 = arith.constant 0 : i32
    %dma_wait3A_1427 = arith.constant 0 : i32
    %dma_wait3A_1428 = tpu.memref_slice %arg5[%dma_wait3A_1425, %dma_wait3A_1426, %dma_wait3A_1427] : memref<7x1x128xi32, #tpu.memory_space<vmem>> -> memref<1x1x128xi32, #tpu.memory_space<vmem>>
    %dma_wait3A_1429 = tpu.memref_squeeze %dma_wait3A_1428 : memref<1x1x128xi32, #tpu.memory_space<vmem>> -> memref<1x128xi32, #tpu.memory_space<vmem>>
    %dma_wait3A_1430 = arith.constant 0 : i32
    %dma_wait3A_1431 = arith.constant 0 : i32
    %dma_wait3A_1432 = tpu.memref_slice %arg2[%dma_wait3A_1424, %dma_wait3A_1430, %dma_wait3A_1431] : memref<32x200x128xi32, #tpu.memory_space<hbm>> -> memref<1x1x128xi32, #tpu.memory_space<hbm>>
    %dma_wait3A_1433 = tpu.memref_squeeze %dma_wait3A_1432 : memref<1x1x128xi32, #tpu.memory_space<hbm>> -> memref<1x128xi32, #tpu.memory_space<hbm>>
    %dma_wait3A_1434 = arith.constant 0 : i32
    %dma_wait3A_1435 = arith.constant 0 : i32
    %dma_wait3A_1436 = tpu.memref_slice %arg5[%dma_wait3A_1425, %dma_wait3A_1434, %dma_wait3A_1435] : memref<7x1x128xi32, #tpu.memory_space<vmem>> -> memref<1x1x128xi32, #tpu.memory_space<vmem>>
    %dma_wait3A_1437 = tpu.memref_squeeze %dma_wait3A_1436 : memref<1x1x128xi32, #tpu.memory_space<vmem>> -> memref<1x128xi32, #tpu.memory_space<vmem>>
    %dma_wait3A_1438 = arith.constant 0 : i32
    %dma_wait3A_1439 = arith.constant 0 : i32
    %dma_wait3A_1440 = tpu.memref_slice %arg2[%dma_wait3A_1424, %dma_wait3A_1438, %dma_wait3A_1439] : memref<32x200x128xi32, #tpu.memory_space<hbm>> -> memref<1x1x128xi32, #tpu.memory_space<hbm>>
    %dma_wait3A_1441 = tpu.memref_squeeze %dma_wait3A_1440 : memref<1x1x128xi32, #tpu.memory_space<hbm>> -> memref<1x128xi32, #tpu.memory_space<hbm>>
    tpu.wait_dma2 semaphore(%arg10 : memref<!tpu.dma_semaphore, #tpu.memory_space<semaphore_mem>>) src(%dma_wait3A_1441 : memref<1x128xi32, #tpu.memory_space<hbm>>) dst(%dma_wait3A_1437 : memref<1x128xi32, #tpu.memory_space<vmem>>)
    %dma_wait3A_1442 = arith.constant 0 : i32
    %dma_wait3A_1443 = arith.constant 0 : i32
    %dma_wait3A_1444 = arith.constant 0 : i32
    %dma_wait3A_1445 = tpu.memref_slice %arg6[%dma_wait3A_1442, %dma_wait3A_1443, %dma_wait3A_1444] : memref<7x128x128xf32, #tpu.memory_space<vmem>> -> memref<1x128x128xf32, #tpu.memory_space<vmem>>
    %dma_wait3A_1446 = tpu.memref_squeeze %dma_wait3A_1445 : memref<1x128x128xf32, #tpu.memory_space<vmem>> -> memref<128x128xf32, #tpu.memory_space<vmem>>
    %dma_wait3A_1447 = arith.constant 0 : i32
    %dma_wait3A_1448 = arith.constant 0 : i32
    %dma_wait3A_1449 = tpu.memref_slice %arg3[%dma_wait3A_1447, %dma_wait3A_1448] : memref<100000x128xf32, #tpu.memory_space<hbm>> -> memref<128x128xf32, #tpu.memory_space<hbm>>
    %dma_wait3A_1450 = arith.constant 0 : i32
    %dma_wait3A_1451 = arith.constant 0 : i32
    %dma_wait3A_1452 = tpu.memref_slice %arg6[%dma_wait3A_1442, %dma_wait3A_1450, %dma_wait3A_1451] : memref<7x128x128xf32, #tpu.memory_space<vmem>> -> memref<1x128x128xf32, #tpu.memory_space<vmem>>
    %dma_wait3A_1453 = tpu.memref_squeeze %dma_wait3A_1452 : memref<1x128x128xf32, #tpu.memory_space<vmem>> -> memref<128x128xf32, #tpu.memory_space<vmem>>
    %dma_wait3A_1454 = arith.constant 0 : i32
    %dma_wait3A_1455 = arith.constant 0 : i32
    %dma_wait3A_1456 = tpu.memref_slice %arg3[%dma_wait3A_1454, %dma_wait3A_1455] : memref<100000x128xf32, #tpu.memory_space<hbm>> -> memref<128x128xf32, #tpu.memory_space<hbm>>
    tpu.wait_dma2 semaphore(%arg14 : memref<!tpu.dma_semaphore, #tpu.memory_space<semaphore_mem>>) src(%dma_wait3A_1456 : memref<128x128xf32, #tpu.memory_space<hbm>>) dst(%dma_wait3A_1453 : memref<128x128xf32, #tpu.memory_space<vmem>>)
    %add3A_1457 = arith.constant 25088 : i32
    %add3A_1458 = arith.addi %mul3A_2, %add3A_1457 : i32
    %dma_start3A_1459 = arith.constant 0 : i32
    %dma_start3A_1460 = arith.constant 0 : i32
    %dma_start3A_1461 = arith.constant 0 : i32
    %dma_start3A_1462 = tpu.memref_slice %arg6[%dma_start3A_1459, %dma_start3A_1460, %dma_start3A_1461] : memref<7x128x128xf32, #tpu.memory_space<vmem>> -> memref<1x128x128xf32, #tpu.memory_space<vmem>>
    %dma_start3A_1463 = tpu.memref_squeeze %dma_start3A_1462 : memref<1x128x128xf32, #tpu.memory_space<vmem>> -> memref<128x128xf32, #tpu.memory_space<vmem>>
    %dma_start3A_1464 = arith.constant 0 : i32
    %dma_start3A_1465 = tpu.memref_slice %arg4[%add3A_1458, %dma_start3A_1464] : memref<819200x128xf32, #tpu.memory_space<hbm>> -> memref<128x128xf32, #tpu.memory_space<hbm>>
    %dma_start3A_1466 = arith.constant 0 : i32
    %dma_start3A_1467 = tpu.memref_slice %arg4[%add3A_1458, %dma_start3A_1466] : memref<819200x128xf32, #tpu.memory_space<hbm>> -> memref<128x128xf32, #tpu.memory_space<hbm>>
    %dma_start3A_1468 = arith.constant 0 : i32
    %dma_start3A_1469 = arith.constant 0 : i32
    %dma_start3A_1470 = tpu.memref_slice %arg6[%dma_start3A_1459, %dma_start3A_1468, %dma_start3A_1469] : memref<7x128x128xf32, #tpu.memory_space<vmem>> -> memref<1x128x128xf32, #tpu.memory_space<vmem>>
    %dma_start3A_1471 = tpu.memref_squeeze %dma_start3A_1470 : memref<1x128x128xf32, #tpu.memory_space<vmem>> -> memref<128x128xf32, #tpu.memory_space<vmem>>
    tpu.enqueue_dma source(%dma_start3A_1471 : memref<128x128xf32, #tpu.memory_space<vmem>>) target(%dma_start3A_1467 : memref<128x128xf32, #tpu.memory_space<hbm>>) target_semaphore(%arg21 : memref<!tpu.dma_semaphore, #tpu.memory_space<semaphore_mem>>)
    %dma_start3A_1472 = arith.constant 3 : i32
    %dma_start3A_1473 = arith.constant 0 : i32
    %dma_start3A_1474 = arith.constant 3 : i32
    %dma_start3A_1475 = arith.constant 0 : i32
    %dma_start3A_1476 = arith.constant 0 : i32
    %dma_start3A_1477 = tpu.memref_slice %arg6[%dma_start3A_1474, %dma_start3A_1475, %dma_start3A_1476] : memref<7x128x128xf32, #tpu.memory_space<vmem>> -> memref<1x128x128xf32, #tpu.memory_space<vmem>>
    %dma_start3A_1478 = tpu.memref_squeeze %dma_start3A_1477 : memref<1x128x128xf32, #tpu.memory_space<vmem>> -> memref<128x128xf32, #tpu.memory_space<vmem>>
    %dma_start3A_1479 = arith.constant 0 : i32
    %dma_start3A_1480 = tpu.memref_slice %arg5[%dma_start3A_1472, %dma_start3A_1473, %dma_start3A_1479] : memref<7x1x128xi32, #tpu.memory_space<vmem>> -> memref<1x1x128xi32, #tpu.memory_space<vmem>>
    %dma_start3A_1481 = tpu.memref_squeeze %dma_start3A_1480 : memref<1x1x128xi32, #tpu.memory_space<vmem>> -> memref<128xi32, #tpu.memory_space<vmem>>
    %dma_start3A_1482 = arith.constant 0 : i32
    %dma_start3A_1483 = arith.constant 0 : i32
    %dma_start3A_1484 = tpu.memref_slice %arg3[%dma_start3A_1482, %dma_start3A_1483] : memref<100000x128xf32, #tpu.memory_space<hbm>> -> memref<100000x128xf32, #tpu.memory_space<hbm>>
    tpu.enqueue_indirect_dma source(%dma_start3A_1484 : memref<100000x128xf32, #tpu.memory_space<hbm>>) target(%dma_start3A_1478 : memref<128x128xf32, #tpu.memory_space<vmem>>) offsets(%dma_start3A_1481 : memref<128xi32, #tpu.memory_space<vmem>>) semaphore(%arg17 : memref<!tpu.dma_semaphore, #tpu.memory_space<semaphore_mem>>)
    %dma_wait3A_1485 = arith.constant 4 : i32
    %dma_wait3A_1486 = arith.constant 0 : i32
    %dma_wait3A_1487 = arith.constant 0 : i32
    %dma_wait3A_1488 = tpu.memref_slice %arg6[%dma_wait3A_1485, %dma_wait3A_1486, %dma_wait3A_1487] : memref<7x128x128xf32, #tpu.memory_space<vmem>> -> memref<1x128x128xf32, #tpu.memory_space<vmem>>
    %dma_wait3A_1489 = tpu.memref_squeeze %dma_wait3A_1488 : memref<1x128x128xf32, #tpu.memory_space<vmem>> -> memref<128x128xf32, #tpu.memory_space<vmem>>
    %dma_wait3A_1490 = arith.constant 0 : i32
    %dma_wait3A_1491 = arith.constant 0 : i32
    %dma_wait3A_1492 = tpu.memref_slice %arg4[%dma_wait3A_1490, %dma_wait3A_1491] : memref<819200x128xf32, #tpu.memory_space<hbm>> -> memref<128x128xf32, #tpu.memory_space<hbm>>
    %dma_wait3A_1493 = arith.constant 0 : i32
    %dma_wait3A_1494 = arith.constant 0 : i32
    %dma_wait3A_1495 = tpu.memref_slice %arg4[%dma_wait3A_1493, %dma_wait3A_1494] : memref<819200x128xf32, #tpu.memory_space<hbm>> -> memref<128x128xf32, #tpu.memory_space<hbm>>
    %dma_wait3A_1496 = arith.constant 0 : i32
    %dma_wait3A_1497 = arith.constant 0 : i32
    %dma_wait3A_1498 = tpu.memref_slice %arg6[%dma_wait3A_1485, %dma_wait3A_1496, %dma_wait3A_1497] : memref<7x128x128xf32, #tpu.memory_space<vmem>> -> memref<1x128x128xf32, #tpu.memory_space<vmem>>
    %dma_wait3A_1499 = tpu.memref_squeeze %dma_wait3A_1498 : memref<1x128x128xf32, #tpu.memory_space<vmem>> -> memref<128x128xf32, #tpu.memory_space<vmem>>
    tpu.wait_dma2 semaphore(%arg25 : memref<!tpu.dma_semaphore, #tpu.memory_space<semaphore_mem>>) src(%dma_wait3A_1499 : memref<128x128xf32, #tpu.memory_space<vmem>>) dst(%dma_wait3A_1495 : memref<128x128xf32, #tpu.memory_space<hbm>>)
    %dma_wait3A_1500 = arith.constant 1 : i32
    %dma_wait3A_1501 = arith.constant 0 : i32
    %dma_wait3A_1502 = arith.constant 0 : i32
    %dma_wait3A_1503 = tpu.memref_slice %arg6[%dma_wait3A_1500, %dma_wait3A_1501, %dma_wait3A_1502] : memref<7x128x128xf32, #tpu.memory_space<vmem>> -> memref<1x128x128xf32, #tpu.memory_space<vmem>>
    %dma_wait3A_1504 = tpu.memref_squeeze %dma_wait3A_1503 : memref<1x128x128xf32, #tpu.memory_space<vmem>> -> memref<128x128xf32, #tpu.memory_space<vmem>>
    %dma_wait3A_1505 = arith.constant 0 : i32
    %dma_wait3A_1506 = arith.constant 0 : i32
    %dma_wait3A_1507 = tpu.memref_slice %arg3[%dma_wait3A_1505, %dma_wait3A_1506] : memref<100000x128xf32, #tpu.memory_space<hbm>> -> memref<128x128xf32, #tpu.memory_space<hbm>>
    %dma_wait3A_1508 = arith.constant 0 : i32
    %dma_wait3A_1509 = arith.constant 0 : i32
    %dma_wait3A_1510 = tpu.memref_slice %arg6[%dma_wait3A_1500, %dma_wait3A_1508, %dma_wait3A_1509] : memref<7x128x128xf32, #tpu.memory_space<vmem>> -> memref<1x128x128xf32, #tpu.memory_space<vmem>>
    %dma_wait3A_1511 = tpu.memref_squeeze %dma_wait3A_1510 : memref<1x128x128xf32, #tpu.memory_space<vmem>> -> memref<128x128xf32, #tpu.memory_space<vmem>>
    %dma_wait3A_1512 = arith.constant 0 : i32
    %dma_wait3A_1513 = arith.constant 0 : i32
    %dma_wait3A_1514 = tpu.memref_slice %arg3[%dma_wait3A_1512, %dma_wait3A_1513] : memref<100000x128xf32, #tpu.memory_space<hbm>> -> memref<128x128xf32, #tpu.memory_space<hbm>>
    tpu.wait_dma2 semaphore(%arg15 : memref<!tpu.dma_semaphore, #tpu.memory_space<semaphore_mem>>) src(%dma_wait3A_1514 : memref<128x128xf32, #tpu.memory_space<hbm>>) dst(%dma_wait3A_1511 : memref<128x128xf32, #tpu.memory_space<vmem>>)
    %add3A_1515 = arith.constant 25216 : i32
    %add3A_1516 = arith.addi %mul3A_2, %add3A_1515 : i32
    %dma_start3A_1517 = arith.constant 1 : i32
    %dma_start3A_1518 = arith.constant 0 : i32
    %dma_start3A_1519 = arith.constant 0 : i32
    %dma_start3A_1520 = tpu.memref_slice %arg6[%dma_start3A_1517, %dma_start3A_1518, %dma_start3A_1519] : memref<7x128x128xf32, #tpu.memory_space<vmem>> -> memref<1x128x128xf32, #tpu.memory_space<vmem>>
    %dma_start3A_1521 = tpu.memref_squeeze %dma_start3A_1520 : memref<1x128x128xf32, #tpu.memory_space<vmem>> -> memref<128x128xf32, #tpu.memory_space<vmem>>
    %dma_start3A_1522 = arith.constant 0 : i32
    %dma_start3A_1523 = tpu.memref_slice %arg4[%add3A_1516, %dma_start3A_1522] : memref<819200x128xf32, #tpu.memory_space<hbm>> -> memref<128x128xf32, #tpu.memory_space<hbm>>
    %dma_start3A_1524 = arith.constant 0 : i32
    %dma_start3A_1525 = tpu.memref_slice %arg4[%add3A_1516, %dma_start3A_1524] : memref<819200x128xf32, #tpu.memory_space<hbm>> -> memref<128x128xf32, #tpu.memory_space<hbm>>
    %dma_start3A_1526 = arith.constant 0 : i32
    %dma_start3A_1527 = arith.constant 0 : i32
    %dma_start3A_1528 = tpu.memref_slice %arg6[%dma_start3A_1517, %dma_start3A_1526, %dma_start3A_1527] : memref<7x128x128xf32, #tpu.memory_space<vmem>> -> memref<1x128x128xf32, #tpu.memory_space<vmem>>
    %dma_start3A_1529 = tpu.memref_squeeze %dma_start3A_1528 : memref<1x128x128xf32, #tpu.memory_space<vmem>> -> memref<128x128xf32, #tpu.memory_space<vmem>>
    tpu.enqueue_dma source(%dma_start3A_1529 : memref<128x128xf32, #tpu.memory_space<vmem>>) target(%dma_start3A_1525 : memref<128x128xf32, #tpu.memory_space<hbm>>) target_semaphore(%arg22 : memref<!tpu.dma_semaphore, #tpu.memory_space<semaphore_mem>>)
    %dma_wait3A_1530 = arith.constant 5 : i32
    %dma_wait3A_1531 = arith.constant 0 : i32
    %dma_wait3A_1532 = arith.constant 0 : i32
    %dma_wait3A_1533 = tpu.memref_slice %arg6[%dma_wait3A_1530, %dma_wait3A_1531, %dma_wait3A_1532] : memref<7x128x128xf32, #tpu.memory_space<vmem>> -> memref<1x128x128xf32, #tpu.memory_space<vmem>>
    %dma_wait3A_1534 = tpu.memref_squeeze %dma_wait3A_1533 : memref<1x128x128xf32, #tpu.memory_space<vmem>> -> memref<128x128xf32, #tpu.memory_space<vmem>>
    %dma_wait3A_1535 = arith.constant 0 : i32
    %dma_wait3A_1536 = arith.constant 0 : i32
    %dma_wait3A_1537 = tpu.memref_slice %arg4[%dma_wait3A_1535, %dma_wait3A_1536] : memref<819200x128xf32, #tpu.memory_space<hbm>> -> memref<128x128xf32, #tpu.memory_space<hbm>>
    %dma_wait3A_1538 = arith.constant 0 : i32
    %dma_wait3A_1539 = arith.constant 0 : i32
    %dma_wait3A_1540 = tpu.memref_slice %arg4[%dma_wait3A_1538, %dma_wait3A_1539] : memref<819200x128xf32, #tpu.memory_space<hbm>> -> memref<128x128xf32, #tpu.memory_space<hbm>>
    %dma_wait3A_1541 = arith.constant 0 : i32
    %dma_wait3A_1542 = arith.constant 0 : i32
    %dma_wait3A_1543 = tpu.memref_slice %arg6[%dma_wait3A_1530, %dma_wait3A_1541, %dma_wait3A_1542] : memref<7x128x128xf32, #tpu.memory_space<vmem>> -> memref<1x128x128xf32, #tpu.memory_space<vmem>>
    %dma_wait3A_1544 = tpu.memref_squeeze %dma_wait3A_1543 : memref<1x128x128xf32, #tpu.memory_space<vmem>> -> memref<128x128xf32, #tpu.memory_space<vmem>>
    tpu.wait_dma2 semaphore(%arg26 : memref<!tpu.dma_semaphore, #tpu.memory_space<semaphore_mem>>) src(%dma_wait3A_1544 : memref<128x128xf32, #tpu.memory_space<vmem>>) dst(%dma_wait3A_1540 : memref<128x128xf32, #tpu.memory_space<hbm>>)
    %dma_wait3A_1545 = arith.constant 2 : i32
    %dma_wait3A_1546 = arith.constant 0 : i32
    %dma_wait3A_1547 = arith.constant 0 : i32
    %dma_wait3A_1548 = tpu.memref_slice %arg6[%dma_wait3A_1545, %dma_wait3A_1546, %dma_wait3A_1547] : memref<7x128x128xf32, #tpu.memory_space<vmem>> -> memref<1x128x128xf32, #tpu.memory_space<vmem>>
    %dma_wait3A_1549 = tpu.memref_squeeze %dma_wait3A_1548 : memref<1x128x128xf32, #tpu.memory_space<vmem>> -> memref<128x128xf32, #tpu.memory_space<vmem>>
    %dma_wait3A_1550 = arith.constant 0 : i32
    %dma_wait3A_1551 = arith.constant 0 : i32
    %dma_wait3A_1552 = tpu.memref_slice %arg3[%dma_wait3A_1550, %dma_wait3A_1551] : memref<100000x128xf32, #tpu.memory_space<hbm>> -> memref<128x128xf32, #tpu.memory_space<hbm>>
    %dma_wait3A_1553 = arith.constant 0 : i32
    %dma_wait3A_1554 = arith.constant 0 : i32
    %dma_wait3A_1555 = tpu.memref_slice %arg6[%dma_wait3A_1545, %dma_wait3A_1553, %dma_wait3A_1554] : memref<7x128x128xf32, #tpu.memory_space<vmem>> -> memref<1x128x128xf32, #tpu.memory_space<vmem>>
    %dma_wait3A_1556 = tpu.memref_squeeze %dma_wait3A_1555 : memref<1x128x128xf32, #tpu.memory_space<vmem>> -> memref<128x128xf32, #tpu.memory_space<vmem>>
    %dma_wait3A_1557 = arith.constant 0 : i32
    %dma_wait3A_1558 = arith.constant 0 : i32
    %dma_wait3A_1559 = tpu.memref_slice %arg3[%dma_wait3A_1557, %dma_wait3A_1558] : memref<100000x128xf32, #tpu.memory_space<hbm>> -> memref<128x128xf32, #tpu.memory_space<hbm>>
    tpu.wait_dma2 semaphore(%arg16 : memref<!tpu.dma_semaphore, #tpu.memory_space<semaphore_mem>>) src(%dma_wait3A_1559 : memref<128x128xf32, #tpu.memory_space<hbm>>) dst(%dma_wait3A_1556 : memref<128x128xf32, #tpu.memory_space<vmem>>)
    %add3A_1560 = arith.constant 25344 : i32
    %add3A_1561 = arith.addi %mul3A_2, %add3A_1560 : i32
    %dma_start3A_1562 = arith.constant 2 : i32
    %dma_start3A_1563 = arith.constant 0 : i32
    %dma_start3A_1564 = arith.constant 0 : i32
    %dma_start3A_1565 = tpu.memref_slice %arg6[%dma_start3A_1562, %dma_start3A_1563, %dma_start3A_1564] : memref<7x128x128xf32, #tpu.memory_space<vmem>> -> memref<1x128x128xf32, #tpu.memory_space<vmem>>
    %dma_start3A_1566 = tpu.memref_squeeze %dma_start3A_1565 : memref<1x128x128xf32, #tpu.memory_space<vmem>> -> memref<128x128xf32, #tpu.memory_space<vmem>>
    %dma_start3A_1567 = arith.constant 0 : i32
    %dma_start3A_1568 = tpu.memref_slice %arg4[%add3A_1561, %dma_start3A_1567] : memref<819200x128xf32, #tpu.memory_space<hbm>> -> memref<128x128xf32, #tpu.memory_space<hbm>>
    %dma_start3A_1569 = arith.constant 0 : i32
    %dma_start3A_1570 = tpu.memref_slice %arg4[%add3A_1561, %dma_start3A_1569] : memref<819200x128xf32, #tpu.memory_space<hbm>> -> memref<128x128xf32, #tpu.memory_space<hbm>>
    %dma_start3A_1571 = arith.constant 0 : i32
    %dma_start3A_1572 = arith.constant 0 : i32
    %dma_start3A_1573 = tpu.memref_slice %arg6[%dma_start3A_1562, %dma_start3A_1571, %dma_start3A_1572] : memref<7x128x128xf32, #tpu.memory_space<vmem>> -> memref<1x128x128xf32, #tpu.memory_space<vmem>>
    %dma_start3A_1574 = tpu.memref_squeeze %dma_start3A_1573 : memref<1x128x128xf32, #tpu.memory_space<vmem>> -> memref<128x128xf32, #tpu.memory_space<vmem>>
    tpu.enqueue_dma source(%dma_start3A_1574 : memref<128x128xf32, #tpu.memory_space<vmem>>) target(%dma_start3A_1570 : memref<128x128xf32, #tpu.memory_space<hbm>>) target_semaphore(%arg23 : memref<!tpu.dma_semaphore, #tpu.memory_space<semaphore_mem>>)
    %dma_wait3A_1575 = arith.constant 6 : i32
    %dma_wait3A_1576 = arith.constant 0 : i32
    %dma_wait3A_1577 = arith.constant 0 : i32
    %dma_wait3A_1578 = tpu.memref_slice %arg6[%dma_wait3A_1575, %dma_wait3A_1576, %dma_wait3A_1577] : memref<7x128x128xf32, #tpu.memory_space<vmem>> -> memref<1x128x128xf32, #tpu.memory_space<vmem>>
    %dma_wait3A_1579 = tpu.memref_squeeze %dma_wait3A_1578 : memref<1x128x128xf32, #tpu.memory_space<vmem>> -> memref<128x128xf32, #tpu.memory_space<vmem>>
    %dma_wait3A_1580 = arith.constant 0 : i32
    %dma_wait3A_1581 = arith.constant 0 : i32
    %dma_wait3A_1582 = tpu.memref_slice %arg4[%dma_wait3A_1580, %dma_wait3A_1581] : memref<819200x128xf32, #tpu.memory_space<hbm>> -> memref<128x128xf32, #tpu.memory_space<hbm>>
    %dma_wait3A_1583 = arith.constant 0 : i32
    %dma_wait3A_1584 = arith.constant 0 : i32
    %dma_wait3A_1585 = tpu.memref_slice %arg4[%dma_wait3A_1583, %dma_wait3A_1584] : memref<819200x128xf32, #tpu.memory_space<hbm>> -> memref<128x128xf32, #tpu.memory_space<hbm>>
    %dma_wait3A_1586 = arith.constant 0 : i32
    %dma_wait3A_1587 = arith.constant 0 : i32
    %dma_wait3A_1588 = tpu.memref_slice %arg6[%dma_wait3A_1575, %dma_wait3A_1586, %dma_wait3A_1587] : memref<7x128x128xf32, #tpu.memory_space<vmem>> -> memref<1x128x128xf32, #tpu.memory_space<vmem>>
    %dma_wait3A_1589 = tpu.memref_squeeze %dma_wait3A_1588 : memref<1x128x128xf32, #tpu.memory_space<vmem>> -> memref<128x128xf32, #tpu.memory_space<vmem>>
    tpu.wait_dma2 semaphore(%arg27 : memref<!tpu.dma_semaphore, #tpu.memory_space<semaphore_mem>>) src(%dma_wait3A_1589 : memref<128x128xf32, #tpu.memory_space<vmem>>) dst(%dma_wait3A_1585 : memref<128x128xf32, #tpu.memory_space<hbm>>)
    %dma_wait3A_1590 = arith.constant 3 : i32
    %dma_wait3A_1591 = arith.constant 0 : i32
    %dma_wait3A_1592 = arith.constant 0 : i32
    %dma_wait3A_1593 = tpu.memref_slice %arg6[%dma_wait3A_1590, %dma_wait3A_1591, %dma_wait3A_1592] : memref<7x128x128xf32, #tpu.memory_space<vmem>> -> memref<1x128x128xf32, #tpu.memory_space<vmem>>
    %dma_wait3A_1594 = tpu.memref_squeeze %dma_wait3A_1593 : memref<1x128x128xf32, #tpu.memory_space<vmem>> -> memref<128x128xf32, #tpu.memory_space<vmem>>
    %dma_wait3A_1595 = arith.constant 0 : i32
    %dma_wait3A_1596 = arith.constant 0 : i32
    %dma_wait3A_1597 = tpu.memref_slice %arg3[%dma_wait3A_1595, %dma_wait3A_1596] : memref<100000x128xf32, #tpu.memory_space<hbm>> -> memref<128x128xf32, #tpu.memory_space<hbm>>
    %dma_wait3A_1598 = arith.constant 0 : i32
    %dma_wait3A_1599 = arith.constant 0 : i32
    %dma_wait3A_1600 = tpu.memref_slice %arg6[%dma_wait3A_1590, %dma_wait3A_1598, %dma_wait3A_1599] : memref<7x128x128xf32, #tpu.memory_space<vmem>> -> memref<1x128x128xf32, #tpu.memory_space<vmem>>
    %dma_wait3A_1601 = tpu.memref_squeeze %dma_wait3A_1600 : memref<1x128x128xf32, #tpu.memory_space<vmem>> -> memref<128x128xf32, #tpu.memory_space<vmem>>
    %dma_wait3A_1602 = arith.constant 0 : i32
    %dma_wait3A_1603 = arith.constant 0 : i32
    %dma_wait3A_1604 = tpu.memref_slice %arg3[%dma_wait3A_1602, %dma_wait3A_1603] : memref<100000x128xf32, #tpu.memory_space<hbm>> -> memref<128x128xf32, #tpu.memory_space<hbm>>
    tpu.wait_dma2 semaphore(%arg17 : memref<!tpu.dma_semaphore, #tpu.memory_space<semaphore_mem>>) src(%dma_wait3A_1604 : memref<128x128xf32, #tpu.memory_space<hbm>>) dst(%dma_wait3A_1601 : memref<128x128xf32, #tpu.memory_space<vmem>>)
    %add3A_1605 = arith.constant 25472 : i32
    %add3A_1606 = arith.addi %mul3A_2, %add3A_1605 : i32
    %dma_start3A_1607 = arith.constant 3 : i32
    %dma_start3A_1608 = arith.constant 0 : i32
    %dma_start3A_1609 = arith.constant 0 : i32
    %dma_start3A_1610 = tpu.memref_slice %arg6[%dma_start3A_1607, %dma_start3A_1608, %dma_start3A_1609] : memref<7x128x128xf32, #tpu.memory_space<vmem>> -> memref<1x128x128xf32, #tpu.memory_space<vmem>>
    %dma_start3A_1611 = tpu.memref_squeeze %dma_start3A_1610 : memref<1x128x128xf32, #tpu.memory_space<vmem>> -> memref<128x128xf32, #tpu.memory_space<vmem>>
    %dma_start3A_1612 = arith.constant 0 : i32
    %dma_start3A_1613 = tpu.memref_slice %arg4[%add3A_1606, %dma_start3A_1612] : memref<819200x128xf32, #tpu.memory_space<hbm>> -> memref<128x128xf32, #tpu.memory_space<hbm>>
    %dma_start3A_1614 = arith.constant 0 : i32
    %dma_start3A_1615 = tpu.memref_slice %arg4[%add3A_1606, %dma_start3A_1614] : memref<819200x128xf32, #tpu.memory_space<hbm>> -> memref<128x128xf32, #tpu.memory_space<hbm>>
    %dma_start3A_1616 = arith.constant 0 : i32
    %dma_start3A_1617 = arith.constant 0 : i32
    %dma_start3A_1618 = tpu.memref_slice %arg6[%dma_start3A_1607, %dma_start3A_1616, %dma_start3A_1617] : memref<7x128x128xf32, #tpu.memory_space<vmem>> -> memref<1x128x128xf32, #tpu.memory_space<vmem>>
    %dma_start3A_1619 = tpu.memref_squeeze %dma_start3A_1618 : memref<1x128x128xf32, #tpu.memory_space<vmem>> -> memref<128x128xf32, #tpu.memory_space<vmem>>
    tpu.enqueue_dma source(%dma_start3A_1619 : memref<128x128xf32, #tpu.memory_space<vmem>>) target(%dma_start3A_1615 : memref<128x128xf32, #tpu.memory_space<hbm>>) target_semaphore(%arg24 : memref<!tpu.dma_semaphore, #tpu.memory_space<semaphore_mem>>)
    %dma_wait3A_1620 = arith.constant 0 : i32
    %dma_wait3A_1621 = arith.constant 0 : i32
    %dma_wait3A_1622 = arith.constant 0 : i32
    %dma_wait3A_1623 = tpu.memref_slice %arg6[%dma_wait3A_1620, %dma_wait3A_1621, %dma_wait3A_1622] : memref<7x128x128xf32, #tpu.memory_space<vmem>> -> memref<1x128x128xf32, #tpu.memory_space<vmem>>
    %dma_wait3A_1624 = tpu.memref_squeeze %dma_wait3A_1623 : memref<1x128x128xf32, #tpu.memory_space<vmem>> -> memref<128x128xf32, #tpu.memory_space<vmem>>
    %dma_wait3A_1625 = arith.constant 0 : i32
    %dma_wait3A_1626 = arith.constant 0 : i32
    %dma_wait3A_1627 = tpu.memref_slice %arg4[%dma_wait3A_1625, %dma_wait3A_1626] : memref<819200x128xf32, #tpu.memory_space<hbm>> -> memref<128x128xf32, #tpu.memory_space<hbm>>
    %dma_wait3A_1628 = arith.constant 0 : i32
    %dma_wait3A_1629 = arith.constant 0 : i32
    %dma_wait3A_1630 = tpu.memref_slice %arg4[%dma_wait3A_1628, %dma_wait3A_1629] : memref<819200x128xf32, #tpu.memory_space<hbm>> -> memref<128x128xf32, #tpu.memory_space<hbm>>
    %dma_wait3A_1631 = arith.constant 0 : i32
    %dma_wait3A_1632 = arith.constant 0 : i32
    %dma_wait3A_1633 = tpu.memref_slice %arg6[%dma_wait3A_1620, %dma_wait3A_1631, %dma_wait3A_1632] : memref<7x128x128xf32, #tpu.memory_space<vmem>> -> memref<1x128x128xf32, #tpu.memory_space<vmem>>
    %dma_wait3A_1634 = tpu.memref_squeeze %dma_wait3A_1633 : memref<1x128x128xf32, #tpu.memory_space<vmem>> -> memref<128x128xf32, #tpu.memory_space<vmem>>
    tpu.wait_dma2 semaphore(%arg21 : memref<!tpu.dma_semaphore, #tpu.memory_space<semaphore_mem>>) src(%dma_wait3A_1634 : memref<128x128xf32, #tpu.memory_space<vmem>>) dst(%dma_wait3A_1630 : memref<128x128xf32, #tpu.memory_space<hbm>>)
    %dma_wait3A_1635 = arith.constant 1 : i32
    %dma_wait3A_1636 = arith.constant 0 : i32
    %dma_wait3A_1637 = arith.constant 0 : i32
    %dma_wait3A_1638 = tpu.memref_slice %arg6[%dma_wait3A_1635, %dma_wait3A_1636, %dma_wait3A_1637] : memref<7x128x128xf32, #tpu.memory_space<vmem>> -> memref<1x128x128xf32, #tpu.memory_space<vmem>>
    %dma_wait3A_1639 = tpu.memref_squeeze %dma_wait3A_1638 : memref<1x128x128xf32, #tpu.memory_space<vmem>> -> memref<128x128xf32, #tpu.memory_space<vmem>>
    %dma_wait3A_1640 = arith.constant 0 : i32
    %dma_wait3A_1641 = arith.constant 0 : i32
    %dma_wait3A_1642 = tpu.memref_slice %arg4[%dma_wait3A_1640, %dma_wait3A_1641] : memref<819200x128xf32, #tpu.memory_space<hbm>> -> memref<128x128xf32, #tpu.memory_space<hbm>>
    %dma_wait3A_1643 = arith.constant 0 : i32
    %dma_wait3A_1644 = arith.constant 0 : i32
    %dma_wait3A_1645 = tpu.memref_slice %arg4[%dma_wait3A_1643, %dma_wait3A_1644] : memref<819200x128xf32, #tpu.memory_space<hbm>> -> memref<128x128xf32, #tpu.memory_space<hbm>>
    %dma_wait3A_1646 = arith.constant 0 : i32
    %dma_wait3A_1647 = arith.constant 0 : i32
    %dma_wait3A_1648 = tpu.memref_slice %arg6[%dma_wait3A_1635, %dma_wait3A_1646, %dma_wait3A_1647] : memref<7x128x128xf32, #tpu.memory_space<vmem>> -> memref<1x128x128xf32, #tpu.memory_space<vmem>>
    %dma_wait3A_1649 = tpu.memref_squeeze %dma_wait3A_1648 : memref<1x128x128xf32, #tpu.memory_space<vmem>> -> memref<128x128xf32, #tpu.memory_space<vmem>>
    tpu.wait_dma2 semaphore(%arg22 : memref<!tpu.dma_semaphore, #tpu.memory_space<semaphore_mem>>) src(%dma_wait3A_1649 : memref<128x128xf32, #tpu.memory_space<vmem>>) dst(%dma_wait3A_1645 : memref<128x128xf32, #tpu.memory_space<hbm>>)
    %dma_wait3A_1650 = arith.constant 2 : i32
    %dma_wait3A_1651 = arith.constant 0 : i32
    %dma_wait3A_1652 = arith.constant 0 : i32
    %dma_wait3A_1653 = tpu.memref_slice %arg6[%dma_wait3A_1650, %dma_wait3A_1651, %dma_wait3A_1652] : memref<7x128x128xf32, #tpu.memory_space<vmem>> -> memref<1x128x128xf32, #tpu.memory_space<vmem>>
    %dma_wait3A_1654 = tpu.memref_squeeze %dma_wait3A_1653 : memref<1x128x128xf32, #tpu.memory_space<vmem>> -> memref<128x128xf32, #tpu.memory_space<vmem>>
    %dma_wait3A_1655 = arith.constant 0 : i32
    %dma_wait3A_1656 = arith.constant 0 : i32
    %dma_wait3A_1657 = tpu.memref_slice %arg4[%dma_wait3A_1655, %dma_wait3A_1656] : memref<819200x128xf32, #tpu.memory_space<hbm>> -> memref<128x128xf32, #tpu.memory_space<hbm>>
    %dma_wait3A_1658 = arith.constant 0 : i32
    %dma_wait3A_1659 = arith.constant 0 : i32
    %dma_wait3A_1660 = tpu.memref_slice %arg4[%dma_wait3A_1658, %dma_wait3A_1659] : memref<819200x128xf32, #tpu.memory_space<hbm>> -> memref<128x128xf32, #tpu.memory_space<hbm>>
    %dma_wait3A_1661 = arith.constant 0 : i32
    %dma_wait3A_1662 = arith.constant 0 : i32
    %dma_wait3A_1663 = tpu.memref_slice %arg6[%dma_wait3A_1650, %dma_wait3A_1661, %dma_wait3A_1662] : memref<7x128x128xf32, #tpu.memory_space<vmem>> -> memref<1x128x128xf32, #tpu.memory_space<vmem>>
    %dma_wait3A_1664 = tpu.memref_squeeze %dma_wait3A_1663 : memref<1x128x128xf32, #tpu.memory_space<vmem>> -> memref<128x128xf32, #tpu.memory_space<vmem>>
    tpu.wait_dma2 semaphore(%arg23 : memref<!tpu.dma_semaphore, #tpu.memory_space<semaphore_mem>>) src(%dma_wait3A_1664 : memref<128x128xf32, #tpu.memory_space<vmem>>) dst(%dma_wait3A_1660 : memref<128x128xf32, #tpu.memory_space<hbm>>)
    %dma_wait3A_1665 = arith.constant 3 : i32
    %dma_wait3A_1666 = arith.constant 0 : i32
    %dma_wait3A_1667 = arith.constant 0 : i32
    %dma_wait3A_1668 = tpu.memref_slice %arg6[%dma_wait3A_1665, %dma_wait3A_1666, %dma_wait3A_1667] : memref<7x128x128xf32, #tpu.memory_space<vmem>> -> memref<1x128x128xf32, #tpu.memory_space<vmem>>
    %dma_wait3A_1669 = tpu.memref_squeeze %dma_wait3A_1668 : memref<1x128x128xf32, #tpu.memory_space<vmem>> -> memref<128x128xf32, #tpu.memory_space<vmem>>
    %dma_wait3A_1670 = arith.constant 0 : i32
    %dma_wait3A_1671 = arith.constant 0 : i32
    %dma_wait3A_1672 = tpu.memref_slice %arg4[%dma_wait3A_1670, %dma_wait3A_1671] : memref<819200x128xf32, #tpu.memory_space<hbm>> -> memref<128x128xf32, #tpu.memory_space<hbm>>
    %dma_wait3A_1673 = arith.constant 0 : i32
    %dma_wait3A_1674 = arith.constant 0 : i32
    %dma_wait3A_1675 = tpu.memref_slice %arg4[%dma_wait3A_1673, %dma_wait3A_1674] : memref<819200x128xf32, #tpu.memory_space<hbm>> -> memref<128x128xf32, #tpu.memory_space<hbm>>
    %dma_wait3A_1676 = arith.constant 0 : i32
    %dma_wait3A_1677 = arith.constant 0 : i32
    %dma_wait3A_1678 = tpu.memref_slice %arg6[%dma_wait3A_1665, %dma_wait3A_1676, %dma_wait3A_1677] : memref<7x128x128xf32, #tpu.memory_space<vmem>> -> memref<1x128x128xf32, #tpu.memory_space<vmem>>
    %dma_wait3A_1679 = tpu.memref_squeeze %dma_wait3A_1678 : memref<1x128x128xf32, #tpu.memory_space<vmem>> -> memref<128x128xf32, #tpu.memory_space<vmem>>
    tpu.wait_dma2 semaphore(%arg24 : memref<!tpu.dma_semaphore, #tpu.memory_space<semaphore_mem>>) src(%dma_wait3A_1679 : memref<128x128xf32, #tpu.memory_space<vmem>>) dst(%dma_wait3A_1675 : memref<128x128xf32, #tpu.memory_space<hbm>>)
    return
  }
}

</mosaic_0001>

<sc_bundles>
// kernel: kernel.3.cloned.1.call-start
scs
__scs_entry_jumppad:
0x0: {  	(pc) =	sbr.rel $0x88, $3  }
0x1: {  	(tag) =	ssettag $0x0;
	lr =	simm.s32 $0x1  }
0x2: {  	[smem:$0x3F9F] =	sst lr;
	_ =	strace $0xD0000000  }
0x3: {  	_ = 	snop  }
0x4: {  	_ = 	snop  }
0x5: {  	_ = 	snop  }
0x6: {  	_ = 	snop  }
0x7: {  	_ = 	snop  }
__scs_overlays_trampoline_lowered:
0x8: {  	[smem:$0x3FAE] =	sst s0  }
0x9: {  	[smem:$0x3FAF] =	sst s1  }
0xa: {  	[smem:$0x3FB0] =	sst s2  }
0xb: {  	[smem:$0x3FB1] =	sst s3  }
0xc: {  	[smem:$0x3FB2] =	sst s4  }
0xd: {  	[smem:$0x3FB3] =	sst s5  }
0xe: {  	[smem:$0x3FB4] =	sst s6  }
0xf: {  	[smem:$0x3FB5] =	sst s7  }
0x10: {  	[smem:$0x3FB6] =	sst s8  }
0x11: {  	[smem:$0x3FB7] =	sst s9;
	s0 =	simm.s32 @!p0 $0x0  }
0x12: {  	s1 =	sld [smem:$0x3F9D];
	s0 =	simm.s32 @p0 $0x1  }
0x13: {  	[smem:$0x3FB8] =	sst s0;
	s0 =	simm.s32 @!p1 $0x0  }
0x14: {  	s2 =	sld [smem:$0x3F9C];
	s0 =	simm.s32 @p1 $0x1  }
0x15: {  	[smem:$0x3FB9] =	sst s0;
	s0 =	simm.s32 @!p2 $0x0  }
0x16: {  	s3 =	sld [smem:$0x3FDB];
	s0 =	simm.s32 @p2 $0x1  }
0x17: {  	s4 =	simm.s32 $0x1BF5;
	[smem:$0x3FBB] =	sst s0  }
0x18: {  	s0 =	sld [smem:$0x3F9E];
	_ =	swait.ge [sflag:s4], $0x0  }
0x19: {  	s7 =	sld [smem:$0x3F9F]  }
0x1a: {  	s8 =	sadd.s32 $0xFFFFE003, lr  }
0x1b: {  	s9 =	sadd.s32 $0xFFFFFEF7, lr;
	s5 =	simm.s32 $0xFFFFFFFF;
	p2 =	slt.u32 s8, $0xFFFFF086  }
0x1c: {  	p1 =	slt.u32 s9, $0xF7A;
	s5 =	simm.s32 @!p2 $0x0  }
0x1d: {  	s5 =	simm.s32 @p1 $0x1;
	p0 =	seq.s32 s7, s2  }
0x1e: {  	s7 =	smul.u32 @!p0 $0xF7A, s2;
	p2 =	seq.s32 @!p0 s5, $0x0  }
0x1f: {  	s9 =	smul.u32 $0xF7A, s1;
	s8 =	simm.s32 @!p0 $0x1BF5;
	p2 =	por !p2, p0  }
0x20: {  	[sflag:s8] =	ssyncset.s32 @!p0 $0xFFFFF086;
	s6 =	sadd.s32 @!p0 s3, s7;
	s7 =	simm.s32 @!p0 $0x108  }
0x21: {  	s3 =	sadd.s32 s3, s9;
	s6 =	sadd.s32 @!p0 $0x88, s6;
	s7 =	simm.s32 @p2 $0x1082  }
0x22: {  	[simem:s7], [sflag:s8] =	dma.local @!p0 [hbm:s6], $0xF7A  }
0x23: {  	s9 =	sor.u32 $0xD0000000, s2;
	s6 =	simm.s32 $0x108;
	_ =	swait.ge @!p0 [sflag:s8], $0x0  }
0x24: {  	s3 =	sadd.s32 $0x88, s3;
	s6 =	simm.s32 @!p1 $0x1082;
	[sflag:s4] =	ssyncset.s32 $0xFFFFF086  }
0x25: {  	[simem:s6], [sflag:s4] =	dma.local [hbm:s3], $0xF7A  }
0x26: {  	[smem:$0x3F9F] =	sst s1;
	(tag) =	ssettag s2;
	_ =	strace s9  }
0x27: {  	s1 =	sld [smem:$0x3FAF]  }
0x28: {  	s2 =	sld [smem:$0x3FB0]  }
0x29: {  	s4 =	sld [smem:$0x3FB2]  }
0x2a: {  	p0 =	seq.s32 s5, $0x0;
	s5 =	sld [smem:$0x3FB3]  }
0x2b: {  	s6 =	sld [smem:$0x3FB4]  }
0x2c: {  	s7 =	sld [smem:$0x3FB5]  }
0x2d: {  	s3 =	simm.s32 $0x108;
	s8 =	sld [smem:$0x3FB6]  }
0x2e: {  	s3 =	simm.s32 @!p0 $0x1082;
	s9 =	sld [smem:$0x3FB7]  }
0x2f: {  	lr =	sadd.s32 s0, s3;
	s0 =	sld [smem:$0x3FAE]  }
0x30: {  	s3 =	sld [smem:$0x3FB1]  }
0x31: {  	[smem:$0x3FBA] =	sst s10  }
0x32: {  	s10 =	sld [smem:$0x3FB8];
	_ =	sdelay $0x3  }
0x33: {  	p0 =	seq.s32 s10, $0x1;
	s10 =	sld [smem:$0x3FBA];
	_ =	sdelay $0x3  }
0x34: {  	[smem:$0x3FBA] =	sst s10  }
0x35: {  	s10 =	sld [smem:$0x3FB9];
	_ =	sdelay $0x3  }
0x36: {  	p1 =	seq.s32 s10, $0x1;
	s10 =	sld [smem:$0x3FBA];
	_ =	sdelay $0x3  }
0x37: {  	[smem:$0x3FBA] =	sst s10  }
0x38: {  	s10 =	sld [smem:$0x3FBB]  }
0x39: {  	_ = 	snop;
	(pc) =	sbr.ind lr, $3  }
0x3a: {  	_ = 	snop  }
0x3b: {  	_ = 	snop  }
0x3c: {  	p2 =	seq.s32 s10, $0x1;
	s10 =	sld [smem:$0x3FBA]  }
0x3d: {  	_ =	shalt  }
0x3e: {  	_ =	shalt  }
0x3f: {  	_ =	shalt  }
0x40: {  	_ =	shalt  }
0x41: {  	_ =	shalt  }
0x42: {  	_ =	shalt  }
0x43: {  	_ =	shalt  }
0x44: {  	_ =	shalt  }
0x45: {  	_ =	shalt  }
0x46: {  	_ =	shalt  }
0x47: {  	_ =	shalt  }
0x48: {  	_ =	shalt  }
0x49: {  	_ =	shalt  }
0x4a: {  	_ =	shalt  }
0x4b: {  	_ =	shalt  }
0x4c: {  	_ =	shalt  }
0x4d: {  	_ =	shalt  }
0x4e: {  	_ =	shalt  }
0x4f: {  	_ =	shalt  }
0x50: {  	_ =	shalt  }
0x51: {  	_ =	shalt  }
0x52: {  	_ =	shalt  }
0x53: {  	_ =	shalt  }
0x54: {  	_ =	shalt  }
0x55: {  	_ =	shalt  }
0x56: {  	_ =	shalt  }
0x57: {  	_ =	shalt  }
0x58: {  	_ =	shalt  }
0x59: {  	_ =	shalt  }
0x5a: {  	_ =	shalt  }
0x5b: {  	_ =	shalt  }
0x5c: {  	_ =	shalt  }
0x5d: {  	_ =	shalt  }
0x5e: {  	_ =	shalt  }
0x5f: {  	_ =	shalt  }
0x60: {  	_ =	shalt  }
0x61: {  	_ =	shalt  }
0x62: {  	_ =	shalt  }
0x63: {  	_ =	shalt  }
0x64: {  	_ =	shalt  }
0x65: {  	_ =	shalt  }
0x66: {  	_ =	shalt  }
0x67: {  	_ =	shalt  }
0x68: {  	_ =	shalt  }
0x69: {  	_ =	shalt  }
0x6a: {  	_ =	shalt  }
0x6b: {  	_ =	shalt  }
0x6c: {  	_ =	shalt  }
0x6d: {  	_ =	shalt  }
0x6e: {  	_ =	shalt  }
0x6f: {  	_ =	shalt  }
0x70: {  	_ =	shalt  }
0x71: {  	_ =	shalt  }
0x72: {  	_ =	shalt  }
0x73: {  	_ =	shalt  }
0x74: {  	_ =	shalt  }
0x75: {  	_ =	shalt  }
0x76: {  	_ =	shalt  }
0x77: {  	_ =	shalt  }
0x78: {  	_ =	shalt  }
0x79: {  	_ =	shalt  }
0x7a: {  	_ =	shalt  }
0x7b: {  	_ =	shalt  }
0x7c: {  	_ =	shalt  }
0x7d: {  	_ =	shalt  }
0x7e: {  	_ =	shalt  }
0x7f: {  	_ =	shalt  }
0x80: {  	_ =	shalt  }
0x81: {  	_ =	shalt  }
0x82: {  	_ =	shalt  }
0x83: {  	_ =	shalt  }
0x84: {  	_ =	shalt  }
0x85: {  	_ =	shalt  }
0x86: {  	_ =	shalt  }
0x87: {  	_ =	shalt  }
.Lfunc_end0:
.L_simem_size_0:
called_computation_lowered:
.L_overlay_start_0:
0x88: {  	s2 =	sld [smem:$0x3FD9]  }
0x89: {  	s3 =	sld [smem:$0x3FFE];
	_ =	sdelay $0x1  }
0x8a: {  	s1 =	srdreg.scid  }
0x8b: {  	s0 =	sand.u32 $0x1, s1  }
0x8c: {  	s17 =	sshll.u32 s0, $0xA;
	s2 =	sadd.s32 s3, s2  }
0x8d: {  	s2 =	sadd.s32 s2, s17  }
0x8e: {  	[smem:$0x3FC6] =	sst s2  }
0x8f: {  	_ = 	snop  }
0x90: {  	s2 =	sld [smem:$0x3FC8]  }
0x91: {  	s18 =	sld [smem:$0x3FD0];
	(tm) =	ssettm $0x1  }
0x92: {  	s4 =	sld [smem:$0x3FFB];
	_ =	sdelay $0x3  }
0x93: {  	_ =	strace s4  }
0x94: {  	s4 =	sld [smem:$0x3FFC];
	_ =	sdelay $0x3  }
0x95: {  	_ =	strace s4  }
0x96: {  	s4 =	sld [smem:$0x3FFD];
	_ =	sdelay $0x3  }
0x97: {  	_ =	strace s4  }
0x98: {  	_ =	strace $0x8FFFFFFF  }
0x99: {  	s19 =	sld [smem:$0x3FDB];
	_ =	sdelay $0x1  }
0x9a: {  	s5 =	simm.s32 $_scs_section_size  }
0x9b: {  	s6 =	simm.s32 $_size__tile_overlayer_lowered;
	s7 =	simm.s32 $_tile_overlayer_lowered  }
0x9c: {  	s22 =	simm.s32 $0x1BFF;
	s21 =	sshll.u32 s7, $0x1;
	s4 =	sadd.s32 s5, s19  }
0x9d: {  	s8 =	simm.s32 $0x0;
	s20 =	sshll.u32 s6, $0x1;
	s6 =	sadd.s32 s21, s4  }
0x9e: {  	[timem:s8], [sflag:s22] =	dma.local [hbm:s6], s20  }
0x9f: {  	_ =	swait.ge [sflag:s22], s20  }
0xa0: {  	s5 =	ssub.s32 $0x0, s20;
	[sflag:s22] =	ssyncset.done $0x0  }
0xa1: {  	[sflag:s22] =	ssyncadd.s32 s5;
	_ =	sdelay $0x1  }
0xa2: {  	s23 =	simm.s32 $0x1B8B  }
0xa3: {  	_ =	swait.ge [sflag:s23], $0x1  }
0xa4: {  	[sflag:s23] =	ssyncset.done $0x0  }
0xa5: {  	s25 =	simm.s32 $0x1B8E;
	s24 =	sld [smem:$0x3FFE];
	[sflag:s23] =	ssyncadd.s32 $0xFFFFFFFF  }
0xa6: {  	s26 =	simm.s32 $execute0_lowered;
	[smem:$0x3FD2] =	sst s25  }
0xa7: {  	s6 =	sshll.u32 s26, $0x1;
	_ =	strace $0x80000046;
	[dreg:$0x1] =	wrdreg $0xFFFFFFFF  }
0xa8: {  	s28 =	simm.s32 $_size_execute0_lowered;
	s4 =	sadd.s32 s4, s6;
	[dreg:$0x0] =	wrdreg $0x0  }
0xa9: {  	s6 =	sshll.u32 s28, $0x1;
	[dreg:$0x2] =	wrdreg s4  }
0xaa: {  	[dreg:$0x3] =	wrdreg s6  }
0xab: {  	[dreg:$0x4] =	wrdreg $0xC0  }
0xac: {  	_ =	task [dreg:s8], $0x5FFFF  }
0xad: {  	[dreg:$0x1] =	wrdreg $0xFFFFFFFF  }
0xae: {  	[dreg:$0x0] =	wrdreg $0x60  }
0xaf: {  	[dreg:$0x2] =	wrdreg s24  }
0xb0: {  	[dreg:$0x3] =	wrdreg s2  }
0xb1: {  	[dreg:$0x4] =	wrdreg s18  }
0xb2: {  	[dreg:$0x5] =	wrdreg $0x9  }
0xb3: {  	_ =	task.clear_ibuf [dreg:s8], $0x6FFFF;
	_ =	strace $0x90000046  }
0xb4: {  	s29 =	simm.s32 $0x9;
	_ =	strace $0x80000048  }
0xb5: {  	_ =	swait.ge [sflag:s29], $0x1  }
0xb6: {  	[sflag:s29] =	ssyncadd.s32 $0xFFFFFFFF  }
0xb7: {  	_ =	strace $0x90000048  }
0xb8: {  	_ =	sfence  }
0xb9: {  	s30 =	sld [smem:$0x0];
	_ =	sdelay $0x2  }
0xba: {  	s31 =	sshll.u32 s1, $0xD;
	s1 =	sshrl.u32 s1, $0x2  }
0xbb: {  	s3 =	sand.u32 $0x4000, s31;
	s1 =	sadd.s32 s1, s30  }
0xbc: {  	s0 =	sor.u32 s3, s0;
	s1 =	sshll.u32 s1, $0x11  }
0xbd: {  	s0 =	sor.u32 s1, s0  }
0xbe: {  	s0 =	sadd.s32 $0x8F2B, s0  }
0xbf: {  	[sflag:s0] =	ssyncadd.remote.s32 $0x1  }
0xc0: {  	_ =	sfence.sel $0xFFFF  }
0xc1: {  	[dreg:$0x0] =	wrdreg $0xFFFFFFFF;
	(pc) =	sbr.abs _section_cstart, $3  }
0xc2: {  	[dreg:$0x1] =	wrdreg $0xFFFFFFFF  }
0xc3: {  	_ =	task.clear_ibuf [dreg:s8], $0x2FFFF;
	_ =	strace $0x9FFFFFFF  }
0xc4: {  	(tm) =	ssettm $0x7FFFFFFF  }
0xc5: {  	_ =	shalt  }
tec
execute0_lowered:
.L_overlay_start_1:
0x0: {  	(tag) =	ssettag $0x1  }
0x1: {  	s0 =	rddreg [dreg:$0x0]  }
0x2: {  	s2 =	rddreg [dreg:$0x1]  }
0x3: {  	s1 =	srdreg.scid;
	s14 =	stileid.u32  }
0x4: {  	s15 =	rddreg [dreg:$0x2];
	s4 =	simm.s32 $0x0;
	s28 =	simm.s32 $0x12  }
0x5: {  	s1 =	sand.u32 $0x1, s1;
	s3 =	sshll.u32 s14, $0x1;
	s30 =	smul.u32 $0x640000, s14  }
0x6: {  	s29 =	simm.s32 $0x13;
	s14 =	smul.u32 $0xC8000, s14;
	s3 =	sor.u32 s1, s3  }
0x7: {  	[smem:$0x7FF] =	sst s4;
	s7 =	ssub.s32 $0x2, s1;
	s5 =	smul.u32 $0x6400, s3  }
0x8: {  	s6 =	sadd.s32 $0x400, s0;
	s19 =	sshrl.u32 s7, $0x1;
	s12 =	smul.u32 $0x64000, s3  }
0x9: {  	_ =	strace $0x80000047;
	s3 =	smul.u32 $0x320000, s3;
	s0 =	ssub.s32 s7, s19  }
0xa: {  	s20 =	sshrl.u32 s5, $0x3;
	s8 =	sor.u32 $0x80, s5;
	s9 =	sor.u32 $0x100, s5  }
0xb: {  	s10 =	sor.u32 $0x180, s5;
	s13 =	sor.u32 $0x200, s5;
	s25 =	sadd.s32 s15, s12  }
0xc: {  	s17 =	sor.u32 $0x300, s5;
	s3 =	sshrl.u32 s3, $0x3;
	s0 =	smax.u32 s0, $0x1  }
0xd: {  	s16 =	sadd.s32 s6, s20;
	s21 =	sshrl.u32 s8, $0x3;
	s22 =	sshrl.u32 s9, $0x3  }
0xe: {  	s11 =	sshrl.u32 s10, $0x3;
	s24 =	sshrl.u32 s13, $0x3;
	[dreg:$0xc] =	wrdreg s25  }
0xf: {  	s8 =	sshll.u32 s8, $0x4;
	s9 =	sshll.u32 s9, $0x4;
	[smem:$0x7FA] =	sst s0  }
0x10: {  	s18 =	sshrl.u32 s17, $0x3;
	s7 =	sadd.s32 s6, s21;
	[dreg:$0x8] =	wrdreg s16  }
0x11: {  	s20 =	sshll.u32 s10, $0x4;
	s23 =	sadd.s32 s6, s11;
	[dreg:$0x9] =	wrdreg s7  }
0x12: {  	s12 =	sshll.u32 s17, $0x4;
	s8 =	sadd.s32 s15, s8;
	[dreg:$0xb] =	wrdreg s23  }
0x13: {  	s3 =	sadd.s32 s15, s3;
	s9 =	sadd.s32 s15, s9;
	[dreg:$0xe] =	wrdreg s8  }
0x14: {  	s0 =	simm.s32 $0x15;
	s19 =	sadd.s32 s6, s18;
	[dreg:$0x10] =	wrdreg s9  }
0x15: {  	s11 =	smul.u32 $0x320000, s1;
	s7 =	sadd.s32 s6, s22;
	[dreg:$0x11] =	wrdreg s19  }
0x16: {  	s1 =	smul.u32 $0x64000, s1;
	s9 =	sadd.s32 s15, s20;
	[dreg:$0xa] =	wrdreg s7  }
0x17: {  	s7 =	sadd.s32 s6, s24;
	s8 =	sadd.s32 s11, s30;
	[dreg:$0x12] =	wrdreg s9  }
0x18: {  	s1 =	sadd.s32 s1, s14;
	s24 =	sshll.u32 s13, $0x4;
	s13 =	sadd.s32 $0x6080, s5  }
0x19: {  	s14 =	sadd.s32 $0x6100, s5;
	s11 =	sadd.s32 $0x6300, s5;
	[dreg:$0xd] =	wrdreg s7  }
0x1a: {  	s7 =	sor.u32 $0x280, s5;
	s21 =	sadd.s32 $0x34000, s8;
	[dreg:$0x4] =	wrdreg s1  }
0x1b: {  	s23 =	sadd.s32 $0x30000, s8;
	s30 =	sadd.s32 s15, s24;
	s10 =	sadd.s32 $0x2C000, s8  }
0x1c: {  	s8 =	sadd.s32 $0x6180, s5;
	s22 =	sshrl.u32 s21, $0x3;
	[dreg:$0x13] =	wrdreg s30  }
0x1d: {  	s18 =	sshrl.u32 s14, $0x3;
	s25 =	sshrl.u32 s23, $0x3;
	[dreg:$0x5] =	wrdreg s22  }
0x1e: {  	s17 =	sshrl.u32 s13, $0x3;
	s20 =	sadd.s32 s6, s18;
	[dreg:$0x6] =	wrdreg s25  }
0x1f: {  	s26 =	sshrl.u32 s7, $0x3;
	s23 =	sadd.s32 $0x5F000, s3;
	[dreg:$0x18] =	wrdreg s20  }
0x20: {  	s7 =	sshll.u32 s7, $0x4;
	s31 =	sadd.s32 s6, s26;
	[dreg:$0x1b] =	wrdreg s23  }
0x21: {  	s24 =	sadd.s32 $0x6200, s5;
	s9 =	sadd.s32 s15, s7;
	[dreg:$0xf] =	wrdreg s31  }
0x22: {  	s19 =	sshrl.u32 s8, $0x3;
	s7 =	sadd.s32 s15, s12;
	[dreg:$0x15] =	wrdreg s9  }
0x23: {  	s30 =	sshrl.u32 s24, $0x3;
	s21 =	sadd.s32 s6, s19;
	[dreg:$0x16] =	wrdreg s7  }
0x24: {  	s18 =	sshll.u32 s8, $0x4;
	s22 =	sadd.s32 $0x5E800, s3;
	[dreg:$0x19] =	wrdreg s21  }
0x25: {  	s8 =	simm.s32 $0x0;
	s25 =	sadd.s32 $0x5F800, s3;
	[dreg:$0x1a] =	wrdreg s22  }
0x26: {  	s26 =	sadd.s32 $0x400, s5;
	s3 =	sadd.s32 $0x60000, s3;
	[dreg:$0x1c] =	wrdreg s25  }
0x27: {  	s12 =	sshll.u32 s14, $0x4;
	s9 =	sadd.s32 s6, s17;
	[dreg:$0x1d] =	wrdreg s3  }
0x28: {  	s19 =	sshll.u32 s24, $0x4;
	s3 =	sadd.s32 s6, s30;
	[dreg:$0x17] =	wrdreg s9  }
0x29: {  	s23 =	sshll.u32 s11, $0x4;
	s7 =	sadd.s32 s15, s18;
	[dreg:$0x1e] =	wrdreg s3  }
0x2a: {  	s31 =	sshrl.u32 s26, $0x3;
	s22 =	sadd.s32 s15, s19;
	[smem:$0x7F4] =	sst s7  }
0x2b: {  	s17 =	sadd.s32 $0x6380, s5;
	s24 =	sadd.s32 s15, s23;
	[smem:$0x7F6] =	sst s22  }
0x2c: {  	s25 =	sadd.s32 $0x70, s16;
	s30 =	sadd.s32 $0x90, s16;
	[smem:$0x7F8] =	sst s24  }
0x2d: {  	s19 =	simm.s32 $0x10;
	s23 =	simm.s32 $0x11;
	[smem:$0x7FB] =	sst s25  }
0x2e: {  	s1 =	sadd.s32 s6, s31;
	s31 =	sadd.s32 $0x6280, s5;
	[smem:$0x7FC] =	sst s30  }
0x2f: {  	s20 =	sshrl.u32 s17, $0x3;
	[dreg:$0x14] =	wrdreg s1;
	s1 =	sshrl.u32 s10, $0x3  }
0x30: {  	s10 =	sshrl.u32 s31, $0x3;
	s21 =	sadd.s32 s6, s20;
	[dreg:$0x7] =	wrdreg s1  }
0x31: {  	s3 =	sshll.u32 s31, $0x4;
	s31 =	sadd.s32 $0xA0, s16;
	[smem:$0x7F5] =	sst s21  }
0x32: {  	s1 =	sshll.u32 s13, $0x4;
	s3 =	sadd.s32 s15, s3;
	[smem:$0x7FD] =	sst s31  }
0x33: {  	s22 =	simm.s32 $0xD;
	s1 =	sadd.s32 s15, s1;
	[smem:$0x7F7] =	sst s3  }
0x34: {  	s25 =	simm.s32 $0xE;
	[dreg:$0x1f] =	wrdreg s1;
	s1 =	sadd.s32 s6, s10  }
0x35: {  	s13 =	sshrl.u32 s11, $0x3;
	[smem:$0x7F1] =	sst s1;
	s1 =	sadd.s32 s15, s12  }
0x36: {  	s14 =	sadd.s32 s6, s13;
	[smem:$0x7F2] =	sst s1;
	s1 =	sshll.u32 s17, $0x4  }
0x37: {  	s21 =	simm.s32 $0x80;
	[smem:$0x7F3] =	sst s14;
	s1 =	sadd.s32 s15, s1  }
0x38: {  	s3 =	simm.s32 $0xC;
	[smem:$0x7F9] =	sst s1;
	s1 =	simm.s32 $0x14  }
.LBB2_1:
0x39: {  	s7 =	rddreg [dreg:$0x8]  }
0x3a: {  	[tilespmem:s4], [sflag:$0x1] =	stream.linear.gather [hbm4b:s7+s4], $0x80, $0x38;
	[tilespmem:$0x1C380] =	vst v63  }
0x3b: {  	s15 =	rddreg [dreg:$0x9]  }
0x3c: {  	[tilespmem:s21], [sflag:$0x2] =	stream.linear.gather [hbm4b:s15+s4], $0x80, $0x38;
	[tilespmem:$0x1C380] =	vst v63  }
0x3d: {  	s16 =	rddreg [dreg:$0xa];
	s17 =	simm.s32 $0x100  }
0x3e: {  	[tilespmem:s17], [sflag:$0x3] =	stream.linear.gather [hbm4b:s16+s4], $0x80, $0x38;
	[tilespmem:$0x1C380] =	vst v63  }
0x3f: {  	s20 =	rddreg [dreg:$0xb];
	s9 =	simm.s32 $0x180  }
0x40: {  	[tilespmem:s9], [sflag:$0x4] =	stream.linear.gather [hbm4b:s20+s4], $0x80, $0x38;
	[tilespmem:$0x1C380] =	vst v63  }
0x41: {  	[smem:$0x7F0] =	sst s8;
	s20 =	simm.s32 $0x1  }
0x42: {  	_ =	swait.ge [sflag:s20], $0x80  }
0x43: {  	[sflag:s20] =	ssyncset.done $0x0  }
0x44: {  	s24 =	simm.s32 $0x380;
	s31 =	simm.s32 $0x2;
	[sflag:s20] =	ssyncadd.s32 $0xFFFFFF80  }
0x45: {  	[tilespmem:s24], [sflag:$0x8] =	stream.indirect.gather [hbm4b:s2+s21], $0x80, s4, s21, $0xb8;
	[tilespmem:$0x1C380] =	vst v63  }
0x46: {  	_ =	swait.ge [sflag:s31], $0x80  }
0x47: {  	[sflag:s31] =	ssyncset.done $0x0  }
0x48: {  	s14 =	simm.s32 $0x4380;
	s10 =	simm.s32 $0x3;
	[sflag:s31] =	ssyncadd.s32 $0xFFFFFF80  }
0x49: {  	[tilespmem:s14], [sflag:$0x9] =	stream.indirect.gather [hbm4b:s2+s21], $0x80, s21, s21, $0xb8;
	[tilespmem:$0x1C380] =	vst v63  }
0x4a: {  	_ =	swait.ge [sflag:s10], $0x80  }
0x4b: {  	s18 =	simm.s32 $0x100;
	[sflag:s10] =	ssyncset.done $0x0  }
0x4c: {  	s11 =	simm.s32 $0x4;
	s15 =	simm.s32 $0x8380;
	[sflag:s10] =	ssyncadd.s32 $0xFFFFFF80  }
0x4d: {  	[tilespmem:s15], [sflag:$0xA] =	stream.indirect.gather [hbm4b:s2+s21], $0x80, s18, s21, $0xb8;
	[tilespmem:$0x1C380] =	vst v63  }
0x4e: {  	_ =	swait.ge [sflag:s11], $0x80  }
0x4f: {  	[sflag:s11] =	ssyncset.done $0x0  }
0x50: {  	s13 =	simm.s32 $0x8;
	[sflag:s11] =	ssyncadd.s32 $0xFFFFFF80  }
0x51: {  	_ =	swait.ge [sflag:s13], $0x4000  }
0x52: {  	[sflag:s13] =	ssyncset.done $0x0  }
0x53: {  	s30 =	simm.s32 $0x380;
	s16 =	rddreg [dreg:$0xc];
	[sflag:s13] =	ssyncadd.s32 $0xFFFFC000  }
0x54: {  	[hbm4b:s16+s4] =	stream.linear.scatter [tilespmem:s30], [sflag:$0xF], $0x4000, $0x38;
	[tilespmem:$0x1C380] =	vst v63  }
0x55: {  	s12 =	simm.s32 $0x180;
	s17 =	simm.s32 $0xC380  }
0x56: {  	[tilespmem:s17], [sflag:$0xB] =	stream.indirect.gather [hbm4b:s2+s21], $0x80, s12, s21, $0xb8;
	[tilespmem:$0x1C380] =	vst v63  }
0x57: {  	s9 =	simm.s32 $0x5;
	s24 =	simm.s32 $0x200;
	s18 =	rddreg [dreg:$0xd]  }
0x58: {  	[tilespmem:s24], [sflag:$0x5] =	stream.linear.gather [hbm4b:s18+s4], $0x80, $0x38;
	[tilespmem:$0x1C380] =	vst v63  }
0x59: {  	_ =	swait.ge [sflag:s9], $0x80  }
0x5a: {  	[sflag:s9] =	ssyncset.done $0x0  }
0x5b: {  	s12 =	simm.s32 $0x9;
	[sflag:s9] =	ssyncadd.s32 $0xFFFFFF80  }
0x5c: {  	_ =	swait.ge [sflag:s12], $0x4000  }
0x5d: {  	[sflag:s12] =	ssyncset.done $0x0  }
0x5e: {  	s14 =	simm.s32 $0x4380;
	s16 =	rddreg [dreg:$0xe];
	[sflag:s12] =	ssyncadd.s32 $0xFFFFC000  }
0x5f: {  	[hbm4b:s16+s4] =	stream.linear.scatter [tilespmem:s14], [sflag:$0x10], $0x4000, $0x38;
	[tilespmem:$0x1C380] =	vst v63  }
0x60: {  	s17 =	simm.s32 $0x10380  }
0x61: {  	[tilespmem:s17], [sflag:$0xC] =	stream.indirect.gather [hbm4b:s2+s21], $0x80, s24, s21, $0xb8;
	[tilespmem:$0x1C380] =	vst v63  }
0x62: {  	s8 =	simm.s32 $0x280;
	s18 =	rddreg [dreg:$0xf];
	s16 =	simm.s32 $0x6  }
0x63: {  	[tilespmem:s8], [sflag:$0x6] =	stream.linear.gather [hbm4b:s18+s4], $0x80, $0x38;
	[tilespmem:$0x1C380] =	vst v63  }
0x64: {  	_ =	swait.ge [sflag:s16], $0x80  }
0x65: {  	[sflag:s16] =	ssyncset.done $0x0  }
0x66: {  	s17 =	simm.s32 $0xA;
	[sflag:s16] =	ssyncadd.s32 $0xFFFFFF80  }
0x67: {  	_ =	swait.ge [sflag:s17], $0x4000  }
0x68: {  	[sflag:s17] =	ssyncset.done $0x0  }
0x69: {  	s15 =	simm.s32 $0x8380;
	s24 =	rddreg [dreg:$0x10];
	[sflag:s17] =	ssyncadd.s32 $0xFFFFC000  }
0x6a: {  	[hbm4b:s24+s4] =	stream.linear.scatter [tilespmem:s15], [sflag:$0x11], $0x4000, $0x38;
	[tilespmem:$0x1C380] =	vst v63  }
0x6b: {  	s18 =	simm.s32 $0x14380  }
0x6c: {  	[tilespmem:s18], [sflag:$0xD] =	stream.indirect.gather [hbm4b:s2+s21], $0x80, s8, s21, $0xb8;
	[tilespmem:$0x1C380] =	vst v63  }
0x6d: {  	s24 =	rddreg [dreg:$0x11];
	s18 =	simm.s32 $0x300  }
0x6e: {  	[tilespmem:s18], [sflag:$0x7] =	stream.linear.gather [hbm4b:s24+s4], $0x80, $0x38;
	[tilespmem:$0x1C380] =	vst v63  }
0x6f: {  	s18 =	simm.s32 $0x7  }
0x70: {  	_ =	swait.ge [sflag:s18], $0x80  }
0x71: {  	[sflag:s18] =	ssyncset.done $0x0  }
0x72: {  	s24 =	simm.s32 $0xB;
	[sflag:s18] =	ssyncadd.s32 $0xFFFFFF80  }
0x73: {  	_ =	swait.ge [sflag:s24], $0x4000  }
0x74: {  	[sflag:s24] =	ssyncset.done $0x0  }
0x75: {  	s30 =	simm.s32 $0xC380;
	s7 =	rddreg [dreg:$0x12];
	[sflag:s24] =	ssyncadd.s32 $0xFFFFC000  }
0x76: {  	[hbm4b:s7+s4] =	stream.linear.scatter [tilespmem:s30], [sflag:$0x12], $0x4000, $0x38;
	[tilespmem:$0x1C380] =	vst v63  }
0x77: {  	s8 =	simm.s32 $0x300;
	s30 =	simm.s32 $0x18380  }
0x78: {  	[tilespmem:s30], [sflag:$0xE] =	stream.indirect.gather [hbm4b:s2+s21], $0x80, s8, s21, $0xb8;
	[tilespmem:$0x1C380] =	vst v63  }
0x79: {  	s30 =	sld [smem:$0x7FB];
	_ =	sdelay $0x2  }
0x7a: {  	[tilespmem:s4], [sflag:$0x1] =	stream.linear.gather [hbm4b:s30+s4], $0x80, $0x38;
	[tilespmem:$0x1C380] =	vst v63  }
0x7b: {  	s30 =	simm.s32 $0xF  }
0x7c: {  	_ =	swait.ge [sflag:s30], $0x4000  }
0x7d: {  	[sflag:s30] =	ssyncset.done $0x0  }
0x7e: {  	[sflag:s30] =	ssyncadd.s32 $0xFFFFC000  }
0x7f: {  	_ =	swait.ge [sflag:s20], $0x80  }
0x80: {  	[sflag:s20] =	ssyncset.done $0x0  }
0x81: {  	[sflag:s20] =	ssyncadd.s32 $0xFFFFFF80  }
0x82: {  	_ =	swait.ge [sflag:s3], $0x4000  }
0x83: {  	[sflag:s3] =	ssyncset.done $0x0  }
0x84: {  	s14 =	simm.s32 $0x10380;
	s7 =	rddreg [dreg:$0x13];
	[sflag:s3] =	ssyncadd.s32 $0xFFFFC000  }
0x85: {  	[hbm4b:s7+s4] =	stream.linear.scatter [tilespmem:s14], [sflag:$0x13], $0x4000, $0x38;
	[tilespmem:$0x1C380] =	vst v63  }
0x86: {  	s14 =	simm.s32 $0x380  }
0x87: {  	[tilespmem:s14], [sflag:$0x8] =	stream.indirect.gather [hbm4b:s2+s21], $0x80, s4, s21, $0xb8;
	[tilespmem:$0x1C380] =	vst v63  }
0x88: {  	s14 =	rddreg [dreg:$0x14]  }
0x89: {  	[tilespmem:s21], [sflag:$0x2] =	stream.linear.gather [hbm4b:s14+s4], $0x80, $0x38;
	[tilespmem:$0x1C380] =	vst v63  }
0x8a: {  	_ =	swait.ge [sflag:s19], $0x4000  }
0x8b: {  	[sflag:s19] =	ssyncset.done $0x0  }
0x8c: {  	[sflag:s19] =	ssyncadd.s32 $0xFFFFC000  }
0x8d: {  	_ =	swait.ge [sflag:s31], $0x80  }
0x8e: {  	[sflag:s31] =	ssyncset.done $0x0  }
0x8f: {  	[sflag:s31] =	ssyncadd.s32 $0xFFFFFF80  }
0x90: {  	_ =	swait.ge [sflag:s22], $0x4000  }
0x91: {  	[sflag:s22] =	ssyncset.done $0x0  }
0x92: {  	s15 =	simm.s32 $0x14380;
	s14 =	rddreg [dreg:$0x15];
	[sflag:s22] =	ssyncadd.s32 $0xFFFFC000  }
0x93: {  	[hbm4b:s14+s4] =	stream.linear.scatter [tilespmem:s15], [sflag:$0x14], $0x4000, $0x38;
	[tilespmem:$0x1C380] =	vst v63  }
0x94: {  	s14 =	simm.s32 $0x4380;
	s15 =	sld [smem:$0x7FC]  }
0x95: {  	[tilespmem:s14], [sflag:$0x9] =	stream.indirect.gather [hbm4b:s2+s21], $0x80, s21, s21, $0xb8;
	[tilespmem:$0x1C380] =	vst v63  }
0x96: {  	s14 =	simm.s32 $0x100  }
0x97: {  	[tilespmem:s14], [sflag:$0x3] =	stream.linear.gather [hbm4b:s15+s4], $0x80, $0x38;
	[tilespmem:$0x1C380] =	vst v63  }
0x98: {  	_ =	swait.ge [sflag:s23], $0x4000  }
0x99: {  	[sflag:s23] =	ssyncset.done $0x0  }
0x9a: {  	[sflag:s23] =	ssyncadd.s32 $0xFFFFC000  }
0x9b: {  	_ =	swait.ge [sflag:s10], $0x80  }
0x9c: {  	[sflag:s10] =	ssyncset.done $0x0  }
0x9d: {  	[sflag:s10] =	ssyncadd.s32 $0xFFFFFF80  }
0x9e: {  	_ =	swait.ge [sflag:s25], $0x4000  }
0x9f: {  	[sflag:s25] =	ssyncset.done $0x0  }
0xa0: {  	s8 =	simm.s32 $0x18380;
	s15 =	rddreg [dreg:$0x16];
	[sflag:s25] =	ssyncadd.s32 $0xFFFFC000  }
0xa1: {  	[hbm4b:s15+s4] =	stream.linear.scatter [tilespmem:s8], [sflag:$0x15], $0x4000, $0x38;
	[tilespmem:$0x1C380] =	vst v63  }
0xa2: {  	s10 =	simm.s32 $0x8380  }
0xa3: {  	[tilespmem:s10], [sflag:$0xA] =	stream.indirect.gather [hbm4b:s2+s21], $0x80, s14, s21, $0xb8;
	[tilespmem:$0x1C380] =	vst v63  }
0xa4: {  	s14 =	sld [smem:$0x7FD];
	_ =	sdelay $0x1  }
0xa5: {  	s8 =	simm.s32 $0x180  }
0xa6: {  	[tilespmem:s8], [sflag:$0x4] =	stream.linear.gather [hbm4b:s14+s4], $0x80, $0x38;
	[tilespmem:$0x1C380] =	vst v63  }
0xa7: {  	_ =	swait.ge [sflag:s28], $0x4000  }
0xa8: {  	[sflag:s28] =	ssyncset.done $0x0  }
0xa9: {  	[sflag:s28] =	ssyncadd.s32 $0xFFFFC000  }
0xaa: {  	_ =	swait.ge [sflag:s11], $0x80  }
0xab: {  	[sflag:s11] =	ssyncset.done $0x0  }
0xac: {  	[sflag:s11] =	ssyncadd.s32 $0xFFFFFF80  }
0xad: {  	s15 =	simm.s32 $0x580;
	_ =	swait.ge [sflag:s13], $0x4000  }
0xae: {  	s7 =	sand.u32 $0x1FC00, s15;
	s11 =	rddreg [dreg:$0x4];
	[sflag:s13] =	ssyncset.done $0x0  }
0xaf: {  	s15 =	sand.u32 $0x380, s15;
	s14 =	sadd.s32 s5, s7;
	s10 =	rddreg [dreg:$0x2]  }
0xb0: {  	s7 =	sor.u32 s15, s14;
	s10 =	sadd.s32 s10, s11  }
0xb1: {  	[sflag:s13] =	ssyncadd.s32 $0xFFFFC000;
	s13 =	simm.s32 $0x380;
	s15 =	sadd.s32 $0x3800, s10  }
0xb2: {  	[hbm4b:s15+s4] =	stream.linear.scatter [tilespmem:s13], [sflag:$0xF], $0x4000, $0x38;
	[tilespmem:$0x1C380] =	vst v63  }
0xb3: {  	s11 =	sshrl.u32 s7, $0x3;
	s7 =	simm.s32 $0xC380  }
0xb4: {  	[tilespmem:s7], [sflag:$0xB] =	stream.indirect.gather [hbm4b:s2+s21], $0x80, s8, s21, $0xb8;
	[tilespmem:$0x1C380] =	vst v63  }
0xb5: {  	s11 =	sadd.s32 s6, s11;
	s7 =	simm.s32 $0x200  }
0xb6: {  	[tilespmem:s7], [sflag:$0x5] =	stream.linear.gather [hbm4b:s11+s4], $0x80, $0x38;
	[tilespmem:$0x1C380] =	vst v63  }
0xb7: {  	_ =	swait.ge [sflag:s29], $0x4000  }
0xb8: {  	[sflag:s29] =	ssyncset.done $0x0  }
0xb9: {  	[sflag:s29] =	ssyncadd.s32 $0xFFFFC000  }
0xba: {  	_ =	swait.ge [sflag:s9], $0x80  }
0xbb: {  	[sflag:s9] =	ssyncset.done $0x0  }
0xbc: {  	s15 =	simm.s32 $0x600;
	[sflag:s9] =	ssyncadd.s32 $0xFFFFFF80  }
0xbd: {  	s11 =	sand.u32 $0x380, s15;
	s9 =	sand.u32 $0x1FC00, s15;
	_ =	swait.ge [sflag:s12], $0x4000  }
0xbe: {  	s15 =	sadd.s32 $0x4000, s10;
	s14 =	sadd.s32 s5, s9;
	[sflag:s12] =	ssyncset.done $0x0  }
0xbf: {  	s11 =	sor.u32 s11, s14;
	[sflag:s12] =	ssyncadd.s32 $0xFFFFC000;
	s12 =	simm.s32 $0x4380  }
0xc0: {  	[hbm4b:s15+s4] =	stream.linear.scatter [tilespmem:s12], [sflag:$0x10], $0x4000, $0x38;
	[tilespmem:$0x1C380] =	vst v63  }
0xc1: {  	s11 =	sshrl.u32 s11, $0x3;
	s15 =	simm.s32 $0x10380  }
0xc2: {  	[tilespmem:s15], [sflag:$0xC] =	stream.indirect.gather [hbm4b:s2+s21], $0x80, s7, s21, $0xb8;
	[tilespmem:$0x1C380] =	vst v63  }
0xc3: {  	s9 =	simm.s32 $0x280;
	s11 =	sadd.s32 s6, s11  }
0xc4: {  	[tilespmem:s9], [sflag:$0x6] =	stream.linear.gather [hbm4b:s11+s4], $0x80, $0x38;
	[tilespmem:$0x1C380] =	vst v63  }
0xc5: {  	_ =	swait.ge [sflag:s1], $0x4000  }
0xc6: {  	[sflag:s1] =	ssyncset.done $0x0  }
0xc7: {  	[sflag:s1] =	ssyncadd.s32 $0xFFFFC000  }
0xc8: {  	_ =	swait.ge [sflag:s16], $0x80  }
0xc9: {  	s11 =	simm.s32 $0x680;
	[sflag:s16] =	ssyncset.done $0x0  }
0xca: {  	s7 =	sand.u32 $0x1FC00, s11;
	[sflag:s16] =	ssyncadd.s32 $0xFFFFFF80  }
0xcb: {  	s11 =	sand.u32 $0x380, s11;
	s14 =	sadd.s32 s5, s7;
	_ =	swait.ge [sflag:s17], $0x4000  }
0xcc: {  	s11 =	sor.u32 s11, s14;
	[sflag:s17] =	ssyncset.done $0x0  }
0xcd: {  	s16 =	sadd.s32 $0x4800, s10;
	[sflag:s17] =	ssyncadd.s32 $0xFFFFC000;
	s17 =	simm.s32 $0x8380  }
0xce: {  	[hbm4b:s16+s4] =	stream.linear.scatter [tilespmem:s17], [sflag:$0x11], $0x4000, $0x38;
	[tilespmem:$0x1C380] =	vst v63  }
0xcf: {  	s11 =	sshrl.u32 s11, $0x3;
	s17 =	simm.s32 $0x14380  }
0xd0: {  	[tilespmem:s17], [sflag:$0xD] =	stream.indirect.gather [hbm4b:s2+s21], $0x80, s9, s21, $0xb8;
	[tilespmem:$0x1C380] =	vst v63  }
0xd1: {  	s11 =	sadd.s32 s6, s11;
	s16 =	simm.s32 $0x300  }
0xd2: {  	[tilespmem:s16], [sflag:$0x7] =	stream.linear.gather [hbm4b:s11+s4], $0x80, $0x38;
	[tilespmem:$0x1C380] =	vst v63  }
0xd3: {  	_ =	swait.ge [sflag:s0], $0x4000  }
0xd4: {  	[sflag:s0] =	ssyncset.done $0x0  }
0xd5: {  	[sflag:s0] =	ssyncadd.s32 $0xFFFFC000  }
0xd6: {  	_ =	swait.ge [sflag:s18], $0x80  }
0xd7: {  	[sflag:s18] =	ssyncset.done $0x0  }
0xd8: {  	s7 =	simm.s32 $0x700;
	[sflag:s18] =	ssyncadd.s32 $0xFFFFFF80  }
0xd9: {  	s8 =	simm.s32 $0xC380;
	s9 =	sand.u32 $0x1FC00, s7;
	_ =	swait.ge [sflag:s24], $0x4000  }
0xda: {  	s14 =	sadd.s32 s5, s9;
	s11 =	sand.u32 $0x380, s7;
	[sflag:s24] =	ssyncset.done $0x0  }
0xdb: {  	s10 =	sadd.s32 $0x5000, s10;
	s11 =	sor.u32 s11, s14;
	[sflag:s24] =	ssyncadd.s32 $0xFFFFC000  }
0xdc: {  	[hbm4b:s10+s4] =	stream.linear.scatter [tilespmem:s8], [sflag:$0x12], $0x4000, $0x38;
	[tilespmem:$0x1C380] =	vst v63  }
0xdd: {  	s18 =	sshrl.u32 s11, $0x3;
	s24 =	simm.s32 $0x18380  }
0xde: {  	[tilespmem:s24], [sflag:$0xE] =	stream.indirect.gather [hbm4b:s2+s21], $0x80, s16, s21, $0xb8;
	[tilespmem:$0x1C380] =	vst v63  }
0xdf: {  	s10 =	sadd.s32 s6, s18  }
0xe0: {  	[tilespmem:s4], [sflag:$0x1] =	stream.linear.gather [hbm4b:s10+s4], $0x80, $0x38;
	[tilespmem:$0x1C380] =	vst v63  }
0xe1: {  	_ =	swait.ge [sflag:s30], $0x4000  }
0xe2: {  	[sflag:s30] =	ssyncset.done $0x0  }
0xe3: {  	[sflag:s30] =	ssyncadd.s32 $0xFFFFC000  }
0xe4: {  	_ =	swait.ge [sflag:s20], $0x80  }
0xe5: {  	[sflag:s20] =	ssyncset.done $0x0  }
0xe6: {  	[sflag:s20] =	ssyncadd.s32 $0xFFFFFF80  }
0xe7: {  	_ =	swait.ge [sflag:s3], $0x4000  }
0xe8: {  	s8 =	simm.s32 $0x380;
	[sflag:s3] =	ssyncset.done $0x0  }
0xe9: {  	s16 =	sand.u32 $0xFC00, s8;
	s9 =	rddreg [dreg:$0x7];
	[sflag:s3] =	ssyncadd.s32 $0xFFFFC000  }
0xea: {  	s14 =	sadd.s32 s16, s26;
	s10 =	sand.u32 $0x380, s8;
	s18 =	rddreg [dreg:$0x2]  }
0xeb: {  	s10 =	sor.u32 s10, s14;
	s11 =	sadd.s32 s18, s9  }
0xec: {  	[hbm4b:s11+s4] =	stream.linear.scatter [tilespmem:s15], [sflag:$0x13], $0x4000, $0x38;
	[tilespmem:$0x1C380] =	vst v63  }
0xed: {  	s10 =	sshrl.u32 s10, $0x3  }
0xee: {  	[tilespmem:s13], [sflag:$0x8] =	stream.indirect.gather [hbm4b:s2+s21], $0x80, s4, s21, $0xb8;
	[tilespmem:$0x1C380] =	vst v63  }
0xef: {  	s10 =	sadd.s32 s6, s10  }
0xf0: {  	[tilespmem:s21], [sflag:$0x2] =	stream.linear.gather [hbm4b:s10+s4], $0x80, $0x38;
	[tilespmem:$0x1C380] =	vst v63  }
0xf1: {  	_ =	swait.ge [sflag:s19], $0x4000  }
0xf2: {  	[sflag:s19] =	ssyncset.done $0x0  }
0xf3: {  	[sflag:s19] =	ssyncadd.s32 $0xFFFFC000  }
0xf4: {  	_ =	swait.ge [sflag:s31], $0x80  }
0xf5: {  	s20 =	simm.s32 $0x800;
	[sflag:s31] =	ssyncset.done $0x0  }
0xf6: {  	s30 =	sand.u32 $0x1FC00, s20;
	[sflag:s31] =	ssyncadd.s32 $0xFFFFFF80  }
0xf7: {  	s14 =	sadd.s32 s5, s30;
	_ =	swait.ge [sflag:s22], $0x4000  }
0xf8: {  	s10 =	sand.u32 $0x380, s20;
	s24 =	rddreg [dreg:$0x6];
	[sflag:s22] =	ssyncset.done $0x0  }
0xf9: {  	s10 =	sor.u32 s10, s14;
	[sflag:s22] =	ssyncadd.s32 $0xFFFFC000;
	s11 =	sadd.s32 s18, s24  }
0xfa: {  	[hbm4b:s11+s4] =	stream.linear.scatter [tilespmem:s17], [sflag:$0x14], $0x4000, $0x38;
	[tilespmem:$0x1C380] =	vst v63  }
0xfb: {  	s15 =	smov.u32 s18;
	s10 =	sshrl.u32 s10, $0x3  }
0xfc: {  	[tilespmem:s12], [sflag:$0x9] =	stream.indirect.gather [hbm4b:s2+s21], $0x80, s21, s21, $0xb8;
	[tilespmem:$0x1C380] =	vst v63  }
0xfd: {  	s14 =	simm.s32 $0xC00;
	s10 =	sadd.s32 s6, s10;
	s31 =	simm.s32 $0x100  }
0xfe: {  	[tilespmem:s31], [sflag:$0x3] =	stream.linear.gather [hbm4b:s10+s4], $0x80, $0x38;
	[tilespmem:$0x1C380] =	vst v63  }
0xff: {  	s11 =	smov.u32 s18;
	s10 =	simm.s32 $0x880;
	_ =	swait.ge [sflag:s23], $0x4000  }
.LBB2_2:
0x100: {  	[sflag:s23] =	ssyncset.done $0x0  }
0x101: {  	s7 =	simm.s32 $0x3;
	[sflag:s23] =	ssyncadd.s32 $0xFFFFC000  }
0x102: {  	_ =	swait.ge [sflag:s7], $0x80  }
0x103: {  	[sflag:s7] =	ssyncset.done $0x0  }
0x104: {  	s30 =	smov.u32 s26;
	s8 =	sand.u32 $0x1FC00, s10;
	[sflag:s7] =	ssyncadd.s32 $0xFFFFFF80  }
0x105: {  	s9 =	sand.u32 $0x380, s10;
	s20 =	simm.s32 $0x18380;
	_ =	swait.ge [sflag:s25], $0x4000  }
0x106: {  	s26 =	sadd.s32 s5, s8;
	s24 =	rddreg [dreg:$0x5];
	[sflag:s25] =	ssyncset.done $0x0  }
0x107: {  	s7 =	sor.u32 s9, s26;
	[sflag:s25] =	ssyncadd.s32 $0xFFFFC000;
	s11 =	sadd.s32 s11, s24  }
0x108: {  	[hbm4b:s11+s4] =	stream.linear.scatter [tilespmem:s20], [sflag:$0x15], $0x4000, $0x38;
	[tilespmem:$0x1C380] =	vst v63  }
0x109: {  	s31 =	simm.s32 $0x100;
	s13 =	simm.s32 $0x8380;
	s7 =	sshrl.u32 s7, $0x3  }
0x10a: {  	[tilespmem:s13], [sflag:$0xA] =	stream.indirect.gather [hbm4b:s2+s21], $0x80, s31, s21, $0xb8;
	[tilespmem:$0x1C380] =	vst v63  }
0x10b: {  	s8 =	simm.s32 $0x180;
	s7 =	sadd.s32 s6, s7  }
0x10c: {  	[tilespmem:s8], [sflag:$0x4] =	stream.linear.gather [hbm4b:s7+s4], $0x80, $0x38;
	[tilespmem:$0x1C380] =	vst v63  }
0x10d: {  	_ =	swait.ge [sflag:s28], $0x4000  }
0x10e: {  	[sflag:s28] =	ssyncset.done $0x0  }
0x10f: {  	s9 =	simm.s32 $0x4;
	[sflag:s28] =	ssyncadd.s32 $0xFFFFC000  }
0x110: {  	s18 =	smov.u32 s14;
	_ =	swait.ge [sflag:s9], $0x80  }
0x111: {  	s10 =	smov.u32 s18;
	[sflag:s9] =	ssyncset.done $0x0  }
0x112: {  	s17 =	simm.s32 $0x8;
	s18 =	sadd.s32 $0xFFFFFD00, s10;
	[sflag:s9] =	ssyncadd.s32 $0xFFFFFF80  }
0x113: {  	s15 =	sadd.s32 $0x3800, s15;
	s12 =	sand.u32 $0x1FC00, s18;
	_ =	swait.ge [sflag:s17], $0x4000  }
0x114: {  	s18 =	sand.u32 $0x380, s18;
	s16 =	sadd.s32 s5, s12;
	s24 =	rddreg [dreg:$0x4]  }
0x115: {  	s7 =	sor.u32 s18, s16;
	[sflag:s17] =	ssyncset.done $0x0;
	s18 =	sadd.s32 s15, s24  }
0x116: {  	s9 =	simm.s32 $0x380;
	[sflag:s17] =	ssyncadd.s32 $0xFFFFC000;
	s26 =	sadd.s32 $0x3800, s18  }
0x117: {  	[hbm4b:s26+s4] =	stream.linear.scatter [tilespmem:s9], [sflag:$0xF], $0x4000, $0x38;
	[tilespmem:$0x1C380] =	vst v63  }
0x118: {  	s12 =	sadd.s32 $0xFFFFFD80, s10;
	s16 =	simm.s32 $0xC380;
	s7 =	sshrl.u32 s7, $0x3  }
0x119: {  	[tilespmem:s16], [sflag:$0xB] =	stream.indirect.gather [hbm4b:s2+s21], $0x80, s8, s21, $0xb8;
	[tilespmem:$0x1C380] =	vst v63  }
0x11a: {  	s7 =	sadd.s32 s6, s7;
	s17 =	sand.u32 $0x1FC00, s12;
	s8 =	simm.s32 $0x200  }
0x11b: {  	[tilespmem:s8], [sflag:$0x5] =	stream.linear.gather [hbm4b:s7+s4], $0x80, $0x38;
	[tilespmem:$0x1C380] =	vst v63  }
0x11c: {  	s24 =	sadd.s32 s5, s17;
	s26 =	sand.u32 $0x380, s12;
	_ =	swait.ge [sflag:s29], $0x4000  }
0x11d: {  	s12 =	sor.u32 s26, s24;
	[sflag:s29] =	ssyncset.done $0x0  }
0x11e: {  	s7 =	sshrl.u32 s12, $0x3;
	s12 =	simm.s32 $0x5;
	[sflag:s29] =	ssyncadd.s32 $0xFFFFC000  }
0x11f: {  	_ =	swait.ge [sflag:s12], $0x80  }
0x120: {  	[sflag:s12] =	ssyncset.done $0x0  }
0x121: {  	s17 =	simm.s32 $0x9;
	[sflag:s12] =	ssyncadd.s32 $0xFFFFFF80  }
0x122: {  	_ =	swait.ge [sflag:s17], $0x4000  }
0x123: {  	[sflag:s17] =	ssyncset.done $0x0  }
0x124: {  	s24 =	sadd.s32 $0x4000, s18;
	s12 =	simm.s32 $0x4380;
	[sflag:s17] =	ssyncadd.s32 $0xFFFFC000  }
0x125: {  	[hbm4b:s24+s4] =	stream.linear.scatter [tilespmem:s12], [sflag:$0x10], $0x4000, $0x38;
	[tilespmem:$0x1C380] =	vst v63  }
0x126: {  	s26 =	sadd.s32 $0xFFFFFE00, s10;
	s17 =	simm.s32 $0x10380  }
0x127: {  	[tilespmem:s17], [sflag:$0xC] =	stream.indirect.gather [hbm4b:s2+s21], $0x80, s8, s21, $0xb8;
	[tilespmem:$0x1C380] =	vst v63  }
0x128: {  	s7 =	sadd.s32 s6, s7;
	s24 =	sand.u32 $0x1FC00, s26;
	s8 =	simm.s32 $0x280  }
0x129: {  	[tilespmem:s8], [sflag:$0x6] =	stream.linear.gather [hbm4b:s7+s4], $0x80, $0x38;
	[tilespmem:$0x1C380] =	vst v63  }
0x12a: {  	s26 =	sand.u32 $0x380, s26;
	s24 =	sadd.s32 s5, s24;
	_ =	swait.ge [sflag:s1], $0x4000  }
0x12b: {  	s26 =	sor.u32 s26, s24;
	[sflag:s1] =	ssyncset.done $0x0  }
0x12c: {  	s7 =	sshrl.u32 s26, $0x3;
	s26 =	simm.s32 $0x6;
	[sflag:s1] =	ssyncadd.s32 $0xFFFFC000  }
0x12d: {  	_ =	swait.ge [sflag:s26], $0x80  }
0x12e: {  	[sflag:s26] =	ssyncset.done $0x0  }
0x12f: {  	[sflag:s26] =	ssyncadd.s32 $0xFFFFFF80;
	s26 =	simm.s32 $0xA  }
0x130: {  	_ =	swait.ge [sflag:s26], $0x4000  }
0x131: {  	[sflag:s26] =	ssyncset.done $0x0  }
0x132: {  	s24 =	sadd.s32 $0x4800, s18;
	[sflag:s26] =	ssyncadd.s32 $0xFFFFC000  }
0x133: {  	[hbm4b:s24+s4] =	stream.linear.scatter [tilespmem:s13], [sflag:$0x11], $0x4000, $0x38;
	[tilespmem:$0x1C380] =	vst v63  }
0x134: {  	s13 =	simm.s32 $0x14380  }
0x135: {  	[tilespmem:s13], [sflag:$0xD] =	stream.indirect.gather [hbm4b:s2+s21], $0x80, s8, s21, $0xb8;
	[tilespmem:$0x1C380] =	vst v63  }
0x136: {  	s7 =	sadd.s32 s6, s7;
	s24 =	sadd.s32 $0xFFFFFE80, s10;
	s8 =	simm.s32 $0x300  }
0x137: {  	[tilespmem:s8], [sflag:$0x7] =	stream.linear.gather [hbm4b:s7+s4], $0x80, $0x38;
	[tilespmem:$0x1C380] =	vst v63  }
0x138: {  	s26 =	sand.u32 $0x1FC00, s24;
	_ =	swait.ge [sflag:s0], $0x4000  }
0x139: {  	s24 =	sand.u32 $0x380, s24;
	s7 =	sadd.s32 s5, s26;
	[sflag:s0] =	ssyncset.done $0x0  }
0x13a: {  	s7 =	sor.u32 s24, s7;
	s24 =	simm.s32 $0x7;
	[sflag:s0] =	ssyncadd.s32 $0xFFFFC000  }
0x13b: {  	_ =	swait.ge [sflag:s24], $0x80  }
0x13c: {  	[sflag:s24] =	ssyncset.done $0x0  }
0x13d: {  	[sflag:s24] =	ssyncadd.s32 $0xFFFFFF80;
	s24 =	simm.s32 $0xB  }
0x13e: {  	_ =	swait.ge [sflag:s24], $0x4000  }
0x13f: {  	[sflag:s24] =	ssyncset.done $0x0  }
0x140: {  	s18 =	sadd.s32 $0x5000, s18;
	[sflag:s24] =	ssyncadd.s32 $0xFFFFC000  }
0x141: {  	[hbm4b:s18+s4] =	stream.linear.scatter [tilespmem:s16], [sflag:$0x12], $0x4000, $0x38;
	[tilespmem:$0x1C380] =	vst v63  }
0x142: {  	s7 =	sshrl.u32 s7, $0x3  }
0x143: {  	[tilespmem:s20], [sflag:$0xE] =	stream.indirect.gather [hbm4b:s2+s21], $0x80, s8, s21, $0xb8;
	[tilespmem:$0x1C380] =	vst v63  }
0x144: {  	s7 =	sadd.s32 s6, s7;
	s18 =	simm.s32 $0xF  }
0x145: {  	[tilespmem:s4], [sflag:$0x1] =	stream.linear.gather [hbm4b:s7+s4], $0x80, $0x38;
	[tilespmem:$0x1C380] =	vst v63  }
0x146: {  	_ =	swait.ge [sflag:s18], $0x4000  }
0x147: {  	[sflag:s18] =	ssyncset.done $0x0  }
0x148: {  	s24 =	simm.s32 $0x1;
	[sflag:s18] =	ssyncadd.s32 $0xFFFFC000  }
0x149: {  	_ =	swait.ge [sflag:s24], $0x80  }
0x14a: {  	[sflag:s24] =	ssyncset.done $0x0  }
0x14b: {  	s16 =	sadd.s32 $0xFFFFFB00, s10;
	[sflag:s24] =	ssyncadd.s32 $0xFFFFFF80  }
0x14c: {  	s20 =	sand.u32 $0xFC00, s16;
	s7 =	sand.u32 $0x380, s16;
	_ =	swait.ge [sflag:s3], $0x4000  }
0x14d: {  	s18 =	sadd.s32 s20, s30;
	s8 =	rddreg [dreg:$0x7];
	[sflag:s3] =	ssyncset.done $0x0  }
0x14e: {  	s7 =	sor.u32 s7, s18;
	[sflag:s3] =	ssyncadd.s32 $0xFFFFC000;
	s18 =	sadd.s32 s15, s8  }
0x14f: {  	[hbm4b:s18+s4] =	stream.linear.scatter [tilespmem:s17], [sflag:$0x13], $0x4000, $0x38;
	[tilespmem:$0x1C380] =	vst v63  }
0x150: {  	s7 =	sshrl.u32 s7, $0x3  }
0x151: {  	[tilespmem:s9], [sflag:$0x8] =	stream.indirect.gather [hbm4b:s2+s21], $0x80, s4, s21, $0xb8;
	[tilespmem:$0x1C380] =	vst v63  }
0x152: {  	s7 =	sadd.s32 s6, s7  }
0x153: {  	[tilespmem:s21], [sflag:$0x2] =	stream.linear.gather [hbm4b:s7+s4], $0x80, $0x38;
	[tilespmem:$0x1C380] =	vst v63  }
0x154: {  	_ =	swait.ge [sflag:s19], $0x4000  }
0x155: {  	[sflag:s19] =	ssyncset.done $0x0  }
0x156: {  	s9 =	simm.s32 $0x2;
	[sflag:s19] =	ssyncadd.s32 $0xFFFFC000  }
0x157: {  	_ =	swait.ge [sflag:s9], $0x80  }
0x158: {  	s16 =	sadd.s32 $0xFFFFFF80, s10;
	[sflag:s9] =	ssyncset.done $0x0  }
0x159: {  	p0 =	sne.s32 s14, $0x6000;
	s17 =	sand.u32 $0x1FC00, s16;
	[sflag:s9] =	ssyncadd.s32 $0xFFFFFF80  }
0x15a: {  	s26 =	smov.u32 s30;
	s18 =	sadd.s32 s5, s17;
	_ =	swait.ge [sflag:s22], $0x4000  }
0x15b: {  	s7 =	sand.u32 $0x380, s16;
	s20 =	rddreg [dreg:$0x6];
	[sflag:s22] =	ssyncset.done $0x0  }
0x15c: {  	s7 =	sor.u32 s7, s18;
	[sflag:s22] =	ssyncadd.s32 $0xFFFFC000;
	s30 =	sadd.s32 s15, s20  }
0x15d: {  	[hbm4b:s30+s4] =	stream.linear.scatter [tilespmem:s13], [sflag:$0x14], $0x4000, $0x38;
	[tilespmem:$0x1C380] =	vst v63  }
.Ltmp0:
0x15e: {  	s7 =	sshrl.u32 s7, $0x3;
	(pc) =	sbr.rel @p0 .LBB2_2-.Ltmp0, $4  }
0x15f: {  	[tilespmem:s12], [sflag:$0x9] =	stream.indirect.gather [hbm4b:s2+s21], $0x80, s21, s21, $0xb8;
	[tilespmem:$0x1C380] =	vst v63  }
0x160: {  	s7 =	sadd.s32 s6, s7  }
0x161: {  	[tilespmem:s31], [sflag:$0x3] =	stream.linear.gather [hbm4b:s7+s4], $0x80, $0x38;
	[tilespmem:$0x1C380] =	vst v63  }
0x162: {  	s14 =	sadd.s32 $0x380, s14;
	s11 =	smov.u32 s15;
	_ =	swait.ge [sflag:s23], $0x4000  }
0x163: {  	[sflag:s23] =	ssyncset.done $0x0  }
0x164: {  	s12 =	simm.s32 $0x3;
	[sflag:s23] =	ssyncadd.s32 $0xFFFFC000  }
0x165: {  	_ =	swait.ge [sflag:s12], $0x80  }
0x166: {  	[sflag:s12] =	ssyncset.done $0x0  }
0x167: {  	s14 =	sand.u32 $0x1FC00, s10;
	[sflag:s12] =	ssyncadd.s32 $0xFFFFFF80  }
0x168: {  	s13 =	sand.u32 $0x380, s10;
	s20 =	simm.s32 $0x18380;
	_ =	swait.ge [sflag:s25], $0x4000  }
0x169: {  	s14 =	sadd.s32 s5, s14;
	s7 =	rddreg [dreg:$0x5];
	[sflag:s25] =	ssyncset.done $0x0  }
0x16a: {  	s10 =	sor.u32 s13, s14;
	s7 =	sadd.s32 s11, s7;
	[sflag:s25] =	ssyncadd.s32 $0xFFFFC000  }
0x16b: {  	[hbm4b:s7+s4] =	stream.linear.scatter [tilespmem:s20], [sflag:$0x15], $0x4000, $0x38;
	[tilespmem:$0x1C380] =	vst v63  }
0x16c: {  	s8 =	simm.s32 $0x100;
	s14 =	simm.s32 $0x8380;
	s15 =	sshrl.u32 s10, $0x3  }
0x16d: {  	[tilespmem:s14], [sflag:$0xA] =	stream.indirect.gather [hbm4b:s2+s21], $0x80, s8, s21, $0xb8;
	[tilespmem:$0x1C380] =	vst v63  }
0x16e: {  	s11 =	simm.s32 $0x180;
	s7 =	sadd.s32 s6, s15  }
0x16f: {  	[tilespmem:s11], [sflag:$0x4] =	stream.linear.gather [hbm4b:s7+s4], $0x80, $0x38;
	[tilespmem:$0x1C380] =	vst v63  }
0x170: {  	_ =	swait.ge [sflag:s28], $0x4000  }
0x171: {  	[sflag:s28] =	ssyncset.done $0x0  }
0x172: {  	s13 =	simm.s32 $0x4;
	[sflag:s28] =	ssyncadd.s32 $0xFFFFC000  }
0x173: {  	_ =	swait.ge [sflag:s13], $0x80  }
0x174: {  	[sflag:s13] =	ssyncset.done $0x0  }
0x175: {  	s15 =	simm.s32 $0x8;
	[sflag:s13] =	ssyncadd.s32 $0xFFFFFF80  }
0x176: {  	_ =	swait.ge [sflag:s15], $0x4000  }
0x177: {  	[sflag:s15] =	ssyncset.done $0x0  }
0x178: {  	s10 =	simm.s32 $0x380;
	s16 =	rddreg [dreg:$0x1a];
	[sflag:s15] =	ssyncadd.s32 $0xFFFFC000  }
0x179: {  	[hbm4b:s16+s4] =	stream.linear.scatter [tilespmem:s10], [sflag:$0xF], $0x4000, $0x38;
	[tilespmem:$0x1C380] =	vst v63  }
0x17a: {  	s18 =	simm.s32 $0xC380  }
0x17b: {  	[tilespmem:s18], [sflag:$0xB] =	stream.indirect.gather [hbm4b:s2+s21], $0x80, s11, s21, $0xb8;
	[tilespmem:$0x1C380] =	vst v63  }
0x17c: {  	s17 =	rddreg [dreg:$0x17];
	s16 =	simm.s32 $0x200  }
0x17d: {  	[tilespmem:s16], [sflag:$0x5] =	stream.linear.gather [hbm4b:s17+s4], $0x80, $0x38;
	[tilespmem:$0x1C380] =	vst v63  }
0x17e: {  	_ =	swait.ge [sflag:s29], $0x4000  }
0x17f: {  	[sflag:s29] =	ssyncset.done $0x0  }
0x180: {  	s24 =	simm.s32 $0x5;
	[sflag:s29] =	ssyncadd.s32 $0xFFFFC000  }
0x181: {  	_ =	swait.ge [sflag:s24], $0x80  }
0x182: {  	[sflag:s24] =	ssyncset.done $0x0  }
0x183: {  	[sflag:s24] =	ssyncadd.s32 $0xFFFFFF80;
	s24 =	simm.s32 $0x9  }
0x184: {  	_ =	swait.ge [sflag:s24], $0x4000  }
0x185: {  	[sflag:s24] =	ssyncset.done $0x0  }
0x186: {  	s9 =	simm.s32 $0x4380;
	s30 =	rddreg [dreg:$0x1b];
	[sflag:s24] =	ssyncadd.s32 $0xFFFFC000  }
0x187: {  	[hbm4b:s30+s4] =	stream.linear.scatter [tilespmem:s9], [sflag:$0x10], $0x4000, $0x38;
	[tilespmem:$0x1C380] =	vst v63  }
0x188: {  	s17 =	simm.s32 $0x10380  }
0x189: {  	[tilespmem:s17], [sflag:$0xC] =	stream.indirect.gather [hbm4b:s2+s21], $0x80, s16, s21, $0xb8;
	[tilespmem:$0x1C380] =	vst v63  }
0x18a: {  	s8 =	simm.s32 $0x280;
	s31 =	rddreg [dreg:$0x18]  }
0x18b: {  	[tilespmem:s8], [sflag:$0x6] =	stream.linear.gather [hbm4b:s31+s4], $0x80, $0x38;
	[tilespmem:$0x1C380] =	vst v63  }
0x18c: {  	_ =	swait.ge [sflag:s1], $0x4000  }
0x18d: {  	[sflag:s1] =	ssyncset.done $0x0  }
0x18e: {  	s30 =	simm.s32 $0x6;
	[sflag:s1] =	ssyncadd.s32 $0xFFFFC000  }
0x18f: {  	_ =	swait.ge [sflag:s30], $0x80  }
0x190: {  	[sflag:s30] =	ssyncset.done $0x0  }
0x191: {  	[sflag:s30] =	ssyncadd.s32 $0xFFFFFF80;
	s30 =	simm.s32 $0xA  }
0x192: {  	_ =	swait.ge [sflag:s30], $0x4000  }
0x193: {  	[sflag:s30] =	ssyncset.done $0x0  }
0x194: {  	s31 =	rddreg [dreg:$0x1c];
	[sflag:s30] =	ssyncadd.s32 $0xFFFFC000  }
0x195: {  	[hbm4b:s31+s4] =	stream.linear.scatter [tilespmem:s14], [sflag:$0x11], $0x4000, $0x38;
	[tilespmem:$0x1C380] =	vst v63  }
0x196: {  	s31 =	simm.s32 $0x14380  }
0x197: {  	[tilespmem:s31], [sflag:$0xD] =	stream.indirect.gather [hbm4b:s2+s21], $0x80, s8, s21, $0xb8;
	[tilespmem:$0x1C380] =	vst v63  }
0x198: {  	s16 =	simm.s32 $0x300;
	s8 =	rddreg [dreg:$0x19]  }
0x199: {  	[tilespmem:s16], [sflag:$0x7] =	stream.linear.gather [hbm4b:s8+s4], $0x80, $0x38;
	[tilespmem:$0x1C380] =	vst v63  }
0x19a: {  	_ =	swait.ge [sflag:s0], $0x4000  }
0x19b: {  	[sflag:s0] =	ssyncset.done $0x0  }
0x19c: {  	s8 =	simm.s32 $0x7;
	[sflag:s0] =	ssyncadd.s32 $0xFFFFC000  }
0x19d: {  	_ =	swait.ge [sflag:s8], $0x80  }
0x19e: {  	[sflag:s8] =	ssyncset.done $0x0  }
0x19f: {  	[sflag:s8] =	ssyncadd.s32 $0xFFFFFF80;
	s8 =	simm.s32 $0xB  }
0x1a0: {  	_ =	swait.ge [sflag:s8], $0x4000  }
0x1a1: {  	[sflag:s8] =	ssyncset.done $0x0  }
0x1a2: {  	s7 =	rddreg [dreg:$0x1d];
	[sflag:s8] =	ssyncadd.s32 $0xFFFFC000  }
0x1a3: {  	[hbm4b:s7+s4] =	stream.linear.scatter [tilespmem:s18], [sflag:$0x12], $0x4000, $0x38;
	[tilespmem:$0x1C380] =	vst v63  }
0x1a4: {  	_ = 	snop  }
0x1a5: {  	[tilespmem:s20], [sflag:$0xE] =	stream.indirect.gather [hbm4b:s2+s21], $0x80, s16, s21, $0xb8;
	[tilespmem:$0x1C380] =	vst v63  }
0x1a6: {  	s16 =	rddreg [dreg:$0x1e]  }
0x1a7: {  	[tilespmem:s4], [sflag:$0x1] =	stream.linear.gather [hbm4b:s16+s4], $0x80, $0x38;
	[tilespmem:$0x1C380] =	vst v63  }
0x1a8: {  	s16 =	simm.s32 $0xF  }
0x1a9: {  	_ =	swait.ge [sflag:s16], $0x4000  }
0x1aa: {  	[sflag:s16] =	ssyncset.done $0x0  }
0x1ab: {  	s7 =	simm.s32 $0x1;
	[sflag:s16] =	ssyncadd.s32 $0xFFFFC000  }
0x1ac: {  	_ =	swait.ge [sflag:s7], $0x80  }
0x1ad: {  	[sflag:s7] =	ssyncset.done $0x0  }
0x1ae: {  	[sflag:s7] =	ssyncadd.s32 $0xFFFFFF80  }
0x1af: {  	_ =	swait.ge [sflag:s3], $0x4000  }
0x1b0: {  	[sflag:s3] =	ssyncset.done $0x0  }
0x1b1: {  	s7 =	rddreg [dreg:$0x1f];
	[sflag:s3] =	ssyncadd.s32 $0xFFFFC000  }
0x1b2: {  	[hbm4b:s7+s4] =	stream.linear.scatter [tilespmem:s17], [sflag:$0x13], $0x4000, $0x38;
	[tilespmem:$0x1C380] =	vst v63  }
0x1b3: {  	s17 =	sld [smem:$0x7F1]  }
0x1b4: {  	[tilespmem:s10], [sflag:$0x8] =	stream.indirect.gather [hbm4b:s2+s21], $0x80, s4, s21, $0xb8;
	[tilespmem:$0x1C380] =	vst v63  }
0x1b5: {  	_ = 	snop  }
0x1b6: {  	[tilespmem:s21], [sflag:$0x2] =	stream.linear.gather [hbm4b:s17+s4], $0x80, $0x38;
	[tilespmem:$0x1C380] =	vst v63  }
0x1b7: {  	_ =	swait.ge [sflag:s19], $0x4000  }
0x1b8: {  	[sflag:s19] =	ssyncset.done $0x0  }
0x1b9: {  	s17 =	simm.s32 $0x2;
	[sflag:s19] =	ssyncadd.s32 $0xFFFFC000  }
0x1ba: {  	_ =	swait.ge [sflag:s17], $0x80  }
0x1bb: {  	[sflag:s17] =	ssyncset.done $0x0  }
0x1bc: {  	[sflag:s17] =	ssyncadd.s32 $0xFFFFFF80  }
0x1bd: {  	_ =	swait.ge [sflag:s22], $0x4000  }
0x1be: {  	s17 =	sld [smem:$0x7F2]  }
0x1bf: {  	[sflag:s22] =	ssyncset.done $0x0  }
0x1c0: {  	[sflag:s22] =	ssyncadd.s32 $0xFFFFC000  }
0x1c1: {  	[hbm4b:s17+s4] =	stream.linear.scatter [tilespmem:s31], [sflag:$0x14], $0x4000, $0x38;
	[tilespmem:$0x1C380] =	vst v63  }
0x1c2: {  	s31 =	sld [smem:$0x7F3]  }
0x1c3: {  	[tilespmem:s9], [sflag:$0x9] =	stream.indirect.gather [hbm4b:s2+s21], $0x80, s21, s21, $0xb8;
	[tilespmem:$0x1C380] =	vst v63  }
0x1c4: {  	s17 =	simm.s32 $0x100  }
0x1c5: {  	[tilespmem:s17], [sflag:$0x3] =	stream.linear.gather [hbm4b:s31+s4], $0x80, $0x38;
	[tilespmem:$0x1C380] =	vst v63  }
0x1c6: {  	_ =	swait.ge [sflag:s23], $0x4000  }
0x1c7: {  	[sflag:s23] =	ssyncset.done $0x0  }
0x1c8: {  	[sflag:s23] =	ssyncadd.s32 $0xFFFFC000  }
0x1c9: {  	_ =	swait.ge [sflag:s12], $0x80  }
0x1ca: {  	[sflag:s12] =	ssyncset.done $0x0  }
0x1cb: {  	[sflag:s12] =	ssyncadd.s32 $0xFFFFFF80  }
0x1cc: {  	_ =	swait.ge [sflag:s25], $0x4000  }
0x1cd: {  	s31 =	sld [smem:$0x7F4]  }
0x1ce: {  	[sflag:s25] =	ssyncset.done $0x0  }
0x1cf: {  	[sflag:s25] =	ssyncadd.s32 $0xFFFFC000  }
0x1d0: {  	[hbm4b:s31+s4] =	stream.linear.scatter [tilespmem:s20], [sflag:$0x15], $0x4000, $0x38;
	[tilespmem:$0x1C380] =	vst v63  }
0x1d1: {  	s12 =	sld [smem:$0x7F5]  }
0x1d2: {  	[tilespmem:s14], [sflag:$0xA] =	stream.indirect.gather [hbm4b:s2+s21], $0x80, s17, s21, $0xb8;
	[tilespmem:$0x1C380] =	vst v63  }
0x1d3: {  	_ = 	snop  }
0x1d4: {  	[tilespmem:s11], [sflag:$0x4] =	stream.linear.gather [hbm4b:s12+s4], $0x80, $0x38;
	[tilespmem:$0x1C380] =	vst v63  }
0x1d5: {  	_ =	swait.ge [sflag:s28], $0x4000  }
0x1d6: {  	[sflag:s28] =	ssyncset.done $0x0  }
0x1d7: {  	[sflag:s28] =	ssyncadd.s32 $0xFFFFC000  }
0x1d8: {  	_ =	swait.ge [sflag:s13], $0x80  }
0x1d9: {  	[sflag:s13] =	ssyncset.done $0x0  }
0x1da: {  	[sflag:s13] =	ssyncadd.s32 $0xFFFFFF80  }
0x1db: {  	_ =	swait.ge [sflag:s15], $0x4000  }
0x1dc: {  	[sflag:s15] =	ssyncset.done $0x0  }
0x1dd: {  	[sflag:s15] =	ssyncadd.s32 $0xFFFFC000;
	s15 =	sld [smem:$0x7F6];
	_ =	sdelay $0x2  }
0x1de: {  	[hbm4b:s15+s4] =	stream.linear.scatter [tilespmem:s10], [sflag:$0xF], $0x4000, $0x38;
	[tilespmem:$0x1C380] =	vst v63  }
0x1df: {  	_ = 	snop  }
0x1e0: {  	[tilespmem:s18], [sflag:$0xB] =	stream.indirect.gather [hbm4b:s2+s21], $0x80, s11, s21, $0xb8;
	[tilespmem:$0x1C380] =	vst v63  }
0x1e1: {  	_ =	swait.ge [sflag:s29], $0x4000  }
0x1e2: {  	[sflag:s29] =	ssyncset.done $0x0  }
0x1e3: {  	[sflag:s29] =	ssyncadd.s32 $0xFFFFC000  }
0x1e4: {  	_ =	swait.ge [sflag:s24], $0x4000  }
0x1e5: {  	s17 =	sld [smem:$0x7F7]  }
0x1e6: {  	[sflag:s24] =	ssyncset.done $0x0  }
0x1e7: {  	[sflag:s24] =	ssyncadd.s32 $0xFFFFC000  }
0x1e8: {  	[hbm4b:s17+s4] =	stream.linear.scatter [tilespmem:s9], [sflag:$0x10], $0x4000, $0x38;
	[tilespmem:$0x1C380] =	vst v63  }
0x1e9: {  	_ =	swait.ge [sflag:s1], $0x4000  }
0x1ea: {  	[sflag:s1] =	ssyncset.done $0x0  }
0x1eb: {  	[sflag:s1] =	ssyncadd.s32 $0xFFFFC000  }
0x1ec: {  	_ =	swait.ge [sflag:s30], $0x4000  }
0x1ed: {  	s20 =	sld [smem:$0x7F8]  }
0x1ee: {  	[sflag:s30] =	ssyncset.done $0x0  }
0x1ef: {  	[sflag:s30] =	ssyncadd.s32 $0xFFFFC000  }
0x1f0: {  	[hbm4b:s20+s4] =	stream.linear.scatter [tilespmem:s14], [sflag:$0x11], $0x4000, $0x38;
	[tilespmem:$0x1C380] =	vst v63  }
0x1f1: {  	_ =	swait.ge [sflag:s0], $0x4000  }
0x1f2: {  	[sflag:s0] =	ssyncset.done $0x0  }
0x1f3: {  	[sflag:s0] =	ssyncadd.s32 $0xFFFFC000  }
0x1f4: {  	_ =	swait.ge [sflag:s8], $0x4000  }
0x1f5: {  	s24 =	sld [smem:$0x7F9]  }
0x1f6: {  	[sflag:s8] =	ssyncset.done $0x0  }
0x1f7: {  	[sflag:s8] =	ssyncadd.s32 $0xFFFFC000  }
0x1f8: {  	[hbm4b:s24+s4] =	stream.linear.scatter [tilespmem:s18], [sflag:$0x12], $0x4000, $0x38;
	[tilespmem:$0x1C380] =	vst v63  }
0x1f9: {  	_ =	swait.ge [sflag:s16], $0x4000  }
0x1fa: {  	[sflag:s16] =	ssyncset.done $0x0  }
0x1fb: {  	[sflag:s16] =	ssyncadd.s32 $0xFFFFC000  }
0x1fc: {  	_ =	swait.ge [sflag:s19], $0x4000  }
0x1fd: {  	[sflag:s19] =	ssyncset.done $0x0  }
0x1fe: {  	[sflag:s19] =	ssyncadd.s32 $0xFFFFC000  }
0x1ff: {  	_ =	swait.ge [sflag:s23], $0x4000  }
0x200: {  	[sflag:s23] =	ssyncset.done $0x0  }
0x201: {  	[sflag:s23] =	ssyncadd.s32 $0xFFFFC000  }
0x202: {  	_ =	swait.ge [sflag:s28], $0x4000  }
0x203: {  	s30 =	sld [smem:$0x7F0]  }
0x204: {  	s31 =	sld [smem:$0x7FA];
	_ =	sdelay $0x1  }
0x205: {  	s8 =	sadd.s32 $0x1, s30  }
0x206: {  	p0 =	sne.s32 s8, s31  }
.Ltmp1:
0x207: {  	_ = 	snop;
	(pc) =	sbr.rel @p0 .LBB2_1-.Ltmp1, $3  }
0x208: {  	_ =	sdelay $0x1  }
0x209: {  	[sflag:s28] =	ssyncset.done $0x0  }
0x20a: {  	[sflag:s28] =	ssyncadd.s32 $0xFFFFC000  }
0x20b: {  	_ =	sfence.sel $0x180000  }
0x20c: {  	[bflag:$0x0] =	sbarrier.arrive $0xFFFF  }
0x20d: {  	_ =	strace $0x90000047  }
0x20e: {  	s0 =	stileid.u32;
	[bflag:$0x2] =	sbarrier.arrive $0xFFFF  }
0x20f: {  	p0 =	sne.s32 s0, $0x0;
	s0 =	rddreg [dreg:$0x3]  }
0x210: {  	s0 =	sadd.s32 @!p0 $0x100000, s0  }
0x211: {  	[sflag:s0] =	ssyncadd.tile.s32 @!p0 $0x1;
	_ =	shalt  }
.Lfunc_end2:
_tile_overlayer_lowered:
.L_overlay_start_2:
0x212: {  	(tag) =	ssettag $0x2  }
0x213: {  	s0 =	rddreg [dreg:$0x0];
	s2 =	stileid.u32  }
0x214: {  	s1 =	rddreg [dreg:$0x1];
	p0 =	sne.s32 s2, $0x0  }
0x215: {  	s3 =	rddreg [dreg:$0x2];
	[bflag:$0x3] =	sbarrier.arrive $0xFFFF;
	s2 =	simm.s32 @!p0 $0x1C16  }
0x216: {  	[timem:s3], [sflag:s2] =	dma.local @!p0 [hbm:s0], s1  }
0x217: {  	s0 =	simm.s32 @!p0 $0x16  }
0x218: {  	_ =	swait.ge @!p0 [sflag:s0], s1  }
0x219: {  	s1 =	ssub.s32 @!p0 $0x0, s1;
	[sflag:s0] =	ssyncset.done @!p0 $0x0  }
0x21a: {  	[sflag:s0] =	ssyncadd.s32 @!p0 s1  }
0x21b: {  	[bflag:$0x3] =	sbarrier.arrive $0xFFFF  }
0x21c: {  	_ =	shalt  }

</sc_bundles>
